<compile_context>
chip_gen: v7x
topology: tpu7x:2x2x1
jax: 0.10.2.dev20260603
libtpu: 0.0.44.dev20260713+nightly
codegen_flags: <defaults>
</compile_context>

<pallas_src>
import functools

import jax
import jax.numpy as jnp
from jax import lax
from jax.experimental import pallas as pl
from jax.experimental.pallas import tpu as pltpu
from jax.experimental.pallas import tpu_sc as plsc

VOCAB = 1000000
EMBED_DIM = 64
BATCH = 1024
SEQ_LEN = 200

_INFO = plsc.get_sparse_core_info()
_NC, _NS, _L = _INFO.num_cores, _INFO.num_subcores, _INFO.num_lanes
_NW = _NC * _NS
_B = BATCH * SEQ_LEN
_BPW = _B // _NW
_CHUNK = 2 * SEQ_LEN
_NCHUNK = _BPW // _CHUNK
_NGRP = _CHUNK // 16
_CG = EMBED_DIM // _L
_NBUF = 2
_G = 8
_CHG = _CHUNK // _G


def _sinusoid_table(seq_len, d):
    pos = jnp.arange(seq_len, dtype=jnp.float32)[:, None]
    i = jnp.arange(d, dtype=jnp.float32)[None, :]
    angle = pos / jnp.power(10000.0, 2.0 * jnp.floor(i / 2.0) / d)
    even_mask = (jnp.arange(d) % 2 == 0)[None, :]
    return jnp.where(even_mask, jnp.sin(angle), jnp.cos(angle))


@functools.partial(
    pl.kernel,
    mesh=plsc.VectorSubcoreMesh(core_axis_name="c", subcore_axis_name="s"),
    out_type=jax.ShapeDtypeStruct((_B // _G, _G, EMBED_DIM), jnp.float32),
    name="embed_gather_sc",
    scratch_types=[
        [pltpu.VMEM((_CHUNK,), jnp.int32) for _ in range(_NBUF)],
        pltpu.VMEM((SEQ_LEN * EMBED_DIM,), jnp.float32),
        [pltpu.VMEM((_CHG, _G, EMBED_DIM), jnp.float32) for _ in range(_NBUF)],
        [pltpu.SemaphoreType.DMA for _ in range(_NBUF)],
        [pltpu.SemaphoreType.DMA for _ in range(_NBUF)],
        [pltpu.SemaphoreType.DMA for _ in range(_NBUF)],
    ],
    compiler_params=pltpu.CompilerParams(use_tc_tiling_on_sc=True),
)
def _embed_sc(table_hbm, idx_hbm, pe_hbm, out_hbm,
              idx_vms, pe_v, bufs, isems, gsems, ssems):
    wid = lax.axis_index("s") * _NC + lax.axis_index("c")
    wbase = wid * _BPW
    pltpu.sync_copy(pe_hbm, pe_v)

    scale = jnp.float32(EMBED_DIM ** -0.5)
    half_g = SEQ_LEN // _G

    def fire_idx(b, c):
        pltpu.async_copy(
            idx_hbm.at[pl.ds(wbase + c * _CHUNK, _CHUNK)], idx_vms[b], isems[b])

    def wait_idx(b):
        pltpu.make_async_copy(idx_hbm.at[pl.ds(0, _CHUNK)],
                              idx_vms[b], isems[b]).wait()

    def issue_gathers(b):
        idx_vm = idx_vms[b]
        buf = bufs[b]
        sem = gsems[b]

        def body(k, carry):
            base = k * _L
            v = idx_vm[pl.ds(base, _L)]
            vg = lax.shift_right_logical(v, 3)
            vs = lax.bitwise_and(v, 7)
            for lane in range(_L):
                dg = 2 * k + lane // _G
                pltpu.async_copy(table_hbm.at[vg[lane], vs[lane], :],
                                 buf.at[dg, lane % _G, :], sem)
            return carry
        lax.fori_loop(0, _NGRP, body, 0)

    def drain_gathers(b):
        pltpu.make_async_copy(table_hbm.at[pl.ds(0, _CHG), :, :],
                              bufs[b], gsems[b]).wait()

    def compute(b):
        buf = bufs[b]

        def fma_body(q, carry):
            g = lax.shift_right_logical(q, 3)
            s = lax.bitwise_and(q, 7)
            for half in range(_CHUNK // SEQ_LEN):
                gg = g + half * half_g
                for cg in range(_CG):
                    sl = pl.ds(cg * _L, _L)
                    pe_row = pe_v[pl.ds(q * EMBED_DIM + cg * _L, _L)]
                    buf[gg, s, sl] = buf[gg, s, sl] * scale + pe_row
            return carry
        lax.fori_loop(0, SEQ_LEN, fma_body, 0)

    def fire_store(b, c):
        pltpu.async_copy(
            bufs[b],
            out_hbm.at[pl.ds((wbase + c * _CHUNK) // _G, _CHG), :, :],
            ssems[b])

    def wait_store(b):
        pltpu.make_async_copy(bufs[b],
                              out_hbm.at[pl.ds(0, _CHG), :, :], ssems[b]).wait()

    fire_idx(0, 0)
    fire_idx(1, 1)
    wait_idx(0)
    issue_gathers(0)
    fire_idx(0, 2)
    wait_idx(1)
    issue_gathers(1)
    fire_idx(1, 3)
    drain_gathers(0)
    compute(0)
    fire_store(0, 0)

    def pair_body(p, carry):
        for b in range(2):
            c = 2 * p + b
            wait_store(b)
            wait_idx(b)
            issue_gathers(b)
            fire_idx(b, c + 2)
            drain_gathers(1 - b)
            compute(1 - b)
            fire_store(1 - b, c - 1)
        return carry
    lax.fori_loop(1, _NCHUNK // 2 - 1, pair_body, 0)

    for c in (_NCHUNK - 2, _NCHUNK - 1):
        b = c % 2
        wait_store(b)
        wait_idx(b)
        issue_gathers(b)
        drain_gathers(1 - b)
        compute(1 - b)
        fire_store(1 - b, c - 1)
    drain_gathers((_NCHUNK - 1) % 2)
    compute((_NCHUNK - 1) % 2)
    fire_store((_NCHUNK - 1) % 2, _NCHUNK - 1)
    wait_store(0)
    wait_store(1)


def kernel(input, table):
    idx = input.reshape(-1).astype(jnp.int32)
    pe = _sinusoid_table(SEQ_LEN, EMBED_DIM)
    table3 = table.reshape(VOCAB // _G, _G, EMBED_DIM)
    out = _embed_sc(table3, idx, pe.reshape(-1))
    return out.reshape(BATCH, SEQ_LEN, EMBED_DIM)

# --- scband reference (transcript-rebuilt; emitter-appended) ---
"""Pipeline reference for scband-embedding-94489280906 (READ-ONLY COPY).

The authoritative reference and input builder live on the scoring server;
editing this copy changes nothing except your own understanding.
"""

import jax, jax.numpy as jnp
import numpy as np

VOCAB = 1000000
EMBED_DIM = 64
BATCH = 1024
SEQ_LEN = 200

def setup_inputs(seed: int = 0) -> dict:
    key = jax.random.key(seed)
    k_idx, k_tab = jax.random.split(key)
    inp = jax.random.randint(k_idx, (BATCH, SEQ_LEN), 0, VOCAB, dtype=jnp.int64 if jax.config.jax_enable_x64 else jnp.int32)
    table = jax.random.normal(k_tab, (VOCAB, EMBED_DIM), dtype=jnp.float32)
    return {"input": inp, "table": table}

def _sinusoid_table(seq_len, d):
    pos = jnp.arange(seq_len, dtype=jnp.float32)[:, None]
    i = jnp.arange(d, dtype=jnp.float32)[None, :]
    # pos_encodding = position / 10000 ** (2 * (i // 2) / d)
    angle = pos / jnp.power(10000.0, 2.0 * jnp.floor(i / 2.0) / d)
    even_mask = (jnp.arange(d) % 2 == 0)[None, :]
    pe = jnp.where(even_mask, jnp.sin(angle), jnp.cos(angle))
    return pe

def reference(input, table):
    d = table.shape[1]
    # embedding lookup scaled by 1/sqrt(embedding_size)
    embedding_input = jnp.take(table, input, axis=0) / (d ** 0.5)
    seq_len = input.shape[1]
    pos_embedding = _sinusoid_table(seq_len, d)
    return embedding_input + pos_embedding[None, :, :]

if __name__ == "__main__":
    import jax
    _d = setup_inputs()
    print(jax.jit(kernel)(*tuple(_d.values())))

</pallas_src>

<mosaic_0001>
#map = affine_map<(d0, d1) -> (0, 0, 0)>
#map1 = affine_map<(d0, d1) -> (0)>
module attributes {stable_mosaic.version = 14 : i64} {
  func.func @embed_gather_sc(%arg0: i32, %arg1: i32, %arg2: memref<125000x8x64xf32, #tpu.memory_space<hbm>>, %arg3: memref<204800xi32, #tpu.memory_space<hbm>>, %arg4: memref<12800xf32, #tpu.memory_space<hbm>>, %arg5: memref<25600x8x64xf32, #tpu.memory_space<hbm>>, %arg6: memref<400xi32, #tpu.memory_space<vmem>>, %arg7: memref<400xi32, #tpu.memory_space<vmem>>, %arg8: memref<12800xf32, #tpu.memory_space<vmem>>, %arg9: memref<50x8x64xf32, #tpu.memory_space<vmem>>, %arg10: memref<50x8x64xf32, #tpu.memory_space<vmem>>, %arg11: memref<!tpu.dma_semaphore, #tpu.memory_space<semaphore_mem>>, %arg12: memref<!tpu.dma_semaphore, #tpu.memory_space<semaphore_mem>>, %arg13: memref<!tpu.dma_semaphore, #tpu.memory_space<semaphore_mem>>, %arg14: memref<!tpu.dma_semaphore, #tpu.memory_space<semaphore_mem>>, %arg15: memref<!tpu.dma_semaphore, #tpu.memory_space<semaphore_mem>>, %arg16: memref<!tpu.dma_semaphore, #tpu.memory_space<semaphore_mem>>) attributes {dimension_semantics = [#tpu.dimension_semantics<core_parallel>, #tpu.dimension_semantics<subcore_parallel>], iteration_bounds = array<i64: 2, 16>, scalar_prefetch = 0 : i64, scratch_operands = 11 : i64, tpu.core_type = #tpu.core_type<sc_vector_subcore>, window_params = [{transform_indices = #map}, {transform_indices = #map1}, {transform_indices = #map1}, {transform_indices = #map}]} {
    %mul3A = arith.constant 2 : i32
    %mul3A_0 = arith.muli %arg1, %mul3A : i32
    %add3A = arith.addi %mul3A_0, %arg0 : i32
    %mul3A_1 = arith.constant 6400 : i32
    %mul3A_2 = arith.muli %add3A, %mul3A_1 : i32
    "tpu.region"() ({
      %run_scoped3A = tpu.sem_alloc : memref<!tpu.dma_semaphore, #tpu.memory_space<semaphore_mem>>
      tpu.enqueue_dma source(%arg4 : memref<12800xf32, #tpu.memory_space<hbm>>) target(%arg8 : memref<12800xf32, #tpu.memory_space<vmem>>) target_semaphore(%run_scoped3A : memref<!tpu.dma_semaphore, #tpu.memory_space<semaphore_mem>>)
      tpu.wait_dma2 semaphore(%run_scoped3A : memref<!tpu.dma_semaphore, #tpu.memory_space<semaphore_mem>>) src(%arg4 : memref<12800xf32, #tpu.memory_space<hbm>>) dst(%arg8 : memref<12800xf32, #tpu.memory_space<vmem>>)
      tpu.yield
    }) : () -> ()
    %add3A_3 = arith.constant 0 : i32
    %add3A_4 = arith.addi %mul3A_2, %add3A_3 : i32
    %dma_start3A = tpu.memref_slice %arg3[%add3A_4] : memref<204800xi32, #tpu.memory_space<hbm>> -> memref<400xi32, #tpu.memory_space<hbm>>
    %dma_start3A_5 = tpu.memref_slice %arg3[%add3A_4] : memref<204800xi32, #tpu.memory_space<hbm>> -> memref<400xi32, #tpu.memory_space<hbm>>
    tpu.enqueue_dma source(%dma_start3A_5 : memref<400xi32, #tpu.memory_space<hbm>>) target(%arg6 : memref<400xi32, #tpu.memory_space<vmem>>) target_semaphore(%arg11 : memref<!tpu.dma_semaphore, #tpu.memory_space<semaphore_mem>>)
    %add3A_6 = arith.constant 400 : i32
    %add3A_7 = arith.addi %mul3A_2, %add3A_6 : i32
    %dma_start3A_8 = tpu.memref_slice %arg3[%add3A_7] : memref<204800xi32, #tpu.memory_space<hbm>> -> memref<400xi32, #tpu.memory_space<hbm>>
    %dma_start3A_9 = tpu.memref_slice %arg3[%add3A_7] : memref<204800xi32, #tpu.memory_space<hbm>> -> memref<400xi32, #tpu.memory_space<hbm>>
    tpu.enqueue_dma source(%dma_start3A_9 : memref<400xi32, #tpu.memory_space<hbm>>) target(%arg7 : memref<400xi32, #tpu.memory_space<vmem>>) target_semaphore(%arg12 : memref<!tpu.dma_semaphore, #tpu.memory_space<semaphore_mem>>)
    %dma_wait3A = arith.constant 0 : i32
    %dma_wait3A_10 = tpu.memref_slice %arg3[%dma_wait3A] : memref<204800xi32, #tpu.memory_space<hbm>> -> memref<400xi32, #tpu.memory_space<hbm>>
    %dma_wait3A_11 = arith.constant 0 : i32
    %dma_wait3A_12 = tpu.memref_slice %arg3[%dma_wait3A_11] : memref<204800xi32, #tpu.memory_space<hbm>> -> memref<400xi32, #tpu.memory_space<hbm>>
    tpu.wait_dma2 semaphore(%arg11 : memref<!tpu.dma_semaphore, #tpu.memory_space<semaphore_mem>>) src(%dma_wait3A_12 : memref<400xi32, #tpu.memory_space<hbm>>) dst(%arg6 : memref<400xi32, #tpu.memory_space<vmem>>)
    %scan3A = arith.constant 0 : i32
    %scan3A_13 = arith.constant 0 : i32
    %scan3A_14 = arith.constant 25 : i32
    %scan3A_15 = arith.addi %scan3A_13, %scan3A_14 : i32
    %scan3A_16 = arith.constant 1 : i32
    scf.for %scan3A_275 = %scan3A_13 to %scan3A_15 step %scan3A_16  : i32 {
      %mul3A_276 = arith.constant 16 : i32
      %mul3A_277 = arith.muli %scan3A_275, %mul3A_276 : i32
      %get3A = arith.index_cast %mul3A_277 : i32 to index
      %get3A_278 = tpu.vector_load %arg6[%get3A] {strides = array<i32>} : memref<400xi32, #tpu.memory_space<vmem>>, vector<16xi32>,
      %get3A_279 = vector.shape_cast %get3A_278 : vector<16xi32> to vector<16xi32>
      %shift_right_logical3A = arith.constant 3 : i32
      %shift_right_logical3A_280 = vector.broadcast %shift_right_logical3A : i32 to vector<16xi32>
      %shift_right_logical3A_281 = arith.shrui %get3A_279, %shift_right_logical3A_280 : vector<16xi32>
      %and3A_282 = arith.constant 7 : i32
      %and3A_283 = vector.broadcast %and3A_282 : i32 to vector<16xi32>
      %and3A_284 = arith.andi %get3A_279, %and3A_283 : vector<16xi32>
      %mul3A_285 = arith.constant 2 : i32
      %mul3A_286 = arith.muli %mul3A_285, %scan3A_275 : i32
      %add3A_287 = arith.constant 0 : i32
      %add3A_288 = arith.addi %mul3A_286, %add3A_287 : i32
      %slice3A = vector.extract_strided_slice %shift_right_logical3A_281 {offsets = [0], sizes = [1], strides = [1]} : vector<16xi32> to vector<1xi32>
      %squeeze3A = vector.extract %slice3A[0] : i32 from vector<1xi32>
      %slice3A_289 = vector.extract_strided_slice %and3A_284 {offsets = [0], sizes = [1], strides = [1]} : vector<16xi32> to vector<1xi32>
      %squeeze3A_290 = vector.extract %slice3A_289[0] : i32 from vector<1xi32>
      %dma_start3A_291 = arith.constant 0 : i32
      %dma_start3A_292 = arith.constant 0 : i32
      %dma_start3A_293 = tpu.memref_slice %arg9[%add3A_288, %dma_start3A_291, %dma_start3A_292] : memref<50x8x64xf32, #tpu.memory_space<vmem>> -> memref<1x1x64xf32, #tpu.memory_space<vmem>>
      %dma_start3A_294 = tpu.memref_squeeze %dma_start3A_293 : memref<1x1x64xf32, #tpu.memory_space<vmem>> -> memref<64xf32, #tpu.memory_space<vmem>>
      %dma_start3A_295 = arith.constant 0 : i32
      %dma_start3A_296 = tpu.memref_slice %arg2[%squeeze3A, %squeeze3A_290, %dma_start3A_295] : memref<125000x8x64xf32, #tpu.memory_space<hbm>> -> memref<1x1x64xf32, #tpu.memory_space<hbm>>
      %dma_start3A_297 = tpu.memref_squeeze %dma_start3A_296 : memref<1x1x64xf32, #tpu.memory_space<hbm>> -> memref<64xf32, #tpu.memory_space<hbm>>
      %dma_start3A_298 = arith.constant 0 : i32
      %dma_start3A_299 = tpu.memref_slice %arg9[%add3A_288, %dma_start3A_291, %dma_start3A_298] : memref<50x8x64xf32, #tpu.memory_space<vmem>> -> memref<1x1x64xf32, #tpu.memory_space<vmem>>
      %dma_start3A_300 = tpu.memref_squeeze %dma_start3A_299 : memref<1x1x64xf32, #tpu.memory_space<vmem>> -> memref<64xf32, #tpu.memory_space<vmem>>
      %dma_start3A_301 = arith.constant 0 : i32
      %dma_start3A_302 = tpu.memref_slice %arg2[%squeeze3A, %squeeze3A_290, %dma_start3A_301] : memref<125000x8x64xf32, #tpu.memory_space<hbm>> -> memref<1x1x64xf32, #tpu.memory_space<hbm>>
      %dma_start3A_303 = tpu.memref_squeeze %dma_start3A_302 : memref<1x1x64xf32, #tpu.memory_space<hbm>> -> memref<64xf32, #tpu.memory_space<hbm>>
      tpu.enqueue_dma source(%dma_start3A_303 : memref<64xf32, #tpu.memory_space<hbm>>) target(%dma_start3A_300 : memref<64xf32, #tpu.memory_space<vmem>>) target_semaphore(%arg13 : memref<!tpu.dma_semaphore, #tpu.memory_space<semaphore_mem>>)
      %mul3A_304 = arith.constant 2 : i32
      %mul3A_305 = arith.muli %mul3A_304, %scan3A_275 : i32
      %add3A_306 = arith.constant 0 : i32
      %add3A_307 = arith.addi %mul3A_305, %add3A_306 : i32
      %slice3A_308 = vector.extract_strided_slice %shift_right_logical3A_281 {offsets = [1], sizes = [1], strides = [1]} : vector<16xi32> to vector<1xi32>
      %squeeze3A_309 = vector.extract %slice3A_308[0] : i32 from vector<1xi32>
      %slice3A_310 = vector.extract_strided_slice %and3A_284 {offsets = [1], sizes = [1], strides = [1]} : vector<16xi32> to vector<1xi32>
      %squeeze3A_311 = vector.extract %slice3A_310[0] : i32 from vector<1xi32>
      %dma_start3A_312 = arith.constant 1 : i32
      %dma_start3A_313 = arith.constant 0 : i32
      %dma_start3A_314 = tpu.memref_slice %arg9[%add3A_307, %dma_start3A_312, %dma_start3A_313] : memref<50x8x64xf32, #tpu.memory_space<vmem>> -> memref<1x1x64xf32, #tpu.memory_space<vmem>>
      %dma_start3A_315 = tpu.memref_squeeze %dma_start3A_314 : memref<1x1x64xf32, #tpu.memory_space<vmem>> -> memref<64xf32, #tpu.memory_space<vmem>>
      %dma_start3A_316 = arith.constant 0 : i32
      %dma_start3A_317 = tpu.memref_slice %arg2[%squeeze3A_309, %squeeze3A_311, %dma_start3A_316] : memref<125000x8x64xf32, #tpu.memory_space<hbm>> -> memref<1x1x64xf32, #tpu.memory_space<hbm>>
      %dma_start3A_318 = tpu.memref_squeeze %dma_start3A_317 : memref<1x1x64xf32, #tpu.memory_space<hbm>> -> memref<64xf32, #tpu.memory_space<hbm>>
      %dma_start3A_319 = arith.constant 0 : i32
      %dma_start3A_320 = tpu.memref_slice %arg9[%add3A_307, %dma_start3A_312, %dma_start3A_319] : memref<50x8x64xf32, #tpu.memory_space<vmem>> -> memref<1x1x64xf32, #tpu.memory_space<vmem>>
      %dma_start3A_321 = tpu.memref_squeeze %dma_start3A_320 : memref<1x1x64xf32, #tpu.memory_space<vmem>> -> memref<64xf32, #tpu.memory_space<vmem>>
      %dma_start3A_322 = arith.constant 0 : i32
      %dma_start3A_323 = tpu.memref_slice %arg2[%squeeze3A_309, %squeeze3A_311, %dma_start3A_322] : memref<125000x8x64xf32, #tpu.memory_space<hbm>> -> memref<1x1x64xf32, #tpu.memory_space<hbm>>
      %dma_start3A_324 = tpu.memref_squeeze %dma_start3A_323 : memref<1x1x64xf32, #tpu.memory_space<hbm>> -> memref<64xf32, #tpu.memory_space<hbm>>
      tpu.enqueue_dma source(%dma_start3A_324 : memref<64xf32, #tpu.memory_space<hbm>>) target(%dma_start3A_321 : memref<64xf32, #tpu.memory_space<vmem>>) target_semaphore(%arg13 : memref<!tpu.dma_semaphore, #tpu.memory_space<semaphore_mem>>)
      %mul3A_325 = arith.constant 2 : i32
      %mul3A_326 = arith.muli %mul3A_325, %scan3A_275 : i32
      %add3A_327 = arith.constant 0 : i32
      %add3A_328 = arith.addi %mul3A_326, %add3A_327 : i32
      %slice3A_329 = vector.extract_strided_slice %shift_right_logical3A_281 {offsets = [2], sizes = [1], strides = [1]} : vector<16xi32> to vector<1xi32>
      %squeeze3A_330 = vector.extract %slice3A_329[0] : i32 from vector<1xi32>
      %slice3A_331 = vector.extract_strided_slice %and3A_284 {offsets = [2], sizes = [1], strides = [1]} : vector<16xi32> to vector<1xi32>
      %squeeze3A_332 = vector.extract %slice3A_331[0] : i32 from vector<1xi32>
      %dma_start3A_333 = arith.constant 2 : i32
      %dma_start3A_334 = arith.constant 0 : i32
      %dma_start3A_335 = tpu.memref_slice %arg9[%add3A_328, %dma_start3A_333, %dma_start3A_334] : memref<50x8x64xf32, #tpu.memory_space<vmem>> -> memref<1x1x64xf32, #tpu.memory_space<vmem>>
      %dma_start3A_336 = tpu.memref_squeeze %dma_start3A_335 : memref<1x1x64xf32, #tpu.memory_space<vmem>> -> memref<64xf32, #tpu.memory_space<vmem>>
      %dma_start3A_337 = arith.constant 0 : i32
      %dma_start3A_338 = tpu.memref_slice %arg2[%squeeze3A_330, %squeeze3A_332, %dma_start3A_337] : memref<125000x8x64xf32, #tpu.memory_space<hbm>> -> memref<1x1x64xf32, #tpu.memory_space<hbm>>
      %dma_start3A_339 = tpu.memref_squeeze %dma_start3A_338 : memref<1x1x64xf32, #tpu.memory_space<hbm>> -> memref<64xf32, #tpu.memory_space<hbm>>
      %dma_start3A_340 = arith.constant 0 : i32
      %dma_start3A_341 = tpu.memref_slice %arg9[%add3A_328, %dma_start3A_333, %dma_start3A_340] : memref<50x8x64xf32, #tpu.memory_space<vmem>> -> memref<1x1x64xf32, #tpu.memory_space<vmem>>
      %dma_start3A_342 = tpu.memref_squeeze %dma_start3A_341 : memref<1x1x64xf32, #tpu.memory_space<vmem>> -> memref<64xf32, #tpu.memory_space<vmem>>
      %dma_start3A_343 = arith.constant 0 : i32
      %dma_start3A_344 = tpu.memref_slice %arg2[%squeeze3A_330, %squeeze3A_332, %dma_start3A_343] : memref<125000x8x64xf32, #tpu.memory_space<hbm>> -> memref<1x1x64xf32, #tpu.memory_space<hbm>>
      %dma_start3A_345 = tpu.memref_squeeze %dma_start3A_344 : memref<1x1x64xf32, #tpu.memory_space<hbm>> -> memref<64xf32, #tpu.memory_space<hbm>>
      tpu.enqueue_dma source(%dma_start3A_345 : memref<64xf32, #tpu.memory_space<hbm>>) target(%dma_start3A_342 : memref<64xf32, #tpu.memory_space<vmem>>) target_semaphore(%arg13 : memref<!tpu.dma_semaphore, #tpu.memory_space<semaphore_mem>>)
      %mul3A_346 = arith.constant 2 : i32
      %mul3A_347 = arith.muli %mul3A_346, %scan3A_275 : i32
      %add3A_348 = arith.constant 0 : i32
      %add3A_349 = arith.addi %mul3A_347, %add3A_348 : i32
      %slice3A_350 = vector.extract_strided_slice %shift_right_logical3A_281 {offsets = [3], sizes = [1], strides = [1]} : vector<16xi32> to vector<1xi32>
      %squeeze3A_351 = vector.extract %slice3A_350[0] : i32 from vector<1xi32>
      %slice3A_352 = vector.extract_strided_slice %and3A_284 {offsets = [3], sizes = [1], strides = [1]} : vector<16xi32> to vector<1xi32>
      %squeeze3A_353 = vector.extract %slice3A_352[0] : i32 from vector<1xi32>
      %dma_start3A_354 = arith.constant 3 : i32
      %dma_start3A_355 = arith.constant 0 : i32
      %dma_start3A_356 = tpu.memref_slice %arg9[%add3A_349, %dma_start3A_354, %dma_start3A_355] : memref<50x8x64xf32, #tpu.memory_space<vmem>> -> memref<1x1x64xf32, #tpu.memory_space<vmem>>
      %dma_start3A_357 = tpu.memref_squeeze %dma_start3A_356 : memref<1x1x64xf32, #tpu.memory_space<vmem>> -> memref<64xf32, #tpu.memory_space<vmem>>
      %dma_start3A_358 = arith.constant 0 : i32
      %dma_start3A_359 = tpu.memref_slice %arg2[%squeeze3A_351, %squeeze3A_353, %dma_start3A_358] : memref<125000x8x64xf32, #tpu.memory_space<hbm>> -> memref<1x1x64xf32, #tpu.memory_space<hbm>>
      %dma_start3A_360 = tpu.memref_squeeze %dma_start3A_359 : memref<1x1x64xf32, #tpu.memory_space<hbm>> -> memref<64xf32, #tpu.memory_space<hbm>>
      %dma_start3A_361 = arith.constant 0 : i32
      %dma_start3A_362 = tpu.memref_slice %arg9[%add3A_349, %dma_start3A_354, %dma_start3A_361] : memref<50x8x64xf32, #tpu.memory_space<vmem>> -> memref<1x1x64xf32, #tpu.memory_space<vmem>>
      %dma_start3A_363 = tpu.memref_squeeze %dma_start3A_362 : memref<1x1x64xf32, #tpu.memory_space<vmem>> -> memref<64xf32, #tpu.memory_space<vmem>>
      %dma_start3A_364 = arith.constant 0 : i32
      %dma_start3A_365 = tpu.memref_slice %arg2[%squeeze3A_351, %squeeze3A_353, %dma_start3A_364] : memref<125000x8x64xf32, #tpu.memory_space<hbm>> -> memref<1x1x64xf32, #tpu.memory_space<hbm>>
      %dma_start3A_366 = tpu.memref_squeeze %dma_start3A_365 : memref<1x1x64xf32, #tpu.memory_space<hbm>> -> memref<64xf32, #tpu.memory_space<hbm>>
      tpu.enqueue_dma source(%dma_start3A_366 : memref<64xf32, #tpu.memory_space<hbm>>) target(%dma_start3A_363 : memref<64xf32, #tpu.memory_space<vmem>>) target_semaphore(%arg13 : memref<!tpu.dma_semaphore, #tpu.memory_space<semaphore_mem>>)
      %mul3A_367 = arith.constant 2 : i32
      %mul3A_368 = arith.muli %mul3A_367, %scan3A_275 : i32
      %add3A_369 = arith.constant 0 : i32
      %add3A_370 = arith.addi %mul3A_368, %add3A_369 : i32
      %slice3A_371 = vector.extract_strided_slice %shift_right_logical3A_281 {offsets = [4], sizes = [1], strides = [1]} : vector<16xi32> to vector<1xi32>
      %squeeze3A_372 = vector.extract %slice3A_371[0] : i32 from vector<1xi32>
      %slice3A_373 = vector.extract_strided_slice %and3A_284 {offsets = [4], sizes = [1], strides = [1]} : vector<16xi32> to vector<1xi32>
      %squeeze3A_374 = vector.extract %slice3A_373[0] : i32 from vector<1xi32>
      %dma_start3A_375 = arith.constant 4 : i32
      %dma_start3A_376 = arith.constant 0 : i32
      %dma_start3A_377 = tpu.memref_slice %arg9[%add3A_370, %dma_start3A_375, %dma_start3A_376] : memref<50x8x64xf32, #tpu.memory_space<vmem>> -> memref<1x1x64xf32, #tpu.memory_space<vmem>>
      %dma_start3A_378 = tpu.memref_squeeze %dma_start3A_377 : memref<1x1x64xf32, #tpu.memory_space<vmem>> -> memref<64xf32, #tpu.memory_space<vmem>>
      %dma_start3A_379 = arith.constant 0 : i32
      %dma_start3A_380 = tpu.memref_slice %arg2[%squeeze3A_372, %squeeze3A_374, %dma_start3A_379] : memref<125000x8x64xf32, #tpu.memory_space<hbm>> -> memref<1x1x64xf32, #tpu.memory_space<hbm>>
      %dma_start3A_381 = tpu.memref_squeeze %dma_start3A_380 : memref<1x1x64xf32, #tpu.memory_space<hbm>> -> memref<64xf32, #tpu.memory_space<hbm>>
      %dma_start3A_382 = arith.constant 0 : i32
      %dma_start3A_383 = tpu.memref_slice %arg9[%add3A_370, %dma_start3A_375, %dma_start3A_382] : memref<50x8x64xf32, #tpu.memory_space<vmem>> -> memref<1x1x64xf32, #tpu.memory_space<vmem>>
      %dma_start3A_384 = tpu.memref_squeeze %dma_start3A_383 : memref<1x1x64xf32, #tpu.memory_space<vmem>> -> memref<64xf32, #tpu.memory_space<vmem>>
      %dma_start3A_385 = arith.constant 0 : i32
      %dma_start3A_386 = tpu.memref_slice %arg2[%squeeze3A_372, %squeeze3A_374, %dma_start3A_385] : memref<125000x8x64xf32, #tpu.memory_space<hbm>> -> memref<1x1x64xf32, #tpu.memory_space<hbm>>
      %dma_start3A_387 = tpu.memref_squeeze %dma_start3A_386 : memref<1x1x64xf32, #tpu.memory_space<hbm>> -> memref<64xf32, #tpu.memory_space<hbm>>
      tpu.enqueue_dma source(%dma_start3A_387 : memref<64xf32, #tpu.memory_space<hbm>>) target(%dma_start3A_384 : memref<64xf32, #tpu.memory_space<vmem>>) target_semaphore(%arg13 : memref<!tpu.dma_semaphore, #tpu.memory_space<semaphore_mem>>)
      %mul3A_388 = arith.constant 2 : i32
      %mul3A_389 = arith.muli %mul3A_388, %scan3A_275 : i32
      %add3A_390 = arith.constant 0 : i32
      %add3A_391 = arith.addi %mul3A_389, %add3A_390 : i32
      %slice3A_392 = vector.extract_strided_slice %shift_right_logical3A_281 {offsets = [5], sizes = [1], strides = [1]} : vector<16xi32> to vector<1xi32>
      %squeeze3A_393 = vector.extract %slice3A_392[0] : i32 from vector<1xi32>
      %slice3A_394 = vector.extract_strided_slice %and3A_284 {offsets = [5], sizes = [1], strides = [1]} : vector<16xi32> to vector<1xi32>
      %squeeze3A_395 = vector.extract %slice3A_394[0] : i32 from vector<1xi32>
      %dma_start3A_396 = arith.constant 5 : i32
      %dma_start3A_397 = arith.constant 0 : i32
      %dma_start3A_398 = tpu.memref_slice %arg9[%add3A_391, %dma_start3A_396, %dma_start3A_397] : memref<50x8x64xf32, #tpu.memory_space<vmem>> -> memref<1x1x64xf32, #tpu.memory_space<vmem>>
      %dma_start3A_399 = tpu.memref_squeeze %dma_start3A_398 : memref<1x1x64xf32, #tpu.memory_space<vmem>> -> memref<64xf32, #tpu.memory_space<vmem>>
      %dma_start3A_400 = arith.constant 0 : i32
      %dma_start3A_401 = tpu.memref_slice %arg2[%squeeze3A_393, %squeeze3A_395, %dma_start3A_400] : memref<125000x8x64xf32, #tpu.memory_space<hbm>> -> memref<1x1x64xf32, #tpu.memory_space<hbm>>
      %dma_start3A_402 = tpu.memref_squeeze %dma_start3A_401 : memref<1x1x64xf32, #tpu.memory_space<hbm>> -> memref<64xf32, #tpu.memory_space<hbm>>
      %dma_start3A_403 = arith.constant 0 : i32
      %dma_start3A_404 = tpu.memref_slice %arg9[%add3A_391, %dma_start3A_396, %dma_start3A_403] : memref<50x8x64xf32, #tpu.memory_space<vmem>> -> memref<1x1x64xf32, #tpu.memory_space<vmem>>
      %dma_start3A_405 = tpu.memref_squeeze %dma_start3A_404 : memref<1x1x64xf32, #tpu.memory_space<vmem>> -> memref<64xf32, #tpu.memory_space<vmem>>
      %dma_start3A_406 = arith.constant 0 : i32
      %dma_start3A_407 = tpu.memref_slice %arg2[%squeeze3A_393, %squeeze3A_395, %dma_start3A_406] : memref<125000x8x64xf32, #tpu.memory_space<hbm>> -> memref<1x1x64xf32, #tpu.memory_space<hbm>>
      %dma_start3A_408 = tpu.memref_squeeze %dma_start3A_407 : memref<1x1x64xf32, #tpu.memory_space<hbm>> -> memref<64xf32, #tpu.memory_space<hbm>>
      tpu.enqueue_dma source(%dma_start3A_408 : memref<64xf32, #tpu.memory_space<hbm>>) target(%dma_start3A_405 : memref<64xf32, #tpu.memory_space<vmem>>) target_semaphore(%arg13 : memref<!tpu.dma_semaphore, #tpu.memory_space<semaphore_mem>>)
      %mul3A_409 = arith.constant 2 : i32
      %mul3A_410 = arith.muli %mul3A_409, %scan3A_275 : i32
      %add3A_411 = arith.constant 0 : i32
      %add3A_412 = arith.addi %mul3A_410, %add3A_411 : i32
      %slice3A_413 = vector.extract_strided_slice %shift_right_logical3A_281 {offsets = [6], sizes = [1], strides = [1]} : vector<16xi32> to vector<1xi32>
      %squeeze3A_414 = vector.extract %slice3A_413[0] : i32 from vector<1xi32>
      %slice3A_415 = vector.extract_strided_slice %and3A_284 {offsets = [6], sizes = [1], strides = [1]} : vector<16xi32> to vector<1xi32>
      %squeeze3A_416 = vector.extract %slice3A_415[0] : i32 from vector<1xi32>
      %dma_start3A_417 = arith.constant 6 : i32
      %dma_start3A_418 = arith.constant 0 : i32
      %dma_start3A_419 = tpu.memref_slice %arg9[%add3A_412, %dma_start3A_417, %dma_start3A_418] : memref<50x8x64xf32, #tpu.memory_space<vmem>> -> memref<1x1x64xf32, #tpu.memory_space<vmem>>
      %dma_start3A_420 = tpu.memref_squeeze %dma_start3A_419 : memref<1x1x64xf32, #tpu.memory_space<vmem>> -> memref<64xf32, #tpu.memory_space<vmem>>
      %dma_start3A_421 = arith.constant 0 : i32
      %dma_start3A_422 = tpu.memref_slice %arg2[%squeeze3A_414, %squeeze3A_416, %dma_start3A_421] : memref<125000x8x64xf32, #tpu.memory_space<hbm>> -> memref<1x1x64xf32, #tpu.memory_space<hbm>>
      %dma_start3A_423 = tpu.memref_squeeze %dma_start3A_422 : memref<1x1x64xf32, #tpu.memory_space<hbm>> -> memref<64xf32, #tpu.memory_space<hbm>>
      %dma_start3A_424 = arith.constant 0 : i32
      %dma_start3A_425 = tpu.memref_slice %arg9[%add3A_412, %dma_start3A_417, %dma_start3A_424] : memref<50x8x64xf32, #tpu.memory_space<vmem>> -> memref<1x1x64xf32, #tpu.memory_space<vmem>>
      %dma_start3A_426 = tpu.memref_squeeze %dma_start3A_425 : memref<1x1x64xf32, #tpu.memory_space<vmem>> -> memref<64xf32, #tpu.memory_space<vmem>>
      %dma_start3A_427 = arith.constant 0 : i32
      %dma_start3A_428 = tpu.memref_slice %arg2[%squeeze3A_414, %squeeze3A_416, %dma_start3A_427] : memref<125000x8x64xf32, #tpu.memory_space<hbm>> -> memref<1x1x64xf32, #tpu.memory_space<hbm>>
      %dma_start3A_429 = tpu.memref_squeeze %dma_start3A_428 : memref<1x1x64xf32, #tpu.memory_space<hbm>> -> memref<64xf32, #tpu.memory_space<hbm>>
      tpu.enqueue_dma source(%dma_start3A_429 : memref<64xf32, #tpu.memory_space<hbm>>) target(%dma_start3A_426 : memref<64xf32, #tpu.memory_space<vmem>>) target_semaphore(%arg13 : memref<!tpu.dma_semaphore, #tpu.memory_space<semaphore_mem>>)
      %mul3A_430 = arith.constant 2 : i32
      %mul3A_431 = arith.muli %mul3A_430, %scan3A_275 : i32
      %add3A_432 = arith.constant 0 : i32
      %add3A_433 = arith.addi %mul3A_431, %add3A_432 : i32
      %slice3A_434 = vector.extract_strided_slice %shift_right_logical3A_281 {offsets = [7], sizes = [1], strides = [1]} : vector<16xi32> to vector<1xi32>
      %squeeze3A_435 = vector.extract %slice3A_434[0] : i32 from vector<1xi32>
      %slice3A_436 = vector.extract_strided_slice %and3A_284 {offsets = [7], sizes = [1], strides = [1]} : vector<16xi32> to vector<1xi32>
      %squeeze3A_437 = vector.extract %slice3A_436[0] : i32 from vector<1xi32>
      %dma_start3A_438 = arith.constant 7 : i32
      %dma_start3A_439 = arith.constant 0 : i32
      %dma_start3A_440 = tpu.memref_slice %arg9[%add3A_433, %dma_start3A_438, %dma_start3A_439] : memref<50x8x64xf32, #tpu.memory_space<vmem>> -> memref<1x1x64xf32, #tpu.memory_space<vmem>>
      %dma_start3A_441 = tpu.memref_squeeze %dma_start3A_440 : memref<1x1x64xf32, #tpu.memory_space<vmem>> -> memref<64xf32, #tpu.memory_space<vmem>>
      %dma_start3A_442 = arith.constant 0 : i32
      %dma_start3A_443 = tpu.memref_slice %arg2[%squeeze3A_435, %squeeze3A_437, %dma_start3A_442] : memref<125000x8x64xf32, #tpu.memory_space<hbm>> -> memref<1x1x64xf32, #tpu.memory_space<hbm>>
      %dma_start3A_444 = tpu.memref_squeeze %dma_start3A_443 : memref<1x1x64xf32, #tpu.memory_space<hbm>> -> memref<64xf32, #tpu.memory_space<hbm>>
      %dma_start3A_445 = arith.constant 0 : i32
      %dma_start3A_446 = tpu.memref_slice %arg9[%add3A_433, %dma_start3A_438, %dma_start3A_445] : memref<50x8x64xf32, #tpu.memory_space<vmem>> -> memref<1x1x64xf32, #tpu.memory_space<vmem>>
      %dma_start3A_447 = tpu.memref_squeeze %dma_start3A_446 : memref<1x1x64xf32, #tpu.memory_space<vmem>> -> memref<64xf32, #tpu.memory_space<vmem>>
      %dma_start3A_448 = arith.constant 0 : i32
      %dma_start3A_449 = tpu.memref_slice %arg2[%squeeze3A_435, %squeeze3A_437, %dma_start3A_448] : memref<125000x8x64xf32, #tpu.memory_space<hbm>> -> memref<1x1x64xf32, #tpu.memory_space<hbm>>
      %dma_start3A_450 = tpu.memref_squeeze %dma_start3A_449 : memref<1x1x64xf32, #tpu.memory_space<hbm>> -> memref<64xf32, #tpu.memory_space<hbm>>
      tpu.enqueue_dma source(%dma_start3A_450 : memref<64xf32, #tpu.memory_space<hbm>>) target(%dma_start3A_447 : memref<64xf32, #tpu.memory_space<vmem>>) target_semaphore(%arg13 : memref<!tpu.dma_semaphore, #tpu.memory_space<semaphore_mem>>)
      %mul3A_451 = arith.constant 2 : i32
      %mul3A_452 = arith.muli %mul3A_451, %scan3A_275 : i32
      %add3A_453 = arith.constant 1 : i32
      %add3A_454 = arith.addi %mul3A_452, %add3A_453 : i32
      %slice3A_455 = vector.extract_strided_slice %shift_right_logical3A_281 {offsets = [8], sizes = [1], strides = [1]} : vector<16xi32> to vector<1xi32>
      %squeeze3A_456 = vector.extract %slice3A_455[0] : i32 from vector<1xi32>
      %slice3A_457 = vector.extract_strided_slice %and3A_284 {offsets = [8], sizes = [1], strides = [1]} : vector<16xi32> to vector<1xi32>
      %squeeze3A_458 = vector.extract %slice3A_457[0] : i32 from vector<1xi32>
      %dma_start3A_459 = arith.constant 0 : i32
      %dma_start3A_460 = arith.constant 0 : i32
      %dma_start3A_461 = tpu.memref_slice %arg9[%add3A_454, %dma_start3A_459, %dma_start3A_460] : memref<50x8x64xf32, #tpu.memory_space<vmem>> -> memref<1x1x64xf32, #tpu.memory_space<vmem>>
      %dma_start3A_462 = tpu.memref_squeeze %dma_start3A_461 : memref<1x1x64xf32, #tpu.memory_space<vmem>> -> memref<64xf32, #tpu.memory_space<vmem>>
      %dma_start3A_463 = arith.constant 0 : i32
      %dma_start3A_464 = tpu.memref_slice %arg2[%squeeze3A_456, %squeeze3A_458, %dma_start3A_463] : memref<125000x8x64xf32, #tpu.memory_space<hbm>> -> memref<1x1x64xf32, #tpu.memory_space<hbm>>
      %dma_start3A_465 = tpu.memref_squeeze %dma_start3A_464 : memref<1x1x64xf32, #tpu.memory_space<hbm>> -> memref<64xf32, #tpu.memory_space<hbm>>
      %dma_start3A_466 = arith.constant 0 : i32
      %dma_start3A_467 = tpu.memref_slice %arg9[%add3A_454, %dma_start3A_459, %dma_start3A_466] : memref<50x8x64xf32, #tpu.memory_space<vmem>> -> memref<1x1x64xf32, #tpu.memory_space<vmem>>
      %dma_start3A_468 = tpu.memref_squeeze %dma_start3A_467 : memref<1x1x64xf32, #tpu.memory_space<vmem>> -> memref<64xf32, #tpu.memory_space<vmem>>
      %dma_start3A_469 = arith.constant 0 : i32
      %dma_start3A_470 = tpu.memref_slice %arg2[%squeeze3A_456, %squeeze3A_458, %dma_start3A_469] : memref<125000x8x64xf32, #tpu.memory_space<hbm>> -> memref<1x1x64xf32, #tpu.memory_space<hbm>>
      %dma_start3A_471 = tpu.memref_squeeze %dma_start3A_470 : memref<1x1x64xf32, #tpu.memory_space<hbm>> -> memref<64xf32, #tpu.memory_space<hbm>>
      tpu.enqueue_dma source(%dma_start3A_471 : memref<64xf32, #tpu.memory_space<hbm>>) target(%dma_start3A_468 : memref<64xf32, #tpu.memory_space<vmem>>) target_semaphore(%arg13 : memref<!tpu.dma_semaphore, #tpu.memory_space<semaphore_mem>>)
      %mul3A_472 = arith.constant 2 : i32
      %mul3A_473 = arith.muli %mul3A_472, %scan3A_275 : i32
      %add3A_474 = arith.constant 1 : i32
      %add3A_475 = arith.addi %mul3A_473, %add3A_474 : i32
      %slice3A_476 = vector.extract_strided_slice %shift_right_logical3A_281 {offsets = [9], sizes = [1], strides = [1]} : vector<16xi32> to vector<1xi32>
      %squeeze3A_477 = vector.extract %slice3A_476[0] : i32 from vector<1xi32>
      %slice3A_478 = vector.extract_strided_slice %and3A_284 {offsets = [9], sizes = [1], strides = [1]} : vector<16xi32> to vector<1xi32>
      %squeeze3A_479 = vector.extract %slice3A_478[0] : i32 from vector<1xi32>
      %dma_start3A_480 = arith.constant 1 : i32
      %dma_start3A_481 = arith.constant 0 : i32
      %dma_start3A_482 = tpu.memref_slice %arg9[%add3A_475, %dma_start3A_480, %dma_start3A_481] : memref<50x8x64xf32, #tpu.memory_space<vmem>> -> memref<1x1x64xf32, #tpu.memory_space<vmem>>
      %dma_start3A_483 = tpu.memref_squeeze %dma_start3A_482 : memref<1x1x64xf32, #tpu.memory_space<vmem>> -> memref<64xf32, #tpu.memory_space<vmem>>
      %dma_start3A_484 = arith.constant 0 : i32
      %dma_start3A_485 = tpu.memref_slice %arg2[%squeeze3A_477, %squeeze3A_479, %dma_start3A_484] : memref<125000x8x64xf32, #tpu.memory_space<hbm>> -> memref<1x1x64xf32, #tpu.memory_space<hbm>>
      %dma_start3A_486 = tpu.memref_squeeze %dma_start3A_485 : memref<1x1x64xf32, #tpu.memory_space<hbm>> -> memref<64xf32, #tpu.memory_space<hbm>>
      %dma_start3A_487 = arith.constant 0 : i32
      %dma_start3A_488 = tpu.memref_slice %arg9[%add3A_475, %dma_start3A_480, %dma_start3A_487] : memref<50x8x64xf32, #tpu.memory_space<vmem>> -> memref<1x1x64xf32, #tpu.memory_space<vmem>>
      %dma_start3A_489 = tpu.memref_squeeze %dma_start3A_488 : memref<1x1x64xf32, #tpu.memory_space<vmem>> -> memref<64xf32, #tpu.memory_space<vmem>>
      %dma_start3A_490 = arith.constant 0 : i32
      %dma_start3A_491 = tpu.memref_slice %arg2[%squeeze3A_477, %squeeze3A_479, %dma_start3A_490] : memref<125000x8x64xf32, #tpu.memory_space<hbm>> -> memref<1x1x64xf32, #tpu.memory_space<hbm>>
      %dma_start3A_492 = tpu.memref_squeeze %dma_start3A_491 : memref<1x1x64xf32, #tpu.memory_space<hbm>> -> memref<64xf32, #tpu.memory_space<hbm>>
      tpu.enqueue_dma source(%dma_start3A_492 : memref<64xf32, #tpu.memory_space<hbm>>) target(%dma_start3A_489 : memref<64xf32, #tpu.memory_space<vmem>>) target_semaphore(%arg13 : memref<!tpu.dma_semaphore, #tpu.memory_space<semaphore_mem>>)
      %mul3A_493 = arith.constant 2 : i32
      %mul3A_494 = arith.muli %mul3A_493, %scan3A_275 : i32
      %add3A_495 = arith.constant 1 : i32
      %add3A_496 = arith.addi %mul3A_494, %add3A_495 : i32
      %slice3A_497 = vector.extract_strided_slice %shift_right_logical3A_281 {offsets = [10], sizes = [1], strides = [1]} : vector<16xi32> to vector<1xi32>
      %squeeze3A_498 = vector.extract %slice3A_497[0] : i32 from vector<1xi32>
      %slice3A_499 = vector.extract_strided_slice %and3A_284 {offsets = [10], sizes = [1], strides = [1]} : vector<16xi32> to vector<1xi32>
      %squeeze3A_500 = vector.extract %slice3A_499[0] : i32 from vector<1xi32>
      %dma_start3A_501 = arith.constant 2 : i32
      %dma_start3A_502 = arith.constant 0 : i32
      %dma_start3A_503 = tpu.memref_slice %arg9[%add3A_496, %dma_start3A_501, %dma_start3A_502] : memref<50x8x64xf32, #tpu.memory_space<vmem>> -> memref<1x1x64xf32, #tpu.memory_space<vmem>>
      %dma_start3A_504 = tpu.memref_squeeze %dma_start3A_503 : memref<1x1x64xf32, #tpu.memory_space<vmem>> -> memref<64xf32, #tpu.memory_space<vmem>>
      %dma_start3A_505 = arith.constant 0 : i32
      %dma_start3A_506 = tpu.memref_slice %arg2[%squeeze3A_498, %squeeze3A_500, %dma_start3A_505] : memref<125000x8x64xf32, #tpu.memory_space<hbm>> -> memref<1x1x64xf32, #tpu.memory_space<hbm>>
      %dma_start3A_507 = tpu.memref_squeeze %dma_start3A_506 : memref<1x1x64xf32, #tpu.memory_space<hbm>> -> memref<64xf32, #tpu.memory_space<hbm>>
      %dma_start3A_508 = arith.constant 0 : i32
      %dma_start3A_509 = tpu.memref_slice %arg9[%add3A_496, %dma_start3A_501, %dma_start3A_508] : memref<50x8x64xf32, #tpu.memory_space<vmem>> -> memref<1x1x64xf32, #tpu.memory_space<vmem>>
      %dma_start3A_510 = tpu.memref_squeeze %dma_start3A_509 : memref<1x1x64xf32, #tpu.memory_space<vmem>> -> memref<64xf32, #tpu.memory_space<vmem>>
      %dma_start3A_511 = arith.constant 0 : i32
      %dma_start3A_512 = tpu.memref_slice %arg2[%squeeze3A_498, %squeeze3A_500, %dma_start3A_511] : memref<125000x8x64xf32, #tpu.memory_space<hbm>> -> memref<1x1x64xf32, #tpu.memory_space<hbm>>
      %dma_start3A_513 = tpu.memref_squeeze %dma_start3A_512 : memref<1x1x64xf32, #tpu.memory_space<hbm>> -> memref<64xf32, #tpu.memory_space<hbm>>
      tpu.enqueue_dma source(%dma_start3A_513 : memref<64xf32, #tpu.memory_space<hbm>>) target(%dma_start3A_510 : memref<64xf32, #tpu.memory_space<vmem>>) target_semaphore(%arg13 : memref<!tpu.dma_semaphore, #tpu.memory_space<semaphore_mem>>)
      %mul3A_514 = arith.constant 2 : i32
      %mul3A_515 = arith.muli %mul3A_514, %scan3A_275 : i32
      %add3A_516 = arith.constant 1 : i32
      %add3A_517 = arith.addi %mul3A_515, %add3A_516 : i32
      %slice3A_518 = vector.extract_strided_slice %shift_right_logical3A_281 {offsets = [11], sizes = [1], strides = [1]} : vector<16xi32> to vector<1xi32>
      %squeeze3A_519 = vector.extract %slice3A_518[0] : i32 from vector<1xi32>
      %slice3A_520 = vector.extract_strided_slice %and3A_284 {offsets = [11], sizes = [1], strides = [1]} : vector<16xi32> to vector<1xi32>
      %squeeze3A_521 = vector.extract %slice3A_520[0] : i32 from vector<1xi32>
      %dma_start3A_522 = arith.constant 3 : i32
      %dma_start3A_523 = arith.constant 0 : i32
      %dma_start3A_524 = tpu.memref_slice %arg9[%add3A_517, %dma_start3A_522, %dma_start3A_523] : memref<50x8x64xf32, #tpu.memory_space<vmem>> -> memref<1x1x64xf32, #tpu.memory_space<vmem>>
      %dma_start3A_525 = tpu.memref_squeeze %dma_start3A_524 : memref<1x1x64xf32, #tpu.memory_space<vmem>> -> memref<64xf32, #tpu.memory_space<vmem>>
      %dma_start3A_526 = arith.constant 0 : i32
      %dma_start3A_527 = tpu.memref_slice %arg2[%squeeze3A_519, %squeeze3A_521, %dma_start3A_526] : memref<125000x8x64xf32, #tpu.memory_space<hbm>> -> memref<1x1x64xf32, #tpu.memory_space<hbm>>
      %dma_start3A_528 = tpu.memref_squeeze %dma_start3A_527 : memref<1x1x64xf32, #tpu.memory_space<hbm>> -> memref<64xf32, #tpu.memory_space<hbm>>
      %dma_start3A_529 = arith.constant 0 : i32
      %dma_start3A_530 = tpu.memref_slice %arg9[%add3A_517, %dma_start3A_522, %dma_start3A_529] : memref<50x8x64xf32, #tpu.memory_space<vmem>> -> memref<1x1x64xf32, #tpu.memory_space<vmem>>
      %dma_start3A_531 = tpu.memref_squeeze %dma_start3A_530 : memref<1x1x64xf32, #tpu.memory_space<vmem>> -> memref<64xf32, #tpu.memory_space<vmem>>
      %dma_start3A_532 = arith.constant 0 : i32
      %dma_start3A_533 = tpu.memref_slice %arg2[%squeeze3A_519, %squeeze3A_521, %dma_start3A_532] : memref<125000x8x64xf32, #tpu.memory_space<hbm>> -> memref<1x1x64xf32, #tpu.memory_space<hbm>>
      %dma_start3A_534 = tpu.memref_squeeze %dma_start3A_533 : memref<1x1x64xf32, #tpu.memory_space<hbm>> -> memref<64xf32, #tpu.memory_space<hbm>>
      tpu.enqueue_dma source(%dma_start3A_534 : memref<64xf32, #tpu.memory_space<hbm>>) target(%dma_start3A_531 : memref<64xf32, #tpu.memory_space<vmem>>) target_semaphore(%arg13 : memref<!tpu.dma_semaphore, #tpu.memory_space<semaphore_mem>>)
      %mul3A_535 = arith.constant 2 : i32
      %mul3A_536 = arith.muli %mul3A_535, %scan3A_275 : i32
      %add3A_537 = arith.constant 1 : i32
      %add3A_538 = arith.addi %mul3A_536, %add3A_537 : i32
      %slice3A_539 = vector.extract_strided_slice %shift_right_logical3A_281 {offsets = [12], sizes = [1], strides = [1]} : vector<16xi32> to vector<1xi32>
      %squeeze3A_540 = vector.extract %slice3A_539[0] : i32 from vector<1xi32>
      %slice3A_541 = vector.extract_strided_slice %and3A_284 {offsets = [12], sizes = [1], strides = [1]} : vector<16xi32> to vector<1xi32>
      %squeeze3A_542 = vector.extract %slice3A_541[0] : i32 from vector<1xi32>
      %dma_start3A_543 = arith.constant 4 : i32
      %dma_start3A_544 = arith.constant 0 : i32
      %dma_start3A_545 = tpu.memref_slice %arg9[%add3A_538, %dma_start3A_543, %dma_start3A_544] : memref<50x8x64xf32, #tpu.memory_space<vmem>> -> memref<1x1x64xf32, #tpu.memory_space<vmem>>
      %dma_start3A_546 = tpu.memref_squeeze %dma_start3A_545 : memref<1x1x64xf32, #tpu.memory_space<vmem>> -> memref<64xf32, #tpu.memory_space<vmem>>
      %dma_start3A_547 = arith.constant 0 : i32
      %dma_start3A_548 = tpu.memref_slice %arg2[%squeeze3A_540, %squeeze3A_542, %dma_start3A_547] : memref<125000x8x64xf32, #tpu.memory_space<hbm>> -> memref<1x1x64xf32, #tpu.memory_space<hbm>>
      %dma_start3A_549 = tpu.memref_squeeze %dma_start3A_548 : memref<1x1x64xf32, #tpu.memory_space<hbm>> -> memref<64xf32, #tpu.memory_space<hbm>>
      %dma_start3A_550 = arith.constant 0 : i32
      %dma_start3A_551 = tpu.memref_slice %arg9[%add3A_538, %dma_start3A_543, %dma_start3A_550] : memref<50x8x64xf32, #tpu.memory_space<vmem>> -> memref<1x1x64xf32, #tpu.memory_space<vmem>>
      %dma_start3A_552 = tpu.memref_squeeze %dma_start3A_551 : memref<1x1x64xf32, #tpu.memory_space<vmem>> -> memref<64xf32, #tpu.memory_space<vmem>>
      %dma_start3A_553 = arith.constant 0 : i32
      %dma_start3A_554 = tpu.memref_slice %arg2[%squeeze3A_540, %squeeze3A_542, %dma_start3A_553] : memref<125000x8x64xf32, #tpu.memory_space<hbm>> -> memref<1x1x64xf32, #tpu.memory_space<hbm>>
      %dma_start3A_555 = tpu.memref_squeeze %dma_start3A_554 : memref<1x1x64xf32, #tpu.memory_space<hbm>> -> memref<64xf32, #tpu.memory_space<hbm>>
      tpu.enqueue_dma source(%dma_start3A_555 : memref<64xf32, #tpu.memory_space<hbm>>) target(%dma_start3A_552 : memref<64xf32, #tpu.memory_space<vmem>>) target_semaphore(%arg13 : memref<!tpu.dma_semaphore, #tpu.memory_space<semaphore_mem>>)
      %mul3A_556 = arith.constant 2 : i32
      %mul3A_557 = arith.muli %mul3A_556, %scan3A_275 : i32
      %add3A_558 = arith.constant 1 : i32
      %add3A_559 = arith.addi %mul3A_557, %add3A_558 : i32
      %slice3A_560 = vector.extract_strided_slice %shift_right_logical3A_281 {offsets = [13], sizes = [1], strides = [1]} : vector<16xi32> to vector<1xi32>
      %squeeze3A_561 = vector.extract %slice3A_560[0] : i32 from vector<1xi32>
      %slice3A_562 = vector.extract_strided_slice %and3A_284 {offsets = [13], sizes = [1], strides = [1]} : vector<16xi32> to vector<1xi32>
      %squeeze3A_563 = vector.extract %slice3A_562[0] : i32 from vector<1xi32>
      %dma_start3A_564 = arith.constant 5 : i32
      %dma_start3A_565 = arith.constant 0 : i32
      %dma_start3A_566 = tpu.memref_slice %arg9[%add3A_559, %dma_start3A_564, %dma_start3A_565] : memref<50x8x64xf32, #tpu.memory_space<vmem>> -> memref<1x1x64xf32, #tpu.memory_space<vmem>>
      %dma_start3A_567 = tpu.memref_squeeze %dma_start3A_566 : memref<1x1x64xf32, #tpu.memory_space<vmem>> -> memref<64xf32, #tpu.memory_space<vmem>>
      %dma_start3A_568 = arith.constant 0 : i32
      %dma_start3A_569 = tpu.memref_slice %arg2[%squeeze3A_561, %squeeze3A_563, %dma_start3A_568] : memref<125000x8x64xf32, #tpu.memory_space<hbm>> -> memref<1x1x64xf32, #tpu.memory_space<hbm>>
      %dma_start3A_570 = tpu.memref_squeeze %dma_start3A_569 : memref<1x1x64xf32, #tpu.memory_space<hbm>> -> memref<64xf32, #tpu.memory_space<hbm>>
      %dma_start3A_571 = arith.constant 0 : i32
      %dma_start3A_572 = tpu.memref_slice %arg9[%add3A_559, %dma_start3A_564, %dma_start3A_571] : memref<50x8x64xf32, #tpu.memory_space<vmem>> -> memref<1x1x64xf32, #tpu.memory_space<vmem>>
      %dma_start3A_573 = tpu.memref_squeeze %dma_start3A_572 : memref<1x1x64xf32, #tpu.memory_space<vmem>> -> memref<64xf32, #tpu.memory_space<vmem>>
      %dma_start3A_574 = arith.constant 0 : i32
      %dma_start3A_575 = tpu.memref_slice %arg2[%squeeze3A_561, %squeeze3A_563, %dma_start3A_574] : memref<125000x8x64xf32, #tpu.memory_space<hbm>> -> memref<1x1x64xf32, #tpu.memory_space<hbm>>
      %dma_start3A_576 = tpu.memref_squeeze %dma_start3A_575 : memref<1x1x64xf32, #tpu.memory_space<hbm>> -> memref<64xf32, #tpu.memory_space<hbm>>
      tpu.enqueue_dma source(%dma_start3A_576 : memref<64xf32, #tpu.memory_space<hbm>>) target(%dma_start3A_573 : memref<64xf32, #tpu.memory_space<vmem>>) target_semaphore(%arg13 : memref<!tpu.dma_semaphore, #tpu.memory_space<semaphore_mem>>)
      %mul3A_577 = arith.constant 2 : i32
      %mul3A_578 = arith.muli %mul3A_577, %scan3A_275 : i32
      %add3A_579 = arith.constant 1 : i32
      %add3A_580 = arith.addi %mul3A_578, %add3A_579 : i32
      %slice3A_581 = vector.extract_strided_slice %shift_right_logical3A_281 {offsets = [14], sizes = [1], strides = [1]} : vector<16xi32> to vector<1xi32>
      %squeeze3A_582 = vector.extract %slice3A_581[0] : i32 from vector<1xi32>
      %slice3A_583 = vector.extract_strided_slice %and3A_284 {offsets = [14], sizes = [1], strides = [1]} : vector<16xi32> to vector<1xi32>
      %squeeze3A_584 = vector.extract %slice3A_583[0] : i32 from vector<1xi32>
      %dma_start3A_585 = arith.constant 6 : i32
      %dma_start3A_586 = arith.constant 0 : i32
      %dma_start3A_587 = tpu.memref_slice %arg9[%add3A_580, %dma_start3A_585, %dma_start3A_586] : memref<50x8x64xf32, #tpu.memory_space<vmem>> -> memref<1x1x64xf32, #tpu.memory_space<vmem>>
      %dma_start3A_588 = tpu.memref_squeeze %dma_start3A_587 : memref<1x1x64xf32, #tpu.memory_space<vmem>> -> memref<64xf32, #tpu.memory_space<vmem>>
      %dma_start3A_589 = arith.constant 0 : i32
      %dma_start3A_590 = tpu.memref_slice %arg2[%squeeze3A_582, %squeeze3A_584, %dma_start3A_589] : memref<125000x8x64xf32, #tpu.memory_space<hbm>> -> memref<1x1x64xf32, #tpu.memory_space<hbm>>
      %dma_start3A_591 = tpu.memref_squeeze %dma_start3A_590 : memref<1x1x64xf32, #tpu.memory_space<hbm>> -> memref<64xf32, #tpu.memory_space<hbm>>
      %dma_start3A_592 = arith.constant 0 : i32
      %dma_start3A_593 = tpu.memref_slice %arg9[%add3A_580, %dma_start3A_585, %dma_start3A_592] : memref<50x8x64xf32, #tpu.memory_space<vmem>> -> memref<1x1x64xf32, #tpu.memory_space<vmem>>
      %dma_start3A_594 = tpu.memref_squeeze %dma_start3A_593 : memref<1x1x64xf32, #tpu.memory_space<vmem>> -> memref<64xf32, #tpu.memory_space<vmem>>
      %dma_start3A_595 = arith.constant 0 : i32
      %dma_start3A_596 = tpu.memref_slice %arg2[%squeeze3A_582, %squeeze3A_584, %dma_start3A_595] : memref<125000x8x64xf32, #tpu.memory_space<hbm>> -> memref<1x1x64xf32, #tpu.memory_space<hbm>>
      %dma_start3A_597 = tpu.memref_squeeze %dma_start3A_596 : memref<1x1x64xf32, #tpu.memory_space<hbm>> -> memref<64xf32, #tpu.memory_space<hbm>>
      tpu.enqueue_dma source(%dma_start3A_597 : memref<64xf32, #tpu.memory_space<hbm>>) target(%dma_start3A_594 : memref<64xf32, #tpu.memory_space<vmem>>) target_semaphore(%arg13 : memref<!tpu.dma_semaphore, #tpu.memory_space<semaphore_mem>>)
      %mul3A_598 = arith.constant 2 : i32
      %mul3A_599 = arith.muli %mul3A_598, %scan3A_275 : i32
      %add3A_600 = arith.constant 1 : i32
      %add3A_601 = arith.addi %mul3A_599, %add3A_600 : i32
      %slice3A_602 = vector.extract_strided_slice %shift_right_logical3A_281 {offsets = [15], sizes = [1], strides = [1]} : vector<16xi32> to vector<1xi32>
      %squeeze3A_603 = vector.extract %slice3A_602[0] : i32 from vector<1xi32>
      %slice3A_604 = vector.extract_strided_slice %and3A_284 {offsets = [15], sizes = [1], strides = [1]} : vector<16xi32> to vector<1xi32>
      %squeeze3A_605 = vector.extract %slice3A_604[0] : i32 from vector<1xi32>
      %dma_start3A_606 = arith.constant 7 : i32
      %dma_start3A_607 = arith.constant 0 : i32
      %dma_start3A_608 = tpu.memref_slice %arg9[%add3A_601, %dma_start3A_606, %dma_start3A_607] : memref<50x8x64xf32, #tpu.memory_space<vmem>> -> memref<1x1x64xf32, #tpu.memory_space<vmem>>
      %dma_start3A_609 = tpu.memref_squeeze %dma_start3A_608 : memref<1x1x64xf32, #tpu.memory_space<vmem>> -> memref<64xf32, #tpu.memory_space<vmem>>
      %dma_start3A_610 = arith.constant 0 : i32
      %dma_start3A_611 = tpu.memref_slice %arg2[%squeeze3A_603, %squeeze3A_605, %dma_start3A_610] : memref<125000x8x64xf32, #tpu.memory_space<hbm>> -> memref<1x1x64xf32, #tpu.memory_space<hbm>>
      %dma_start3A_612 = tpu.memref_squeeze %dma_start3A_611 : memref<1x1x64xf32, #tpu.memory_space<hbm>> -> memref<64xf32, #tpu.memory_space<hbm>>
      %dma_start3A_613 = arith.constant 0 : i32
      %dma_start3A_614 = tpu.memref_slice %arg9[%add3A_601, %dma_start3A_606, %dma_start3A_613] : memref<50x8x64xf32, #tpu.memory_space<vmem>> -> memref<1x1x64xf32, #tpu.memory_space<vmem>>
      %dma_start3A_615 = tpu.memref_squeeze %dma_start3A_614 : memref<1x1x64xf32, #tpu.memory_space<vmem>> -> memref<64xf32, #tpu.memory_space<vmem>>
      %dma_start3A_616 = arith.constant 0 : i32
      %dma_start3A_617 = tpu.memref_slice %arg2[%squeeze3A_603, %squeeze3A_605, %dma_start3A_616] : memref<125000x8x64xf32, #tpu.memory_space<hbm>> -> memref<1x1x64xf32, #tpu.memory_space<hbm>>
      %dma_start3A_618 = tpu.memref_squeeze %dma_start3A_617 : memref<1x1x64xf32, #tpu.memory_space<hbm>> -> memref<64xf32, #tpu.memory_space<hbm>>
      tpu.enqueue_dma source(%dma_start3A_618 : memref<64xf32, #tpu.memory_space<hbm>>) target(%dma_start3A_615 : memref<64xf32, #tpu.memory_space<vmem>>) target_semaphore(%arg13 : memref<!tpu.dma_semaphore, #tpu.memory_space<semaphore_mem>>)
    }
    %scan3A_17 = arith.constant 25 : i32
    %add3A_18 = arith.constant 800 : i32
    %add3A_19 = arith.addi %mul3A_2, %add3A_18 : i32
    %dma_start3A_20 = tpu.memref_slice %arg3[%add3A_19] : memref<204800xi32, #tpu.memory_space<hbm>> -> memref<400xi32, #tpu.memory_space<hbm>>
    %dma_start3A_21 = tpu.memref_slice %arg3[%add3A_19] : memref<204800xi32, #tpu.memory_space<hbm>> -> memref<400xi32, #tpu.memory_space<hbm>>
    tpu.enqueue_dma source(%dma_start3A_21 : memref<400xi32, #tpu.memory_space<hbm>>) target(%arg6 : memref<400xi32, #tpu.memory_space<vmem>>) target_semaphore(%arg11 : memref<!tpu.dma_semaphore, #tpu.memory_space<semaphore_mem>>)
    %dma_wait3A_22 = arith.constant 0 : i32
    %dma_wait3A_23 = tpu.memref_slice %arg3[%dma_wait3A_22] : memref<204800xi32, #tpu.memory_space<hbm>> -> memref<400xi32, #tpu.memory_space<hbm>>
    %dma_wait3A_24 = arith.constant 0 : i32
    %dma_wait3A_25 = tpu.memref_slice %arg3[%dma_wait3A_24] : memref<204800xi32, #tpu.memory_space<hbm>> -> memref<400xi32, #tpu.memory_space<hbm>>
    tpu.wait_dma2 semaphore(%arg12 : memref<!tpu.dma_semaphore, #tpu.memory_space<semaphore_mem>>) src(%dma_wait3A_25 : memref<400xi32, #tpu.memory_space<hbm>>) dst(%arg7 : memref<400xi32, #tpu.memory_space<vmem>>)
    %scan3A_26 = arith.constant 0 : i32
    %scan3A_27 = arith.constant 0 : i32
    %scan3A_28 = arith.constant 25 : i32
    %scan3A_29 = arith.addi %scan3A_27, %scan3A_28 : i32
    %scan3A_30 = arith.constant 1 : i32
    scf.for %scan3A_275 = %scan3A_27 to %scan3A_29 step %scan3A_30  : i32 {
      %mul3A_276 = arith.constant 16 : i32
      %mul3A_277 = arith.muli %scan3A_275, %mul3A_276 : i32
      %get3A = arith.index_cast %mul3A_277 : i32 to index
      %get3A_278 = tpu.vector_load %arg7[%get3A] {strides = array<i32>} : memref<400xi32, #tpu.memory_space<vmem>>, vector<16xi32>,
      %get3A_279 = vector.shape_cast %get3A_278 : vector<16xi32> to vector<16xi32>
      %shift_right_logical3A = arith.constant 3 : i32
      %shift_right_logical3A_280 = vector.broadcast %shift_right_logical3A : i32 to vector<16xi32>
      %shift_right_logical3A_281 = arith.shrui %get3A_279, %shift_right_logical3A_280 : vector<16xi32>
      %and3A_282 = arith.constant 7 : i32
      %and3A_283 = vector.broadcast %and3A_282 : i32 to vector<16xi32>
      %and3A_284 = arith.andi %get3A_279, %and3A_283 : vector<16xi32>
      %mul3A_285 = arith.constant 2 : i32
      %mul3A_286 = arith.muli %mul3A_285, %scan3A_275 : i32
      %add3A_287 = arith.constant 0 : i32
      %add3A_288 = arith.addi %mul3A_286, %add3A_287 : i32
      %slice3A = vector.extract_strided_slice %shift_right_logical3A_281 {offsets = [0], sizes = [1], strides = [1]} : vector<16xi32> to vector<1xi32>
      %squeeze3A = vector.extract %slice3A[0] : i32 from vector<1xi32>
      %slice3A_289 = vector.extract_strided_slice %and3A_284 {offsets = [0], sizes = [1], strides = [1]} : vector<16xi32> to vector<1xi32>
      %squeeze3A_290 = vector.extract %slice3A_289[0] : i32 from vector<1xi32>
      %dma_start3A_291 = arith.constant 0 : i32
      %dma_start3A_292 = arith.constant 0 : i32
      %dma_start3A_293 = tpu.memref_slice %arg10[%add3A_288, %dma_start3A_291, %dma_start3A_292] : memref<50x8x64xf32, #tpu.memory_space<vmem>> -> memref<1x1x64xf32, #tpu.memory_space<vmem>>
      %dma_start3A_294 = tpu.memref_squeeze %dma_start3A_293 : memref<1x1x64xf32, #tpu.memory_space<vmem>> -> memref<64xf32, #tpu.memory_space<vmem>>
      %dma_start3A_295 = arith.constant 0 : i32
      %dma_start3A_296 = tpu.memref_slice %arg2[%squeeze3A, %squeeze3A_290, %dma_start3A_295] : memref<125000x8x64xf32, #tpu.memory_space<hbm>> -> memref<1x1x64xf32, #tpu.memory_space<hbm>>
      %dma_start3A_297 = tpu.memref_squeeze %dma_start3A_296 : memref<1x1x64xf32, #tpu.memory_space<hbm>> -> memref<64xf32, #tpu.memory_space<hbm>>
      %dma_start3A_298 = arith.constant 0 : i32
      %dma_start3A_299 = tpu.memref_slice %arg10[%add3A_288, %dma_start3A_291, %dma_start3A_298] : memref<50x8x64xf32, #tpu.memory_space<vmem>> -> memref<1x1x64xf32, #tpu.memory_space<vmem>>
      %dma_start3A_300 = tpu.memref_squeeze %dma_start3A_299 : memref<1x1x64xf32, #tpu.memory_space<vmem>> -> memref<64xf32, #tpu.memory_space<vmem>>
      %dma_start3A_301 = arith.constant 0 : i32
      %dma_start3A_302 = tpu.memref_slice %arg2[%squeeze3A, %squeeze3A_290, %dma_start3A_301] : memref<125000x8x64xf32, #tpu.memory_space<hbm>> -> memref<1x1x64xf32, #tpu.memory_space<hbm>>
      %dma_start3A_303 = tpu.memref_squeeze %dma_start3A_302 : memref<1x1x64xf32, #tpu.memory_space<hbm>> -> memref<64xf32, #tpu.memory_space<hbm>>
      tpu.enqueue_dma source(%dma_start3A_303 : memref<64xf32, #tpu.memory_space<hbm>>) target(%dma_start3A_300 : memref<64xf32, #tpu.memory_space<vmem>>) target_semaphore(%arg14 : memref<!tpu.dma_semaphore, #tpu.memory_space<semaphore_mem>>)
      %mul3A_304 = arith.constant 2 : i32
      %mul3A_305 = arith.muli %mul3A_304, %scan3A_275 : i32
      %add3A_306 = arith.constant 0 : i32
      %add3A_307 = arith.addi %mul3A_305, %add3A_306 : i32
      %slice3A_308 = vector.extract_strided_slice %shift_right_logical3A_281 {offsets = [1], sizes = [1], strides = [1]} : vector<16xi32> to vector<1xi32>
      %squeeze3A_309 = vector.extract %slice3A_308[0] : i32 from vector<1xi32>
      %slice3A_310 = vector.extract_strided_slice %and3A_284 {offsets = [1], sizes = [1], strides = [1]} : vector<16xi32> to vector<1xi32>
      %squeeze3A_311 = vector.extract %slice3A_310[0] : i32 from vector<1xi32>
      %dma_start3A_312 = arith.constant 1 : i32
      %dma_start3A_313 = arith.constant 0 : i32
      %dma_start3A_314 = tpu.memref_slice %arg10[%add3A_307, %dma_start3A_312, %dma_start3A_313] : memref<50x8x64xf32, #tpu.memory_space<vmem>> -> memref<1x1x64xf32, #tpu.memory_space<vmem>>
      %dma_start3A_315 = tpu.memref_squeeze %dma_start3A_314 : memref<1x1x64xf32, #tpu.memory_space<vmem>> -> memref<64xf32, #tpu.memory_space<vmem>>
      %dma_start3A_316 = arith.constant 0 : i32
      %dma_start3A_317 = tpu.memref_slice %arg2[%squeeze3A_309, %squeeze3A_311, %dma_start3A_316] : memref<125000x8x64xf32, #tpu.memory_space<hbm>> -> memref<1x1x64xf32, #tpu.memory_space<hbm>>
      %dma_start3A_318 = tpu.memref_squeeze %dma_start3A_317 : memref<1x1x64xf32, #tpu.memory_space<hbm>> -> memref<64xf32, #tpu.memory_space<hbm>>
      %dma_start3A_319 = arith.constant 0 : i32
      %dma_start3A_320 = tpu.memref_slice %arg10[%add3A_307, %dma_start3A_312, %dma_start3A_319] : memref<50x8x64xf32, #tpu.memory_space<vmem>> -> memref<1x1x64xf32, #tpu.memory_space<vmem>>
      %dma_start3A_321 = tpu.memref_squeeze %dma_start3A_320 : memref<1x1x64xf32, #tpu.memory_space<vmem>> -> memref<64xf32, #tpu.memory_space<vmem>>
      %dma_start3A_322 = arith.constant 0 : i32
      %dma_start3A_323 = tpu.memref_slice %arg2[%squeeze3A_309, %squeeze3A_311, %dma_start3A_322] : memref<125000x8x64xf32, #tpu.memory_space<hbm>> -> memref<1x1x64xf32, #tpu.memory_space<hbm>>
      %dma_start3A_324 = tpu.memref_squeeze %dma_start3A_323 : memref<1x1x64xf32, #tpu.memory_space<hbm>> -> memref<64xf32, #tpu.memory_space<hbm>>
      tpu.enqueue_dma source(%dma_start3A_324 : memref<64xf32, #tpu.memory_space<hbm>>) target(%dma_start3A_321 : memref<64xf32, #tpu.memory_space<vmem>>) target_semaphore(%arg14 : memref<!tpu.dma_semaphore, #tpu.memory_space<semaphore_mem>>)
      %mul3A_325 = arith.constant 2 : i32
      %mul3A_326 = arith.muli %mul3A_325, %scan3A_275 : i32
      %add3A_327 = arith.constant 0 : i32
      %add3A_328 = arith.addi %mul3A_326, %add3A_327 : i32
      %slice3A_329 = vector.extract_strided_slice %shift_right_logical3A_281 {offsets = [2], sizes = [1], strides = [1]} : vector<16xi32> to vector<1xi32>
      %squeeze3A_330 = vector.extract %slice3A_329[0] : i32 from vector<1xi32>
      %slice3A_331 = vector.extract_strided_slice %and3A_284 {offsets = [2], sizes = [1], strides = [1]} : vector<16xi32> to vector<1xi32>
      %squeeze3A_332 = vector.extract %slice3A_331[0] : i32 from vector<1xi32>
      %dma_start3A_333 = arith.constant 2 : i32
      %dma_start3A_334 = arith.constant 0 : i32
      %dma_start3A_335 = tpu.memref_slice %arg10[%add3A_328, %dma_start3A_333, %dma_start3A_334] : memref<50x8x64xf32, #tpu.memory_space<vmem>> -> memref<1x1x64xf32, #tpu.memory_space<vmem>>
      %dma_start3A_336 = tpu.memref_squeeze %dma_start3A_335 : memref<1x1x64xf32, #tpu.memory_space<vmem>> -> memref<64xf32, #tpu.memory_space<vmem>>
      %dma_start3A_337 = arith.constant 0 : i32
      %dma_start3A_338 = tpu.memref_slice %arg2[%squeeze3A_330, %squeeze3A_332, %dma_start3A_337] : memref<125000x8x64xf32, #tpu.memory_space<hbm>> -> memref<1x1x64xf32, #tpu.memory_space<hbm>>
      %dma_start3A_339 = tpu.memref_squeeze %dma_start3A_338 : memref<1x1x64xf32, #tpu.memory_space<hbm>> -> memref<64xf32, #tpu.memory_space<hbm>>
      %dma_start3A_340 = arith.constant 0 : i32
      %dma_start3A_341 = tpu.memref_slice %arg10[%add3A_328, %dma_start3A_333, %dma_start3A_340] : memref<50x8x64xf32, #tpu.memory_space<vmem>> -> memref<1x1x64xf32, #tpu.memory_space<vmem>>
      %dma_start3A_342 = tpu.memref_squeeze %dma_start3A_341 : memref<1x1x64xf32, #tpu.memory_space<vmem>> -> memref<64xf32, #tpu.memory_space<vmem>>
      %dma_start3A_343 = arith.constant 0 : i32
      %dma_start3A_344 = tpu.memref_slice %arg2[%squeeze3A_330, %squeeze3A_332, %dma_start3A_343] : memref<125000x8x64xf32, #tpu.memory_space<hbm>> -> memref<1x1x64xf32, #tpu.memory_space<hbm>>
      %dma_start3A_345 = tpu.memref_squeeze %dma_start3A_344 : memref<1x1x64xf32, #tpu.memory_space<hbm>> -> memref<64xf32, #tpu.memory_space<hbm>>
      tpu.enqueue_dma source(%dma_start3A_345 : memref<64xf32, #tpu.memory_space<hbm>>) target(%dma_start3A_342 : memref<64xf32, #tpu.memory_space<vmem>>) target_semaphore(%arg14 : memref<!tpu.dma_semaphore, #tpu.memory_space<semaphore_mem>>)
      %mul3A_346 = arith.constant 2 : i32
      %mul3A_347 = arith.muli %mul3A_346, %scan3A_275 : i32
      %add3A_348 = arith.constant 0 : i32
      %add3A_349 = arith.addi %mul3A_347, %add3A_348 : i32
      %slice3A_350 = vector.extract_strided_slice %shift_right_logical3A_281 {offsets = [3], sizes = [1], strides = [1]} : vector<16xi32> to vector<1xi32>
      %squeeze3A_351 = vector.extract %slice3A_350[0] : i32 from vector<1xi32>
      %slice3A_352 = vector.extract_strided_slice %and3A_284 {offsets = [3], sizes = [1], strides = [1]} : vector<16xi32> to vector<1xi32>
      %squeeze3A_353 = vector.extract %slice3A_352[0] : i32 from vector<1xi32>
      %dma_start3A_354 = arith.constant 3 : i32
      %dma_start3A_355 = arith.constant 0 : i32
      %dma_start3A_356 = tpu.memref_slice %arg10[%add3A_349, %dma_start3A_354, %dma_start3A_355] : memref<50x8x64xf32, #tpu.memory_space<vmem>> -> memref<1x1x64xf32, #tpu.memory_space<vmem>>
      %dma_start3A_357 = tpu.memref_squeeze %dma_start3A_356 : memref<1x1x64xf32, #tpu.memory_space<vmem>> -> memref<64xf32, #tpu.memory_space<vmem>>
      %dma_start3A_358 = arith.constant 0 : i32
      %dma_start3A_359 = tpu.memref_slice %arg2[%squeeze3A_351, %squeeze3A_353, %dma_start3A_358] : memref<125000x8x64xf32, #tpu.memory_space<hbm>> -> memref<1x1x64xf32, #tpu.memory_space<hbm>>
      %dma_start3A_360 = tpu.memref_squeeze %dma_start3A_359 : memref<1x1x64xf32, #tpu.memory_space<hbm>> -> memref<64xf32, #tpu.memory_space<hbm>>
      %dma_start3A_361 = arith.constant 0 : i32
      %dma_start3A_362 = tpu.memref_slice %arg10[%add3A_349, %dma_start3A_354, %dma_start3A_361] : memref<50x8x64xf32, #tpu.memory_space<vmem>> -> memref<1x1x64xf32, #tpu.memory_space<vmem>>
      %dma_start3A_363 = tpu.memref_squeeze %dma_start3A_362 : memref<1x1x64xf32, #tpu.memory_space<vmem>> -> memref<64xf32, #tpu.memory_space<vmem>>
      %dma_start3A_364 = arith.constant 0 : i32
      %dma_start3A_365 = tpu.memref_slice %arg2[%squeeze3A_351, %squeeze3A_353, %dma_start3A_364] : memref<125000x8x64xf32, #tpu.memory_space<hbm>> -> memref<1x1x64xf32, #tpu.memory_space<hbm>>
      %dma_start3A_366 = tpu.memref_squeeze %dma_start3A_365 : memref<1x1x64xf32, #tpu.memory_space<hbm>> -> memref<64xf32, #tpu.memory_space<hbm>>
      tpu.enqueue_dma source(%dma_start3A_366 : memref<64xf32, #tpu.memory_space<hbm>>) target(%dma_start3A_363 : memref<64xf32, #tpu.memory_space<vmem>>) target_semaphore(%arg14 : memref<!tpu.dma_semaphore, #tpu.memory_space<semaphore_mem>>)
      %mul3A_367 = arith.constant 2 : i32
      %mul3A_368 = arith.muli %mul3A_367, %scan3A_275 : i32
      %add3A_369 = arith.constant 0 : i32
      %add3A_370 = arith.addi %mul3A_368, %add3A_369 : i32
      %slice3A_371 = vector.extract_strided_slice %shift_right_logical3A_281 {offsets = [4], sizes = [1], strides = [1]} : vector<16xi32> to vector<1xi32>
      %squeeze3A_372 = vector.extract %slice3A_371[0] : i32 from vector<1xi32>
      %slice3A_373 = vector.extract_strided_slice %and3A_284 {offsets = [4], sizes = [1], strides = [1]} : vector<16xi32> to vector<1xi32>
      %squeeze3A_374 = vector.extract %slice3A_373[0] : i32 from vector<1xi32>
      %dma_start3A_375 = arith.constant 4 : i32
      %dma_start3A_376 = arith.constant 0 : i32
      %dma_start3A_377 = tpu.memref_slice %arg10[%add3A_370, %dma_start3A_375, %dma_start3A_376] : memref<50x8x64xf32, #tpu.memory_space<vmem>> -> memref<1x1x64xf32, #tpu.memory_space<vmem>>
      %dma_start3A_378 = tpu.memref_squeeze %dma_start3A_377 : memref<1x1x64xf32, #tpu.memory_space<vmem>> -> memref<64xf32, #tpu.memory_space<vmem>>
      %dma_start3A_379 = arith.constant 0 : i32
      %dma_start3A_380 = tpu.memref_slice %arg2[%squeeze3A_372, %squeeze3A_374, %dma_start3A_379] : memref<125000x8x64xf32, #tpu.memory_space<hbm>> -> memref<1x1x64xf32, #tpu.memory_space<hbm>>
      %dma_start3A_381 = tpu.memref_squeeze %dma_start3A_380 : memref<1x1x64xf32, #tpu.memory_space<hbm>> -> memref<64xf32, #tpu.memory_space<hbm>>
      %dma_start3A_382 = arith.constant 0 : i32
      %dma_start3A_383 = tpu.memref_slice %arg10[%add3A_370, %dma_start3A_375, %dma_start3A_382] : memref<50x8x64xf32, #tpu.memory_space<vmem>> -> memref<1x1x64xf32, #tpu.memory_space<vmem>>
      %dma_start3A_384 = tpu.memref_squeeze %dma_start3A_383 : memref<1x1x64xf32, #tpu.memory_space<vmem>> -> memref<64xf32, #tpu.memory_space<vmem>>
      %dma_start3A_385 = arith.constant 0 : i32
      %dma_start3A_386 = tpu.memref_slice %arg2[%squeeze3A_372, %squeeze3A_374, %dma_start3A_385] : memref<125000x8x64xf32, #tpu.memory_space<hbm>> -> memref<1x1x64xf32, #tpu.memory_space<hbm>>
      %dma_start3A_387 = tpu.memref_squeeze %dma_start3A_386 : memref<1x1x64xf32, #tpu.memory_space<hbm>> -> memref<64xf32, #tpu.memory_space<hbm>>
      tpu.enqueue_dma source(%dma_start3A_387 : memref<64xf32, #tpu.memory_space<hbm>>) target(%dma_start3A_384 : memref<64xf32, #tpu.memory_space<vmem>>) target_semaphore(%arg14 : memref<!tpu.dma_semaphore, #tpu.memory_space<semaphore_mem>>)
      %mul3A_388 = arith.constant 2 : i32
      %mul3A_389 = arith.muli %mul3A_388, %scan3A_275 : i32
      %add3A_390 = arith.constant 0 : i32
      %add3A_391 = arith.addi %mul3A_389, %add3A_390 : i32
      %slice3A_392 = vector.extract_strided_slice %shift_right_logical3A_281 {offsets = [5], sizes = [1], strides = [1]} : vector<16xi32> to vector<1xi32>
      %squeeze3A_393 = vector.extract %slice3A_392[0] : i32 from vector<1xi32>
      %slice3A_394 = vector.extract_strided_slice %and3A_284 {offsets = [5], sizes = [1], strides = [1]} : vector<16xi32> to vector<1xi32>
      %squeeze3A_395 = vector.extract %slice3A_394[0] : i32 from vector<1xi32>
      %dma_start3A_396 = arith.constant 5 : i32
      %dma_start3A_397 = arith.constant 0 : i32
      %dma_start3A_398 = tpu.memref_slice %arg10[%add3A_391, %dma_start3A_396, %dma_start3A_397] : memref<50x8x64xf32, #tpu.memory_space<vmem>> -> memref<1x1x64xf32, #tpu.memory_space<vmem>>
      %dma_start3A_399 = tpu.memref_squeeze %dma_start3A_398 : memref<1x1x64xf32, #tpu.memory_space<vmem>> -> memref<64xf32, #tpu.memory_space<vmem>>
      %dma_start3A_400 = arith.constant 0 : i32
      %dma_start3A_401 = tpu.memref_slice %arg2[%squeeze3A_393, %squeeze3A_395, %dma_start3A_400] : memref<125000x8x64xf32, #tpu.memory_space<hbm>> -> memref<1x1x64xf32, #tpu.memory_space<hbm>>
      %dma_start3A_402 = tpu.memref_squeeze %dma_start3A_401 : memref<1x1x64xf32, #tpu.memory_space<hbm>> -> memref<64xf32, #tpu.memory_space<hbm>>
      %dma_start3A_403 = arith.constant 0 : i32
      %dma_start3A_404 = tpu.memref_slice %arg10[%add3A_391, %dma_start3A_396, %dma_start3A_403] : memref<50x8x64xf32, #tpu.memory_space<vmem>> -> memref<1x1x64xf32, #tpu.memory_space<vmem>>
      %dma_start3A_405 = tpu.memref_squeeze %dma_start3A_404 : memref<1x1x64xf32, #tpu.memory_space<vmem>> -> memref<64xf32, #tpu.memory_space<vmem>>
      %dma_start3A_406 = arith.constant 0 : i32
      %dma_start3A_407 = tpu.memref_slice %arg2[%squeeze3A_393, %squeeze3A_395, %dma_start3A_406] : memref<125000x8x64xf32, #tpu.memory_space<hbm>> -> memref<1x1x64xf32, #tpu.memory_space<hbm>>
      %dma_start3A_408 = tpu.memref_squeeze %dma_start3A_407 : memref<1x1x64xf32, #tpu.memory_space<hbm>> -> memref<64xf32, #tpu.memory_space<hbm>>
      tpu.enqueue_dma source(%dma_start3A_408 : memref<64xf32, #tpu.memory_space<hbm>>) target(%dma_start3A_405 : memref<64xf32, #tpu.memory_space<vmem>>) target_semaphore(%arg14 : memref<!tpu.dma_semaphore, #tpu.memory_space<semaphore_mem>>)
      %mul3A_409 = arith.constant 2 : i32
      %mul3A_410 = arith.muli %mul3A_409, %scan3A_275 : i32
      %add3A_411 = arith.constant 0 : i32
      %add3A_412 = arith.addi %mul3A_410, %add3A_411 : i32
      %slice3A_413 = vector.extract_strided_slice %shift_right_logical3A_281 {offsets = [6], sizes = [1], strides = [1]} : vector<16xi32> to vector<1xi32>
      %squeeze3A_414 = vector.extract %slice3A_413[0] : i32 from vector<1xi32>
      %slice3A_415 = vector.extract_strided_slice %and3A_284 {offsets = [6], sizes = [1], strides = [1]} : vector<16xi32> to vector<1xi32>
      %squeeze3A_416 = vector.extract %slice3A_415[0] : i32 from vector<1xi32>
      %dma_start3A_417 = arith.constant 6 : i32
      %dma_start3A_418 = arith.constant 0 : i32
      %dma_start3A_419 = tpu.memref_slice %arg10[%add3A_412, %dma_start3A_417, %dma_start3A_418] : memref<50x8x64xf32, #tpu.memory_space<vmem>> -> memref<1x1x64xf32, #tpu.memory_space<vmem>>
      %dma_start3A_420 = tpu.memref_squeeze %dma_start3A_419 : memref<1x1x64xf32, #tpu.memory_space<vmem>> -> memref<64xf32, #tpu.memory_space<vmem>>
      %dma_start3A_421 = arith.constant 0 : i32
      %dma_start3A_422 = tpu.memref_slice %arg2[%squeeze3A_414, %squeeze3A_416, %dma_start3A_421] : memref<125000x8x64xf32, #tpu.memory_space<hbm>> -> memref<1x1x64xf32, #tpu.memory_space<hbm>>
      %dma_start3A_423 = tpu.memref_squeeze %dma_start3A_422 : memref<1x1x64xf32, #tpu.memory_space<hbm>> -> memref<64xf32, #tpu.memory_space<hbm>>
      %dma_start3A_424 = arith.constant 0 : i32
      %dma_start3A_425 = tpu.memref_slice %arg10[%add3A_412, %dma_start3A_417, %dma_start3A_424] : memref<50x8x64xf32, #tpu.memory_space<vmem>> -> memref<1x1x64xf32, #tpu.memory_space<vmem>>
      %dma_start3A_426 = tpu.memref_squeeze %dma_start3A_425 : memref<1x1x64xf32, #tpu.memory_space<vmem>> -> memref<64xf32, #tpu.memory_space<vmem>>
      %dma_start3A_427 = arith.constant 0 : i32
      %dma_start3A_428 = tpu.memref_slice %arg2[%squeeze3A_414, %squeeze3A_416, %dma_start3A_427] : memref<125000x8x64xf32, #tpu.memory_space<hbm>> -> memref<1x1x64xf32, #tpu.memory_space<hbm>>
      %dma_start3A_429 = tpu.memref_squeeze %dma_start3A_428 : memref<1x1x64xf32, #tpu.memory_space<hbm>> -> memref<64xf32, #tpu.memory_space<hbm>>
      tpu.enqueue_dma source(%dma_start3A_429 : memref<64xf32, #tpu.memory_space<hbm>>) target(%dma_start3A_426 : memref<64xf32, #tpu.memory_space<vmem>>) target_semaphore(%arg14 : memref<!tpu.dma_semaphore, #tpu.memory_space<semaphore_mem>>)
      %mul3A_430 = arith.constant 2 : i32
      %mul3A_431 = arith.muli %mul3A_430, %scan3A_275 : i32
      %add3A_432 = arith.constant 0 : i32
      %add3A_433 = arith.addi %mul3A_431, %add3A_432 : i32
      %slice3A_434 = vector.extract_strided_slice %shift_right_logical3A_281 {offsets = [7], sizes = [1], strides = [1]} : vector<16xi32> to vector<1xi32>
      %squeeze3A_435 = vector.extract %slice3A_434[0] : i32 from vector<1xi32>
      %slice3A_436 = vector.extract_strided_slice %and3A_284 {offsets = [7], sizes = [1], strides = [1]} : vector<16xi32> to vector<1xi32>
      %squeeze3A_437 = vector.extract %slice3A_436[0] : i32 from vector<1xi32>
      %dma_start3A_438 = arith.constant 7 : i32
      %dma_start3A_439 = arith.constant 0 : i32
      %dma_start3A_440 = tpu.memref_slice %arg10[%add3A_433, %dma_start3A_438, %dma_start3A_439] : memref<50x8x64xf32, #tpu.memory_space<vmem>> -> memref<1x1x64xf32, #tpu.memory_space<vmem>>
      %dma_start3A_441 = tpu.memref_squeeze %dma_start3A_440 : memref<1x1x64xf32, #tpu.memory_space<vmem>> -> memref<64xf32, #tpu.memory_space<vmem>>
      %dma_start3A_442 = arith.constant 0 : i32
      %dma_start3A_443 = tpu.memref_slice %arg2[%squeeze3A_435, %squeeze3A_437, %dma_start3A_442] : memref<125000x8x64xf32, #tpu.memory_space<hbm>> -> memref<1x1x64xf32, #tpu.memory_space<hbm>>
      %dma_start3A_444 = tpu.memref_squeeze %dma_start3A_443 : memref<1x1x64xf32, #tpu.memory_space<hbm>> -> memref<64xf32, #tpu.memory_space<hbm>>
      %dma_start3A_445 = arith.constant 0 : i32
      %dma_start3A_446 = tpu.memref_slice %arg10[%add3A_433, %dma_start3A_438, %dma_start3A_445] : memref<50x8x64xf32, #tpu.memory_space<vmem>> -> memref<1x1x64xf32, #tpu.memory_space<vmem>>
      %dma_start3A_447 = tpu.memref_squeeze %dma_start3A_446 : memref<1x1x64xf32, #tpu.memory_space<vmem>> -> memref<64xf32, #tpu.memory_space<vmem>>
      %dma_start3A_448 = arith.constant 0 : i32
      %dma_start3A_449 = tpu.memref_slice %arg2[%squeeze3A_435, %squeeze3A_437, %dma_start3A_448] : memref<125000x8x64xf32, #tpu.memory_space<hbm>> -> memref<1x1x64xf32, #tpu.memory_space<hbm>>
      %dma_start3A_450 = tpu.memref_squeeze %dma_start3A_449 : memref<1x1x64xf32, #tpu.memory_space<hbm>> -> memref<64xf32, #tpu.memory_space<hbm>>
      tpu.enqueue_dma source(%dma_start3A_450 : memref<64xf32, #tpu.memory_space<hbm>>) target(%dma_start3A_447 : memref<64xf32, #tpu.memory_space<vmem>>) target_semaphore(%arg14 : memref<!tpu.dma_semaphore, #tpu.memory_space<semaphore_mem>>)
      %mul3A_451 = arith.constant 2 : i32
      %mul3A_452 = arith.muli %mul3A_451, %scan3A_275 : i32
      %add3A_453 = arith.constant 1 : i32
      %add3A_454 = arith.addi %mul3A_452, %add3A_453 : i32
      %slice3A_455 = vector.extract_strided_slice %shift_right_logical3A_281 {offsets = [8], sizes = [1], strides = [1]} : vector<16xi32> to vector<1xi32>
      %squeeze3A_456 = vector.extract %slice3A_455[0] : i32 from vector<1xi32>
      %slice3A_457 = vector.extract_strided_slice %and3A_284 {offsets = [8], sizes = [1], strides = [1]} : vector<16xi32> to vector<1xi32>
      %squeeze3A_458 = vector.extract %slice3A_457[0] : i32 from vector<1xi32>
      %dma_start3A_459 = arith.constant 0 : i32
      %dma_start3A_460 = arith.constant 0 : i32
      %dma_start3A_461 = tpu.memref_slice %arg10[%add3A_454, %dma_start3A_459, %dma_start3A_460] : memref<50x8x64xf32, #tpu.memory_space<vmem>> -> memref<1x1x64xf32, #tpu.memory_space<vmem>>
      %dma_start3A_462 = tpu.memref_squeeze %dma_start3A_461 : memref<1x1x64xf32, #tpu.memory_space<vmem>> -> memref<64xf32, #tpu.memory_space<vmem>>
      %dma_start3A_463 = arith.constant 0 : i32
      %dma_start3A_464 = tpu.memref_slice %arg2[%squeeze3A_456, %squeeze3A_458, %dma_start3A_463] : memref<125000x8x64xf32, #tpu.memory_space<hbm>> -> memref<1x1x64xf32, #tpu.memory_space<hbm>>
      %dma_start3A_465 = tpu.memref_squeeze %dma_start3A_464 : memref<1x1x64xf32, #tpu.memory_space<hbm>> -> memref<64xf32, #tpu.memory_space<hbm>>
      %dma_start3A_466 = arith.constant 0 : i32
      %dma_start3A_467 = tpu.memref_slice %arg10[%add3A_454, %dma_start3A_459, %dma_start3A_466] : memref<50x8x64xf32, #tpu.memory_space<vmem>> -> memref<1x1x64xf32, #tpu.memory_space<vmem>>
      %dma_start3A_468 = tpu.memref_squeeze %dma_start3A_467 : memref<1x1x64xf32, #tpu.memory_space<vmem>> -> memref<64xf32, #tpu.memory_space<vmem>>
      %dma_start3A_469 = arith.constant 0 : i32
      %dma_start3A_470 = tpu.memref_slice %arg2[%squeeze3A_456, %squeeze3A_458, %dma_start3A_469] : memref<125000x8x64xf32, #tpu.memory_space<hbm>> -> memref<1x1x64xf32, #tpu.memory_space<hbm>>
      %dma_start3A_471 = tpu.memref_squeeze %dma_start3A_470 : memref<1x1x64xf32, #tpu.memory_space<hbm>> -> memref<64xf32, #tpu.memory_space<hbm>>
      tpu.enqueue_dma source(%dma_start3A_471 : memref<64xf32, #tpu.memory_space<hbm>>) target(%dma_start3A_468 : memref<64xf32, #tpu.memory_space<vmem>>) target_semaphore(%arg14 : memref<!tpu.dma_semaphore, #tpu.memory_space<semaphore_mem>>)
      %mul3A_472 = arith.constant 2 : i32
      %mul3A_473 = arith.muli %mul3A_472, %scan3A_275 : i32
      %add3A_474 = arith.constant 1 : i32
      %add3A_475 = arith.addi %mul3A_473, %add3A_474 : i32
      %slice3A_476 = vector.extract_strided_slice %shift_right_logical3A_281 {offsets = [9], sizes = [1], strides = [1]} : vector<16xi32> to vector<1xi32>
      %squeeze3A_477 = vector.extract %slice3A_476[0] : i32 from vector<1xi32>
      %slice3A_478 = vector.extract_strided_slice %and3A_284 {offsets = [9], sizes = [1], strides = [1]} : vector<16xi32> to vector<1xi32>
      %squeeze3A_479 = vector.extract %slice3A_478[0] : i32 from vector<1xi32>
      %dma_start3A_480 = arith.constant 1 : i32
      %dma_start3A_481 = arith.constant 0 : i32
      %dma_start3A_482 = tpu.memref_slice %arg10[%add3A_475, %dma_start3A_480, %dma_start3A_481] : memref<50x8x64xf32, #tpu.memory_space<vmem>> -> memref<1x1x64xf32, #tpu.memory_space<vmem>>
      %dma_start3A_483 = tpu.memref_squeeze %dma_start3A_482 : memref<1x1x64xf32, #tpu.memory_space<vmem>> -> memref<64xf32, #tpu.memory_space<vmem>>
      %dma_start3A_484 = arith.constant 0 : i32
      %dma_start3A_485 = tpu.memref_slice %arg2[%squeeze3A_477, %squeeze3A_479, %dma_start3A_484] : memref<125000x8x64xf32, #tpu.memory_space<hbm>> -> memref<1x1x64xf32, #tpu.memory_space<hbm>>
      %dma_start3A_486 = tpu.memref_squeeze %dma_start3A_485 : memref<1x1x64xf32, #tpu.memory_space<hbm>> -> memref<64xf32, #tpu.memory_space<hbm>>
      %dma_start3A_487 = arith.constant 0 : i32
      %dma_start3A_488 = tpu.memref_slice %arg10[%add3A_475, %dma_start3A_480, %dma_start3A_487] : memref<50x8x64xf32, #tpu.memory_space<vmem>> -> memref<1x1x64xf32, #tpu.memory_space<vmem>>
      %dma_start3A_489 = tpu.memref_squeeze %dma_start3A_488 : memref<1x1x64xf32, #tpu.memory_space<vmem>> -> memref<64xf32, #tpu.memory_space<vmem>>
      %dma_start3A_490 = arith.constant 0 : i32
      %dma_start3A_491 = tpu.memref_slice %arg2[%squeeze3A_477, %squeeze3A_479, %dma_start3A_490] : memref<125000x8x64xf32, #tpu.memory_space<hbm>> -> memref<1x1x64xf32, #tpu.memory_space<hbm>>
      %dma_start3A_492 = tpu.memref_squeeze %dma_start3A_491 : memref<1x1x64xf32, #tpu.memory_space<hbm>> -> memref<64xf32, #tpu.memory_space<hbm>>
      tpu.enqueue_dma source(%dma_start3A_492 : memref<64xf32, #tpu.memory_space<hbm>>) target(%dma_start3A_489 : memref<64xf32, #tpu.memory_space<vmem>>) target_semaphore(%arg14 : memref<!tpu.dma_semaphore, #tpu.memory_space<semaphore_mem>>)
      %mul3A_493 = arith.constant 2 : i32
      %mul3A_494 = arith.muli %mul3A_493, %scan3A_275 : i32
      %add3A_495 = arith.constant 1 : i32
      %add3A_496 = arith.addi %mul3A_494, %add3A_495 : i32
      %slice3A_497 = vector.extract_strided_slice %shift_right_logical3A_281 {offsets = [10], sizes = [1], strides = [1]} : vector<16xi32> to vector<1xi32>
      %squeeze3A_498 = vector.extract %slice3A_497[0] : i32 from vector<1xi32>
      %slice3A_499 = vector.extract_strided_slice %and3A_284 {offsets = [10], sizes = [1], strides = [1]} : vector<16xi32> to vector<1xi32>
      %squeeze3A_500 = vector.extract %slice3A_499[0] : i32 from vector<1xi32>
      %dma_start3A_501 = arith.constant 2 : i32
      %dma_start3A_502 = arith.constant 0 : i32
      %dma_start3A_503 = tpu.memref_slice %arg10[%add3A_496, %dma_start3A_501, %dma_start3A_502] : memref<50x8x64xf32, #tpu.memory_space<vmem>> -> memref<1x1x64xf32, #tpu.memory_space<vmem>>
      %dma_start3A_504 = tpu.memref_squeeze %dma_start3A_503 : memref<1x1x64xf32, #tpu.memory_space<vmem>> -> memref<64xf32, #tpu.memory_space<vmem>>
      %dma_start3A_505 = arith.constant 0 : i32
      %dma_start3A_506 = tpu.memref_slice %arg2[%squeeze3A_498, %squeeze3A_500, %dma_start3A_505] : memref<125000x8x64xf32, #tpu.memory_space<hbm>> -> memref<1x1x64xf32, #tpu.memory_space<hbm>>
      %dma_start3A_507 = tpu.memref_squeeze %dma_start3A_506 : memref<1x1x64xf32, #tpu.memory_space<hbm>> -> memref<64xf32, #tpu.memory_space<hbm>>
      %dma_start3A_508 = arith.constant 0 : i32
      %dma_start3A_509 = tpu.memref_slice %arg10[%add3A_496, %dma_start3A_501, %dma_start3A_508] : memref<50x8x64xf32, #tpu.memory_space<vmem>> -> memref<1x1x64xf32, #tpu.memory_space<vmem>>
      %dma_start3A_510 = tpu.memref_squeeze %dma_start3A_509 : memref<1x1x64xf32, #tpu.memory_space<vmem>> -> memref<64xf32, #tpu.memory_space<vmem>>
      %dma_start3A_511 = arith.constant 0 : i32
      %dma_start3A_512 = tpu.memref_slice %arg2[%squeeze3A_498, %squeeze3A_500, %dma_start3A_511] : memref<125000x8x64xf32, #tpu.memory_space<hbm>> -> memref<1x1x64xf32, #tpu.memory_space<hbm>>
      %dma_start3A_513 = tpu.memref_squeeze %dma_start3A_512 : memref<1x1x64xf32, #tpu.memory_space<hbm>> -> memref<64xf32, #tpu.memory_space<hbm>>
      tpu.enqueue_dma source(%dma_start3A_513 : memref<64xf32, #tpu.memory_space<hbm>>) target(%dma_start3A_510 : memref<64xf32, #tpu.memory_space<vmem>>) target_semaphore(%arg14 : memref<!tpu.dma_semaphore, #tpu.memory_space<semaphore_mem>>)
      %mul3A_514 = arith.constant 2 : i32
      %mul3A_515 = arith.muli %mul3A_514, %scan3A_275 : i32
      %add3A_516 = arith.constant 1 : i32
      %add3A_517 = arith.addi %mul3A_515, %add3A_516 : i32
      %slice3A_518 = vector.extract_strided_slice %shift_right_logical3A_281 {offsets = [11], sizes = [1], strides = [1]} : vector<16xi32> to vector<1xi32>
      %squeeze3A_519 = vector.extract %slice3A_518[0] : i32 from vector<1xi32>
      %slice3A_520 = vector.extract_strided_slice %and3A_284 {offsets = [11], sizes = [1], strides = [1]} : vector<16xi32> to vector<1xi32>
      %squeeze3A_521 = vector.extract %slice3A_520[0] : i32 from vector<1xi32>
      %dma_start3A_522 = arith.constant 3 : i32
      %dma_start3A_523 = arith.constant 0 : i32
      %dma_start3A_524 = tpu.memref_slice %arg10[%add3A_517, %dma_start3A_522, %dma_start3A_523] : memref<50x8x64xf32, #tpu.memory_space<vmem>> -> memref<1x1x64xf32, #tpu.memory_space<vmem>>
      %dma_start3A_525 = tpu.memref_squeeze %dma_start3A_524 : memref<1x1x64xf32, #tpu.memory_space<vmem>> -> memref<64xf32, #tpu.memory_space<vmem>>
      %dma_start3A_526 = arith.constant 0 : i32
      %dma_start3A_527 = tpu.memref_slice %arg2[%squeeze3A_519, %squeeze3A_521, %dma_start3A_526] : memref<125000x8x64xf32, #tpu.memory_space<hbm>> -> memref<1x1x64xf32, #tpu.memory_space<hbm>>
      %dma_start3A_528 = tpu.memref_squeeze %dma_start3A_527 : memref<1x1x64xf32, #tpu.memory_space<hbm>> -> memref<64xf32, #tpu.memory_space<hbm>>
      %dma_start3A_529 = arith.constant 0 : i32
      %dma_start3A_530 = tpu.memref_slice %arg10[%add3A_517, %dma_start3A_522, %dma_start3A_529] : memref<50x8x64xf32, #tpu.memory_space<vmem>> -> memref<1x1x64xf32, #tpu.memory_space<vmem>>
      %dma_start3A_531 = tpu.memref_squeeze %dma_start3A_530 : memref<1x1x64xf32, #tpu.memory_space<vmem>> -> memref<64xf32, #tpu.memory_space<vmem>>
      %dma_start3A_532 = arith.constant 0 : i32
      %dma_start3A_533 = tpu.memref_slice %arg2[%squeeze3A_519, %squeeze3A_521, %dma_start3A_532] : memref<125000x8x64xf32, #tpu.memory_space<hbm>> -> memref<1x1x64xf32, #tpu.memory_space<hbm>>
      %dma_start3A_534 = tpu.memref_squeeze %dma_start3A_533 : memref<1x1x64xf32, #tpu.memory_space<hbm>> -> memref<64xf32, #tpu.memory_space<hbm>>
      tpu.enqueue_dma source(%dma_start3A_534 : memref<64xf32, #tpu.memory_space<hbm>>) target(%dma_start3A_531 : memref<64xf32, #tpu.memory_space<vmem>>) target_semaphore(%arg14 : memref<!tpu.dma_semaphore, #tpu.memory_space<semaphore_mem>>)
      %mul3A_535 = arith.constant 2 : i32
      %mul3A_536 = arith.muli %mul3A_535, %scan3A_275 : i32
      %add3A_537 = arith.constant 1 : i32
      %add3A_538 = arith.addi %mul3A_536, %add3A_537 : i32
      %slice3A_539 = vector.extract_strided_slice %shift_right_logical3A_281 {offsets = [12], sizes = [1], strides = [1]} : vector<16xi32> to vector<1xi32>
      %squeeze3A_540 = vector.extract %slice3A_539[0] : i32 from vector<1xi32>
      %slice3A_541 = vector.extract_strided_slice %and3A_284 {offsets = [12], sizes = [1], strides = [1]} : vector<16xi32> to vector<1xi32>
      %squeeze3A_542 = vector.extract %slice3A_541[0] : i32 from vector<1xi32>
      %dma_start3A_543 = arith.constant 4 : i32
      %dma_start3A_544 = arith.constant 0 : i32
      %dma_start3A_545 = tpu.memref_slice %arg10[%add3A_538, %dma_start3A_543, %dma_start3A_544] : memref<50x8x64xf32, #tpu.memory_space<vmem>> -> memref<1x1x64xf32, #tpu.memory_space<vmem>>
      %dma_start3A_546 = tpu.memref_squeeze %dma_start3A_545 : memref<1x1x64xf32, #tpu.memory_space<vmem>> -> memref<64xf32, #tpu.memory_space<vmem>>
      %dma_start3A_547 = arith.constant 0 : i32
      %dma_start3A_548 = tpu.memref_slice %arg2[%squeeze3A_540, %squeeze3A_542, %dma_start3A_547] : memref<125000x8x64xf32, #tpu.memory_space<hbm>> -> memref<1x1x64xf32, #tpu.memory_space<hbm>>
      %dma_start3A_549 = tpu.memref_squeeze %dma_start3A_548 : memref<1x1x64xf32, #tpu.memory_space<hbm>> -> memref<64xf32, #tpu.memory_space<hbm>>
      %dma_start3A_550 = arith.constant 0 : i32
      %dma_start3A_551 = tpu.memref_slice %arg10[%add3A_538, %dma_start3A_543, %dma_start3A_550] : memref<50x8x64xf32, #tpu.memory_space<vmem>> -> memref<1x1x64xf32, #tpu.memory_space<vmem>>
      %dma_start3A_552 = tpu.memref_squeeze %dma_start3A_551 : memref<1x1x64xf32, #tpu.memory_space<vmem>> -> memref<64xf32, #tpu.memory_space<vmem>>
      %dma_start3A_553 = arith.constant 0 : i32
      %dma_start3A_554 = tpu.memref_slice %arg2[%squeeze3A_540, %squeeze3A_542, %dma_start3A_553] : memref<125000x8x64xf32, #tpu.memory_space<hbm>> -> memref<1x1x64xf32, #tpu.memory_space<hbm>>
      %dma_start3A_555 = tpu.memref_squeeze %dma_start3A_554 : memref<1x1x64xf32, #tpu.memory_space<hbm>> -> memref<64xf32, #tpu.memory_space<hbm>>
      tpu.enqueue_dma source(%dma_start3A_555 : memref<64xf32, #tpu.memory_space<hbm>>) target(%dma_start3A_552 : memref<64xf32, #tpu.memory_space<vmem>>) target_semaphore(%arg14 : memref<!tpu.dma_semaphore, #tpu.memory_space<semaphore_mem>>)
      %mul3A_556 = arith.constant 2 : i32
      %mul3A_557 = arith.muli %mul3A_556, %scan3A_275 : i32
      %add3A_558 = arith.constant 1 : i32
      %add3A_559 = arith.addi %mul3A_557, %add3A_558 : i32
      %slice3A_560 = vector.extract_strided_slice %shift_right_logical3A_281 {offsets = [13], sizes = [1], strides = [1]} : vector<16xi32> to vector<1xi32>
      %squeeze3A_561 = vector.extract %slice3A_560[0] : i32 from vector<1xi32>
      %slice3A_562 = vector.extract_strided_slice %and3A_284 {offsets = [13], sizes = [1], strides = [1]} : vector<16xi32> to vector<1xi32>
      %squeeze3A_563 = vector.extract %slice3A_562[0] : i32 from vector<1xi32>
      %dma_start3A_564 = arith.constant 5 : i32
      %dma_start3A_565 = arith.constant 0 : i32
      %dma_start3A_566 = tpu.memref_slice %arg10[%add3A_559, %dma_start3A_564, %dma_start3A_565] : memref<50x8x64xf32, #tpu.memory_space<vmem>> -> memref<1x1x64xf32, #tpu.memory_space<vmem>>
      %dma_start3A_567 = tpu.memref_squeeze %dma_start3A_566 : memref<1x1x64xf32, #tpu.memory_space<vmem>> -> memref<64xf32, #tpu.memory_space<vmem>>
      %dma_start3A_568 = arith.constant 0 : i32
      %dma_start3A_569 = tpu.memref_slice %arg2[%squeeze3A_561, %squeeze3A_563, %dma_start3A_568] : memref<125000x8x64xf32, #tpu.memory_space<hbm>> -> memref<1x1x64xf32, #tpu.memory_space<hbm>>
      %dma_start3A_570 = tpu.memref_squeeze %dma_start3A_569 : memref<1x1x64xf32, #tpu.memory_space<hbm>> -> memref<64xf32, #tpu.memory_space<hbm>>
      %dma_start3A_571 = arith.constant 0 : i32
      %dma_start3A_572 = tpu.memref_slice %arg10[%add3A_559, %dma_start3A_564, %dma_start3A_571] : memref<50x8x64xf32, #tpu.memory_space<vmem>> -> memref<1x1x64xf32, #tpu.memory_space<vmem>>
      %dma_start3A_573 = tpu.memref_squeeze %dma_start3A_572 : memref<1x1x64xf32, #tpu.memory_space<vmem>> -> memref<64xf32, #tpu.memory_space<vmem>>
      %dma_start3A_574 = arith.constant 0 : i32
      %dma_start3A_575 = tpu.memref_slice %arg2[%squeeze3A_561, %squeeze3A_563, %dma_start3A_574] : memref<125000x8x64xf32, #tpu.memory_space<hbm>> -> memref<1x1x64xf32, #tpu.memory_space<hbm>>
      %dma_start3A_576 = tpu.memref_squeeze %dma_start3A_575 : memref<1x1x64xf32, #tpu.memory_space<hbm>> -> memref<64xf32, #tpu.memory_space<hbm>>
      tpu.enqueue_dma source(%dma_start3A_576 : memref<64xf32, #tpu.memory_space<hbm>>) target(%dma_start3A_573 : memref<64xf32, #tpu.memory_space<vmem>>) target_semaphore(%arg14 : memref<!tpu.dma_semaphore, #tpu.memory_space<semaphore_mem>>)
      %mul3A_577 = arith.constant 2 : i32
      %mul3A_578 = arith.muli %mul3A_577, %scan3A_275 : i32
      %add3A_579 = arith.constant 1 : i32
      %add3A_580 = arith.addi %mul3A_578, %add3A_579 : i32
      %slice3A_581 = vector.extract_strided_slice %shift_right_logical3A_281 {offsets = [14], sizes = [1], strides = [1]} : vector<16xi32> to vector<1xi32>
      %squeeze3A_582 = vector.extract %slice3A_581[0] : i32 from vector<1xi32>
      %slice3A_583 = vector.extract_strided_slice %and3A_284 {offsets = [14], sizes = [1], strides = [1]} : vector<16xi32> to vector<1xi32>
      %squeeze3A_584 = vector.extract %slice3A_583[0] : i32 from vector<1xi32>
      %dma_start3A_585 = arith.constant 6 : i32
      %dma_start3A_586 = arith.constant 0 : i32
      %dma_start3A_587 = tpu.memref_slice %arg10[%add3A_580, %dma_start3A_585, %dma_start3A_586] : memref<50x8x64xf32, #tpu.memory_space<vmem>> -> memref<1x1x64xf32, #tpu.memory_space<vmem>>
      %dma_start3A_588 = tpu.memref_squeeze %dma_start3A_587 : memref<1x1x64xf32, #tpu.memory_space<vmem>> -> memref<64xf32, #tpu.memory_space<vmem>>
      %dma_start3A_589 = arith.constant 0 : i32
      %dma_start3A_590 = tpu.memref_slice %arg2[%squeeze3A_582, %squeeze3A_584, %dma_start3A_589] : memref<125000x8x64xf32, #tpu.memory_space<hbm>> -> memref<1x1x64xf32, #tpu.memory_space<hbm>>
      %dma_start3A_591 = tpu.memref_squeeze %dma_start3A_590 : memref<1x1x64xf32, #tpu.memory_space<hbm>> -> memref<64xf32, #tpu.memory_space<hbm>>
      %dma_start3A_592 = arith.constant 0 : i32
      %dma_start3A_593 = tpu.memref_slice %arg10[%add3A_580, %dma_start3A_585, %dma_start3A_592] : memref<50x8x64xf32, #tpu.memory_space<vmem>> -> memref<1x1x64xf32, #tpu.memory_space<vmem>>
      %dma_start3A_594 = tpu.memref_squeeze %dma_start3A_593 : memref<1x1x64xf32, #tpu.memory_space<vmem>> -> memref<64xf32, #tpu.memory_space<vmem>>
      %dma_start3A_595 = arith.constant 0 : i32
      %dma_start3A_596 = tpu.memref_slice %arg2[%squeeze3A_582, %squeeze3A_584, %dma_start3A_595] : memref<125000x8x64xf32, #tpu.memory_space<hbm>> -> memref<1x1x64xf32, #tpu.memory_space<hbm>>
      %dma_start3A_597 = tpu.memref_squeeze %dma_start3A_596 : memref<1x1x64xf32, #tpu.memory_space<hbm>> -> memref<64xf32, #tpu.memory_space<hbm>>
      tpu.enqueue_dma source(%dma_start3A_597 : memref<64xf32, #tpu.memory_space<hbm>>) target(%dma_start3A_594 : memref<64xf32, #tpu.memory_space<vmem>>) target_semaphore(%arg14 : memref<!tpu.dma_semaphore, #tpu.memory_space<semaphore_mem>>)
      %mul3A_598 = arith.constant 2 : i32
      %mul3A_599 = arith.muli %mul3A_598, %scan3A_275 : i32
      %add3A_600 = arith.constant 1 : i32
      %add3A_601 = arith.addi %mul3A_599, %add3A_600 : i32
      %slice3A_602 = vector.extract_strided_slice %shift_right_logical3A_281 {offsets = [15], sizes = [1], strides = [1]} : vector<16xi32> to vector<1xi32>
      %squeeze3A_603 = vector.extract %slice3A_602[0] : i32 from vector<1xi32>
      %slice3A_604 = vector.extract_strided_slice %and3A_284 {offsets = [15], sizes = [1], strides = [1]} : vector<16xi32> to vector<1xi32>
      %squeeze3A_605 = vector.extract %slice3A_604[0] : i32 from vector<1xi32>
      %dma_start3A_606 = arith.constant 7 : i32
      %dma_start3A_607 = arith.constant 0 : i32
      %dma_start3A_608 = tpu.memref_slice %arg10[%add3A_601, %dma_start3A_606, %dma_start3A_607] : memref<50x8x64xf32, #tpu.memory_space<vmem>> -> memref<1x1x64xf32, #tpu.memory_space<vmem>>
      %dma_start3A_609 = tpu.memref_squeeze %dma_start3A_608 : memref<1x1x64xf32, #tpu.memory_space<vmem>> -> memref<64xf32, #tpu.memory_space<vmem>>
      %dma_start3A_610 = arith.constant 0 : i32
      %dma_start3A_611 = tpu.memref_slice %arg2[%squeeze3A_603, %squeeze3A_605, %dma_start3A_610] : memref<125000x8x64xf32, #tpu.memory_space<hbm>> -> memref<1x1x64xf32, #tpu.memory_space<hbm>>
      %dma_start3A_612 = tpu.memref_squeeze %dma_start3A_611 : memref<1x1x64xf32, #tpu.memory_space<hbm>> -> memref<64xf32, #tpu.memory_space<hbm>>
      %dma_start3A_613 = arith.constant 0 : i32
      %dma_start3A_614 = tpu.memref_slice %arg10[%add3A_601, %dma_start3A_606, %dma_start3A_613] : memref<50x8x64xf32, #tpu.memory_space<vmem>> -> memref<1x1x64xf32, #tpu.memory_space<vmem>>
      %dma_start3A_615 = tpu.memref_squeeze %dma_start3A_614 : memref<1x1x64xf32, #tpu.memory_space<vmem>> -> memref<64xf32, #tpu.memory_space<vmem>>
      %dma_start3A_616 = arith.constant 0 : i32
      %dma_start3A_617 = tpu.memref_slice %arg2[%squeeze3A_603, %squeeze3A_605, %dma_start3A_616] : memref<125000x8x64xf32, #tpu.memory_space<hbm>> -> memref<1x1x64xf32, #tpu.memory_space<hbm>>
      %dma_start3A_618 = tpu.memref_squeeze %dma_start3A_617 : memref<1x1x64xf32, #tpu.memory_space<hbm>> -> memref<64xf32, #tpu.memory_space<hbm>>
      tpu.enqueue_dma source(%dma_start3A_618 : memref<64xf32, #tpu.memory_space<hbm>>) target(%dma_start3A_615 : memref<64xf32, #tpu.memory_space<vmem>>) target_semaphore(%arg14 : memref<!tpu.dma_semaphore, #tpu.memory_space<semaphore_mem>>)
    }
    %scan3A_31 = arith.constant 25 : i32
    %add3A_32 = arith.constant 1200 : i32
    %add3A_33 = arith.addi %mul3A_2, %add3A_32 : i32
    %dma_start3A_34 = tpu.memref_slice %arg3[%add3A_33] : memref<204800xi32, #tpu.memory_space<hbm>> -> memref<400xi32, #tpu.memory_space<hbm>>
    %dma_start3A_35 = tpu.memref_slice %arg3[%add3A_33] : memref<204800xi32, #tpu.memory_space<hbm>> -> memref<400xi32, #tpu.memory_space<hbm>>
    tpu.enqueue_dma source(%dma_start3A_35 : memref<400xi32, #tpu.memory_space<hbm>>) target(%arg7 : memref<400xi32, #tpu.memory_space<vmem>>) target_semaphore(%arg12 : memref<!tpu.dma_semaphore, #tpu.memory_space<semaphore_mem>>)
    %dma_wait3A_36 = arith.constant 0 : i32
    %dma_wait3A_37 = arith.constant 0 : i32
    %dma_wait3A_38 = arith.constant 0 : i32
    %dma_wait3A_39 = tpu.memref_slice %arg2[%dma_wait3A_36, %dma_wait3A_37, %dma_wait3A_38] : memref<125000x8x64xf32, #tpu.memory_space<hbm>> -> memref<50x8x64xf32, #tpu.memory_space<hbm>>
    %dma_wait3A_40 = arith.constant 0 : i32
    %dma_wait3A_41 = arith.constant 0 : i32
    %dma_wait3A_42 = arith.constant 0 : i32
    %dma_wait3A_43 = tpu.memref_slice %arg2[%dma_wait3A_40, %dma_wait3A_41, %dma_wait3A_42] : memref<125000x8x64xf32, #tpu.memory_space<hbm>> -> memref<50x8x64xf32, #tpu.memory_space<hbm>>
    tpu.wait_dma2 semaphore(%arg13 : memref<!tpu.dma_semaphore, #tpu.memory_space<semaphore_mem>>) src(%dma_wait3A_43 : memref<50x8x64xf32, #tpu.memory_space<hbm>>) dst(%arg9 : memref<50x8x64xf32, #tpu.memory_space<vmem>>)
    %scan3A_44 = arith.constant 0 : i32
    %scan3A_45 = arith.constant 1.250000e-01 : f32
    %scan3A_46 = arith.constant 0 : i32
    %scan3A_47 = arith.constant 200 : i32
    %scan3A_48 = arith.addi %scan3A_46, %scan3A_47 : i32
    %scan3A_49 = arith.constant 1 : i32
    scf.for %scan3A_275 = %scan3A_46 to %scan3A_48 step %scan3A_49  : i32 {
      %shift_right_logical3A = arith.constant 3 : i32
      %shift_right_logical3A_276 = arith.shrui %scan3A_275, %shift_right_logical3A : i32
      %and3A_277 = arith.constant 7 : i32
      %and3A_278 = arith.andi %scan3A_275, %and3A_277 : i32
      %add3A_279 = arith.constant 0 : i32
      %add3A_280 = arith.addi %shift_right_logical3A_276, %add3A_279 : i32
      %mul3A_281 = arith.constant 64 : i32
      %mul3A_282 = arith.muli %scan3A_275, %mul3A_281 : i32
      %add3A_283 = arith.constant 0 : i32
      %add3A_284 = arith.addi %mul3A_282, %add3A_283 : i32
      %get3A = arith.index_cast %add3A_284 : i32 to index
      %get3A_285 = tpu.vector_load %arg8[%get3A] {strides = array<i32>} : memref<12800xf32, #tpu.memory_space<vmem>>, vector<16xf32>,
      %get3A_286 = vector.shape_cast %get3A_285 : vector<16xf32> to vector<16xf32>
      %get3A_287 = arith.index_cast %add3A_280 : i32 to index
      %get3A_288 = arith.index_cast %and3A_278 : i32 to index
      %get3A_289 = arith.constant 0 : index
      %get3A_290 = tpu.vector_load %arg9[%get3A_287, %get3A_288, %get3A_289] {strides = array<i32>} : memref<50x8x64xf32, #tpu.memory_space<vmem>>, vector<1x1x16xf32>,
      %get3A_291 = vector.shape_cast %get3A_290 : vector<1x1x16xf32> to vector<16xf32>
      %mul3A_292 = vector.broadcast %scan3A_45 : f32 to vector<16xf32>
      %mul3A_293 = arith.mulf %get3A_291, %mul3A_292 : vector<16xf32>
      %add3A_294 = arith.addf %mul3A_293, %get3A_286 : vector<16xf32>
      %swap3A = arith.index_cast %add3A_280 : i32 to index
      %swap3A_295 = arith.index_cast %and3A_278 : i32 to index
      %swap3A_296 = arith.constant 0 : index
      %swap3A_297 = tpu.vector_load %arg9[%swap3A, %swap3A_295, %swap3A_296] {strides = array<i32>} : memref<50x8x64xf32, #tpu.memory_space<vmem>>, vector<1x1x16xf32>,
      %swap3A_298 = vector.shape_cast %swap3A_297 : vector<1x1x16xf32> to vector<16xf32>
      %swap3A_299 = vector.shape_cast %add3A_294 : vector<16xf32> to vector<1x1x16xf32>
      tpu.vector_store %arg9[%swap3A, %swap3A_295, %swap3A_296], %swap3A_299 {strides = array<i32>} : memref<50x8x64xf32, #tpu.memory_space<vmem>>, vector<1x1x16xf32>,
      %mul3A_300 = arith.constant 64 : i32
      %mul3A_301 = arith.muli %scan3A_275, %mul3A_300 : i32
      %add3A_302 = arith.constant 16 : i32
      %add3A_303 = arith.addi %mul3A_301, %add3A_302 : i32
      %get3A_304 = arith.index_cast %add3A_303 : i32 to index
      %get3A_305 = tpu.vector_load %arg8[%get3A_304] {strides = array<i32>} : memref<12800xf32, #tpu.memory_space<vmem>>, vector<16xf32>,
      %get3A_306 = vector.shape_cast %get3A_305 : vector<16xf32> to vector<16xf32>
      %get3A_307 = arith.index_cast %add3A_280 : i32 to index
      %get3A_308 = arith.index_cast %and3A_278 : i32 to index
      %get3A_309 = arith.constant 16 : index
      %get3A_310 = tpu.vector_load %arg9[%get3A_307, %get3A_308, %get3A_309] {strides = array<i32>} : memref<50x8x64xf32, #tpu.memory_space<vmem>>, vector<1x1x16xf32>,
      %get3A_311 = vector.shape_cast %get3A_310 : vector<1x1x16xf32> to vector<16xf32>
      %mul3A_312 = vector.broadcast %scan3A_45 : f32 to vector<16xf32>
      %mul3A_313 = arith.mulf %get3A_311, %mul3A_312 : vector<16xf32>
      %add3A_314 = arith.addf %mul3A_313, %get3A_306 : vector<16xf32>
      %swap3A_315 = arith.index_cast %add3A_280 : i32 to index
      %swap3A_316 = arith.index_cast %and3A_278 : i32 to index
      %swap3A_317 = arith.constant 16 : index
      %swap3A_318 = tpu.vector_load %arg9[%swap3A_315, %swap3A_316, %swap3A_317] {strides = array<i32>} : memref<50x8x64xf32, #tpu.memory_space<vmem>>, vector<1x1x16xf32>,
      %swap3A_319 = vector.shape_cast %swap3A_318 : vector<1x1x16xf32> to vector<16xf32>
      %swap3A_320 = vector.shape_cast %add3A_314 : vector<16xf32> to vector<1x1x16xf32>
      tpu.vector_store %arg9[%swap3A_315, %swap3A_316, %swap3A_317], %swap3A_320 {strides = array<i32>} : memref<50x8x64xf32, #tpu.memory_space<vmem>>, vector<1x1x16xf32>,
      %mul3A_321 = arith.constant 64 : i32
      %mul3A_322 = arith.muli %scan3A_275, %mul3A_321 : i32
      %add3A_323 = arith.constant 32 : i32
      %add3A_324 = arith.addi %mul3A_322, %add3A_323 : i32
      %get3A_325 = arith.index_cast %add3A_324 : i32 to index
      %get3A_326 = tpu.vector_load %arg8[%get3A_325] {strides = array<i32>} : memref<12800xf32, #tpu.memory_space<vmem>>, vector<16xf32>,
      %get3A_327 = vector.shape_cast %get3A_326 : vector<16xf32> to vector<16xf32>
      %get3A_328 = arith.index_cast %add3A_280 : i32 to index
      %get3A_329 = arith.index_cast %and3A_278 : i32 to index
      %get3A_330 = arith.constant 32 : index
      %get3A_331 = tpu.vector_load %arg9[%get3A_328, %get3A_329, %get3A_330] {strides = array<i32>} : memref<50x8x64xf32, #tpu.memory_space<vmem>>, vector<1x1x16xf32>,
      %get3A_332 = vector.shape_cast %get3A_331 : vector<1x1x16xf32> to vector<16xf32>
      %mul3A_333 = vector.broadcast %scan3A_45 : f32 to vector<16xf32>
      %mul3A_334 = arith.mulf %get3A_332, %mul3A_333 : vector<16xf32>
      %add3A_335 = arith.addf %mul3A_334, %get3A_327 : vector<16xf32>
      %swap3A_336 = arith.index_cast %add3A_280 : i32 to index
      %swap3A_337 = arith.index_cast %and3A_278 : i32 to index
      %swap3A_338 = arith.constant 32 : index
      %swap3A_339 = tpu.vector_load %arg9[%swap3A_336, %swap3A_337, %swap3A_338] {strides = array<i32>} : memref<50x8x64xf32, #tpu.memory_space<vmem>>, vector<1x1x16xf32>,
      %swap3A_340 = vector.shape_cast %swap3A_339 : vector<1x1x16xf32> to vector<16xf32>
      %swap3A_341 = vector.shape_cast %add3A_335 : vector<16xf32> to vector<1x1x16xf32>
      tpu.vector_store %arg9[%swap3A_336, %swap3A_337, %swap3A_338], %swap3A_341 {strides = array<i32>} : memref<50x8x64xf32, #tpu.memory_space<vmem>>, vector<1x1x16xf32>,
      %mul3A_342 = arith.constant 64 : i32
      %mul3A_343 = arith.muli %scan3A_275, %mul3A_342 : i32
      %add3A_344 = arith.constant 48 : i32
      %add3A_345 = arith.addi %mul3A_343, %add3A_344 : i32
      %get3A_346 = arith.index_cast %add3A_345 : i32 to index
      %get3A_347 = tpu.vector_load %arg8[%get3A_346] {strides = array<i32>} : memref<12800xf32, #tpu.memory_space<vmem>>, vector<16xf32>,
      %get3A_348 = vector.shape_cast %get3A_347 : vector<16xf32> to vector<16xf32>
      %get3A_349 = arith.index_cast %add3A_280 : i32 to index
      %get3A_350 = arith.index_cast %and3A_278 : i32 to index
      %get3A_351 = arith.constant 48 : index
      %get3A_352 = tpu.vector_load %arg9[%get3A_349, %get3A_350, %get3A_351] {strides = array<i32>} : memref<50x8x64xf32, #tpu.memory_space<vmem>>, vector<1x1x16xf32>,
      %get3A_353 = vector.shape_cast %get3A_352 : vector<1x1x16xf32> to vector<16xf32>
      %mul3A_354 = vector.broadcast %scan3A_45 : f32 to vector<16xf32>
      %mul3A_355 = arith.mulf %get3A_353, %mul3A_354 : vector<16xf32>
      %add3A_356 = arith.addf %mul3A_355, %get3A_348 : vector<16xf32>
      %swap3A_357 = arith.index_cast %add3A_280 : i32 to index
      %swap3A_358 = arith.index_cast %and3A_278 : i32 to index
      %swap3A_359 = arith.constant 48 : index
      %swap3A_360 = tpu.vector_load %arg9[%swap3A_357, %swap3A_358, %swap3A_359] {strides = array<i32>} : memref<50x8x64xf32, #tpu.memory_space<vmem>>, vector<1x1x16xf32>,
      %swap3A_361 = vector.shape_cast %swap3A_360 : vector<1x1x16xf32> to vector<16xf32>
      %swap3A_362 = vector.shape_cast %add3A_356 : vector<16xf32> to vector<1x1x16xf32>
      tpu.vector_store %arg9[%swap3A_357, %swap3A_358, %swap3A_359], %swap3A_362 {strides = array<i32>} : memref<50x8x64xf32, #tpu.memory_space<vmem>>, vector<1x1x16xf32>,
      %add3A_363 = arith.constant 25 : i32
      %add3A_364 = arith.addi %shift_right_logical3A_276, %add3A_363 : i32
      %mul3A_365 = arith.constant 64 : i32
      %mul3A_366 = arith.muli %scan3A_275, %mul3A_365 : i32
      %add3A_367 = arith.constant 0 : i32
      %add3A_368 = arith.addi %mul3A_366, %add3A_367 : i32
      %get3A_369 = arith.index_cast %add3A_368 : i32 to index
      %get3A_370 = tpu.vector_load %arg8[%get3A_369] {strides = array<i32>} : memref<12800xf32, #tpu.memory_space<vmem>>, vector<16xf32>,
      %get3A_371 = vector.shape_cast %get3A_370 : vector<16xf32> to vector<16xf32>
      %get3A_372 = arith.index_cast %add3A_364 : i32 to index
      %get3A_373 = arith.index_cast %and3A_278 : i32 to index
      %get3A_374 = arith.constant 0 : index
      %get3A_375 = tpu.vector_load %arg9[%get3A_372, %get3A_373, %get3A_374] {strides = array<i32>} : memref<50x8x64xf32, #tpu.memory_space<vmem>>, vector<1x1x16xf32>,
      %get3A_376 = vector.shape_cast %get3A_375 : vector<1x1x16xf32> to vector<16xf32>
      %mul3A_377 = vector.broadcast %scan3A_45 : f32 to vector<16xf32>
      %mul3A_378 = arith.mulf %get3A_376, %mul3A_377 : vector<16xf32>
      %add3A_379 = arith.addf %mul3A_378, %get3A_371 : vector<16xf32>
      %swap3A_380 = arith.index_cast %add3A_364 : i32 to index
      %swap3A_381 = arith.index_cast %and3A_278 : i32 to index
      %swap3A_382 = arith.constant 0 : index
      %swap3A_383 = tpu.vector_load %arg9[%swap3A_380, %swap3A_381, %swap3A_382] {strides = array<i32>} : memref<50x8x64xf32, #tpu.memory_space<vmem>>, vector<1x1x16xf32>,
      %swap3A_384 = vector.shape_cast %swap3A_383 : vector<1x1x16xf32> to vector<16xf32>
      %swap3A_385 = vector.shape_cast %add3A_379 : vector<16xf32> to vector<1x1x16xf32>
      tpu.vector_store %arg9[%swap3A_380, %swap3A_381, %swap3A_382], %swap3A_385 {strides = array<i32>} : memref<50x8x64xf32, #tpu.memory_space<vmem>>, vector<1x1x16xf32>,
      %mul3A_386 = arith.constant 64 : i32
      %mul3A_387 = arith.muli %scan3A_275, %mul3A_386 : i32
      %add3A_388 = arith.constant 16 : i32
      %add3A_389 = arith.addi %mul3A_387, %add3A_388 : i32
      %get3A_390 = arith.index_cast %add3A_389 : i32 to index
      %get3A_391 = tpu.vector_load %arg8[%get3A_390] {strides = array<i32>} : memref<12800xf32, #tpu.memory_space<vmem>>, vector<16xf32>,
      %get3A_392 = vector.shape_cast %get3A_391 : vector<16xf32> to vector<16xf32>
      %get3A_393 = arith.index_cast %add3A_364 : i32 to index
      %get3A_394 = arith.index_cast %and3A_278 : i32 to index
      %get3A_395 = arith.constant 16 : index
      %get3A_396 = tpu.vector_load %arg9[%get3A_393, %get3A_394, %get3A_395] {strides = array<i32>} : memref<50x8x64xf32, #tpu.memory_space<vmem>>, vector<1x1x16xf32>,
      %get3A_397 = vector.shape_cast %get3A_396 : vector<1x1x16xf32> to vector<16xf32>
      %mul3A_398 = vector.broadcast %scan3A_45 : f32 to vector<16xf32>
      %mul3A_399 = arith.mulf %get3A_397, %mul3A_398 : vector<16xf32>
      %add3A_400 = arith.addf %mul3A_399, %get3A_392 : vector<16xf32>
      %swap3A_401 = arith.index_cast %add3A_364 : i32 to index
      %swap3A_402 = arith.index_cast %and3A_278 : i32 to index
      %swap3A_403 = arith.constant 16 : index
      %swap3A_404 = tpu.vector_load %arg9[%swap3A_401, %swap3A_402, %swap3A_403] {strides = array<i32>} : memref<50x8x64xf32, #tpu.memory_space<vmem>>, vector<1x1x16xf32>,
      %swap3A_405 = vector.shape_cast %swap3A_404 : vector<1x1x16xf32> to vector<16xf32>
      %swap3A_406 = vector.shape_cast %add3A_400 : vector<16xf32> to vector<1x1x16xf32>
      tpu.vector_store %arg9[%swap3A_401, %swap3A_402, %swap3A_403], %swap3A_406 {strides = array<i32>} : memref<50x8x64xf32, #tpu.memory_space<vmem>>, vector<1x1x16xf32>,
      %mul3A_407 = arith.constant 64 : i32
      %mul3A_408 = arith.muli %scan3A_275, %mul3A_407 : i32
      %add3A_409 = arith.constant 32 : i32
      %add3A_410 = arith.addi %mul3A_408, %add3A_409 : i32
      %get3A_411 = arith.index_cast %add3A_410 : i32 to index
      %get3A_412 = tpu.vector_load %arg8[%get3A_411] {strides = array<i32>} : memref<12800xf32, #tpu.memory_space<vmem>>, vector<16xf32>,
      %get3A_413 = vector.shape_cast %get3A_412 : vector<16xf32> to vector<16xf32>
      %get3A_414 = arith.index_cast %add3A_364 : i32 to index
      %get3A_415 = arith.index_cast %and3A_278 : i32 to index
      %get3A_416 = arith.constant 32 : index
      %get3A_417 = tpu.vector_load %arg9[%get3A_414, %get3A_415, %get3A_416] {strides = array<i32>} : memref<50x8x64xf32, #tpu.memory_space<vmem>>, vector<1x1x16xf32>,
      %get3A_418 = vector.shape_cast %get3A_417 : vector<1x1x16xf32> to vector<16xf32>
      %mul3A_419 = vector.broadcast %scan3A_45 : f32 to vector<16xf32>
      %mul3A_420 = arith.mulf %get3A_418, %mul3A_419 : vector<16xf32>
      %add3A_421 = arith.addf %mul3A_420, %get3A_413 : vector<16xf32>
      %swap3A_422 = arith.index_cast %add3A_364 : i32 to index
      %swap3A_423 = arith.index_cast %and3A_278 : i32 to index
      %swap3A_424 = arith.constant 32 : index
      %swap3A_425 = tpu.vector_load %arg9[%swap3A_422, %swap3A_423, %swap3A_424] {strides = array<i32>} : memref<50x8x64xf32, #tpu.memory_space<vmem>>, vector<1x1x16xf32>,
      %swap3A_426 = vector.shape_cast %swap3A_425 : vector<1x1x16xf32> to vector<16xf32>
      %swap3A_427 = vector.shape_cast %add3A_421 : vector<16xf32> to vector<1x1x16xf32>
      tpu.vector_store %arg9[%swap3A_422, %swap3A_423, %swap3A_424], %swap3A_427 {strides = array<i32>} : memref<50x8x64xf32, #tpu.memory_space<vmem>>, vector<1x1x16xf32>,
      %mul3A_428 = arith.constant 64 : i32
      %mul3A_429 = arith.muli %scan3A_275, %mul3A_428 : i32
      %add3A_430 = arith.constant 48 : i32
      %add3A_431 = arith.addi %mul3A_429, %add3A_430 : i32
      %get3A_432 = arith.index_cast %add3A_431 : i32 to index
      %get3A_433 = tpu.vector_load %arg8[%get3A_432] {strides = array<i32>} : memref<12800xf32, #tpu.memory_space<vmem>>, vector<16xf32>,
      %get3A_434 = vector.shape_cast %get3A_433 : vector<16xf32> to vector<16xf32>
      %get3A_435 = arith.index_cast %add3A_364 : i32 to index
      %get3A_436 = arith.index_cast %and3A_278 : i32 to index
      %get3A_437 = arith.constant 48 : index
      %get3A_438 = tpu.vector_load %arg9[%get3A_435, %get3A_436, %get3A_437] {strides = array<i32>} : memref<50x8x64xf32, #tpu.memory_space<vmem>>, vector<1x1x16xf32>,
      %get3A_439 = vector.shape_cast %get3A_438 : vector<1x1x16xf32> to vector<16xf32>
      %mul3A_440 = vector.broadcast %scan3A_45 : f32 to vector<16xf32>
      %mul3A_441 = arith.mulf %get3A_439, %mul3A_440 : vector<16xf32>
      %add3A_442 = arith.addf %mul3A_441, %get3A_434 : vector<16xf32>
      %swap3A_443 = arith.index_cast %add3A_364 : i32 to index
      %swap3A_444 = arith.index_cast %and3A_278 : i32 to index
      %swap3A_445 = arith.constant 48 : index
      %swap3A_446 = tpu.vector_load %arg9[%swap3A_443, %swap3A_444, %swap3A_445] {strides = array<i32>} : memref<50x8x64xf32, #tpu.memory_space<vmem>>, vector<1x1x16xf32>,
      %swap3A_447 = vector.shape_cast %swap3A_446 : vector<1x1x16xf32> to vector<16xf32>
      %swap3A_448 = vector.shape_cast %add3A_442 : vector<16xf32> to vector<1x1x16xf32>
      tpu.vector_store %arg9[%swap3A_443, %swap3A_444, %swap3A_445], %swap3A_448 {strides = array<i32>} : memref<50x8x64xf32, #tpu.memory_space<vmem>>, vector<1x1x16xf32>,
    }
    %scan3A_50 = arith.constant 200 : i32
    %add3A_51 = arith.constant 0 : i32
    %add3A_52 = arith.addi %mul3A_2, %add3A_51 : i32
    %jit3A = arith.constant 8 : i32
    %div3A = arith.divsi %add3A_52, %jit3A : i32
    %sign3A = arith.constant 0 : i32
    %sign3A_53 = arith.cmpi sgt, %add3A_52, %sign3A : i32
    %sign3A_54 = arith.extui %sign3A_53 : i1 to i32
    %sign3A_55 = arith.constant 0 : i32
    %sign3A_56 = arith.cmpi slt, %add3A_52, %sign3A_55 : i32
    %sign3A_57 = arith.extui %sign3A_56 : i1 to i32
    %sign3A_58 = arith.subi %sign3A_54, %sign3A_57 : i32
    %sign3A_59 = arith.constant 0 : i32
    %sign3A_60 = arith.cmpi sgt, %jit3A, %sign3A_59 : i32
    %sign3A_61 = arith.extui %sign3A_60 : i1 to i32
    %sign3A_62 = arith.constant 0 : i32
    %sign3A_63 = arith.cmpi slt, %jit3A, %sign3A_62 : i32
    %sign3A_64 = arith.extui %sign3A_63 : i1 to i32
    %sign3A_65 = arith.subi %sign3A_61, %sign3A_64 : i32
    %ne3A = arith.cmpi ne, %sign3A_58, %sign3A_65 : i32
    %rem3A = arith.remsi %add3A_52, %jit3A : i32
    %ne3A_66 = arith.constant 0 : i32
    %ne3A_67 = arith.cmpi ne, %rem3A, %ne3A_66 : i32
    %and3A = arith.andi %ne3A, %ne3A_67 : i1
    %sub3A = arith.constant 1 : i32
    %sub3A_68 = arith.subi %div3A, %sub3A : i32
    %select_n3A = arith.select %and3A, %sub3A_68, %div3A : i32
    %dma_start3A_69 = arith.constant 0 : i32
    %dma_start3A_70 = arith.constant 0 : i32
    %dma_start3A_71 = tpu.memref_slice %arg5[%select_n3A, %dma_start3A_69, %dma_start3A_70] : memref<25600x8x64xf32, #tpu.memory_space<hbm>> -> memref<50x8x64xf32, #tpu.memory_space<hbm>>
    %dma_start3A_72 = arith.constant 0 : i32
    %dma_start3A_73 = arith.constant 0 : i32
    %dma_start3A_74 = tpu.memref_slice %arg5[%select_n3A, %dma_start3A_72, %dma_start3A_73] : memref<25600x8x64xf32, #tpu.memory_space<hbm>> -> memref<50x8x64xf32, #tpu.memory_space<hbm>>
    tpu.enqueue_dma source(%arg9 : memref<50x8x64xf32, #tpu.memory_space<vmem>>) target(%dma_start3A_74 : memref<50x8x64xf32, #tpu.memory_space<hbm>>) target_semaphore(%arg15 : memref<!tpu.dma_semaphore, #tpu.memory_space<semaphore_mem>>)
    %scan3A_75 = arith.constant 0 : i32
    %scan3A_76 = arith.constant 1.250000e-01 : f32
    %scan3A_77 = arith.constant 1 : i32
    %scan3A_78 = arith.constant 6 : i32
    %scan3A_79 = arith.addi %scan3A_77, %scan3A_78 : i32
    %scan3A_80 = arith.constant 1 : i32
    scf.for %scan3A_275 = %scan3A_77 to %scan3A_79 step %scan3A_80  : i32 {
      %mul3A_276 = arith.constant 2 : i32
      %mul3A_277 = arith.muli %mul3A_276, %scan3A_275 : i32
      %add3A_278 = arith.constant 0 : i32
      %add3A_279 = arith.addi %mul3A_277, %add3A_278 : i32
      %dma_wait3A_280 = arith.constant 0 : i32
      %dma_wait3A_281 = arith.constant 0 : i32
      %dma_wait3A_282 = arith.constant 0 : i32
      %dma_wait3A_283 = tpu.memref_slice %arg5[%dma_wait3A_280, %dma_wait3A_281, %dma_wait3A_282] : memref<25600x8x64xf32, #tpu.memory_space<hbm>> -> memref<50x8x64xf32, #tpu.memory_space<hbm>>
      %dma_wait3A_284 = arith.constant 0 : i32
      %dma_wait3A_285 = arith.constant 0 : i32
      %dma_wait3A_286 = arith.constant 0 : i32
      %dma_wait3A_287 = tpu.memref_slice %arg5[%dma_wait3A_284, %dma_wait3A_285, %dma_wait3A_286] : memref<25600x8x64xf32, #tpu.memory_space<hbm>> -> memref<50x8x64xf32, #tpu.memory_space<hbm>>
      tpu.wait_dma2 semaphore(%arg15 : memref<!tpu.dma_semaphore, #tpu.memory_space<semaphore_mem>>) src(%arg9 : memref<50x8x64xf32, #tpu.memory_space<vmem>>) dst(%dma_wait3A_287 : memref<50x8x64xf32, #tpu.memory_space<hbm>>)
      %dma_wait3A_288 = arith.constant 0 : i32
      %dma_wait3A_289 = tpu.memref_slice %arg3[%dma_wait3A_288] : memref<204800xi32, #tpu.memory_space<hbm>> -> memref<400xi32, #tpu.memory_space<hbm>>
      %dma_wait3A_290 = arith.constant 0 : i32
      %dma_wait3A_291 = tpu.memref_slice %arg3[%dma_wait3A_290] : memref<204800xi32, #tpu.memory_space<hbm>> -> memref<400xi32, #tpu.memory_space<hbm>>
      tpu.wait_dma2 semaphore(%arg11 : memref<!tpu.dma_semaphore, #tpu.memory_space<semaphore_mem>>) src(%dma_wait3A_291 : memref<400xi32, #tpu.memory_space<hbm>>) dst(%arg6 : memref<400xi32, #tpu.memory_space<vmem>>)
      %scan3A_292 = arith.constant 0 : i32
      %scan3A_293 = arith.constant 0 : i32
      %scan3A_294 = arith.constant 25 : i32
      %scan3A_295 = arith.addi %scan3A_293, %scan3A_294 : i32
      %scan3A_296 = arith.constant 1 : i32
      scf.for %scan3A_432 = %scan3A_293 to %scan3A_295 step %scan3A_296  : i32 {
        %mul3A_433 = arith.constant 16 : i32
        %mul3A_434 = arith.muli %scan3A_432, %mul3A_433 : i32
        %get3A = arith.index_cast %mul3A_434 : i32 to index
        %get3A_435 = tpu.vector_load %arg6[%get3A] {strides = array<i32>} : memref<400xi32, #tpu.memory_space<vmem>>, vector<16xi32>,
        %get3A_436 = vector.shape_cast %get3A_435 : vector<16xi32> to vector<16xi32>
        %shift_right_logical3A = arith.constant 3 : i32
        %shift_right_logical3A_437 = vector.broadcast %shift_right_logical3A : i32 to vector<16xi32>
        %shift_right_logical3A_438 = arith.shrui %get3A_436, %shift_right_logical3A_437 : vector<16xi32>
        %and3A_439 = arith.constant 7 : i32
        %and3A_440 = vector.broadcast %and3A_439 : i32 to vector<16xi32>
        %and3A_441 = arith.andi %get3A_436, %and3A_440 : vector<16xi32>
        %mul3A_442 = arith.constant 2 : i32
        %mul3A_443 = arith.muli %mul3A_442, %scan3A_432 : i32
        %add3A_444 = arith.constant 0 : i32
        %add3A_445 = arith.addi %mul3A_443, %add3A_444 : i32
        %slice3A = vector.extract_strided_slice %shift_right_logical3A_438 {offsets = [0], sizes = [1], strides = [1]} : vector<16xi32> to vector<1xi32>
        %squeeze3A = vector.extract %slice3A[0] : i32 from vector<1xi32>
        %slice3A_446 = vector.extract_strided_slice %and3A_441 {offsets = [0], sizes = [1], strides = [1]} : vector<16xi32> to vector<1xi32>
        %squeeze3A_447 = vector.extract %slice3A_446[0] : i32 from vector<1xi32>
        %dma_start3A_448 = arith.constant 0 : i32
        %dma_start3A_449 = arith.constant 0 : i32
        %dma_start3A_450 = tpu.memref_slice %arg9[%add3A_445, %dma_start3A_448, %dma_start3A_449] : memref<50x8x64xf32, #tpu.memory_space<vmem>> -> memref<1x1x64xf32, #tpu.memory_space<vmem>>
        %dma_start3A_451 = tpu.memref_squeeze %dma_start3A_450 : memref<1x1x64xf32, #tpu.memory_space<vmem>> -> memref<64xf32, #tpu.memory_space<vmem>>
        %dma_start3A_452 = arith.constant 0 : i32
        %dma_start3A_453 = tpu.memref_slice %arg2[%squeeze3A, %squeeze3A_447, %dma_start3A_452] : memref<125000x8x64xf32, #tpu.memory_space<hbm>> -> memref<1x1x64xf32, #tpu.memory_space<hbm>>
        %dma_start3A_454 = tpu.memref_squeeze %dma_start3A_453 : memref<1x1x64xf32, #tpu.memory_space<hbm>> -> memref<64xf32, #tpu.memory_space<hbm>>
        %dma_start3A_455 = arith.constant 0 : i32
        %dma_start3A_456 = tpu.memref_slice %arg9[%add3A_445, %dma_start3A_448, %dma_start3A_455] : memref<50x8x64xf32, #tpu.memory_space<vmem>> -> memref<1x1x64xf32, #tpu.memory_space<vmem>>
        %dma_start3A_457 = tpu.memref_squeeze %dma_start3A_456 : memref<1x1x64xf32, #tpu.memory_space<vmem>> -> memref<64xf32, #tpu.memory_space<vmem>>
        %dma_start3A_458 = arith.constant 0 : i32
        %dma_start3A_459 = tpu.memref_slice %arg2[%squeeze3A, %squeeze3A_447, %dma_start3A_458] : memref<125000x8x64xf32, #tpu.memory_space<hbm>> -> memref<1x1x64xf32, #tpu.memory_space<hbm>>
        %dma_start3A_460 = tpu.memref_squeeze %dma_start3A_459 : memref<1x1x64xf32, #tpu.memory_space<hbm>> -> memref<64xf32, #tpu.memory_space<hbm>>
        tpu.enqueue_dma source(%dma_start3A_460 : memref<64xf32, #tpu.memory_space<hbm>>) target(%dma_start3A_457 : memref<64xf32, #tpu.memory_space<vmem>>) target_semaphore(%arg13 : memref<!tpu.dma_semaphore, #tpu.memory_space<semaphore_mem>>)
        %mul3A_461 = arith.constant 2 : i32
        %mul3A_462 = arith.muli %mul3A_461, %scan3A_432 : i32
        %add3A_463 = arith.constant 0 : i32
        %add3A_464 = arith.addi %mul3A_462, %add3A_463 : i32
        %slice3A_465 = vector.extract_strided_slice %shift_right_logical3A_438 {offsets = [1], sizes = [1], strides = [1]} : vector<16xi32> to vector<1xi32>
        %squeeze3A_466 = vector.extract %slice3A_465[0] : i32 from vector<1xi32>
        %slice3A_467 = vector.extract_strided_slice %and3A_441 {offsets = [1], sizes = [1], strides = [1]} : vector<16xi32> to vector<1xi32>
        %squeeze3A_468 = vector.extract %slice3A_467[0] : i32 from vector<1xi32>
        %dma_start3A_469 = arith.constant 1 : i32
        %dma_start3A_470 = arith.constant 0 : i32
        %dma_start3A_471 = tpu.memref_slice %arg9[%add3A_464, %dma_start3A_469, %dma_start3A_470] : memref<50x8x64xf32, #tpu.memory_space<vmem>> -> memref<1x1x64xf32, #tpu.memory_space<vmem>>
        %dma_start3A_472 = tpu.memref_squeeze %dma_start3A_471 : memref<1x1x64xf32, #tpu.memory_space<vmem>> -> memref<64xf32, #tpu.memory_space<vmem>>
        %dma_start3A_473 = arith.constant 0 : i32
        %dma_start3A_474 = tpu.memref_slice %arg2[%squeeze3A_466, %squeeze3A_468, %dma_start3A_473] : memref<125000x8x64xf32, #tpu.memory_space<hbm>> -> memref<1x1x64xf32, #tpu.memory_space<hbm>>
        %dma_start3A_475 = tpu.memref_squeeze %dma_start3A_474 : memref<1x1x64xf32, #tpu.memory_space<hbm>> -> memref<64xf32, #tpu.memory_space<hbm>>
        %dma_start3A_476 = arith.constant 0 : i32
        %dma_start3A_477 = tpu.memref_slice %arg9[%add3A_464, %dma_start3A_469, %dma_start3A_476] : memref<50x8x64xf32, #tpu.memory_space<vmem>> -> memref<1x1x64xf32, #tpu.memory_space<vmem>>
        %dma_start3A_478 = tpu.memref_squeeze %dma_start3A_477 : memref<1x1x64xf32, #tpu.memory_space<vmem>> -> memref<64xf32, #tpu.memory_space<vmem>>
        %dma_start3A_479 = arith.constant 0 : i32
        %dma_start3A_480 = tpu.memref_slice %arg2[%squeeze3A_466, %squeeze3A_468, %dma_start3A_479] : memref<125000x8x64xf32, #tpu.memory_space<hbm>> -> memref<1x1x64xf32, #tpu.memory_space<hbm>>
        %dma_start3A_481 = tpu.memref_squeeze %dma_start3A_480 : memref<1x1x64xf32, #tpu.memory_space<hbm>> -> memref<64xf32, #tpu.memory_space<hbm>>
        tpu.enqueue_dma source(%dma_start3A_481 : memref<64xf32, #tpu.memory_space<hbm>>) target(%dma_start3A_478 : memref<64xf32, #tpu.memory_space<vmem>>) target_semaphore(%arg13 : memref<!tpu.dma_semaphore, #tpu.memory_space<semaphore_mem>>)
        %mul3A_482 = arith.constant 2 : i32
        %mul3A_483 = arith.muli %mul3A_482, %scan3A_432 : i32
        %add3A_484 = arith.constant 0 : i32
        %add3A_485 = arith.addi %mul3A_483, %add3A_484 : i32
        %slice3A_486 = vector.extract_strided_slice %shift_right_logical3A_438 {offsets = [2], sizes = [1], strides = [1]} : vector<16xi32> to vector<1xi32>
        %squeeze3A_487 = vector.extract %slice3A_486[0] : i32 from vector<1xi32>
        %slice3A_488 = vector.extract_strided_slice %and3A_441 {offsets = [2], sizes = [1], strides = [1]} : vector<16xi32> to vector<1xi32>
        %squeeze3A_489 = vector.extract %slice3A_488[0] : i32 from vector<1xi32>
        %dma_start3A_490 = arith.constant 2 : i32
        %dma_start3A_491 = arith.constant 0 : i32
        %dma_start3A_492 = tpu.memref_slice %arg9[%add3A_485, %dma_start3A_490, %dma_start3A_491] : memref<50x8x64xf32, #tpu.memory_space<vmem>> -> memref<1x1x64xf32, #tpu.memory_space<vmem>>
        %dma_start3A_493 = tpu.memref_squeeze %dma_start3A_492 : memref<1x1x64xf32, #tpu.memory_space<vmem>> -> memref<64xf32, #tpu.memory_space<vmem>>
        %dma_start3A_494 = arith.constant 0 : i32
        %dma_start3A_495 = tpu.memref_slice %arg2[%squeeze3A_487, %squeeze3A_489, %dma_start3A_494] : memref<125000x8x64xf32, #tpu.memory_space<hbm>> -> memref<1x1x64xf32, #tpu.memory_space<hbm>>
        %dma_start3A_496 = tpu.memref_squeeze %dma_start3A_495 : memref<1x1x64xf32, #tpu.memory_space<hbm>> -> memref<64xf32, #tpu.memory_space<hbm>>
        %dma_start3A_497 = arith.constant 0 : i32
        %dma_start3A_498 = tpu.memref_slice %arg9[%add3A_485, %dma_start3A_490, %dma_start3A_497] : memref<50x8x64xf32, #tpu.memory_space<vmem>> -> memref<1x1x64xf32, #tpu.memory_space<vmem>>
        %dma_start3A_499 = tpu.memref_squeeze %dma_start3A_498 : memref<1x1x64xf32, #tpu.memory_space<vmem>> -> memref<64xf32, #tpu.memory_space<vmem>>
        %dma_start3A_500 = arith.constant 0 : i32
        %dma_start3A_501 = tpu.memref_slice %arg2[%squeeze3A_487, %squeeze3A_489, %dma_start3A_500] : memref<125000x8x64xf32, #tpu.memory_space<hbm>> -> memref<1x1x64xf32, #tpu.memory_space<hbm>>
        %dma_start3A_502 = tpu.memref_squeeze %dma_start3A_501 : memref<1x1x64xf32, #tpu.memory_space<hbm>> -> memref<64xf32, #tpu.memory_space<hbm>>
        tpu.enqueue_dma source(%dma_start3A_502 : memref<64xf32, #tpu.memory_space<hbm>>) target(%dma_start3A_499 : memref<64xf32, #tpu.memory_space<vmem>>) target_semaphore(%arg13 : memref<!tpu.dma_semaphore, #tpu.memory_space<semaphore_mem>>)
        %mul3A_503 = arith.constant 2 : i32
        %mul3A_504 = arith.muli %mul3A_503, %scan3A_432 : i32
        %add3A_505 = arith.constant 0 : i32
        %add3A_506 = arith.addi %mul3A_504, %add3A_505 : i32
        %slice3A_507 = vector.extract_strided_slice %shift_right_logical3A_438 {offsets = [3], sizes = [1], strides = [1]} : vector<16xi32> to vector<1xi32>
        %squeeze3A_508 = vector.extract %slice3A_507[0] : i32 from vector<1xi32>
        %slice3A_509 = vector.extract_strided_slice %and3A_441 {offsets = [3], sizes = [1], strides = [1]} : vector<16xi32> to vector<1xi32>
        %squeeze3A_510 = vector.extract %slice3A_509[0] : i32 from vector<1xi32>
        %dma_start3A_511 = arith.constant 3 : i32
        %dma_start3A_512 = arith.constant 0 : i32
        %dma_start3A_513 = tpu.memref_slice %arg9[%add3A_506, %dma_start3A_511, %dma_start3A_512] : memref<50x8x64xf32, #tpu.memory_space<vmem>> -> memref<1x1x64xf32, #tpu.memory_space<vmem>>
        %dma_start3A_514 = tpu.memref_squeeze %dma_start3A_513 : memref<1x1x64xf32, #tpu.memory_space<vmem>> -> memref<64xf32, #tpu.memory_space<vmem>>
        %dma_start3A_515 = arith.constant 0 : i32
        %dma_start3A_516 = tpu.memref_slice %arg2[%squeeze3A_508, %squeeze3A_510, %dma_start3A_515] : memref<125000x8x64xf32, #tpu.memory_space<hbm>> -> memref<1x1x64xf32, #tpu.memory_space<hbm>>
        %dma_start3A_517 = tpu.memref_squeeze %dma_start3A_516 : memref<1x1x64xf32, #tpu.memory_space<hbm>> -> memref<64xf32, #tpu.memory_space<hbm>>
        %dma_start3A_518 = arith.constant 0 : i32
        %dma_start3A_519 = tpu.memref_slice %arg9[%add3A_506, %dma_start3A_511, %dma_start3A_518] : memref<50x8x64xf32, #tpu.memory_space<vmem>> -> memref<1x1x64xf32, #tpu.memory_space<vmem>>
        %dma_start3A_520 = tpu.memref_squeeze %dma_start3A_519 : memref<1x1x64xf32, #tpu.memory_space<vmem>> -> memref<64xf32, #tpu.memory_space<vmem>>
        %dma_start3A_521 = arith.constant 0 : i32
        %dma_start3A_522 = tpu.memref_slice %arg2[%squeeze3A_508, %squeeze3A_510, %dma_start3A_521] : memref<125000x8x64xf32, #tpu.memory_space<hbm>> -> memref<1x1x64xf32, #tpu.memory_space<hbm>>
        %dma_start3A_523 = tpu.memref_squeeze %dma_start3A_522 : memref<1x1x64xf32, #tpu.memory_space<hbm>> -> memref<64xf32, #tpu.memory_space<hbm>>
        tpu.enqueue_dma source(%dma_start3A_523 : memref<64xf32, #tpu.memory_space<hbm>>) target(%dma_start3A_520 : memref<64xf32, #tpu.memory_space<vmem>>) target_semaphore(%arg13 : memref<!tpu.dma_semaphore, #tpu.memory_space<semaphore_mem>>)
        %mul3A_524 = arith.constant 2 : i32
        %mul3A_525 = arith.muli %mul3A_524, %scan3A_432 : i32
        %add3A_526 = arith.constant 0 : i32
        %add3A_527 = arith.addi %mul3A_525, %add3A_526 : i32
        %slice3A_528 = vector.extract_strided_slice %shift_right_logical3A_438 {offsets = [4], sizes = [1], strides = [1]} : vector<16xi32> to vector<1xi32>
        %squeeze3A_529 = vector.extract %slice3A_528[0] : i32 from vector<1xi32>
        %slice3A_530 = vector.extract_strided_slice %and3A_441 {offsets = [4], sizes = [1], strides = [1]} : vector<16xi32> to vector<1xi32>
        %squeeze3A_531 = vector.extract %slice3A_530[0] : i32 from vector<1xi32>
        %dma_start3A_532 = arith.constant 4 : i32
        %dma_start3A_533 = arith.constant 0 : i32
        %dma_start3A_534 = tpu.memref_slice %arg9[%add3A_527, %dma_start3A_532, %dma_start3A_533] : memref<50x8x64xf32, #tpu.memory_space<vmem>> -> memref<1x1x64xf32, #tpu.memory_space<vmem>>
        %dma_start3A_535 = tpu.memref_squeeze %dma_start3A_534 : memref<1x1x64xf32, #tpu.memory_space<vmem>> -> memref<64xf32, #tpu.memory_space<vmem>>
        %dma_start3A_536 = arith.constant 0 : i32
        %dma_start3A_537 = tpu.memref_slice %arg2[%squeeze3A_529, %squeeze3A_531, %dma_start3A_536] : memref<125000x8x64xf32, #tpu.memory_space<hbm>> -> memref<1x1x64xf32, #tpu.memory_space<hbm>>
        %dma_start3A_538 = tpu.memref_squeeze %dma_start3A_537 : memref<1x1x64xf32, #tpu.memory_space<hbm>> -> memref<64xf32, #tpu.memory_space<hbm>>
        %dma_start3A_539 = arith.constant 0 : i32
        %dma_start3A_540 = tpu.memref_slice %arg9[%add3A_527, %dma_start3A_532, %dma_start3A_539] : memref<50x8x64xf32, #tpu.memory_space<vmem>> -> memref<1x1x64xf32, #tpu.memory_space<vmem>>
        %dma_start3A_541 = tpu.memref_squeeze %dma_start3A_540 : memref<1x1x64xf32, #tpu.memory_space<vmem>> -> memref<64xf32, #tpu.memory_space<vmem>>
        %dma_start3A_542 = arith.constant 0 : i32
        %dma_start3A_543 = tpu.memref_slice %arg2[%squeeze3A_529, %squeeze3A_531, %dma_start3A_542] : memref<125000x8x64xf32, #tpu.memory_space<hbm>> -> memref<1x1x64xf32, #tpu.memory_space<hbm>>
        %dma_start3A_544 = tpu.memref_squeeze %dma_start3A_543 : memref<1x1x64xf32, #tpu.memory_space<hbm>> -> memref<64xf32, #tpu.memory_space<hbm>>
        tpu.enqueue_dma source(%dma_start3A_544 : memref<64xf32, #tpu.memory_space<hbm>>) target(%dma_start3A_541 : memref<64xf32, #tpu.memory_space<vmem>>) target_semaphore(%arg13 : memref<!tpu.dma_semaphore, #tpu.memory_space<semaphore_mem>>)
        %mul3A_545 = arith.constant 2 : i32
        %mul3A_546 = arith.muli %mul3A_545, %scan3A_432 : i32
        %add3A_547 = arith.constant 0 : i32
        %add3A_548 = arith.addi %mul3A_546, %add3A_547 : i32
        %slice3A_549 = vector.extract_strided_slice %shift_right_logical3A_438 {offsets = [5], sizes = [1], strides = [1]} : vector<16xi32> to vector<1xi32>
        %squeeze3A_550 = vector.extract %slice3A_549[0] : i32 from vector<1xi32>
        %slice3A_551 = vector.extract_strided_slice %and3A_441 {offsets = [5], sizes = [1], strides = [1]} : vector<16xi32> to vector<1xi32>
        %squeeze3A_552 = vector.extract %slice3A_551[0] : i32 from vector<1xi32>
        %dma_start3A_553 = arith.constant 5 : i32
        %dma_start3A_554 = arith.constant 0 : i32
        %dma_start3A_555 = tpu.memref_slice %arg9[%add3A_548, %dma_start3A_553, %dma_start3A_554] : memref<50x8x64xf32, #tpu.memory_space<vmem>> -> memref<1x1x64xf32, #tpu.memory_space<vmem>>
        %dma_start3A_556 = tpu.memref_squeeze %dma_start3A_555 : memref<1x1x64xf32, #tpu.memory_space<vmem>> -> memref<64xf32, #tpu.memory_space<vmem>>
        %dma_start3A_557 = arith.constant 0 : i32
        %dma_start3A_558 = tpu.memref_slice %arg2[%squeeze3A_550, %squeeze3A_552, %dma_start3A_557] : memref<125000x8x64xf32, #tpu.memory_space<hbm>> -> memref<1x1x64xf32, #tpu.memory_space<hbm>>
        %dma_start3A_559 = tpu.memref_squeeze %dma_start3A_558 : memref<1x1x64xf32, #tpu.memory_space<hbm>> -> memref<64xf32, #tpu.memory_space<hbm>>
        %dma_start3A_560 = arith.constant 0 : i32
        %dma_start3A_561 = tpu.memref_slice %arg9[%add3A_548, %dma_start3A_553, %dma_start3A_560] : memref<50x8x64xf32, #tpu.memory_space<vmem>> -> memref<1x1x64xf32, #tpu.memory_space<vmem>>
        %dma_start3A_562 = tpu.memref_squeeze %dma_start3A_561 : memref<1x1x64xf32, #tpu.memory_space<vmem>> -> memref<64xf32, #tpu.memory_space<vmem>>
        %dma_start3A_563 = arith.constant 0 : i32
        %dma_start3A_564 = tpu.memref_slice %arg2[%squeeze3A_550, %squeeze3A_552, %dma_start3A_563] : memref<125000x8x64xf32, #tpu.memory_space<hbm>> -> memref<1x1x64xf32, #tpu.memory_space<hbm>>
        %dma_start3A_565 = tpu.memref_squeeze %dma_start3A_564 : memref<1x1x64xf32, #tpu.memory_space<hbm>> -> memref<64xf32, #tpu.memory_space<hbm>>
        tpu.enqueue_dma source(%dma_start3A_565 : memref<64xf32, #tpu.memory_space<hbm>>) target(%dma_start3A_562 : memref<64xf32, #tpu.memory_space<vmem>>) target_semaphore(%arg13 : memref<!tpu.dma_semaphore, #tpu.memory_space<semaphore_mem>>)
        %mul3A_566 = arith.constant 2 : i32
        %mul3A_567 = arith.muli %mul3A_566, %scan3A_432 : i32
        %add3A_568 = arith.constant 0 : i32
        %add3A_569 = arith.addi %mul3A_567, %add3A_568 : i32
        %slice3A_570 = vector.extract_strided_slice %shift_right_logical3A_438 {offsets = [6], sizes = [1], strides = [1]} : vector<16xi32> to vector<1xi32>
        %squeeze3A_571 = vector.extract %slice3A_570[0] : i32 from vector<1xi32>
        %slice3A_572 = vector.extract_strided_slice %and3A_441 {offsets = [6], sizes = [1], strides = [1]} : vector<16xi32> to vector<1xi32>
        %squeeze3A_573 = vector.extract %slice3A_572[0] : i32 from vector<1xi32>
        %dma_start3A_574 = arith.constant 6 : i32
        %dma_start3A_575 = arith.constant 0 : i32
        %dma_start3A_576 = tpu.memref_slice %arg9[%add3A_569, %dma_start3A_574, %dma_start3A_575] : memref<50x8x64xf32, #tpu.memory_space<vmem>> -> memref<1x1x64xf32, #tpu.memory_space<vmem>>
        %dma_start3A_577 = tpu.memref_squeeze %dma_start3A_576 : memref<1x1x64xf32, #tpu.memory_space<vmem>> -> memref<64xf32, #tpu.memory_space<vmem>>
        %dma_start3A_578 = arith.constant 0 : i32
        %dma_start3A_579 = tpu.memref_slice %arg2[%squeeze3A_571, %squeeze3A_573, %dma_start3A_578] : memref<125000x8x64xf32, #tpu.memory_space<hbm>> -> memref<1x1x64xf32, #tpu.memory_space<hbm>>
        %dma_start3A_580 = tpu.memref_squeeze %dma_start3A_579 : memref<1x1x64xf32, #tpu.memory_space<hbm>> -> memref<64xf32, #tpu.memory_space<hbm>>
        %dma_start3A_581 = arith.constant 0 : i32
        %dma_start3A_582 = tpu.memref_slice %arg9[%add3A_569, %dma_start3A_574, %dma_start3A_581] : memref<50x8x64xf32, #tpu.memory_space<vmem>> -> memref<1x1x64xf32, #tpu.memory_space<vmem>>
        %dma_start3A_583 = tpu.memref_squeeze %dma_start3A_582 : memref<1x1x64xf32, #tpu.memory_space<vmem>> -> memref<64xf32, #tpu.memory_space<vmem>>
        %dma_start3A_584 = arith.constant 0 : i32
        %dma_start3A_585 = tpu.memref_slice %arg2[%squeeze3A_571, %squeeze3A_573, %dma_start3A_584] : memref<125000x8x64xf32, #tpu.memory_space<hbm>> -> memref<1x1x64xf32, #tpu.memory_space<hbm>>
        %dma_start3A_586 = tpu.memref_squeeze %dma_start3A_585 : memref<1x1x64xf32, #tpu.memory_space<hbm>> -> memref<64xf32, #tpu.memory_space<hbm>>
        tpu.enqueue_dma source(%dma_start3A_586 : memref<64xf32, #tpu.memory_space<hbm>>) target(%dma_start3A_583 : memref<64xf32, #tpu.memory_space<vmem>>) target_semaphore(%arg13 : memref<!tpu.dma_semaphore, #tpu.memory_space<semaphore_mem>>)
        %mul3A_587 = arith.constant 2 : i32
        %mul3A_588 = arith.muli %mul3A_587, %scan3A_432 : i32
        %add3A_589 = arith.constant 0 : i32
        %add3A_590 = arith.addi %mul3A_588, %add3A_589 : i32
        %slice3A_591 = vector.extract_strided_slice %shift_right_logical3A_438 {offsets = [7], sizes = [1], strides = [1]} : vector<16xi32> to vector<1xi32>
        %squeeze3A_592 = vector.extract %slice3A_591[0] : i32 from vector<1xi32>
        %slice3A_593 = vector.extract_strided_slice %and3A_441 {offsets = [7], sizes = [1], strides = [1]} : vector<16xi32> to vector<1xi32>
        %squeeze3A_594 = vector.extract %slice3A_593[0] : i32 from vector<1xi32>
        %dma_start3A_595 = arith.constant 7 : i32
        %dma_start3A_596 = arith.constant 0 : i32
        %dma_start3A_597 = tpu.memref_slice %arg9[%add3A_590, %dma_start3A_595, %dma_start3A_596] : memref<50x8x64xf32, #tpu.memory_space<vmem>> -> memref<1x1x64xf32, #tpu.memory_space<vmem>>
        %dma_start3A_598 = tpu.memref_squeeze %dma_start3A_597 : memref<1x1x64xf32, #tpu.memory_space<vmem>> -> memref<64xf32, #tpu.memory_space<vmem>>
        %dma_start3A_599 = arith.constant 0 : i32
        %dma_start3A_600 = tpu.memref_slice %arg2[%squeeze3A_592, %squeeze3A_594, %dma_start3A_599] : memref<125000x8x64xf32, #tpu.memory_space<hbm>> -> memref<1x1x64xf32, #tpu.memory_space<hbm>>
        %dma_start3A_601 = tpu.memref_squeeze %dma_start3A_600 : memref<1x1x64xf32, #tpu.memory_space<hbm>> -> memref<64xf32, #tpu.memory_space<hbm>>
        %dma_start3A_602 = arith.constant 0 : i32
        %dma_start3A_603 = tpu.memref_slice %arg9[%add3A_590, %dma_start3A_595, %dma_start3A_602] : memref<50x8x64xf32, #tpu.memory_space<vmem>> -> memref<1x1x64xf32, #tpu.memory_space<vmem>>
        %dma_start3A_604 = tpu.memref_squeeze %dma_start3A_603 : memref<1x1x64xf32, #tpu.memory_space<vmem>> -> memref<64xf32, #tpu.memory_space<vmem>>
        %dma_start3A_605 = arith.constant 0 : i32
        %dma_start3A_606 = tpu.memref_slice %arg2[%squeeze3A_592, %squeeze3A_594, %dma_start3A_605] : memref<125000x8x64xf32, #tpu.memory_space<hbm>> -> memref<1x1x64xf32, #tpu.memory_space<hbm>>
        %dma_start3A_607 = tpu.memref_squeeze %dma_start3A_606 : memref<1x1x64xf32, #tpu.memory_space<hbm>> -> memref<64xf32, #tpu.memory_space<hbm>>
        tpu.enqueue_dma source(%dma_start3A_607 : memref<64xf32, #tpu.memory_space<hbm>>) target(%dma_start3A_604 : memref<64xf32, #tpu.memory_space<vmem>>) target_semaphore(%arg13 : memref<!tpu.dma_semaphore, #tpu.memory_space<semaphore_mem>>)
        %mul3A_608 = arith.constant 2 : i32
        %mul3A_609 = arith.muli %mul3A_608, %scan3A_432 : i32
        %add3A_610 = arith.constant 1 : i32
        %add3A_611 = arith.addi %mul3A_609, %add3A_610 : i32
        %slice3A_612 = vector.extract_strided_slice %shift_right_logical3A_438 {offsets = [8], sizes = [1], strides = [1]} : vector<16xi32> to vector<1xi32>
        %squeeze3A_613 = vector.extract %slice3A_612[0] : i32 from vector<1xi32>
        %slice3A_614 = vector.extract_strided_slice %and3A_441 {offsets = [8], sizes = [1], strides = [1]} : vector<16xi32> to vector<1xi32>
        %squeeze3A_615 = vector.extract %slice3A_614[0] : i32 from vector<1xi32>
        %dma_start3A_616 = arith.constant 0 : i32
        %dma_start3A_617 = arith.constant 0 : i32
        %dma_start3A_618 = tpu.memref_slice %arg9[%add3A_611, %dma_start3A_616, %dma_start3A_617] : memref<50x8x64xf32, #tpu.memory_space<vmem>> -> memref<1x1x64xf32, #tpu.memory_space<vmem>>
        %dma_start3A_619 = tpu.memref_squeeze %dma_start3A_618 : memref<1x1x64xf32, #tpu.memory_space<vmem>> -> memref<64xf32, #tpu.memory_space<vmem>>
        %dma_start3A_620 = arith.constant 0 : i32
        %dma_start3A_621 = tpu.memref_slice %arg2[%squeeze3A_613, %squeeze3A_615, %dma_start3A_620] : memref<125000x8x64xf32, #tpu.memory_space<hbm>> -> memref<1x1x64xf32, #tpu.memory_space<hbm>>
        %dma_start3A_622 = tpu.memref_squeeze %dma_start3A_621 : memref<1x1x64xf32, #tpu.memory_space<hbm>> -> memref<64xf32, #tpu.memory_space<hbm>>
        %dma_start3A_623 = arith.constant 0 : i32
        %dma_start3A_624 = tpu.memref_slice %arg9[%add3A_611, %dma_start3A_616, %dma_start3A_623] : memref<50x8x64xf32, #tpu.memory_space<vmem>> -> memref<1x1x64xf32, #tpu.memory_space<vmem>>
        %dma_start3A_625 = tpu.memref_squeeze %dma_start3A_624 : memref<1x1x64xf32, #tpu.memory_space<vmem>> -> memref<64xf32, #tpu.memory_space<vmem>>
        %dma_start3A_626 = arith.constant 0 : i32
        %dma_start3A_627 = tpu.memref_slice %arg2[%squeeze3A_613, %squeeze3A_615, %dma_start3A_626] : memref<125000x8x64xf32, #tpu.memory_space<hbm>> -> memref<1x1x64xf32, #tpu.memory_space<hbm>>
        %dma_start3A_628 = tpu.memref_squeeze %dma_start3A_627 : memref<1x1x64xf32, #tpu.memory_space<hbm>> -> memref<64xf32, #tpu.memory_space<hbm>>
        tpu.enqueue_dma source(%dma_start3A_628 : memref<64xf32, #tpu.memory_space<hbm>>) target(%dma_start3A_625 : memref<64xf32, #tpu.memory_space<vmem>>) target_semaphore(%arg13 : memref<!tpu.dma_semaphore, #tpu.memory_space<semaphore_mem>>)
        %mul3A_629 = arith.constant 2 : i32
        %mul3A_630 = arith.muli %mul3A_629, %scan3A_432 : i32
        %add3A_631 = arith.constant 1 : i32
        %add3A_632 = arith.addi %mul3A_630, %add3A_631 : i32
        %slice3A_633 = vector.extract_strided_slice %shift_right_logical3A_438 {offsets = [9], sizes = [1], strides = [1]} : vector<16xi32> to vector<1xi32>
        %squeeze3A_634 = vector.extract %slice3A_633[0] : i32 from vector<1xi32>
        %slice3A_635 = vector.extract_strided_slice %and3A_441 {offsets = [9], sizes = [1], strides = [1]} : vector<16xi32> to vector<1xi32>
        %squeeze3A_636 = vector.extract %slice3A_635[0] : i32 from vector<1xi32>
        %dma_start3A_637 = arith.constant 1 : i32
        %dma_start3A_638 = arith.constant 0 : i32
        %dma_start3A_639 = tpu.memref_slice %arg9[%add3A_632, %dma_start3A_637, %dma_start3A_638] : memref<50x8x64xf32, #tpu.memory_space<vmem>> -> memref<1x1x64xf32, #tpu.memory_space<vmem>>
        %dma_start3A_640 = tpu.memref_squeeze %dma_start3A_639 : memref<1x1x64xf32, #tpu.memory_space<vmem>> -> memref<64xf32, #tpu.memory_space<vmem>>
        %dma_start3A_641 = arith.constant 0 : i32
        %dma_start3A_642 = tpu.memref_slice %arg2[%squeeze3A_634, %squeeze3A_636, %dma_start3A_641] : memref<125000x8x64xf32, #tpu.memory_space<hbm>> -> memref<1x1x64xf32, #tpu.memory_space<hbm>>
        %dma_start3A_643 = tpu.memref_squeeze %dma_start3A_642 : memref<1x1x64xf32, #tpu.memory_space<hbm>> -> memref<64xf32, #tpu.memory_space<hbm>>
        %dma_start3A_644 = arith.constant 0 : i32
        %dma_start3A_645 = tpu.memref_slice %arg9[%add3A_632, %dma_start3A_637, %dma_start3A_644] : memref<50x8x64xf32, #tpu.memory_space<vmem>> -> memref<1x1x64xf32, #tpu.memory_space<vmem>>
        %dma_start3A_646 = tpu.memref_squeeze %dma_start3A_645 : memref<1x1x64xf32, #tpu.memory_space<vmem>> -> memref<64xf32, #tpu.memory_space<vmem>>
        %dma_start3A_647 = arith.constant 0 : i32
        %dma_start3A_648 = tpu.memref_slice %arg2[%squeeze3A_634, %squeeze3A_636, %dma_start3A_647] : memref<125000x8x64xf32, #tpu.memory_space<hbm>> -> memref<1x1x64xf32, #tpu.memory_space<hbm>>
        %dma_start3A_649 = tpu.memref_squeeze %dma_start3A_648 : memref<1x1x64xf32, #tpu.memory_space<hbm>> -> memref<64xf32, #tpu.memory_space<hbm>>
        tpu.enqueue_dma source(%dma_start3A_649 : memref<64xf32, #tpu.memory_space<hbm>>) target(%dma_start3A_646 : memref<64xf32, #tpu.memory_space<vmem>>) target_semaphore(%arg13 : memref<!tpu.dma_semaphore, #tpu.memory_space<semaphore_mem>>)
        %mul3A_650 = arith.constant 2 : i32
        %mul3A_651 = arith.muli %mul3A_650, %scan3A_432 : i32
        %add3A_652 = arith.constant 1 : i32
        %add3A_653 = arith.addi %mul3A_651, %add3A_652 : i32
        %slice3A_654 = vector.extract_strided_slice %shift_right_logical3A_438 {offsets = [10], sizes = [1], strides = [1]} : vector<16xi32> to vector<1xi32>
        %squeeze3A_655 = vector.extract %slice3A_654[0] : i32 from vector<1xi32>
        %slice3A_656 = vector.extract_strided_slice %and3A_441 {offsets = [10], sizes = [1], strides = [1]} : vector<16xi32> to vector<1xi32>
        %squeeze3A_657 = vector.extract %slice3A_656[0] : i32 from vector<1xi32>
        %dma_start3A_658 = arith.constant 2 : i32
        %dma_start3A_659 = arith.constant 0 : i32
        %dma_start3A_660 = tpu.memref_slice %arg9[%add3A_653, %dma_start3A_658, %dma_start3A_659] : memref<50x8x64xf32, #tpu.memory_space<vmem>> -> memref<1x1x64xf32, #tpu.memory_space<vmem>>
        %dma_start3A_661 = tpu.memref_squeeze %dma_start3A_660 : memref<1x1x64xf32, #tpu.memory_space<vmem>> -> memref<64xf32, #tpu.memory_space<vmem>>
        %dma_start3A_662 = arith.constant 0 : i32
        %dma_start3A_663 = tpu.memref_slice %arg2[%squeeze3A_655, %squeeze3A_657, %dma_start3A_662] : memref<125000x8x64xf32, #tpu.memory_space<hbm>> -> memref<1x1x64xf32, #tpu.memory_space<hbm>>
        %dma_start3A_664 = tpu.memref_squeeze %dma_start3A_663 : memref<1x1x64xf32, #tpu.memory_space<hbm>> -> memref<64xf32, #tpu.memory_space<hbm>>
        %dma_start3A_665 = arith.constant 0 : i32
        %dma_start3A_666 = tpu.memref_slice %arg9[%add3A_653, %dma_start3A_658, %dma_start3A_665] : memref<50x8x64xf32, #tpu.memory_space<vmem>> -> memref<1x1x64xf32, #tpu.memory_space<vmem>>
        %dma_start3A_667 = tpu.memref_squeeze %dma_start3A_666 : memref<1x1x64xf32, #tpu.memory_space<vmem>> -> memref<64xf32, #tpu.memory_space<vmem>>
        %dma_start3A_668 = arith.constant 0 : i32
        %dma_start3A_669 = tpu.memref_slice %arg2[%squeeze3A_655, %squeeze3A_657, %dma_start3A_668] : memref<125000x8x64xf32, #tpu.memory_space<hbm>> -> memref<1x1x64xf32, #tpu.memory_space<hbm>>
        %dma_start3A_670 = tpu.memref_squeeze %dma_start3A_669 : memref<1x1x64xf32, #tpu.memory_space<hbm>> -> memref<64xf32, #tpu.memory_space<hbm>>
        tpu.enqueue_dma source(%dma_start3A_670 : memref<64xf32, #tpu.memory_space<hbm>>) target(%dma_start3A_667 : memref<64xf32, #tpu.memory_space<vmem>>) target_semaphore(%arg13 : memref<!tpu.dma_semaphore, #tpu.memory_space<semaphore_mem>>)
        %mul3A_671 = arith.constant 2 : i32
        %mul3A_672 = arith.muli %mul3A_671, %scan3A_432 : i32
        %add3A_673 = arith.constant 1 : i32
        %add3A_674 = arith.addi %mul3A_672, %add3A_673 : i32
        %slice3A_675 = vector.extract_strided_slice %shift_right_logical3A_438 {offsets = [11], sizes = [1], strides = [1]} : vector<16xi32> to vector<1xi32>
        %squeeze3A_676 = vector.extract %slice3A_675[0] : i32 from vector<1xi32>
        %slice3A_677 = vector.extract_strided_slice %and3A_441 {offsets = [11], sizes = [1], strides = [1]} : vector<16xi32> to vector<1xi32>
        %squeeze3A_678 = vector.extract %slice3A_677[0] : i32 from vector<1xi32>
        %dma_start3A_679 = arith.constant 3 : i32
        %dma_start3A_680 = arith.constant 0 : i32
        %dma_start3A_681 = tpu.memref_slice %arg9[%add3A_674, %dma_start3A_679, %dma_start3A_680] : memref<50x8x64xf32, #tpu.memory_space<vmem>> -> memref<1x1x64xf32, #tpu.memory_space<vmem>>
        %dma_start3A_682 = tpu.memref_squeeze %dma_start3A_681 : memref<1x1x64xf32, #tpu.memory_space<vmem>> -> memref<64xf32, #tpu.memory_space<vmem>>
        %dma_start3A_683 = arith.constant 0 : i32
        %dma_start3A_684 = tpu.memref_slice %arg2[%squeeze3A_676, %squeeze3A_678, %dma_start3A_683] : memref<125000x8x64xf32, #tpu.memory_space<hbm>> -> memref<1x1x64xf32, #tpu.memory_space<hbm>>
        %dma_start3A_685 = tpu.memref_squeeze %dma_start3A_684 : memref<1x1x64xf32, #tpu.memory_space<hbm>> -> memref<64xf32, #tpu.memory_space<hbm>>
        %dma_start3A_686 = arith.constant 0 : i32
        %dma_start3A_687 = tpu.memref_slice %arg9[%add3A_674, %dma_start3A_679, %dma_start3A_686] : memref<50x8x64xf32, #tpu.memory_space<vmem>> -> memref<1x1x64xf32, #tpu.memory_space<vmem>>
        %dma_start3A_688 = tpu.memref_squeeze %dma_start3A_687 : memref<1x1x64xf32, #tpu.memory_space<vmem>> -> memref<64xf32, #tpu.memory_space<vmem>>
        %dma_start3A_689 = arith.constant 0 : i32
        %dma_start3A_690 = tpu.memref_slice %arg2[%squeeze3A_676, %squeeze3A_678, %dma_start3A_689] : memref<125000x8x64xf32, #tpu.memory_space<hbm>> -> memref<1x1x64xf32, #tpu.memory_space<hbm>>
        %dma_start3A_691 = tpu.memref_squeeze %dma_start3A_690 : memref<1x1x64xf32, #tpu.memory_space<hbm>> -> memref<64xf32, #tpu.memory_space<hbm>>
        tpu.enqueue_dma source(%dma_start3A_691 : memref<64xf32, #tpu.memory_space<hbm>>) target(%dma_start3A_688 : memref<64xf32, #tpu.memory_space<vmem>>) target_semaphore(%arg13 : memref<!tpu.dma_semaphore, #tpu.memory_space<semaphore_mem>>)
        %mul3A_692 = arith.constant 2 : i32
        %mul3A_693 = arith.muli %mul3A_692, %scan3A_432 : i32
        %add3A_694 = arith.constant 1 : i32
        %add3A_695 = arith.addi %mul3A_693, %add3A_694 : i32
        %slice3A_696 = vector.extract_strided_slice %shift_right_logical3A_438 {offsets = [12], sizes = [1], strides = [1]} : vector<16xi32> to vector<1xi32>
        %squeeze3A_697 = vector.extract %slice3A_696[0] : i32 from vector<1xi32>
        %slice3A_698 = vector.extract_strided_slice %and3A_441 {offsets = [12], sizes = [1], strides = [1]} : vector<16xi32> to vector<1xi32>
        %squeeze3A_699 = vector.extract %slice3A_698[0] : i32 from vector<1xi32>
        %dma_start3A_700 = arith.constant 4 : i32
        %dma_start3A_701 = arith.constant 0 : i32
        %dma_start3A_702 = tpu.memref_slice %arg9[%add3A_695, %dma_start3A_700, %dma_start3A_701] : memref<50x8x64xf32, #tpu.memory_space<vmem>> -> memref<1x1x64xf32, #tpu.memory_space<vmem>>
        %dma_start3A_703 = tpu.memref_squeeze %dma_start3A_702 : memref<1x1x64xf32, #tpu.memory_space<vmem>> -> memref<64xf32, #tpu.memory_space<vmem>>
        %dma_start3A_704 = arith.constant 0 : i32
        %dma_start3A_705 = tpu.memref_slice %arg2[%squeeze3A_697, %squeeze3A_699, %dma_start3A_704] : memref<125000x8x64xf32, #tpu.memory_space<hbm>> -> memref<1x1x64xf32, #tpu.memory_space<hbm>>
        %dma_start3A_706 = tpu.memref_squeeze %dma_start3A_705 : memref<1x1x64xf32, #tpu.memory_space<hbm>> -> memref<64xf32, #tpu.memory_space<hbm>>
        %dma_start3A_707 = arith.constant 0 : i32
        %dma_start3A_708 = tpu.memref_slice %arg9[%add3A_695, %dma_start3A_700, %dma_start3A_707] : memref<50x8x64xf32, #tpu.memory_space<vmem>> -> memref<1x1x64xf32, #tpu.memory_space<vmem>>
        %dma_start3A_709 = tpu.memref_squeeze %dma_start3A_708 : memref<1x1x64xf32, #tpu.memory_space<vmem>> -> memref<64xf32, #tpu.memory_space<vmem>>
        %dma_start3A_710 = arith.constant 0 : i32
        %dma_start3A_711 = tpu.memref_slice %arg2[%squeeze3A_697, %squeeze3A_699, %dma_start3A_710] : memref<125000x8x64xf32, #tpu.memory_space<hbm>> -> memref<1x1x64xf32, #tpu.memory_space<hbm>>
        %dma_start3A_712 = tpu.memref_squeeze %dma_start3A_711 : memref<1x1x64xf32, #tpu.memory_space<hbm>> -> memref<64xf32, #tpu.memory_space<hbm>>
        tpu.enqueue_dma source(%dma_start3A_712 : memref<64xf32, #tpu.memory_space<hbm>>) target(%dma_start3A_709 : memref<64xf32, #tpu.memory_space<vmem>>) target_semaphore(%arg13 : memref<!tpu.dma_semaphore, #tpu.memory_space<semaphore_mem>>)
        %mul3A_713 = arith.constant 2 : i32
        %mul3A_714 = arith.muli %mul3A_713, %scan3A_432 : i32
        %add3A_715 = arith.constant 1 : i32
        %add3A_716 = arith.addi %mul3A_714, %add3A_715 : i32
        %slice3A_717 = vector.extract_strided_slice %shift_right_logical3A_438 {offsets = [13], sizes = [1], strides = [1]} : vector<16xi32> to vector<1xi32>
        %squeeze3A_718 = vector.extract %slice3A_717[0] : i32 from vector<1xi32>
        %slice3A_719 = vector.extract_strided_slice %and3A_441 {offsets = [13], sizes = [1], strides = [1]} : vector<16xi32> to vector<1xi32>
        %squeeze3A_720 = vector.extract %slice3A_719[0] : i32 from vector<1xi32>
        %dma_start3A_721 = arith.constant 5 : i32
        %dma_start3A_722 = arith.constant 0 : i32
        %dma_start3A_723 = tpu.memref_slice %arg9[%add3A_716, %dma_start3A_721, %dma_start3A_722] : memref<50x8x64xf32, #tpu.memory_space<vmem>> -> memref<1x1x64xf32, #tpu.memory_space<vmem>>
        %dma_start3A_724 = tpu.memref_squeeze %dma_start3A_723 : memref<1x1x64xf32, #tpu.memory_space<vmem>> -> memref<64xf32, #tpu.memory_space<vmem>>
        %dma_start3A_725 = arith.constant 0 : i32
        %dma_start3A_726 = tpu.memref_slice %arg2[%squeeze3A_718, %squeeze3A_720, %dma_start3A_725] : memref<125000x8x64xf32, #tpu.memory_space<hbm>> -> memref<1x1x64xf32, #tpu.memory_space<hbm>>
        %dma_start3A_727 = tpu.memref_squeeze %dma_start3A_726 : memref<1x1x64xf32, #tpu.memory_space<hbm>> -> memref<64xf32, #tpu.memory_space<hbm>>
        %dma_start3A_728 = arith.constant 0 : i32
        %dma_start3A_729 = tpu.memref_slice %arg9[%add3A_716, %dma_start3A_721, %dma_start3A_728] : memref<50x8x64xf32, #tpu.memory_space<vmem>> -> memref<1x1x64xf32, #tpu.memory_space<vmem>>
        %dma_start3A_730 = tpu.memref_squeeze %dma_start3A_729 : memref<1x1x64xf32, #tpu.memory_space<vmem>> -> memref<64xf32, #tpu.memory_space<vmem>>
        %dma_start3A_731 = arith.constant 0 : i32
        %dma_start3A_732 = tpu.memref_slice %arg2[%squeeze3A_718, %squeeze3A_720, %dma_start3A_731] : memref<125000x8x64xf32, #tpu.memory_space<hbm>> -> memref<1x1x64xf32, #tpu.memory_space<hbm>>
        %dma_start3A_733 = tpu.memref_squeeze %dma_start3A_732 : memref<1x1x64xf32, #tpu.memory_space<hbm>> -> memref<64xf32, #tpu.memory_space<hbm>>
        tpu.enqueue_dma source(%dma_start3A_733 : memref<64xf32, #tpu.memory_space<hbm>>) target(%dma_start3A_730 : memref<64xf32, #tpu.memory_space<vmem>>) target_semaphore(%arg13 : memref<!tpu.dma_semaphore, #tpu.memory_space<semaphore_mem>>)
        %mul3A_734 = arith.constant 2 : i32
        %mul3A_735 = arith.muli %mul3A_734, %scan3A_432 : i32
        %add3A_736 = arith.constant 1 : i32
        %add3A_737 = arith.addi %mul3A_735, %add3A_736 : i32
        %slice3A_738 = vector.extract_strided_slice %shift_right_logical3A_438 {offsets = [14], sizes = [1], strides = [1]} : vector<16xi32> to vector<1xi32>
        %squeeze3A_739 = vector.extract %slice3A_738[0] : i32 from vector<1xi32>
        %slice3A_740 = vector.extract_strided_slice %and3A_441 {offsets = [14], sizes = [1], strides = [1]} : vector<16xi32> to vector<1xi32>
        %squeeze3A_741 = vector.extract %slice3A_740[0] : i32 from vector<1xi32>
        %dma_start3A_742 = arith.constant 6 : i32
        %dma_start3A_743 = arith.constant 0 : i32
        %dma_start3A_744 = tpu.memref_slice %arg9[%add3A_737, %dma_start3A_742, %dma_start3A_743] : memref<50x8x64xf32, #tpu.memory_space<vmem>> -> memref<1x1x64xf32, #tpu.memory_space<vmem>>
        %dma_start3A_745 = tpu.memref_squeeze %dma_start3A_744 : memref<1x1x64xf32, #tpu.memory_space<vmem>> -> memref<64xf32, #tpu.memory_space<vmem>>
        %dma_start3A_746 = arith.constant 0 : i32
        %dma_start3A_747 = tpu.memref_slice %arg2[%squeeze3A_739, %squeeze3A_741, %dma_start3A_746] : memref<125000x8x64xf32, #tpu.memory_space<hbm>> -> memref<1x1x64xf32, #tpu.memory_space<hbm>>
        %dma_start3A_748 = tpu.memref_squeeze %dma_start3A_747 : memref<1x1x64xf32, #tpu.memory_space<hbm>> -> memref<64xf32, #tpu.memory_space<hbm>>
        %dma_start3A_749 = arith.constant 0 : i32
        %dma_start3A_750 = tpu.memref_slice %arg9[%add3A_737, %dma_start3A_742, %dma_start3A_749] : memref<50x8x64xf32, #tpu.memory_space<vmem>> -> memref<1x1x64xf32, #tpu.memory_space<vmem>>
        %dma_start3A_751 = tpu.memref_squeeze %dma_start3A_750 : memref<1x1x64xf32, #tpu.memory_space<vmem>> -> memref<64xf32, #tpu.memory_space<vmem>>
        %dma_start3A_752 = arith.constant 0 : i32
        %dma_start3A_753 = tpu.memref_slice %arg2[%squeeze3A_739, %squeeze3A_741, %dma_start3A_752] : memref<125000x8x64xf32, #tpu.memory_space<hbm>> -> memref<1x1x64xf32, #tpu.memory_space<hbm>>
        %dma_start3A_754 = tpu.memref_squeeze %dma_start3A_753 : memref<1x1x64xf32, #tpu.memory_space<hbm>> -> memref<64xf32, #tpu.memory_space<hbm>>
        tpu.enqueue_dma source(%dma_start3A_754 : memref<64xf32, #tpu.memory_space<hbm>>) target(%dma_start3A_751 : memref<64xf32, #tpu.memory_space<vmem>>) target_semaphore(%arg13 : memref<!tpu.dma_semaphore, #tpu.memory_space<semaphore_mem>>)
        %mul3A_755 = arith.constant 2 : i32
        %mul3A_756 = arith.muli %mul3A_755, %scan3A_432 : i32
        %add3A_757 = arith.constant 1 : i32
        %add3A_758 = arith.addi %mul3A_756, %add3A_757 : i32
        %slice3A_759 = vector.extract_strided_slice %shift_right_logical3A_438 {offsets = [15], sizes = [1], strides = [1]} : vector<16xi32> to vector<1xi32>
        %squeeze3A_760 = vector.extract %slice3A_759[0] : i32 from vector<1xi32>
        %slice3A_761 = vector.extract_strided_slice %and3A_441 {offsets = [15], sizes = [1], strides = [1]} : vector<16xi32> to vector<1xi32>
        %squeeze3A_762 = vector.extract %slice3A_761[0] : i32 from vector<1xi32>
        %dma_start3A_763 = arith.constant 7 : i32
        %dma_start3A_764 = arith.constant 0 : i32
        %dma_start3A_765 = tpu.memref_slice %arg9[%add3A_758, %dma_start3A_763, %dma_start3A_764] : memref<50x8x64xf32, #tpu.memory_space<vmem>> -> memref<1x1x64xf32, #tpu.memory_space<vmem>>
        %dma_start3A_766 = tpu.memref_squeeze %dma_start3A_765 : memref<1x1x64xf32, #tpu.memory_space<vmem>> -> memref<64xf32, #tpu.memory_space<vmem>>
        %dma_start3A_767 = arith.constant 0 : i32
        %dma_start3A_768 = tpu.memref_slice %arg2[%squeeze3A_760, %squeeze3A_762, %dma_start3A_767] : memref<125000x8x64xf32, #tpu.memory_space<hbm>> -> memref<1x1x64xf32, #tpu.memory_space<hbm>>
        %dma_start3A_769 = tpu.memref_squeeze %dma_start3A_768 : memref<1x1x64xf32, #tpu.memory_space<hbm>> -> memref<64xf32, #tpu.memory_space<hbm>>
        %dma_start3A_770 = arith.constant 0 : i32
        %dma_start3A_771 = tpu.memref_slice %arg9[%add3A_758, %dma_start3A_763, %dma_start3A_770] : memref<50x8x64xf32, #tpu.memory_space<vmem>> -> memref<1x1x64xf32, #tpu.memory_space<vmem>>
        %dma_start3A_772 = tpu.memref_squeeze %dma_start3A_771 : memref<1x1x64xf32, #tpu.memory_space<vmem>> -> memref<64xf32, #tpu.memory_space<vmem>>
        %dma_start3A_773 = arith.constant 0 : i32
        %dma_start3A_774 = tpu.memref_slice %arg2[%squeeze3A_760, %squeeze3A_762, %dma_start3A_773] : memref<125000x8x64xf32, #tpu.memory_space<hbm>> -> memref<1x1x64xf32, #tpu.memory_space<hbm>>
        %dma_start3A_775 = tpu.memref_squeeze %dma_start3A_774 : memref<1x1x64xf32, #tpu.memory_space<hbm>> -> memref<64xf32, #tpu.memory_space<hbm>>
        tpu.enqueue_dma source(%dma_start3A_775 : memref<64xf32, #tpu.memory_space<hbm>>) target(%dma_start3A_772 : memref<64xf32, #tpu.memory_space<vmem>>) target_semaphore(%arg13 : memref<!tpu.dma_semaphore, #tpu.memory_space<semaphore_mem>>)
      }
      %scan3A_297 = arith.constant 25 : i32
      %add3A_298 = arith.constant 2 : i32
      %add3A_299 = arith.addi %add3A_279, %add3A_298 : i32
      %mul3A_300 = arith.constant 400 : i32
      %mul3A_301 = arith.muli %add3A_299, %mul3A_300 : i32
      %add3A_302 = arith.addi %mul3A_2, %mul3A_301 : i32
      %dma_start3A_303 = tpu.memref_slice %arg3[%add3A_302] : memref<204800xi32, #tpu.memory_space<hbm>> -> memref<400xi32, #tpu.memory_space<hbm>>
      %dma_start3A_304 = tpu.memref_slice %arg3[%add3A_302] : memref<204800xi32, #tpu.memory_space<hbm>> -> memref<400xi32, #tpu.memory_space<hbm>>
      tpu.enqueue_dma source(%dma_start3A_304 : memref<400xi32, #tpu.memory_space<hbm>>) target(%arg6 : memref<400xi32, #tpu.memory_space<vmem>>) target_semaphore(%arg11 : memref<!tpu.dma_semaphore, #tpu.memory_space<semaphore_mem>>)
      %dma_wait3A_305 = arith.constant 0 : i32
      %dma_wait3A_306 = arith.constant 0 : i32
      %dma_wait3A_307 = arith.constant 0 : i32
      %dma_wait3A_308 = tpu.memref_slice %arg2[%dma_wait3A_305, %dma_wait3A_306, %dma_wait3A_307] : memref<125000x8x64xf32, #tpu.memory_space<hbm>> -> memref<50x8x64xf32, #tpu.memory_space<hbm>>
      %dma_wait3A_309 = arith.constant 0 : i32
      %dma_wait3A_310 = arith.constant 0 : i32
      %dma_wait3A_311 = arith.constant 0 : i32
      %dma_wait3A_312 = tpu.memref_slice %arg2[%dma_wait3A_309, %dma_wait3A_310, %dma_wait3A_311] : memref<125000x8x64xf32, #tpu.memory_space<hbm>> -> memref<50x8x64xf32, #tpu.memory_space<hbm>>
      tpu.wait_dma2 semaphore(%arg14 : memref<!tpu.dma_semaphore, #tpu.memory_space<semaphore_mem>>) src(%dma_wait3A_312 : memref<50x8x64xf32, #tpu.memory_space<hbm>>) dst(%arg10 : memref<50x8x64xf32, #tpu.memory_space<vmem>>)
      %scan3A_313 = arith.constant 0 : i32
      %scan3A_314 = arith.constant 0 : i32
      %scan3A_315 = arith.constant 200 : i32
      %scan3A_316 = arith.addi %scan3A_314, %scan3A_315 : i32
      %scan3A_317 = arith.constant 1 : i32
      scf.for %scan3A_432 = %scan3A_314 to %scan3A_316 step %scan3A_317  : i32 {
        %shift_right_logical3A = arith.constant 3 : i32
        %shift_right_logical3A_433 = arith.shrui %scan3A_432, %shift_right_logical3A : i32
        %and3A_434 = arith.constant 7 : i32
        %and3A_435 = arith.andi %scan3A_432, %and3A_434 : i32
        %add3A_436 = arith.constant 0 : i32
        %add3A_437 = arith.addi %shift_right_logical3A_433, %add3A_436 : i32
        %mul3A_438 = arith.constant 64 : i32
        %mul3A_439 = arith.muli %scan3A_432, %mul3A_438 : i32
        %add3A_440 = arith.constant 0 : i32
        %add3A_441 = arith.addi %mul3A_439, %add3A_440 : i32
        %get3A = arith.index_cast %add3A_441 : i32 to index
        %get3A_442 = tpu.vector_load %arg8[%get3A] {strides = array<i32>} : memref<12800xf32, #tpu.memory_space<vmem>>, vector<16xf32>,
        %get3A_443 = vector.shape_cast %get3A_442 : vector<16xf32> to vector<16xf32>
        %get3A_444 = arith.index_cast %add3A_437 : i32 to index
        %get3A_445 = arith.index_cast %and3A_435 : i32 to index
        %get3A_446 = arith.constant 0 : index
        %get3A_447 = tpu.vector_load %arg10[%get3A_444, %get3A_445, %get3A_446] {strides = array<i32>} : memref<50x8x64xf32, #tpu.memory_space<vmem>>, vector<1x1x16xf32>,
        %get3A_448 = vector.shape_cast %get3A_447 : vector<1x1x16xf32> to vector<16xf32>
        %mul3A_449 = vector.broadcast %scan3A_76 : f32 to vector<16xf32>
        %mul3A_450 = arith.mulf %get3A_448, %mul3A_449 : vector<16xf32>
        %add3A_451 = arith.addf %mul3A_450, %get3A_443 : vector<16xf32>
        %swap3A = arith.index_cast %add3A_437 : i32 to index
        %swap3A_452 = arith.index_cast %and3A_435 : i32 to index
        %swap3A_453 = arith.constant 0 : index
        %swap3A_454 = tpu.vector_load %arg10[%swap3A, %swap3A_452, %swap3A_453] {strides = array<i32>} : memref<50x8x64xf32, #tpu.memory_space<vmem>>, vector<1x1x16xf32>,
        %swap3A_455 = vector.shape_cast %swap3A_454 : vector<1x1x16xf32> to vector<16xf32>
        %swap3A_456 = vector.shape_cast %add3A_451 : vector<16xf32> to vector<1x1x16xf32>
        tpu.vector_store %arg10[%swap3A, %swap3A_452, %swap3A_453], %swap3A_456 {strides = array<i32>} : memref<50x8x64xf32, #tpu.memory_space<vmem>>, vector<1x1x16xf32>,
        %mul3A_457 = arith.constant 64 : i32
        %mul3A_458 = arith.muli %scan3A_432, %mul3A_457 : i32
        %add3A_459 = arith.constant 16 : i32
        %add3A_460 = arith.addi %mul3A_458, %add3A_459 : i32
        %get3A_461 = arith.index_cast %add3A_460 : i32 to index
        %get3A_462 = tpu.vector_load %arg8[%get3A_461] {strides = array<i32>} : memref<12800xf32, #tpu.memory_space<vmem>>, vector<16xf32>,
        %get3A_463 = vector.shape_cast %get3A_462 : vector<16xf32> to vector<16xf32>
        %get3A_464 = arith.index_cast %add3A_437 : i32 to index
        %get3A_465 = arith.index_cast %and3A_435 : i32 to index
        %get3A_466 = arith.constant 16 : index
        %get3A_467 = tpu.vector_load %arg10[%get3A_464, %get3A_465, %get3A_466] {strides = array<i32>} : memref<50x8x64xf32, #tpu.memory_space<vmem>>, vector<1x1x16xf32>,
        %get3A_468 = vector.shape_cast %get3A_467 : vector<1x1x16xf32> to vector<16xf32>
        %mul3A_469 = vector.broadcast %scan3A_76 : f32 to vector<16xf32>
        %mul3A_470 = arith.mulf %get3A_468, %mul3A_469 : vector<16xf32>
        %add3A_471 = arith.addf %mul3A_470, %get3A_463 : vector<16xf32>
        %swap3A_472 = arith.index_cast %add3A_437 : i32 to index
        %swap3A_473 = arith.index_cast %and3A_435 : i32 to index
        %swap3A_474 = arith.constant 16 : index
        %swap3A_475 = tpu.vector_load %arg10[%swap3A_472, %swap3A_473, %swap3A_474] {strides = array<i32>} : memref<50x8x64xf32, #tpu.memory_space<vmem>>, vector<1x1x16xf32>,
        %swap3A_476 = vector.shape_cast %swap3A_475 : vector<1x1x16xf32> to vector<16xf32>
        %swap3A_477 = vector.shape_cast %add3A_471 : vector<16xf32> to vector<1x1x16xf32>
        tpu.vector_store %arg10[%swap3A_472, %swap3A_473, %swap3A_474], %swap3A_477 {strides = array<i32>} : memref<50x8x64xf32, #tpu.memory_space<vmem>>, vector<1x1x16xf32>,
        %mul3A_478 = arith.constant 64 : i32
        %mul3A_479 = arith.muli %scan3A_432, %mul3A_478 : i32
        %add3A_480 = arith.constant 32 : i32
        %add3A_481 = arith.addi %mul3A_479, %add3A_480 : i32
        %get3A_482 = arith.index_cast %add3A_481 : i32 to index
        %get3A_483 = tpu.vector_load %arg8[%get3A_482] {strides = array<i32>} : memref<12800xf32, #tpu.memory_space<vmem>>, vector<16xf32>,
        %get3A_484 = vector.shape_cast %get3A_483 : vector<16xf32> to vector<16xf32>
        %get3A_485 = arith.index_cast %add3A_437 : i32 to index
        %get3A_486 = arith.index_cast %and3A_435 : i32 to index
        %get3A_487 = arith.constant 32 : index
        %get3A_488 = tpu.vector_load %arg10[%get3A_485, %get3A_486, %get3A_487] {strides = array<i32>} : memref<50x8x64xf32, #tpu.memory_space<vmem>>, vector<1x1x16xf32>,
        %get3A_489 = vector.shape_cast %get3A_488 : vector<1x1x16xf32> to vector<16xf32>
        %mul3A_490 = vector.broadcast %scan3A_76 : f32 to vector<16xf32>
        %mul3A_491 = arith.mulf %get3A_489, %mul3A_490 : vector<16xf32>
        %add3A_492 = arith.addf %mul3A_491, %get3A_484 : vector<16xf32>
        %swap3A_493 = arith.index_cast %add3A_437 : i32 to index
        %swap3A_494 = arith.index_cast %and3A_435 : i32 to index
        %swap3A_495 = arith.constant 32 : index
        %swap3A_496 = tpu.vector_load %arg10[%swap3A_493, %swap3A_494, %swap3A_495] {strides = array<i32>} : memref<50x8x64xf32, #tpu.memory_space<vmem>>, vector<1x1x16xf32>,
        %swap3A_497 = vector.shape_cast %swap3A_496 : vector<1x1x16xf32> to vector<16xf32>
        %swap3A_498 = vector.shape_cast %add3A_492 : vector<16xf32> to vector<1x1x16xf32>
        tpu.vector_store %arg10[%swap3A_493, %swap3A_494, %swap3A_495], %swap3A_498 {strides = array<i32>} : memref<50x8x64xf32, #tpu.memory_space<vmem>>, vector<1x1x16xf32>,
        %mul3A_499 = arith.constant 64 : i32
        %mul3A_500 = arith.muli %scan3A_432, %mul3A_499 : i32
        %add3A_501 = arith.constant 48 : i32
        %add3A_502 = arith.addi %mul3A_500, %add3A_501 : i32
        %get3A_503 = arith.index_cast %add3A_502 : i32 to index
        %get3A_504 = tpu.vector_load %arg8[%get3A_503] {strides = array<i32>} : memref<12800xf32, #tpu.memory_space<vmem>>, vector<16xf32>,
        %get3A_505 = vector.shape_cast %get3A_504 : vector<16xf32> to vector<16xf32>
        %get3A_506 = arith.index_cast %add3A_437 : i32 to index
        %get3A_507 = arith.index_cast %and3A_435 : i32 to index
        %get3A_508 = arith.constant 48 : index
        %get3A_509 = tpu.vector_load %arg10[%get3A_506, %get3A_507, %get3A_508] {strides = array<i32>} : memref<50x8x64xf32, #tpu.memory_space<vmem>>, vector<1x1x16xf32>,
        %get3A_510 = vector.shape_cast %get3A_509 : vector<1x1x16xf32> to vector<16xf32>
        %mul3A_511 = vector.broadcast %scan3A_76 : f32 to vector<16xf32>
        %mul3A_512 = arith.mulf %get3A_510, %mul3A_511 : vector<16xf32>
        %add3A_513 = arith.addf %mul3A_512, %get3A_505 : vector<16xf32>
        %swap3A_514 = arith.index_cast %add3A_437 : i32 to index
        %swap3A_515 = arith.index_cast %and3A_435 : i32 to index
        %swap3A_516 = arith.constant 48 : index
        %swap3A_517 = tpu.vector_load %arg10[%swap3A_514, %swap3A_515, %swap3A_516] {strides = array<i32>} : memref<50x8x64xf32, #tpu.memory_space<vmem>>, vector<1x1x16xf32>,
        %swap3A_518 = vector.shape_cast %swap3A_517 : vector<1x1x16xf32> to vector<16xf32>
        %swap3A_519 = vector.shape_cast %add3A_513 : vector<16xf32> to vector<1x1x16xf32>
        tpu.vector_store %arg10[%swap3A_514, %swap3A_515, %swap3A_516], %swap3A_519 {strides = array<i32>} : memref<50x8x64xf32, #tpu.memory_space<vmem>>, vector<1x1x16xf32>,
        %add3A_520 = arith.constant 25 : i32
        %add3A_521 = arith.addi %shift_right_logical3A_433, %add3A_520 : i32
        %mul3A_522 = arith.constant 64 : i32
        %mul3A_523 = arith.muli %scan3A_432, %mul3A_522 : i32
        %add3A_524 = arith.constant 0 : i32
        %add3A_525 = arith.addi %mul3A_523, %add3A_524 : i32
        %get3A_526 = arith.index_cast %add3A_525 : i32 to index
        %get3A_527 = tpu.vector_load %arg8[%get3A_526] {strides = array<i32>} : memref<12800xf32, #tpu.memory_space<vmem>>, vector<16xf32>,
        %get3A_528 = vector.shape_cast %get3A_527 : vector<16xf32> to vector<16xf32>
        %get3A_529 = arith.index_cast %add3A_521 : i32 to index
        %get3A_530 = arith.index_cast %and3A_435 : i32 to index
        %get3A_531 = arith.constant 0 : index
        %get3A_532 = tpu.vector_load %arg10[%get3A_529, %get3A_530, %get3A_531] {strides = array<i32>} : memref<50x8x64xf32, #tpu.memory_space<vmem>>, vector<1x1x16xf32>,
        %get3A_533 = vector.shape_cast %get3A_532 : vector<1x1x16xf32> to vector<16xf32>
        %mul3A_534 = vector.broadcast %scan3A_76 : f32 to vector<16xf32>
        %mul3A_535 = arith.mulf %get3A_533, %mul3A_534 : vector<16xf32>
        %add3A_536 = arith.addf %mul3A_535, %get3A_528 : vector<16xf32>
        %swap3A_537 = arith.index_cast %add3A_521 : i32 to index
        %swap3A_538 = arith.index_cast %and3A_435 : i32 to index
        %swap3A_539 = arith.constant 0 : index
        %swap3A_540 = tpu.vector_load %arg10[%swap3A_537, %swap3A_538, %swap3A_539] {strides = array<i32>} : memref<50x8x64xf32, #tpu.memory_space<vmem>>, vector<1x1x16xf32>,
        %swap3A_541 = vector.shape_cast %swap3A_540 : vector<1x1x16xf32> to vector<16xf32>
        %swap3A_542 = vector.shape_cast %add3A_536 : vector<16xf32> to vector<1x1x16xf32>
        tpu.vector_store %arg10[%swap3A_537, %swap3A_538, %swap3A_539], %swap3A_542 {strides = array<i32>} : memref<50x8x64xf32, #tpu.memory_space<vmem>>, vector<1x1x16xf32>,
        %mul3A_543 = arith.constant 64 : i32
        %mul3A_544 = arith.muli %scan3A_432, %mul3A_543 : i32
        %add3A_545 = arith.constant 16 : i32
        %add3A_546 = arith.addi %mul3A_544, %add3A_545 : i32
        %get3A_547 = arith.index_cast %add3A_546 : i32 to index
        %get3A_548 = tpu.vector_load %arg8[%get3A_547] {strides = array<i32>} : memref<12800xf32, #tpu.memory_space<vmem>>, vector<16xf32>,
        %get3A_549 = vector.shape_cast %get3A_548 : vector<16xf32> to vector<16xf32>
        %get3A_550 = arith.index_cast %add3A_521 : i32 to index
        %get3A_551 = arith.index_cast %and3A_435 : i32 to index
        %get3A_552 = arith.constant 16 : index
        %get3A_553 = tpu.vector_load %arg10[%get3A_550, %get3A_551, %get3A_552] {strides = array<i32>} : memref<50x8x64xf32, #tpu.memory_space<vmem>>, vector<1x1x16xf32>,
        %get3A_554 = vector.shape_cast %get3A_553 : vector<1x1x16xf32> to vector<16xf32>
        %mul3A_555 = vector.broadcast %scan3A_76 : f32 to vector<16xf32>
        %mul3A_556 = arith.mulf %get3A_554, %mul3A_555 : vector<16xf32>
        %add3A_557 = arith.addf %mul3A_556, %get3A_549 : vector<16xf32>
        %swap3A_558 = arith.index_cast %add3A_521 : i32 to index
        %swap3A_559 = arith.index_cast %and3A_435 : i32 to index
        %swap3A_560 = arith.constant 16 : index
        %swap3A_561 = tpu.vector_load %arg10[%swap3A_558, %swap3A_559, %swap3A_560] {strides = array<i32>} : memref<50x8x64xf32, #tpu.memory_space<vmem>>, vector<1x1x16xf32>,
        %swap3A_562 = vector.shape_cast %swap3A_561 : vector<1x1x16xf32> to vector<16xf32>
        %swap3A_563 = vector.shape_cast %add3A_557 : vector<16xf32> to vector<1x1x16xf32>
        tpu.vector_store %arg10[%swap3A_558, %swap3A_559, %swap3A_560], %swap3A_563 {strides = array<i32>} : memref<50x8x64xf32, #tpu.memory_space<vmem>>, vector<1x1x16xf32>,
        %mul3A_564 = arith.constant 64 : i32
        %mul3A_565 = arith.muli %scan3A_432, %mul3A_564 : i32
        %add3A_566 = arith.constant 32 : i32
        %add3A_567 = arith.addi %mul3A_565, %add3A_566 : i32
        %get3A_568 = arith.index_cast %add3A_567 : i32 to index
        %get3A_569 = tpu.vector_load %arg8[%get3A_568] {strides = array<i32>} : memref<12800xf32, #tpu.memory_space<vmem>>, vector<16xf32>,
        %get3A_570 = vector.shape_cast %get3A_569 : vector<16xf32> to vector<16xf32>
        %get3A_571 = arith.index_cast %add3A_521 : i32 to index
        %get3A_572 = arith.index_cast %and3A_435 : i32 to index
        %get3A_573 = arith.constant 32 : index
        %get3A_574 = tpu.vector_load %arg10[%get3A_571, %get3A_572, %get3A_573] {strides = array<i32>} : memref<50x8x64xf32, #tpu.memory_space<vmem>>, vector<1x1x16xf32>,
        %get3A_575 = vector.shape_cast %get3A_574 : vector<1x1x16xf32> to vector<16xf32>
        %mul3A_576 = vector.broadcast %scan3A_76 : f32 to vector<16xf32>
        %mul3A_577 = arith.mulf %get3A_575, %mul3A_576 : vector<16xf32>
        %add3A_578 = arith.addf %mul3A_577, %get3A_570 : vector<16xf32>
        %swap3A_579 = arith.index_cast %add3A_521 : i32 to index
        %swap3A_580 = arith.index_cast %and3A_435 : i32 to index
        %swap3A_581 = arith.constant 32 : index
        %swap3A_582 = tpu.vector_load %arg10[%swap3A_579, %swap3A_580, %swap3A_581] {strides = array<i32>} : memref<50x8x64xf32, #tpu.memory_space<vmem>>, vector<1x1x16xf32>,
        %swap3A_583 = vector.shape_cast %swap3A_582 : vector<1x1x16xf32> to vector<16xf32>
        %swap3A_584 = vector.shape_cast %add3A_578 : vector<16xf32> to vector<1x1x16xf32>
        tpu.vector_store %arg10[%swap3A_579, %swap3A_580, %swap3A_581], %swap3A_584 {strides = array<i32>} : memref<50x8x64xf32, #tpu.memory_space<vmem>>, vector<1x1x16xf32>,
        %mul3A_585 = arith.constant 64 : i32
        %mul3A_586 = arith.muli %scan3A_432, %mul3A_585 : i32
        %add3A_587 = arith.constant 48 : i32
        %add3A_588 = arith.addi %mul3A_586, %add3A_587 : i32
        %get3A_589 = arith.index_cast %add3A_588 : i32 to index
        %get3A_590 = tpu.vector_load %arg8[%get3A_589] {strides = array<i32>} : memref<12800xf32, #tpu.memory_space<vmem>>, vector<16xf32>,
        %get3A_591 = vector.shape_cast %get3A_590 : vector<16xf32> to vector<16xf32>
        %get3A_592 = arith.index_cast %add3A_521 : i32 to index
        %get3A_593 = arith.index_cast %and3A_435 : i32 to index
        %get3A_594 = arith.constant 48 : index
        %get3A_595 = tpu.vector_load %arg10[%get3A_592, %get3A_593, %get3A_594] {strides = array<i32>} : memref<50x8x64xf32, #tpu.memory_space<vmem>>, vector<1x1x16xf32>,
        %get3A_596 = vector.shape_cast %get3A_595 : vector<1x1x16xf32> to vector<16xf32>
        %mul3A_597 = vector.broadcast %scan3A_76 : f32 to vector<16xf32>
        %mul3A_598 = arith.mulf %get3A_596, %mul3A_597 : vector<16xf32>
        %add3A_599 = arith.addf %mul3A_598, %get3A_591 : vector<16xf32>
        %swap3A_600 = arith.index_cast %add3A_521 : i32 to index
        %swap3A_601 = arith.index_cast %and3A_435 : i32 to index
        %swap3A_602 = arith.constant 48 : index
        %swap3A_603 = tpu.vector_load %arg10[%swap3A_600, %swap3A_601, %swap3A_602] {strides = array<i32>} : memref<50x8x64xf32, #tpu.memory_space<vmem>>, vector<1x1x16xf32>,
        %swap3A_604 = vector.shape_cast %swap3A_603 : vector<1x1x16xf32> to vector<16xf32>
        %swap3A_605 = vector.shape_cast %add3A_599 : vector<16xf32> to vector<1x1x16xf32>
        tpu.vector_store %arg10[%swap3A_600, %swap3A_601, %swap3A_602], %swap3A_605 {strides = array<i32>} : memref<50x8x64xf32, #tpu.memory_space<vmem>>, vector<1x1x16xf32>,
      }
      %scan3A_318 = arith.constant 200 : i32
      %sub3A_319 = arith.constant 1 : i32
      %sub3A_320 = arith.subi %add3A_279, %sub3A_319 : i32
      %mul3A_321 = arith.constant 400 : i32
      %mul3A_322 = arith.muli %sub3A_320, %mul3A_321 : i32
      %add3A_323 = arith.addi %mul3A_2, %mul3A_322 : i32
      %jit3A_324 = arith.constant 8 : i32
      %div3A_325 = arith.divsi %add3A_323, %jit3A_324 : i32
      %sign3A_326 = arith.constant 0 : i32
      %sign3A_327 = arith.cmpi sgt, %add3A_323, %sign3A_326 : i32
      %sign3A_328 = arith.extui %sign3A_327 : i1 to i32
      %sign3A_329 = arith.constant 0 : i32
      %sign3A_330 = arith.cmpi slt, %add3A_323, %sign3A_329 : i32
      %sign3A_331 = arith.extui %sign3A_330 : i1 to i32
      %sign3A_332 = arith.subi %sign3A_328, %sign3A_331 : i32
      %sign3A_333 = arith.constant 0 : i32
      %sign3A_334 = arith.cmpi sgt, %jit3A_324, %sign3A_333 : i32
      %sign3A_335 = arith.extui %sign3A_334 : i1 to i32
      %sign3A_336 = arith.constant 0 : i32
      %sign3A_337 = arith.cmpi slt, %jit3A_324, %sign3A_336 : i32
      %sign3A_338 = arith.extui %sign3A_337 : i1 to i32
      %sign3A_339 = arith.subi %sign3A_335, %sign3A_338 : i32
      %ne3A_340 = arith.cmpi ne, %sign3A_332, %sign3A_339 : i32
      %rem3A_341 = arith.remsi %add3A_323, %jit3A_324 : i32
      %ne3A_342 = arith.constant 0 : i32
      %ne3A_343 = arith.cmpi ne, %rem3A_341, %ne3A_342 : i32
      %and3A_344 = arith.andi %ne3A_340, %ne3A_343 : i1
      %sub3A_345 = arith.constant 1 : i32
      %sub3A_346 = arith.subi %div3A_325, %sub3A_345 : i32
      %select_n3A_347 = arith.select %and3A_344, %sub3A_346, %div3A_325 : i32
      %dma_start3A_348 = arith.constant 0 : i32
      %dma_start3A_349 = arith.constant 0 : i32
      %dma_start3A_350 = tpu.memref_slice %arg5[%select_n3A_347, %dma_start3A_348, %dma_start3A_349] : memref<25600x8x64xf32, #tpu.memory_space<hbm>> -> memref<50x8x64xf32, #tpu.memory_space<hbm>>
      %dma_start3A_351 = arith.constant 0 : i32
      %dma_start3A_352 = arith.constant 0 : i32
      %dma_start3A_353 = tpu.memref_slice %arg5[%select_n3A_347, %dma_start3A_351, %dma_start3A_352] : memref<25600x8x64xf32, #tpu.memory_space<hbm>> -> memref<50x8x64xf32, #tpu.memory_space<hbm>>
      tpu.enqueue_dma source(%arg10 : memref<50x8x64xf32, #tpu.memory_space<vmem>>) target(%dma_start3A_353 : memref<50x8x64xf32, #tpu.memory_space<hbm>>) target_semaphore(%arg16 : memref<!tpu.dma_semaphore, #tpu.memory_space<semaphore_mem>>)
      %mul3A_354 = arith.constant 2 : i32
      %mul3A_355 = arith.muli %mul3A_354, %scan3A_275 : i32
      %add3A_356 = arith.constant 1 : i32
      %add3A_357 = arith.addi %mul3A_355, %add3A_356 : i32
      %dma_wait3A_358 = arith.constant 0 : i32
      %dma_wait3A_359 = arith.constant 0 : i32
      %dma_wait3A_360 = arith.constant 0 : i32
      %dma_wait3A_361 = tpu.memref_slice %arg5[%dma_wait3A_358, %dma_wait3A_359, %dma_wait3A_360] : memref<25600x8x64xf32, #tpu.memory_space<hbm>> -> memref<50x8x64xf32, #tpu.memory_space<hbm>>
      %dma_wait3A_362 = arith.constant 0 : i32
      %dma_wait3A_363 = arith.constant 0 : i32
      %dma_wait3A_364 = arith.constant 0 : i32
      %dma_wait3A_365 = tpu.memref_slice %arg5[%dma_wait3A_362, %dma_wait3A_363, %dma_wait3A_364] : memref<25600x8x64xf32, #tpu.memory_space<hbm>> -> memref<50x8x64xf32, #tpu.memory_space<hbm>>
      tpu.wait_dma2 semaphore(%arg16 : memref<!tpu.dma_semaphore, #tpu.memory_space<semaphore_mem>>) src(%arg10 : memref<50x8x64xf32, #tpu.memory_space<vmem>>) dst(%dma_wait3A_365 : memref<50x8x64xf32, #tpu.memory_space<hbm>>)
      %dma_wait3A_366 = arith.constant 0 : i32
      %dma_wait3A_367 = tpu.memref_slice %arg3[%dma_wait3A_366] : memref<204800xi32, #tpu.memory_space<hbm>> -> memref<400xi32, #tpu.memory_space<hbm>>
      %dma_wait3A_368 = arith.constant 0 : i32
      %dma_wait3A_369 = tpu.memref_slice %arg3[%dma_wait3A_368] : memref<204800xi32, #tpu.memory_space<hbm>> -> memref<400xi32, #tpu.memory_space<hbm>>
      tpu.wait_dma2 semaphore(%arg12 : memref<!tpu.dma_semaphore, #tpu.memory_space<semaphore_mem>>) src(%dma_wait3A_369 : memref<400xi32, #tpu.memory_space<hbm>>) dst(%arg7 : memref<400xi32, #tpu.memory_space<vmem>>)
      %scan3A_370 = arith.constant 0 : i32
      %scan3A_371 = arith.constant 0 : i32
      %scan3A_372 = arith.constant 25 : i32
      %scan3A_373 = arith.addi %scan3A_371, %scan3A_372 : i32
      %scan3A_374 = arith.constant 1 : i32
      scf.for %scan3A_432 = %scan3A_371 to %scan3A_373 step %scan3A_374  : i32 {
        %mul3A_433 = arith.constant 16 : i32
        %mul3A_434 = arith.muli %scan3A_432, %mul3A_433 : i32
        %get3A = arith.index_cast %mul3A_434 : i32 to index
        %get3A_435 = tpu.vector_load %arg7[%get3A] {strides = array<i32>} : memref<400xi32, #tpu.memory_space<vmem>>, vector<16xi32>,
        %get3A_436 = vector.shape_cast %get3A_435 : vector<16xi32> to vector<16xi32>
        %shift_right_logical3A = arith.constant 3 : i32
        %shift_right_logical3A_437 = vector.broadcast %shift_right_logical3A : i32 to vector<16xi32>
        %shift_right_logical3A_438 = arith.shrui %get3A_436, %shift_right_logical3A_437 : vector<16xi32>
        %and3A_439 = arith.constant 7 : i32
        %and3A_440 = vector.broadcast %and3A_439 : i32 to vector<16xi32>
        %and3A_441 = arith.andi %get3A_436, %and3A_440 : vector<16xi32>
        %mul3A_442 = arith.constant 2 : i32
        %mul3A_443 = arith.muli %mul3A_442, %scan3A_432 : i32
        %add3A_444 = arith.constant 0 : i32
        %add3A_445 = arith.addi %mul3A_443, %add3A_444 : i32
        %slice3A = vector.extract_strided_slice %shift_right_logical3A_438 {offsets = [0], sizes = [1], strides = [1]} : vector<16xi32> to vector<1xi32>
        %squeeze3A = vector.extract %slice3A[0] : i32 from vector<1xi32>
        %slice3A_446 = vector.extract_strided_slice %and3A_441 {offsets = [0], sizes = [1], strides = [1]} : vector<16xi32> to vector<1xi32>
        %squeeze3A_447 = vector.extract %slice3A_446[0] : i32 from vector<1xi32>
        %dma_start3A_448 = arith.constant 0 : i32
        %dma_start3A_449 = arith.constant 0 : i32
        %dma_start3A_450 = tpu.memref_slice %arg10[%add3A_445, %dma_start3A_448, %dma_start3A_449] : memref<50x8x64xf32, #tpu.memory_space<vmem>> -> memref<1x1x64xf32, #tpu.memory_space<vmem>>
        %dma_start3A_451 = tpu.memref_squeeze %dma_start3A_450 : memref<1x1x64xf32, #tpu.memory_space<vmem>> -> memref<64xf32, #tpu.memory_space<vmem>>
        %dma_start3A_452 = arith.constant 0 : i32
        %dma_start3A_453 = tpu.memref_slice %arg2[%squeeze3A, %squeeze3A_447, %dma_start3A_452] : memref<125000x8x64xf32, #tpu.memory_space<hbm>> -> memref<1x1x64xf32, #tpu.memory_space<hbm>>
        %dma_start3A_454 = tpu.memref_squeeze %dma_start3A_453 : memref<1x1x64xf32, #tpu.memory_space<hbm>> -> memref<64xf32, #tpu.memory_space<hbm>>
        %dma_start3A_455 = arith.constant 0 : i32
        %dma_start3A_456 = tpu.memref_slice %arg10[%add3A_445, %dma_start3A_448, %dma_start3A_455] : memref<50x8x64xf32, #tpu.memory_space<vmem>> -> memref<1x1x64xf32, #tpu.memory_space<vmem>>
        %dma_start3A_457 = tpu.memref_squeeze %dma_start3A_456 : memref<1x1x64xf32, #tpu.memory_space<vmem>> -> memref<64xf32, #tpu.memory_space<vmem>>
        %dma_start3A_458 = arith.constant 0 : i32
        %dma_start3A_459 = tpu.memref_slice %arg2[%squeeze3A, %squeeze3A_447, %dma_start3A_458] : memref<125000x8x64xf32, #tpu.memory_space<hbm>> -> memref<1x1x64xf32, #tpu.memory_space<hbm>>
        %dma_start3A_460 = tpu.memref_squeeze %dma_start3A_459 : memref<1x1x64xf32, #tpu.memory_space<hbm>> -> memref<64xf32, #tpu.memory_space<hbm>>
        tpu.enqueue_dma source(%dma_start3A_460 : memref<64xf32, #tpu.memory_space<hbm>>) target(%dma_start3A_457 : memref<64xf32, #tpu.memory_space<vmem>>) target_semaphore(%arg14 : memref<!tpu.dma_semaphore, #tpu.memory_space<semaphore_mem>>)
        %mul3A_461 = arith.constant 2 : i32
        %mul3A_462 = arith.muli %mul3A_461, %scan3A_432 : i32
        %add3A_463 = arith.constant 0 : i32
        %add3A_464 = arith.addi %mul3A_462, %add3A_463 : i32
        %slice3A_465 = vector.extract_strided_slice %shift_right_logical3A_438 {offsets = [1], sizes = [1], strides = [1]} : vector<16xi32> to vector<1xi32>
        %squeeze3A_466 = vector.extract %slice3A_465[0] : i32 from vector<1xi32>
        %slice3A_467 = vector.extract_strided_slice %and3A_441 {offsets = [1], sizes = [1], strides = [1]} : vector<16xi32> to vector<1xi32>
        %squeeze3A_468 = vector.extract %slice3A_467[0] : i32 from vector<1xi32>
        %dma_start3A_469 = arith.constant 1 : i32
        %dma_start3A_470 = arith.constant 0 : i32
        %dma_start3A_471 = tpu.memref_slice %arg10[%add3A_464, %dma_start3A_469, %dma_start3A_470] : memref<50x8x64xf32, #tpu.memory_space<vmem>> -> memref<1x1x64xf32, #tpu.memory_space<vmem>>
        %dma_start3A_472 = tpu.memref_squeeze %dma_start3A_471 : memref<1x1x64xf32, #tpu.memory_space<vmem>> -> memref<64xf32, #tpu.memory_space<vmem>>
        %dma_start3A_473 = arith.constant 0 : i32
        %dma_start3A_474 = tpu.memref_slice %arg2[%squeeze3A_466, %squeeze3A_468, %dma_start3A_473] : memref<125000x8x64xf32, #tpu.memory_space<hbm>> -> memref<1x1x64xf32, #tpu.memory_space<hbm>>
        %dma_start3A_475 = tpu.memref_squeeze %dma_start3A_474 : memref<1x1x64xf32, #tpu.memory_space<hbm>> -> memref<64xf32, #tpu.memory_space<hbm>>
        %dma_start3A_476 = arith.constant 0 : i32
        %dma_start3A_477 = tpu.memref_slice %arg10[%add3A_464, %dma_start3A_469, %dma_start3A_476] : memref<50x8x64xf32, #tpu.memory_space<vmem>> -> memref<1x1x64xf32, #tpu.memory_space<vmem>>
        %dma_start3A_478 = tpu.memref_squeeze %dma_start3A_477 : memref<1x1x64xf32, #tpu.memory_space<vmem>> -> memref<64xf32, #tpu.memory_space<vmem>>
        %dma_start3A_479 = arith.constant 0 : i32
        %dma_start3A_480 = tpu.memref_slice %arg2[%squeeze3A_466, %squeeze3A_468, %dma_start3A_479] : memref<125000x8x64xf32, #tpu.memory_space<hbm>> -> memref<1x1x64xf32, #tpu.memory_space<hbm>>
        %dma_start3A_481 = tpu.memref_squeeze %dma_start3A_480 : memref<1x1x64xf32, #tpu.memory_space<hbm>> -> memref<64xf32, #tpu.memory_space<hbm>>
        tpu.enqueue_dma source(%dma_start3A_481 : memref<64xf32, #tpu.memory_space<hbm>>) target(%dma_start3A_478 : memref<64xf32, #tpu.memory_space<vmem>>) target_semaphore(%arg14 : memref<!tpu.dma_semaphore, #tpu.memory_space<semaphore_mem>>)
        %mul3A_482 = arith.constant 2 : i32
        %mul3A_483 = arith.muli %mul3A_482, %scan3A_432 : i32
        %add3A_484 = arith.constant 0 : i32
        %add3A_485 = arith.addi %mul3A_483, %add3A_484 : i32
        %slice3A_486 = vector.extract_strided_slice %shift_right_logical3A_438 {offsets = [2], sizes = [1], strides = [1]} : vector<16xi32> to vector<1xi32>
        %squeeze3A_487 = vector.extract %slice3A_486[0] : i32 from vector<1xi32>
        %slice3A_488 = vector.extract_strided_slice %and3A_441 {offsets = [2], sizes = [1], strides = [1]} : vector<16xi32> to vector<1xi32>
        %squeeze3A_489 = vector.extract %slice3A_488[0] : i32 from vector<1xi32>
        %dma_start3A_490 = arith.constant 2 : i32
        %dma_start3A_491 = arith.constant 0 : i32
        %dma_start3A_492 = tpu.memref_slice %arg10[%add3A_485, %dma_start3A_490, %dma_start3A_491] : memref<50x8x64xf32, #tpu.memory_space<vmem>> -> memref<1x1x64xf32, #tpu.memory_space<vmem>>
        %dma_start3A_493 = tpu.memref_squeeze %dma_start3A_492 : memref<1x1x64xf32, #tpu.memory_space<vmem>> -> memref<64xf32, #tpu.memory_space<vmem>>
        %dma_start3A_494 = arith.constant 0 : i32
        %dma_start3A_495 = tpu.memref_slice %arg2[%squeeze3A_487, %squeeze3A_489, %dma_start3A_494] : memref<125000x8x64xf32, #tpu.memory_space<hbm>> -> memref<1x1x64xf32, #tpu.memory_space<hbm>>
        %dma_start3A_496 = tpu.memref_squeeze %dma_start3A_495 : memref<1x1x64xf32, #tpu.memory_space<hbm>> -> memref<64xf32, #tpu.memory_space<hbm>>
        %dma_start3A_497 = arith.constant 0 : i32
        %dma_start3A_498 = tpu.memref_slice %arg10[%add3A_485, %dma_start3A_490, %dma_start3A_497] : memref<50x8x64xf32, #tpu.memory_space<vmem>> -> memref<1x1x64xf32, #tpu.memory_space<vmem>>
        %dma_start3A_499 = tpu.memref_squeeze %dma_start3A_498 : memref<1x1x64xf32, #tpu.memory_space<vmem>> -> memref<64xf32, #tpu.memory_space<vmem>>
        %dma_start3A_500 = arith.constant 0 : i32
        %dma_start3A_501 = tpu.memref_slice %arg2[%squeeze3A_487, %squeeze3A_489, %dma_start3A_500] : memref<125000x8x64xf32, #tpu.memory_space<hbm>> -> memref<1x1x64xf32, #tpu.memory_space<hbm>>
        %dma_start3A_502 = tpu.memref_squeeze %dma_start3A_501 : memref<1x1x64xf32, #tpu.memory_space<hbm>> -> memref<64xf32, #tpu.memory_space<hbm>>
        tpu.enqueue_dma source(%dma_start3A_502 : memref<64xf32, #tpu.memory_space<hbm>>) target(%dma_start3A_499 : memref<64xf32, #tpu.memory_space<vmem>>) target_semaphore(%arg14 : memref<!tpu.dma_semaphore, #tpu.memory_space<semaphore_mem>>)
        %mul3A_503 = arith.constant 2 : i32
        %mul3A_504 = arith.muli %mul3A_503, %scan3A_432 : i32
        %add3A_505 = arith.constant 0 : i32
        %add3A_506 = arith.addi %mul3A_504, %add3A_505 : i32
        %slice3A_507 = vector.extract_strided_slice %shift_right_logical3A_438 {offsets = [3], sizes = [1], strides = [1]} : vector<16xi32> to vector<1xi32>
        %squeeze3A_508 = vector.extract %slice3A_507[0] : i32 from vector<1xi32>
        %slice3A_509 = vector.extract_strided_slice %and3A_441 {offsets = [3], sizes = [1], strides = [1]} : vector<16xi32> to vector<1xi32>
        %squeeze3A_510 = vector.extract %slice3A_509[0] : i32 from vector<1xi32>
        %dma_start3A_511 = arith.constant 3 : i32
        %dma_start3A_512 = arith.constant 0 : i32
        %dma_start3A_513 = tpu.memref_slice %arg10[%add3A_506, %dma_start3A_511, %dma_start3A_512] : memref<50x8x64xf32, #tpu.memory_space<vmem>> -> memref<1x1x64xf32, #tpu.memory_space<vmem>>
        %dma_start3A_514 = tpu.memref_squeeze %dma_start3A_513 : memref<1x1x64xf32, #tpu.memory_space<vmem>> -> memref<64xf32, #tpu.memory_space<vmem>>
        %dma_start3A_515 = arith.constant 0 : i32
        %dma_start3A_516 = tpu.memref_slice %arg2[%squeeze3A_508, %squeeze3A_510, %dma_start3A_515] : memref<125000x8x64xf32, #tpu.memory_space<hbm>> -> memref<1x1x64xf32, #tpu.memory_space<hbm>>
        %dma_start3A_517 = tpu.memref_squeeze %dma_start3A_516 : memref<1x1x64xf32, #tpu.memory_space<hbm>> -> memref<64xf32, #tpu.memory_space<hbm>>
        %dma_start3A_518 = arith.constant 0 : i32
        %dma_start3A_519 = tpu.memref_slice %arg10[%add3A_506, %dma_start3A_511, %dma_start3A_518] : memref<50x8x64xf32, #tpu.memory_space<vmem>> -> memref<1x1x64xf32, #tpu.memory_space<vmem>>
        %dma_start3A_520 = tpu.memref_squeeze %dma_start3A_519 : memref<1x1x64xf32, #tpu.memory_space<vmem>> -> memref<64xf32, #tpu.memory_space<vmem>>
        %dma_start3A_521 = arith.constant 0 : i32
        %dma_start3A_522 = tpu.memref_slice %arg2[%squeeze3A_508, %squeeze3A_510, %dma_start3A_521] : memref<125000x8x64xf32, #tpu.memory_space<hbm>> -> memref<1x1x64xf32, #tpu.memory_space<hbm>>
        %dma_start3A_523 = tpu.memref_squeeze %dma_start3A_522 : memref<1x1x64xf32, #tpu.memory_space<hbm>> -> memref<64xf32, #tpu.memory_space<hbm>>
        tpu.enqueue_dma source(%dma_start3A_523 : memref<64xf32, #tpu.memory_space<hbm>>) target(%dma_start3A_520 : memref<64xf32, #tpu.memory_space<vmem>>) target_semaphore(%arg14 : memref<!tpu.dma_semaphore, #tpu.memory_space<semaphore_mem>>)
        %mul3A_524 = arith.constant 2 : i32
        %mul3A_525 = arith.muli %mul3A_524, %scan3A_432 : i32
        %add3A_526 = arith.constant 0 : i32
        %add3A_527 = arith.addi %mul3A_525, %add3A_526 : i32
        %slice3A_528 = vector.extract_strided_slice %shift_right_logical3A_438 {offsets = [4], sizes = [1], strides = [1]} : vector<16xi32> to vector<1xi32>
        %squeeze3A_529 = vector.extract %slice3A_528[0] : i32 from vector<1xi32>
        %slice3A_530 = vector.extract_strided_slice %and3A_441 {offsets = [4], sizes = [1], strides = [1]} : vector<16xi32> to vector<1xi32>
        %squeeze3A_531 = vector.extract %slice3A_530[0] : i32 from vector<1xi32>
        %dma_start3A_532 = arith.constant 4 : i32
        %dma_start3A_533 = arith.constant 0 : i32
        %dma_start3A_534 = tpu.memref_slice %arg10[%add3A_527, %dma_start3A_532, %dma_start3A_533] : memref<50x8x64xf32, #tpu.memory_space<vmem>> -> memref<1x1x64xf32, #tpu.memory_space<vmem>>
        %dma_start3A_535 = tpu.memref_squeeze %dma_start3A_534 : memref<1x1x64xf32, #tpu.memory_space<vmem>> -> memref<64xf32, #tpu.memory_space<vmem>>
        %dma_start3A_536 = arith.constant 0 : i32
        %dma_start3A_537 = tpu.memref_slice %arg2[%squeeze3A_529, %squeeze3A_531, %dma_start3A_536] : memref<125000x8x64xf32, #tpu.memory_space<hbm>> -> memref<1x1x64xf32, #tpu.memory_space<hbm>>
        %dma_start3A_538 = tpu.memref_squeeze %dma_start3A_537 : memref<1x1x64xf32, #tpu.memory_space<hbm>> -> memref<64xf32, #tpu.memory_space<hbm>>
        %dma_start3A_539 = arith.constant 0 : i32
        %dma_start3A_540 = tpu.memref_slice %arg10[%add3A_527, %dma_start3A_532, %dma_start3A_539] : memref<50x8x64xf32, #tpu.memory_space<vmem>> -> memref<1x1x64xf32, #tpu.memory_space<vmem>>
        %dma_start3A_541 = tpu.memref_squeeze %dma_start3A_540 : memref<1x1x64xf32, #tpu.memory_space<vmem>> -> memref<64xf32, #tpu.memory_space<vmem>>
        %dma_start3A_542 = arith.constant 0 : i32
        %dma_start3A_543 = tpu.memref_slice %arg2[%squeeze3A_529, %squeeze3A_531, %dma_start3A_542] : memref<125000x8x64xf32, #tpu.memory_space<hbm>> -> memref<1x1x64xf32, #tpu.memory_space<hbm>>
        %dma_start3A_544 = tpu.memref_squeeze %dma_start3A_543 : memref<1x1x64xf32, #tpu.memory_space<hbm>> -> memref<64xf32, #tpu.memory_space<hbm>>
        tpu.enqueue_dma source(%dma_start3A_544 : memref<64xf32, #tpu.memory_space<hbm>>) target(%dma_start3A_541 : memref<64xf32, #tpu.memory_space<vmem>>) target_semaphore(%arg14 : memref<!tpu.dma_semaphore, #tpu.memory_space<semaphore_mem>>)
        %mul3A_545 = arith.constant 2 : i32
        %mul3A_546 = arith.muli %mul3A_545, %scan3A_432 : i32
        %add3A_547 = arith.constant 0 : i32
        %add3A_548 = arith.addi %mul3A_546, %add3A_547 : i32
        %slice3A_549 = vector.extract_strided_slice %shift_right_logical3A_438 {offsets = [5], sizes = [1], strides = [1]} : vector<16xi32> to vector<1xi32>
        %squeeze3A_550 = vector.extract %slice3A_549[0] : i32 from vector<1xi32>
        %slice3A_551 = vector.extract_strided_slice %and3A_441 {offsets = [5], sizes = [1], strides = [1]} : vector<16xi32> to vector<1xi32>
        %squeeze3A_552 = vector.extract %slice3A_551[0] : i32 from vector<1xi32>
        %dma_start3A_553 = arith.constant 5 : i32
        %dma_start3A_554 = arith.constant 0 : i32
        %dma_start3A_555 = tpu.memref_slice %arg10[%add3A_548, %dma_start3A_553, %dma_start3A_554] : memref<50x8x64xf32, #tpu.memory_space<vmem>> -> memref<1x1x64xf32, #tpu.memory_space<vmem>>
        %dma_start3A_556 = tpu.memref_squeeze %dma_start3A_555 : memref<1x1x64xf32, #tpu.memory_space<vmem>> -> memref<64xf32, #tpu.memory_space<vmem>>
        %dma_start3A_557 = arith.constant 0 : i32
        %dma_start3A_558 = tpu.memref_slice %arg2[%squeeze3A_550, %squeeze3A_552, %dma_start3A_557] : memref<125000x8x64xf32, #tpu.memory_space<hbm>> -> memref<1x1x64xf32, #tpu.memory_space<hbm>>
        %dma_start3A_559 = tpu.memref_squeeze %dma_start3A_558 : memref<1x1x64xf32, #tpu.memory_space<hbm>> -> memref<64xf32, #tpu.memory_space<hbm>>
        %dma_start3A_560 = arith.constant 0 : i32
        %dma_start3A_561 = tpu.memref_slice %arg10[%add3A_548, %dma_start3A_553, %dma_start3A_560] : memref<50x8x64xf32, #tpu.memory_space<vmem>> -> memref<1x1x64xf32, #tpu.memory_space<vmem>>
        %dma_start3A_562 = tpu.memref_squeeze %dma_start3A_561 : memref<1x1x64xf32, #tpu.memory_space<vmem>> -> memref<64xf32, #tpu.memory_space<vmem>>
        %dma_start3A_563 = arith.constant 0 : i32
        %dma_start3A_564 = tpu.memref_slice %arg2[%squeeze3A_550, %squeeze3A_552, %dma_start3A_563] : memref<125000x8x64xf32, #tpu.memory_space<hbm>> -> memref<1x1x64xf32, #tpu.memory_space<hbm>>
        %dma_start3A_565 = tpu.memref_squeeze %dma_start3A_564 : memref<1x1x64xf32, #tpu.memory_space<hbm>> -> memref<64xf32, #tpu.memory_space<hbm>>
        tpu.enqueue_dma source(%dma_start3A_565 : memref<64xf32, #tpu.memory_space<hbm>>) target(%dma_start3A_562 : memref<64xf32, #tpu.memory_space<vmem>>) target_semaphore(%arg14 : memref<!tpu.dma_semaphore, #tpu.memory_space<semaphore_mem>>)
        %mul3A_566 = arith.constant 2 : i32
        %mul3A_567 = arith.muli %mul3A_566, %scan3A_432 : i32
        %add3A_568 = arith.constant 0 : i32
        %add3A_569 = arith.addi %mul3A_567, %add3A_568 : i32
        %slice3A_570 = vector.extract_strided_slice %shift_right_logical3A_438 {offsets = [6], sizes = [1], strides = [1]} : vector<16xi32> to vector<1xi32>
        %squeeze3A_571 = vector.extract %slice3A_570[0] : i32 from vector<1xi32>
        %slice3A_572 = vector.extract_strided_slice %and3A_441 {offsets = [6], sizes = [1], strides = [1]} : vector<16xi32> to vector<1xi32>
        %squeeze3A_573 = vector.extract %slice3A_572[0] : i32 from vector<1xi32>
        %dma_start3A_574 = arith.constant 6 : i32
        %dma_start3A_575 = arith.constant 0 : i32
        %dma_start3A_576 = tpu.memref_slice %arg10[%add3A_569, %dma_start3A_574, %dma_start3A_575] : memref<50x8x64xf32, #tpu.memory_space<vmem>> -> memref<1x1x64xf32, #tpu.memory_space<vmem>>
        %dma_start3A_577 = tpu.memref_squeeze %dma_start3A_576 : memref<1x1x64xf32, #tpu.memory_space<vmem>> -> memref<64xf32, #tpu.memory_space<vmem>>
        %dma_start3A_578 = arith.constant 0 : i32
        %dma_start3A_579 = tpu.memref_slice %arg2[%squeeze3A_571, %squeeze3A_573, %dma_start3A_578] : memref<125000x8x64xf32, #tpu.memory_space<hbm>> -> memref<1x1x64xf32, #tpu.memory_space<hbm>>
        %dma_start3A_580 = tpu.memref_squeeze %dma_start3A_579 : memref<1x1x64xf32, #tpu.memory_space<hbm>> -> memref<64xf32, #tpu.memory_space<hbm>>
        %dma_start3A_581 = arith.constant 0 : i32
        %dma_start3A_582 = tpu.memref_slice %arg10[%add3A_569, %dma_start3A_574, %dma_start3A_581] : memref<50x8x64xf32, #tpu.memory_space<vmem>> -> memref<1x1x64xf32, #tpu.memory_space<vmem>>
        %dma_start3A_583 = tpu.memref_squeeze %dma_start3A_582 : memref<1x1x64xf32, #tpu.memory_space<vmem>> -> memref<64xf32, #tpu.memory_space<vmem>>
        %dma_start3A_584 = arith.constant 0 : i32
        %dma_start3A_585 = tpu.memref_slice %arg2[%squeeze3A_571, %squeeze3A_573, %dma_start3A_584] : memref<125000x8x64xf32, #tpu.memory_space<hbm>> -> memref<1x1x64xf32, #tpu.memory_space<hbm>>
        %dma_start3A_586 = tpu.memref_squeeze %dma_start3A_585 : memref<1x1x64xf32, #tpu.memory_space<hbm>> -> memref<64xf32, #tpu.memory_space<hbm>>
        tpu.enqueue_dma source(%dma_start3A_586 : memref<64xf32, #tpu.memory_space<hbm>>) target(%dma_start3A_583 : memref<64xf32, #tpu.memory_space<vmem>>) target_semaphore(%arg14 : memref<!tpu.dma_semaphore, #tpu.memory_space<semaphore_mem>>)
        %mul3A_587 = arith.constant 2 : i32
        %mul3A_588 = arith.muli %mul3A_587, %scan3A_432 : i32
        %add3A_589 = arith.constant 0 : i32
        %add3A_590 = arith.addi %mul3A_588, %add3A_589 : i32
        %slice3A_591 = vector.extract_strided_slice %shift_right_logical3A_438 {offsets = [7], sizes = [1], strides = [1]} : vector<16xi32> to vector<1xi32>
        %squeeze3A_592 = vector.extract %slice3A_591[0] : i32 from vector<1xi32>
        %slice3A_593 = vector.extract_strided_slice %and3A_441 {offsets = [7], sizes = [1], strides = [1]} : vector<16xi32> to vector<1xi32>
        %squeeze3A_594 = vector.extract %slice3A_593[0] : i32 from vector<1xi32>
        %dma_start3A_595 = arith.constant 7 : i32
        %dma_start3A_596 = arith.constant 0 : i32
        %dma_start3A_597 = tpu.memref_slice %arg10[%add3A_590, %dma_start3A_595, %dma_start3A_596] : memref<50x8x64xf32, #tpu.memory_space<vmem>> -> memref<1x1x64xf32, #tpu.memory_space<vmem>>
        %dma_start3A_598 = tpu.memref_squeeze %dma_start3A_597 : memref<1x1x64xf32, #tpu.memory_space<vmem>> -> memref<64xf32, #tpu.memory_space<vmem>>
        %dma_start3A_599 = arith.constant 0 : i32
        %dma_start3A_600 = tpu.memref_slice %arg2[%squeeze3A_592, %squeeze3A_594, %dma_start3A_599] : memref<125000x8x64xf32, #tpu.memory_space<hbm>> -> memref<1x1x64xf32, #tpu.memory_space<hbm>>
        %dma_start3A_601 = tpu.memref_squeeze %dma_start3A_600 : memref<1x1x64xf32, #tpu.memory_space<hbm>> -> memref<64xf32, #tpu.memory_space<hbm>>
        %dma_start3A_602 = arith.constant 0 : i32
        %dma_start3A_603 = tpu.memref_slice %arg10[%add3A_590, %dma_start3A_595, %dma_start3A_602] : memref<50x8x64xf32, #tpu.memory_space<vmem>> -> memref<1x1x64xf32, #tpu.memory_space<vmem>>
        %dma_start3A_604 = tpu.memref_squeeze %dma_start3A_603 : memref<1x1x64xf32, #tpu.memory_space<vmem>> -> memref<64xf32, #tpu.memory_space<vmem>>
        %dma_start3A_605 = arith.constant 0 : i32
        %dma_start3A_606 = tpu.memref_slice %arg2[%squeeze3A_592, %squeeze3A_594, %dma_start3A_605] : memref<125000x8x64xf32, #tpu.memory_space<hbm>> -> memref<1x1x64xf32, #tpu.memory_space<hbm>>
        %dma_start3A_607 = tpu.memref_squeeze %dma_start3A_606 : memref<1x1x64xf32, #tpu.memory_space<hbm>> -> memref<64xf32, #tpu.memory_space<hbm>>
        tpu.enqueue_dma source(%dma_start3A_607 : memref<64xf32, #tpu.memory_space<hbm>>) target(%dma_start3A_604 : memref<64xf32, #tpu.memory_space<vmem>>) target_semaphore(%arg14 : memref<!tpu.dma_semaphore, #tpu.memory_space<semaphore_mem>>)
        %mul3A_608 = arith.constant 2 : i32
        %mul3A_609 = arith.muli %mul3A_608, %scan3A_432 : i32
        %add3A_610 = arith.constant 1 : i32
        %add3A_611 = arith.addi %mul3A_609, %add3A_610 : i32
        %slice3A_612 = vector.extract_strided_slice %shift_right_logical3A_438 {offsets = [8], sizes = [1], strides = [1]} : vector<16xi32> to vector<1xi32>
        %squeeze3A_613 = vector.extract %slice3A_612[0] : i32 from vector<1xi32>
        %slice3A_614 = vector.extract_strided_slice %and3A_441 {offsets = [8], sizes = [1], strides = [1]} : vector<16xi32> to vector<1xi32>
        %squeeze3A_615 = vector.extract %slice3A_614[0] : i32 from vector<1xi32>
        %dma_start3A_616 = arith.constant 0 : i32
        %dma_start3A_617 = arith.constant 0 : i32
        %dma_start3A_618 = tpu.memref_slice %arg10[%add3A_611, %dma_start3A_616, %dma_start3A_617] : memref<50x8x64xf32, #tpu.memory_space<vmem>> -> memref<1x1x64xf32, #tpu.memory_space<vmem>>
        %dma_start3A_619 = tpu.memref_squeeze %dma_start3A_618 : memref<1x1x64xf32, #tpu.memory_space<vmem>> -> memref<64xf32, #tpu.memory_space<vmem>>
        %dma_start3A_620 = arith.constant 0 : i32
        %dma_start3A_621 = tpu.memref_slice %arg2[%squeeze3A_613, %squeeze3A_615, %dma_start3A_620] : memref<125000x8x64xf32, #tpu.memory_space<hbm>> -> memref<1x1x64xf32, #tpu.memory_space<hbm>>
        %dma_start3A_622 = tpu.memref_squeeze %dma_start3A_621 : memref<1x1x64xf32, #tpu.memory_space<hbm>> -> memref<64xf32, #tpu.memory_space<hbm>>
        %dma_start3A_623 = arith.constant 0 : i32
        %dma_start3A_624 = tpu.memref_slice %arg10[%add3A_611, %dma_start3A_616, %dma_start3A_623] : memref<50x8x64xf32, #tpu.memory_space<vmem>> -> memref<1x1x64xf32, #tpu.memory_space<vmem>>
        %dma_start3A_625 = tpu.memref_squeeze %dma_start3A_624 : memref<1x1x64xf32, #tpu.memory_space<vmem>> -> memref<64xf32, #tpu.memory_space<vmem>>
        %dma_start3A_626 = arith.constant 0 : i32
        %dma_start3A_627 = tpu.memref_slice %arg2[%squeeze3A_613, %squeeze3A_615, %dma_start3A_626] : memref<125000x8x64xf32, #tpu.memory_space<hbm>> -> memref<1x1x64xf32, #tpu.memory_space<hbm>>
        %dma_start3A_628 = tpu.memref_squeeze %dma_start3A_627 : memref<1x1x64xf32, #tpu.memory_space<hbm>> -> memref<64xf32, #tpu.memory_space<hbm>>
        tpu.enqueue_dma source(%dma_start3A_628 : memref<64xf32, #tpu.memory_space<hbm>>) target(%dma_start3A_625 : memref<64xf32, #tpu.memory_space<vmem>>) target_semaphore(%arg14 : memref<!tpu.dma_semaphore, #tpu.memory_space<semaphore_mem>>)
        %mul3A_629 = arith.constant 2 : i32
        %mul3A_630 = arith.muli %mul3A_629, %scan3A_432 : i32
        %add3A_631 = arith.constant 1 : i32
        %add3A_632 = arith.addi %mul3A_630, %add3A_631 : i32
        %slice3A_633 = vector.extract_strided_slice %shift_right_logical3A_438 {offsets = [9], sizes = [1], strides = [1]} : vector<16xi32> to vector<1xi32>
        %squeeze3A_634 = vector.extract %slice3A_633[0] : i32 from vector<1xi32>
        %slice3A_635 = vector.extract_strided_slice %and3A_441 {offsets = [9], sizes = [1], strides = [1]} : vector<16xi32> to vector<1xi32>
        %squeeze3A_636 = vector.extract %slice3A_635[0] : i32 from vector<1xi32>
        %dma_start3A_637 = arith.constant 1 : i32
        %dma_start3A_638 = arith.constant 0 : i32
        %dma_start3A_639 = tpu.memref_slice %arg10[%add3A_632, %dma_start3A_637, %dma_start3A_638] : memref<50x8x64xf32, #tpu.memory_space<vmem>> -> memref<1x1x64xf32, #tpu.memory_space<vmem>>
        %dma_start3A_640 = tpu.memref_squeeze %dma_start3A_639 : memref<1x1x64xf32, #tpu.memory_space<vmem>> -> memref<64xf32, #tpu.memory_space<vmem>>
        %dma_start3A_641 = arith.constant 0 : i32
        %dma_start3A_642 = tpu.memref_slice %arg2[%squeeze3A_634, %squeeze3A_636, %dma_start3A_641] : memref<125000x8x64xf32, #tpu.memory_space<hbm>> -> memref<1x1x64xf32, #tpu.memory_space<hbm>>
        %dma_start3A_643 = tpu.memref_squeeze %dma_start3A_642 : memref<1x1x64xf32, #tpu.memory_space<hbm>> -> memref<64xf32, #tpu.memory_space<hbm>>
        %dma_start3A_644 = arith.constant 0 : i32
        %dma_start3A_645 = tpu.memref_slice %arg10[%add3A_632, %dma_start3A_637, %dma_start3A_644] : memref<50x8x64xf32, #tpu.memory_space<vmem>> -> memref<1x1x64xf32, #tpu.memory_space<vmem>>
        %dma_start3A_646 = tpu.memref_squeeze %dma_start3A_645 : memref<1x1x64xf32, #tpu.memory_space<vmem>> -> memref<64xf32, #tpu.memory_space<vmem>>
        %dma_start3A_647 = arith.constant 0 : i32
        %dma_start3A_648 = tpu.memref_slice %arg2[%squeeze3A_634, %squeeze3A_636, %dma_start3A_647] : memref<125000x8x64xf32, #tpu.memory_space<hbm>> -> memref<1x1x64xf32, #tpu.memory_space<hbm>>
        %dma_start3A_649 = tpu.memref_squeeze %dma_start3A_648 : memref<1x1x64xf32, #tpu.memory_space<hbm>> -> memref<64xf32, #tpu.memory_space<hbm>>
        tpu.enqueue_dma source(%dma_start3A_649 : memref<64xf32, #tpu.memory_space<hbm>>) target(%dma_start3A_646 : memref<64xf32, #tpu.memory_space<vmem>>) target_semaphore(%arg14 : memref<!tpu.dma_semaphore, #tpu.memory_space<semaphore_mem>>)
        %mul3A_650 = arith.constant 2 : i32
        %mul3A_651 = arith.muli %mul3A_650, %scan3A_432 : i32
        %add3A_652 = arith.constant 1 : i32
        %add3A_653 = arith.addi %mul3A_651, %add3A_652 : i32
        %slice3A_654 = vector.extract_strided_slice %shift_right_logical3A_438 {offsets = [10], sizes = [1], strides = [1]} : vector<16xi32> to vector<1xi32>
        %squeeze3A_655 = vector.extract %slice3A_654[0] : i32 from vector<1xi32>
        %slice3A_656 = vector.extract_strided_slice %and3A_441 {offsets = [10], sizes = [1], strides = [1]} : vector<16xi32> to vector<1xi32>
        %squeeze3A_657 = vector.extract %slice3A_656[0] : i32 from vector<1xi32>
        %dma_start3A_658 = arith.constant 2 : i32
        %dma_start3A_659 = arith.constant 0 : i32
        %dma_start3A_660 = tpu.memref_slice %arg10[%add3A_653, %dma_start3A_658, %dma_start3A_659] : memref<50x8x64xf32, #tpu.memory_space<vmem>> -> memref<1x1x64xf32, #tpu.memory_space<vmem>>
        %dma_start3A_661 = tpu.memref_squeeze %dma_start3A_660 : memref<1x1x64xf32, #tpu.memory_space<vmem>> -> memref<64xf32, #tpu.memory_space<vmem>>
        %dma_start3A_662 = arith.constant 0 : i32
        %dma_start3A_663 = tpu.memref_slice %arg2[%squeeze3A_655, %squeeze3A_657, %dma_start3A_662] : memref<125000x8x64xf32, #tpu.memory_space<hbm>> -> memref<1x1x64xf32, #tpu.memory_space<hbm>>
        %dma_start3A_664 = tpu.memref_squeeze %dma_start3A_663 : memref<1x1x64xf32, #tpu.memory_space<hbm>> -> memref<64xf32, #tpu.memory_space<hbm>>
        %dma_start3A_665 = arith.constant 0 : i32
        %dma_start3A_666 = tpu.memref_slice %arg10[%add3A_653, %dma_start3A_658, %dma_start3A_665] : memref<50x8x64xf32, #tpu.memory_space<vmem>> -> memref<1x1x64xf32, #tpu.memory_space<vmem>>
        %dma_start3A_667 = tpu.memref_squeeze %dma_start3A_666 : memref<1x1x64xf32, #tpu.memory_space<vmem>> -> memref<64xf32, #tpu.memory_space<vmem>>
        %dma_start3A_668 = arith.constant 0 : i32
        %dma_start3A_669 = tpu.memref_slice %arg2[%squeeze3A_655, %squeeze3A_657, %dma_start3A_668] : memref<125000x8x64xf32, #tpu.memory_space<hbm>> -> memref<1x1x64xf32, #tpu.memory_space<hbm>>
        %dma_start3A_670 = tpu.memref_squeeze %dma_start3A_669 : memref<1x1x64xf32, #tpu.memory_space<hbm>> -> memref<64xf32, #tpu.memory_space<hbm>>
        tpu.enqueue_dma source(%dma_start3A_670 : memref<64xf32, #tpu.memory_space<hbm>>) target(%dma_start3A_667 : memref<64xf32, #tpu.memory_space<vmem>>) target_semaphore(%arg14 : memref<!tpu.dma_semaphore, #tpu.memory_space<semaphore_mem>>)
        %mul3A_671 = arith.constant 2 : i32
        %mul3A_672 = arith.muli %mul3A_671, %scan3A_432 : i32
        %add3A_673 = arith.constant 1 : i32
        %add3A_674 = arith.addi %mul3A_672, %add3A_673 : i32
        %slice3A_675 = vector.extract_strided_slice %shift_right_logical3A_438 {offsets = [11], sizes = [1], strides = [1]} : vector<16xi32> to vector<1xi32>
        %squeeze3A_676 = vector.extract %slice3A_675[0] : i32 from vector<1xi32>
        %slice3A_677 = vector.extract_strided_slice %and3A_441 {offsets = [11], sizes = [1], strides = [1]} : vector<16xi32> to vector<1xi32>
        %squeeze3A_678 = vector.extract %slice3A_677[0] : i32 from vector<1xi32>
        %dma_start3A_679 = arith.constant 3 : i32
        %dma_start3A_680 = arith.constant 0 : i32
        %dma_start3A_681 = tpu.memref_slice %arg10[%add3A_674, %dma_start3A_679, %dma_start3A_680] : memref<50x8x64xf32, #tpu.memory_space<vmem>> -> memref<1x1x64xf32, #tpu.memory_space<vmem>>
        %dma_start3A_682 = tpu.memref_squeeze %dma_start3A_681 : memref<1x1x64xf32, #tpu.memory_space<vmem>> -> memref<64xf32, #tpu.memory_space<vmem>>
        %dma_start3A_683 = arith.constant 0 : i32
        %dma_start3A_684 = tpu.memref_slice %arg2[%squeeze3A_676, %squeeze3A_678, %dma_start3A_683] : memref<125000x8x64xf32, #tpu.memory_space<hbm>> -> memref<1x1x64xf32, #tpu.memory_space<hbm>>
        %dma_start3A_685 = tpu.memref_squeeze %dma_start3A_684 : memref<1x1x64xf32, #tpu.memory_space<hbm>> -> memref<64xf32, #tpu.memory_space<hbm>>
        %dma_start3A_686 = arith.constant 0 : i32
        %dma_start3A_687 = tpu.memref_slice %arg10[%add3A_674, %dma_start3A_679, %dma_start3A_686] : memref<50x8x64xf32, #tpu.memory_space<vmem>> -> memref<1x1x64xf32, #tpu.memory_space<vmem>>
        %dma_start3A_688 = tpu.memref_squeeze %dma_start3A_687 : memref<1x1x64xf32, #tpu.memory_space<vmem>> -> memref<64xf32, #tpu.memory_space<vmem>>
        %dma_start3A_689 = arith.constant 0 : i32
        %dma_start3A_690 = tpu.memref_slice %arg2[%squeeze3A_676, %squeeze3A_678, %dma_start3A_689] : memref<125000x8x64xf32, #tpu.memory_space<hbm>> -> memref<1x1x64xf32, #tpu.memory_space<hbm>>
        %dma_start3A_691 = tpu.memref_squeeze %dma_start3A_690 : memref<1x1x64xf32, #tpu.memory_space<hbm>> -> memref<64xf32, #tpu.memory_space<hbm>>
        tpu.enqueue_dma source(%dma_start3A_691 : memref<64xf32, #tpu.memory_space<hbm>>) target(%dma_start3A_688 : memref<64xf32, #tpu.memory_space<vmem>>) target_semaphore(%arg14 : memref<!tpu.dma_semaphore, #tpu.memory_space<semaphore_mem>>)
        %mul3A_692 = arith.constant 2 : i32
        %mul3A_693 = arith.muli %mul3A_692, %scan3A_432 : i32
        %add3A_694 = arith.constant 1 : i32
        %add3A_695 = arith.addi %mul3A_693, %add3A_694 : i32
        %slice3A_696 = vector.extract_strided_slice %shift_right_logical3A_438 {offsets = [12], sizes = [1], strides = [1]} : vector<16xi32> to vector<1xi32>
        %squeeze3A_697 = vector.extract %slice3A_696[0] : i32 from vector<1xi32>
        %slice3A_698 = vector.extract_strided_slice %and3A_441 {offsets = [12], sizes = [1], strides = [1]} : vector<16xi32> to vector<1xi32>
        %squeeze3A_699 = vector.extract %slice3A_698[0] : i32 from vector<1xi32>
        %dma_start3A_700 = arith.constant 4 : i32
        %dma_start3A_701 = arith.constant 0 : i32
        %dma_start3A_702 = tpu.memref_slice %arg10[%add3A_695, %dma_start3A_700, %dma_start3A_701] : memref<50x8x64xf32, #tpu.memory_space<vmem>> -> memref<1x1x64xf32, #tpu.memory_space<vmem>>
        %dma_start3A_703 = tpu.memref_squeeze %dma_start3A_702 : memref<1x1x64xf32, #tpu.memory_space<vmem>> -> memref<64xf32, #tpu.memory_space<vmem>>
        %dma_start3A_704 = arith.constant 0 : i32
        %dma_start3A_705 = tpu.memref_slice %arg2[%squeeze3A_697, %squeeze3A_699, %dma_start3A_704] : memref<125000x8x64xf32, #tpu.memory_space<hbm>> -> memref<1x1x64xf32, #tpu.memory_space<hbm>>
        %dma_start3A_706 = tpu.memref_squeeze %dma_start3A_705 : memref<1x1x64xf32, #tpu.memory_space<hbm>> -> memref<64xf32, #tpu.memory_space<hbm>>
        %dma_start3A_707 = arith.constant 0 : i32
        %dma_start3A_708 = tpu.memref_slice %arg10[%add3A_695, %dma_start3A_700, %dma_start3A_707] : memref<50x8x64xf32, #tpu.memory_space<vmem>> -> memref<1x1x64xf32, #tpu.memory_space<vmem>>
        %dma_start3A_709 = tpu.memref_squeeze %dma_start3A_708 : memref<1x1x64xf32, #tpu.memory_space<vmem>> -> memref<64xf32, #tpu.memory_space<vmem>>
        %dma_start3A_710 = arith.constant 0 : i32
        %dma_start3A_711 = tpu.memref_slice %arg2[%squeeze3A_697, %squeeze3A_699, %dma_start3A_710] : memref<125000x8x64xf32, #tpu.memory_space<hbm>> -> memref<1x1x64xf32, #tpu.memory_space<hbm>>
        %dma_start3A_712 = tpu.memref_squeeze %dma_start3A_711 : memref<1x1x64xf32, #tpu.memory_space<hbm>> -> memref<64xf32, #tpu.memory_space<hbm>>
        tpu.enqueue_dma source(%dma_start3A_712 : memref<64xf32, #tpu.memory_space<hbm>>) target(%dma_start3A_709 : memref<64xf32, #tpu.memory_space<vmem>>) target_semaphore(%arg14 : memref<!tpu.dma_semaphore, #tpu.memory_space<semaphore_mem>>)
        %mul3A_713 = arith.constant 2 : i32
        %mul3A_714 = arith.muli %mul3A_713, %scan3A_432 : i32
        %add3A_715 = arith.constant 1 : i32
        %add3A_716 = arith.addi %mul3A_714, %add3A_715 : i32
        %slice3A_717 = vector.extract_strided_slice %shift_right_logical3A_438 {offsets = [13], sizes = [1], strides = [1]} : vector<16xi32> to vector<1xi32>
        %squeeze3A_718 = vector.extract %slice3A_717[0] : i32 from vector<1xi32>
        %slice3A_719 = vector.extract_strided_slice %and3A_441 {offsets = [13], sizes = [1], strides = [1]} : vector<16xi32> to vector<1xi32>
        %squeeze3A_720 = vector.extract %slice3A_719[0] : i32 from vector<1xi32>
        %dma_start3A_721 = arith.constant 5 : i32
        %dma_start3A_722 = arith.constant 0 : i32
        %dma_start3A_723 = tpu.memref_slice %arg10[%add3A_716, %dma_start3A_721, %dma_start3A_722] : memref<50x8x64xf32, #tpu.memory_space<vmem>> -> memref<1x1x64xf32, #tpu.memory_space<vmem>>
        %dma_start3A_724 = tpu.memref_squeeze %dma_start3A_723 : memref<1x1x64xf32, #tpu.memory_space<vmem>> -> memref<64xf32, #tpu.memory_space<vmem>>
        %dma_start3A_725 = arith.constant 0 : i32
        %dma_start3A_726 = tpu.memref_slice %arg2[%squeeze3A_718, %squeeze3A_720, %dma_start3A_725] : memref<125000x8x64xf32, #tpu.memory_space<hbm>> -> memref<1x1x64xf32, #tpu.memory_space<hbm>>
        %dma_start3A_727 = tpu.memref_squeeze %dma_start3A_726 : memref<1x1x64xf32, #tpu.memory_space<hbm>> -> memref<64xf32, #tpu.memory_space<hbm>>
        %dma_start3A_728 = arith.constant 0 : i32
        %dma_start3A_729 = tpu.memref_slice %arg10[%add3A_716, %dma_start3A_721, %dma_start3A_728] : memref<50x8x64xf32, #tpu.memory_space<vmem>> -> memref<1x1x64xf32, #tpu.memory_space<vmem>>
        %dma_start3A_730 = tpu.memref_squeeze %dma_start3A_729 : memref<1x1x64xf32, #tpu.memory_space<vmem>> -> memref<64xf32, #tpu.memory_space<vmem>>
        %dma_start3A_731 = arith.constant 0 : i32
        %dma_start3A_732 = tpu.memref_slice %arg2[%squeeze3A_718, %squeeze3A_720, %dma_start3A_731] : memref<125000x8x64xf32, #tpu.memory_space<hbm>> -> memref<1x1x64xf32, #tpu.memory_space<hbm>>
        %dma_start3A_733 = tpu.memref_squeeze %dma_start3A_732 : memref<1x1x64xf32, #tpu.memory_space<hbm>> -> memref<64xf32, #tpu.memory_space<hbm>>
        tpu.enqueue_dma source(%dma_start3A_733 : memref<64xf32, #tpu.memory_space<hbm>>) target(%dma_start3A_730 : memref<64xf32, #tpu.memory_space<vmem>>) target_semaphore(%arg14 : memref<!tpu.dma_semaphore, #tpu.memory_space<semaphore_mem>>)
        %mul3A_734 = arith.constant 2 : i32
        %mul3A_735 = arith.muli %mul3A_734, %scan3A_432 : i32
        %add3A_736 = arith.constant 1 : i32
        %add3A_737 = arith.addi %mul3A_735, %add3A_736 : i32
        %slice3A_738 = vector.extract_strided_slice %shift_right_logical3A_438 {offsets = [14], sizes = [1], strides = [1]} : vector<16xi32> to vector<1xi32>
        %squeeze3A_739 = vector.extract %slice3A_738[0] : i32 from vector<1xi32>
        %slice3A_740 = vector.extract_strided_slice %and3A_441 {offsets = [14], sizes = [1], strides = [1]} : vector<16xi32> to vector<1xi32>
        %squeeze3A_741 = vector.extract %slice3A_740[0] : i32 from vector<1xi32>
        %dma_start3A_742 = arith.constant 6 : i32
        %dma_start3A_743 = arith.constant 0 : i32
        %dma_start3A_744 = tpu.memref_slice %arg10[%add3A_737, %dma_start3A_742, %dma_start3A_743] : memref<50x8x64xf32, #tpu.memory_space<vmem>> -> memref<1x1x64xf32, #tpu.memory_space<vmem>>
        %dma_start3A_745 = tpu.memref_squeeze %dma_start3A_744 : memref<1x1x64xf32, #tpu.memory_space<vmem>> -> memref<64xf32, #tpu.memory_space<vmem>>
        %dma_start3A_746 = arith.constant 0 : i32
        %dma_start3A_747 = tpu.memref_slice %arg2[%squeeze3A_739, %squeeze3A_741, %dma_start3A_746] : memref<125000x8x64xf32, #tpu.memory_space<hbm>> -> memref<1x1x64xf32, #tpu.memory_space<hbm>>
        %dma_start3A_748 = tpu.memref_squeeze %dma_start3A_747 : memref<1x1x64xf32, #tpu.memory_space<hbm>> -> memref<64xf32, #tpu.memory_space<hbm>>
        %dma_start3A_749 = arith.constant 0 : i32
        %dma_start3A_750 = tpu.memref_slice %arg10[%add3A_737, %dma_start3A_742, %dma_start3A_749] : memref<50x8x64xf32, #tpu.memory_space<vmem>> -> memref<1x1x64xf32, #tpu.memory_space<vmem>>
        %dma_start3A_751 = tpu.memref_squeeze %dma_start3A_750 : memref<1x1x64xf32, #tpu.memory_space<vmem>> -> memref<64xf32, #tpu.memory_space<vmem>>
        %dma_start3A_752 = arith.constant 0 : i32
        %dma_start3A_753 = tpu.memref_slice %arg2[%squeeze3A_739, %squeeze3A_741, %dma_start3A_752] : memref<125000x8x64xf32, #tpu.memory_space<hbm>> -> memref<1x1x64xf32, #tpu.memory_space<hbm>>
        %dma_start3A_754 = tpu.memref_squeeze %dma_start3A_753 : memref<1x1x64xf32, #tpu.memory_space<hbm>> -> memref<64xf32, #tpu.memory_space<hbm>>
        tpu.enqueue_dma source(%dma_start3A_754 : memref<64xf32, #tpu.memory_space<hbm>>) target(%dma_start3A_751 : memref<64xf32, #tpu.memory_space<vmem>>) target_semaphore(%arg14 : memref<!tpu.dma_semaphore, #tpu.memory_space<semaphore_mem>>)
        %mul3A_755 = arith.constant 2 : i32
        %mul3A_756 = arith.muli %mul3A_755, %scan3A_432 : i32
        %add3A_757 = arith.constant 1 : i32
        %add3A_758 = arith.addi %mul3A_756, %add3A_757 : i32
        %slice3A_759 = vector.extract_strided_slice %shift_right_logical3A_438 {offsets = [15], sizes = [1], strides = [1]} : vector<16xi32> to vector<1xi32>
        %squeeze3A_760 = vector.extract %slice3A_759[0] : i32 from vector<1xi32>
        %slice3A_761 = vector.extract_strided_slice %and3A_441 {offsets = [15], sizes = [1], strides = [1]} : vector<16xi32> to vector<1xi32>
        %squeeze3A_762 = vector.extract %slice3A_761[0] : i32 from vector<1xi32>
        %dma_start3A_763 = arith.constant 7 : i32
        %dma_start3A_764 = arith.constant 0 : i32
        %dma_start3A_765 = tpu.memref_slice %arg10[%add3A_758, %dma_start3A_763, %dma_start3A_764] : memref<50x8x64xf32, #tpu.memory_space<vmem>> -> memref<1x1x64xf32, #tpu.memory_space<vmem>>
        %dma_start3A_766 = tpu.memref_squeeze %dma_start3A_765 : memref<1x1x64xf32, #tpu.memory_space<vmem>> -> memref<64xf32, #tpu.memory_space<vmem>>
        %dma_start3A_767 = arith.constant 0 : i32
        %dma_start3A_768 = tpu.memref_slice %arg2[%squeeze3A_760, %squeeze3A_762, %dma_start3A_767] : memref<125000x8x64xf32, #tpu.memory_space<hbm>> -> memref<1x1x64xf32, #tpu.memory_space<hbm>>
        %dma_start3A_769 = tpu.memref_squeeze %dma_start3A_768 : memref<1x1x64xf32, #tpu.memory_space<hbm>> -> memref<64xf32, #tpu.memory_space<hbm>>
        %dma_start3A_770 = arith.constant 0 : i32
        %dma_start3A_771 = tpu.memref_slice %arg10[%add3A_758, %dma_start3A_763, %dma_start3A_770] : memref<50x8x64xf32, #tpu.memory_space<vmem>> -> memref<1x1x64xf32, #tpu.memory_space<vmem>>
        %dma_start3A_772 = tpu.memref_squeeze %dma_start3A_771 : memref<1x1x64xf32, #tpu.memory_space<vmem>> -> memref<64xf32, #tpu.memory_space<vmem>>
        %dma_start3A_773 = arith.constant 0 : i32
        %dma_start3A_774 = tpu.memref_slice %arg2[%squeeze3A_760, %squeeze3A_762, %dma_start3A_773] : memref<125000x8x64xf32, #tpu.memory_space<hbm>> -> memref<1x1x64xf32, #tpu.memory_space<hbm>>
        %dma_start3A_775 = tpu.memref_squeeze %dma_start3A_774 : memref<1x1x64xf32, #tpu.memory_space<hbm>> -> memref<64xf32, #tpu.memory_space<hbm>>
        tpu.enqueue_dma source(%dma_start3A_775 : memref<64xf32, #tpu.memory_space<hbm>>) target(%dma_start3A_772 : memref<64xf32, #tpu.memory_space<vmem>>) target_semaphore(%arg14 : memref<!tpu.dma_semaphore, #tpu.memory_space<semaphore_mem>>)
      }
      %scan3A_375 = arith.constant 25 : i32
      %add3A_376 = arith.constant 2 : i32
      %add3A_377 = arith.addi %add3A_357, %add3A_376 : i32
      %mul3A_378 = arith.constant 400 : i32
      %mul3A_379 = arith.muli %add3A_377, %mul3A_378 : i32
      %add3A_380 = arith.addi %mul3A_2, %mul3A_379 : i32
      %dma_start3A_381 = tpu.memref_slice %arg3[%add3A_380] : memref<204800xi32, #tpu.memory_space<hbm>> -> memref<400xi32, #tpu.memory_space<hbm>>
      %dma_start3A_382 = tpu.memref_slice %arg3[%add3A_380] : memref<204800xi32, #tpu.memory_space<hbm>> -> memref<400xi32, #tpu.memory_space<hbm>>
      tpu.enqueue_dma source(%dma_start3A_382 : memref<400xi32, #tpu.memory_space<hbm>>) target(%arg7 : memref<400xi32, #tpu.memory_space<vmem>>) target_semaphore(%arg12 : memref<!tpu.dma_semaphore, #tpu.memory_space<semaphore_mem>>)
      %dma_wait3A_383 = arith.constant 0 : i32
      %dma_wait3A_384 = arith.constant 0 : i32
      %dma_wait3A_385 = arith.constant 0 : i32
      %dma_wait3A_386 = tpu.memref_slice %arg2[%dma_wait3A_383, %dma_wait3A_384, %dma_wait3A_385] : memref<125000x8x64xf32, #tpu.memory_space<hbm>> -> memref<50x8x64xf32, #tpu.memory_space<hbm>>
      %dma_wait3A_387 = arith.constant 0 : i32
      %dma_wait3A_388 = arith.constant 0 : i32
      %dma_wait3A_389 = arith.constant 0 : i32
      %dma_wait3A_390 = tpu.memref_slice %arg2[%dma_wait3A_387, %dma_wait3A_388, %dma_wait3A_389] : memref<125000x8x64xf32, #tpu.memory_space<hbm>> -> memref<50x8x64xf32, #tpu.memory_space<hbm>>
      tpu.wait_dma2 semaphore(%arg13 : memref<!tpu.dma_semaphore, #tpu.memory_space<semaphore_mem>>) src(%dma_wait3A_390 : memref<50x8x64xf32, #tpu.memory_space<hbm>>) dst(%arg9 : memref<50x8x64xf32, #tpu.memory_space<vmem>>)
      %scan3A_391 = arith.constant 0 : i32
      %scan3A_392 = arith.constant 0 : i32
      %scan3A_393 = arith.constant 200 : i32
      %scan3A_394 = arith.addi %scan3A_392, %scan3A_393 : i32
      %scan3A_395 = arith.constant 1 : i32
      scf.for %scan3A_432 = %scan3A_392 to %scan3A_394 step %scan3A_395  : i32 {
        %shift_right_logical3A = arith.constant 3 : i32
        %shift_right_logical3A_433 = arith.shrui %scan3A_432, %shift_right_logical3A : i32
        %and3A_434 = arith.constant 7 : i32
        %and3A_435 = arith.andi %scan3A_432, %and3A_434 : i32
        %add3A_436 = arith.constant 0 : i32
        %add3A_437 = arith.addi %shift_right_logical3A_433, %add3A_436 : i32
        %mul3A_438 = arith.constant 64 : i32
        %mul3A_439 = arith.muli %scan3A_432, %mul3A_438 : i32
        %add3A_440 = arith.constant 0 : i32
        %add3A_441 = arith.addi %mul3A_439, %add3A_440 : i32
        %get3A = arith.index_cast %add3A_441 : i32 to index
        %get3A_442 = tpu.vector_load %arg8[%get3A] {strides = array<i32>} : memref<12800xf32, #tpu.memory_space<vmem>>, vector<16xf32>,
        %get3A_443 = vector.shape_cast %get3A_442 : vector<16xf32> to vector<16xf32>
        %get3A_444 = arith.index_cast %add3A_437 : i32 to index
        %get3A_445 = arith.index_cast %and3A_435 : i32 to index
        %get3A_446 = arith.constant 0 : index
        %get3A_447 = tpu.vector_load %arg9[%get3A_444, %get3A_445, %get3A_446] {strides = array<i32>} : memref<50x8x64xf32, #tpu.memory_space<vmem>>, vector<1x1x16xf32>,
        %get3A_448 = vector.shape_cast %get3A_447 : vector<1x1x16xf32> to vector<16xf32>
        %mul3A_449 = vector.broadcast %scan3A_76 : f32 to vector<16xf32>
        %mul3A_450 = arith.mulf %get3A_448, %mul3A_449 : vector<16xf32>
        %add3A_451 = arith.addf %mul3A_450, %get3A_443 : vector<16xf32>
        %swap3A = arith.index_cast %add3A_437 : i32 to index
        %swap3A_452 = arith.index_cast %and3A_435 : i32 to index
        %swap3A_453 = arith.constant 0 : index
        %swap3A_454 = tpu.vector_load %arg9[%swap3A, %swap3A_452, %swap3A_453] {strides = array<i32>} : memref<50x8x64xf32, #tpu.memory_space<vmem>>, vector<1x1x16xf32>,
        %swap3A_455 = vector.shape_cast %swap3A_454 : vector<1x1x16xf32> to vector<16xf32>
        %swap3A_456 = vector.shape_cast %add3A_451 : vector<16xf32> to vector<1x1x16xf32>
        tpu.vector_store %arg9[%swap3A, %swap3A_452, %swap3A_453], %swap3A_456 {strides = array<i32>} : memref<50x8x64xf32, #tpu.memory_space<vmem>>, vector<1x1x16xf32>,
        %mul3A_457 = arith.constant 64 : i32
        %mul3A_458 = arith.muli %scan3A_432, %mul3A_457 : i32
        %add3A_459 = arith.constant 16 : i32
        %add3A_460 = arith.addi %mul3A_458, %add3A_459 : i32
        %get3A_461 = arith.index_cast %add3A_460 : i32 to index
        %get3A_462 = tpu.vector_load %arg8[%get3A_461] {strides = array<i32>} : memref<12800xf32, #tpu.memory_space<vmem>>, vector<16xf32>,
        %get3A_463 = vector.shape_cast %get3A_462 : vector<16xf32> to vector<16xf32>
        %get3A_464 = arith.index_cast %add3A_437 : i32 to index
        %get3A_465 = arith.index_cast %and3A_435 : i32 to index
        %get3A_466 = arith.constant 16 : index
        %get3A_467 = tpu.vector_load %arg9[%get3A_464, %get3A_465, %get3A_466] {strides = array<i32>} : memref<50x8x64xf32, #tpu.memory_space<vmem>>, vector<1x1x16xf32>,
        %get3A_468 = vector.shape_cast %get3A_467 : vector<1x1x16xf32> to vector<16xf32>
        %mul3A_469 = vector.broadcast %scan3A_76 : f32 to vector<16xf32>
        %mul3A_470 = arith.mulf %get3A_468, %mul3A_469 : vector<16xf32>
        %add3A_471 = arith.addf %mul3A_470, %get3A_463 : vector<16xf32>
        %swap3A_472 = arith.index_cast %add3A_437 : i32 to index
        %swap3A_473 = arith.index_cast %and3A_435 : i32 to index
        %swap3A_474 = arith.constant 16 : index
        %swap3A_475 = tpu.vector_load %arg9[%swap3A_472, %swap3A_473, %swap3A_474] {strides = array<i32>} : memref<50x8x64xf32, #tpu.memory_space<vmem>>, vector<1x1x16xf32>,
        %swap3A_476 = vector.shape_cast %swap3A_475 : vector<1x1x16xf32> to vector<16xf32>
        %swap3A_477 = vector.shape_cast %add3A_471 : vector<16xf32> to vector<1x1x16xf32>
        tpu.vector_store %arg9[%swap3A_472, %swap3A_473, %swap3A_474], %swap3A_477 {strides = array<i32>} : memref<50x8x64xf32, #tpu.memory_space<vmem>>, vector<1x1x16xf32>,
        %mul3A_478 = arith.constant 64 : i32
        %mul3A_479 = arith.muli %scan3A_432, %mul3A_478 : i32
        %add3A_480 = arith.constant 32 : i32
        %add3A_481 = arith.addi %mul3A_479, %add3A_480 : i32
        %get3A_482 = arith.index_cast %add3A_481 : i32 to index
        %get3A_483 = tpu.vector_load %arg8[%get3A_482] {strides = array<i32>} : memref<12800xf32, #tpu.memory_space<vmem>>, vector<16xf32>,
        %get3A_484 = vector.shape_cast %get3A_483 : vector<16xf32> to vector<16xf32>
        %get3A_485 = arith.index_cast %add3A_437 : i32 to index
        %get3A_486 = arith.index_cast %and3A_435 : i32 to index
        %get3A_487 = arith.constant 32 : index
        %get3A_488 = tpu.vector_load %arg9[%get3A_485, %get3A_486, %get3A_487] {strides = array<i32>} : memref<50x8x64xf32, #tpu.memory_space<vmem>>, vector<1x1x16xf32>,
        %get3A_489 = vector.shape_cast %get3A_488 : vector<1x1x16xf32> to vector<16xf32>
        %mul3A_490 = vector.broadcast %scan3A_76 : f32 to vector<16xf32>
        %mul3A_491 = arith.mulf %get3A_489, %mul3A_490 : vector<16xf32>
        %add3A_492 = arith.addf %mul3A_491, %get3A_484 : vector<16xf32>
        %swap3A_493 = arith.index_cast %add3A_437 : i32 to index
        %swap3A_494 = arith.index_cast %and3A_435 : i32 to index
        %swap3A_495 = arith.constant 32 : index
        %swap3A_496 = tpu.vector_load %arg9[%swap3A_493, %swap3A_494, %swap3A_495] {strides = array<i32>} : memref<50x8x64xf32, #tpu.memory_space<vmem>>, vector<1x1x16xf32>,
        %swap3A_497 = vector.shape_cast %swap3A_496 : vector<1x1x16xf32> to vector<16xf32>
        %swap3A_498 = vector.shape_cast %add3A_492 : vector<16xf32> to vector<1x1x16xf32>
        tpu.vector_store %arg9[%swap3A_493, %swap3A_494, %swap3A_495], %swap3A_498 {strides = array<i32>} : memref<50x8x64xf32, #tpu.memory_space<vmem>>, vector<1x1x16xf32>,
        %mul3A_499 = arith.constant 64 : i32
        %mul3A_500 = arith.muli %scan3A_432, %mul3A_499 : i32
        %add3A_501 = arith.constant 48 : i32
        %add3A_502 = arith.addi %mul3A_500, %add3A_501 : i32
        %get3A_503 = arith.index_cast %add3A_502 : i32 to index
        %get3A_504 = tpu.vector_load %arg8[%get3A_503] {strides = array<i32>} : memref<12800xf32, #tpu.memory_space<vmem>>, vector<16xf32>,
        %get3A_505 = vector.shape_cast %get3A_504 : vector<16xf32> to vector<16xf32>
        %get3A_506 = arith.index_cast %add3A_437 : i32 to index
        %get3A_507 = arith.index_cast %and3A_435 : i32 to index
        %get3A_508 = arith.constant 48 : index
        %get3A_509 = tpu.vector_load %arg9[%get3A_506, %get3A_507, %get3A_508] {strides = array<i32>} : memref<50x8x64xf32, #tpu.memory_space<vmem>>, vector<1x1x16xf32>,
        %get3A_510 = vector.shape_cast %get3A_509 : vector<1x1x16xf32> to vector<16xf32>
        %mul3A_511 = vector.broadcast %scan3A_76 : f32 to vector<16xf32>
        %mul3A_512 = arith.mulf %get3A_510, %mul3A_511 : vector<16xf32>
        %add3A_513 = arith.addf %mul3A_512, %get3A_505 : vector<16xf32>
        %swap3A_514 = arith.index_cast %add3A_437 : i32 to index
        %swap3A_515 = arith.index_cast %and3A_435 : i32 to index
        %swap3A_516 = arith.constant 48 : index
        %swap3A_517 = tpu.vector_load %arg9[%swap3A_514, %swap3A_515, %swap3A_516] {strides = array<i32>} : memref<50x8x64xf32, #tpu.memory_space<vmem>>, vector<1x1x16xf32>,
        %swap3A_518 = vector.shape_cast %swap3A_517 : vector<1x1x16xf32> to vector<16xf32>
        %swap3A_519 = vector.shape_cast %add3A_513 : vector<16xf32> to vector<1x1x16xf32>
        tpu.vector_store %arg9[%swap3A_514, %swap3A_515, %swap3A_516], %swap3A_519 {strides = array<i32>} : memref<50x8x64xf32, #tpu.memory_space<vmem>>, vector<1x1x16xf32>,
        %add3A_520 = arith.constant 25 : i32
        %add3A_521 = arith.addi %shift_right_logical3A_433, %add3A_520 : i32
        %mul3A_522 = arith.constant 64 : i32
        %mul3A_523 = arith.muli %scan3A_432, %mul3A_522 : i32
        %add3A_524 = arith.constant 0 : i32
        %add3A_525 = arith.addi %mul3A_523, %add3A_524 : i32
        %get3A_526 = arith.index_cast %add3A_525 : i32 to index
        %get3A_527 = tpu.vector_load %arg8[%get3A_526] {strides = array<i32>} : memref<12800xf32, #tpu.memory_space<vmem>>, vector<16xf32>,
        %get3A_528 = vector.shape_cast %get3A_527 : vector<16xf32> to vector<16xf32>
        %get3A_529 = arith.index_cast %add3A_521 : i32 to index
        %get3A_530 = arith.index_cast %and3A_435 : i32 to index
        %get3A_531 = arith.constant 0 : index
        %get3A_532 = tpu.vector_load %arg9[%get3A_529, %get3A_530, %get3A_531] {strides = array<i32>} : memref<50x8x64xf32, #tpu.memory_space<vmem>>, vector<1x1x16xf32>,
        %get3A_533 = vector.shape_cast %get3A_532 : vector<1x1x16xf32> to vector<16xf32>
        %mul3A_534 = vector.broadcast %scan3A_76 : f32 to vector<16xf32>
        %mul3A_535 = arith.mulf %get3A_533, %mul3A_534 : vector<16xf32>
        %add3A_536 = arith.addf %mul3A_535, %get3A_528 : vector<16xf32>
        %swap3A_537 = arith.index_cast %add3A_521 : i32 to index
        %swap3A_538 = arith.index_cast %and3A_435 : i32 to index
        %swap3A_539 = arith.constant 0 : index
        %swap3A_540 = tpu.vector_load %arg9[%swap3A_537, %swap3A_538, %swap3A_539] {strides = array<i32>} : memref<50x8x64xf32, #tpu.memory_space<vmem>>, vector<1x1x16xf32>,
        %swap3A_541 = vector.shape_cast %swap3A_540 : vector<1x1x16xf32> to vector<16xf32>
        %swap3A_542 = vector.shape_cast %add3A_536 : vector<16xf32> to vector<1x1x16xf32>
        tpu.vector_store %arg9[%swap3A_537, %swap3A_538, %swap3A_539], %swap3A_542 {strides = array<i32>} : memref<50x8x64xf32, #tpu.memory_space<vmem>>, vector<1x1x16xf32>,
        %mul3A_543 = arith.constant 64 : i32
        %mul3A_544 = arith.muli %scan3A_432, %mul3A_543 : i32
        %add3A_545 = arith.constant 16 : i32
        %add3A_546 = arith.addi %mul3A_544, %add3A_545 : i32
        %get3A_547 = arith.index_cast %add3A_546 : i32 to index
        %get3A_548 = tpu.vector_load %arg8[%get3A_547] {strides = array<i32>} : memref<12800xf32, #tpu.memory_space<vmem>>, vector<16xf32>,
        %get3A_549 = vector.shape_cast %get3A_548 : vector<16xf32> to vector<16xf32>
        %get3A_550 = arith.index_cast %add3A_521 : i32 to index
        %get3A_551 = arith.index_cast %and3A_435 : i32 to index
        %get3A_552 = arith.constant 16 : index
        %get3A_553 = tpu.vector_load %arg9[%get3A_550, %get3A_551, %get3A_552] {strides = array<i32>} : memref<50x8x64xf32, #tpu.memory_space<vmem>>, vector<1x1x16xf32>,
        %get3A_554 = vector.shape_cast %get3A_553 : vector<1x1x16xf32> to vector<16xf32>
        %mul3A_555 = vector.broadcast %scan3A_76 : f32 to vector<16xf32>
        %mul3A_556 = arith.mulf %get3A_554, %mul3A_555 : vector<16xf32>
        %add3A_557 = arith.addf %mul3A_556, %get3A_549 : vector<16xf32>
        %swap3A_558 = arith.index_cast %add3A_521 : i32 to index
        %swap3A_559 = arith.index_cast %and3A_435 : i32 to index
        %swap3A_560 = arith.constant 16 : index
        %swap3A_561 = tpu.vector_load %arg9[%swap3A_558, %swap3A_559, %swap3A_560] {strides = array<i32>} : memref<50x8x64xf32, #tpu.memory_space<vmem>>, vector<1x1x16xf32>,
        %swap3A_562 = vector.shape_cast %swap3A_561 : vector<1x1x16xf32> to vector<16xf32>
        %swap3A_563 = vector.shape_cast %add3A_557 : vector<16xf32> to vector<1x1x16xf32>
        tpu.vector_store %arg9[%swap3A_558, %swap3A_559, %swap3A_560], %swap3A_563 {strides = array<i32>} : memref<50x8x64xf32, #tpu.memory_space<vmem>>, vector<1x1x16xf32>,
        %mul3A_564 = arith.constant 64 : i32
        %mul3A_565 = arith.muli %scan3A_432, %mul3A_564 : i32
        %add3A_566 = arith.constant 32 : i32
        %add3A_567 = arith.addi %mul3A_565, %add3A_566 : i32
        %get3A_568 = arith.index_cast %add3A_567 : i32 to index
        %get3A_569 = tpu.vector_load %arg8[%get3A_568] {strides = array<i32>} : memref<12800xf32, #tpu.memory_space<vmem>>, vector<16xf32>,
        %get3A_570 = vector.shape_cast %get3A_569 : vector<16xf32> to vector<16xf32>
        %get3A_571 = arith.index_cast %add3A_521 : i32 to index
        %get3A_572 = arith.index_cast %and3A_435 : i32 to index
        %get3A_573 = arith.constant 32 : index
        %get3A_574 = tpu.vector_load %arg9[%get3A_571, %get3A_572, %get3A_573] {strides = array<i32>} : memref<50x8x64xf32, #tpu.memory_space<vmem>>, vector<1x1x16xf32>,
        %get3A_575 = vector.shape_cast %get3A_574 : vector<1x1x16xf32> to vector<16xf32>
        %mul3A_576 = vector.broadcast %scan3A_76 : f32 to vector<16xf32>
        %mul3A_577 = arith.mulf %get3A_575, %mul3A_576 : vector<16xf32>
        %add3A_578 = arith.addf %mul3A_577, %get3A_570 : vector<16xf32>
        %swap3A_579 = arith.index_cast %add3A_521 : i32 to index
        %swap3A_580 = arith.index_cast %and3A_435 : i32 to index
        %swap3A_581 = arith.constant 32 : index
        %swap3A_582 = tpu.vector_load %arg9[%swap3A_579, %swap3A_580, %swap3A_581] {strides = array<i32>} : memref<50x8x64xf32, #tpu.memory_space<vmem>>, vector<1x1x16xf32>,
        %swap3A_583 = vector.shape_cast %swap3A_582 : vector<1x1x16xf32> to vector<16xf32>
        %swap3A_584 = vector.shape_cast %add3A_578 : vector<16xf32> to vector<1x1x16xf32>
        tpu.vector_store %arg9[%swap3A_579, %swap3A_580, %swap3A_581], %swap3A_584 {strides = array<i32>} : memref<50x8x64xf32, #tpu.memory_space<vmem>>, vector<1x1x16xf32>,
        %mul3A_585 = arith.constant 64 : i32
        %mul3A_586 = arith.muli %scan3A_432, %mul3A_585 : i32
        %add3A_587 = arith.constant 48 : i32
        %add3A_588 = arith.addi %mul3A_586, %add3A_587 : i32
        %get3A_589 = arith.index_cast %add3A_588 : i32 to index
        %get3A_590 = tpu.vector_load %arg8[%get3A_589] {strides = array<i32>} : memref<12800xf32, #tpu.memory_space<vmem>>, vector<16xf32>,
        %get3A_591 = vector.shape_cast %get3A_590 : vector<16xf32> to vector<16xf32>
        %get3A_592 = arith.index_cast %add3A_521 : i32 to index
        %get3A_593 = arith.index_cast %and3A_435 : i32 to index
        %get3A_594 = arith.constant 48 : index
        %get3A_595 = tpu.vector_load %arg9[%get3A_592, %get3A_593, %get3A_594] {strides = array<i32>} : memref<50x8x64xf32, #tpu.memory_space<vmem>>, vector<1x1x16xf32>,
        %get3A_596 = vector.shape_cast %get3A_595 : vector<1x1x16xf32> to vector<16xf32>
        %mul3A_597 = vector.broadcast %scan3A_76 : f32 to vector<16xf32>
        %mul3A_598 = arith.mulf %get3A_596, %mul3A_597 : vector<16xf32>
        %add3A_599 = arith.addf %mul3A_598, %get3A_591 : vector<16xf32>
        %swap3A_600 = arith.index_cast %add3A_521 : i32 to index
        %swap3A_601 = arith.index_cast %and3A_435 : i32 to index
        %swap3A_602 = arith.constant 48 : index
        %swap3A_603 = tpu.vector_load %arg9[%swap3A_600, %swap3A_601, %swap3A_602] {strides = array<i32>} : memref<50x8x64xf32, #tpu.memory_space<vmem>>, vector<1x1x16xf32>,
        %swap3A_604 = vector.shape_cast %swap3A_603 : vector<1x1x16xf32> to vector<16xf32>
        %swap3A_605 = vector.shape_cast %add3A_599 : vector<16xf32> to vector<1x1x16xf32>
        tpu.vector_store %arg9[%swap3A_600, %swap3A_601, %swap3A_602], %swap3A_605 {strides = array<i32>} : memref<50x8x64xf32, #tpu.memory_space<vmem>>, vector<1x1x16xf32>,
      }
      %scan3A_396 = arith.constant 200 : i32
      %sub3A_397 = arith.constant 1 : i32
      %sub3A_398 = arith.subi %add3A_357, %sub3A_397 : i32
      %mul3A_399 = arith.constant 400 : i32
      %mul3A_400 = arith.muli %sub3A_398, %mul3A_399 : i32
      %add3A_401 = arith.addi %mul3A_2, %mul3A_400 : i32
      %jit3A_402 = arith.constant 8 : i32
      %div3A_403 = arith.divsi %add3A_401, %jit3A_402 : i32
      %sign3A_404 = arith.constant 0 : i32
      %sign3A_405 = arith.cmpi sgt, %add3A_401, %sign3A_404 : i32
      %sign3A_406 = arith.extui %sign3A_405 : i1 to i32
      %sign3A_407 = arith.constant 0 : i32
      %sign3A_408 = arith.cmpi slt, %add3A_401, %sign3A_407 : i32
      %sign3A_409 = arith.extui %sign3A_408 : i1 to i32
      %sign3A_410 = arith.subi %sign3A_406, %sign3A_409 : i32
      %sign3A_411 = arith.constant 0 : i32
      %sign3A_412 = arith.cmpi sgt, %jit3A_402, %sign3A_411 : i32
      %sign3A_413 = arith.extui %sign3A_412 : i1 to i32
      %sign3A_414 = arith.constant 0 : i32
      %sign3A_415 = arith.cmpi slt, %jit3A_402, %sign3A_414 : i32
      %sign3A_416 = arith.extui %sign3A_415 : i1 to i32
      %sign3A_417 = arith.subi %sign3A_413, %sign3A_416 : i32
      %ne3A_418 = arith.cmpi ne, %sign3A_410, %sign3A_417 : i32
      %rem3A_419 = arith.remsi %add3A_401, %jit3A_402 : i32
      %ne3A_420 = arith.constant 0 : i32
      %ne3A_421 = arith.cmpi ne, %rem3A_419, %ne3A_420 : i32
      %and3A_422 = arith.andi %ne3A_418, %ne3A_421 : i1
      %sub3A_423 = arith.constant 1 : i32
      %sub3A_424 = arith.subi %div3A_403, %sub3A_423 : i32
      %select_n3A_425 = arith.select %and3A_422, %sub3A_424, %div3A_403 : i32
      %dma_start3A_426 = arith.constant 0 : i32
      %dma_start3A_427 = arith.constant 0 : i32
      %dma_start3A_428 = tpu.memref_slice %arg5[%select_n3A_425, %dma_start3A_426, %dma_start3A_427] : memref<25600x8x64xf32, #tpu.memory_space<hbm>> -> memref<50x8x64xf32, #tpu.memory_space<hbm>>
      %dma_start3A_429 = arith.constant 0 : i32
      %dma_start3A_430 = arith.constant 0 : i32
      %dma_start3A_431 = tpu.memref_slice %arg5[%select_n3A_425, %dma_start3A_429, %dma_start3A_430] : memref<25600x8x64xf32, #tpu.memory_space<hbm>> -> memref<50x8x64xf32, #tpu.memory_space<hbm>>
      tpu.enqueue_dma source(%arg9 : memref<50x8x64xf32, #tpu.memory_space<vmem>>) target(%dma_start3A_431 : memref<50x8x64xf32, #tpu.memory_space<hbm>>) target_semaphore(%arg15 : memref<!tpu.dma_semaphore, #tpu.memory_space<semaphore_mem>>)
    }
    %scan3A_81 = arith.constant 6 : i32
    %dma_wait3A_82 = arith.constant 0 : i32
    %dma_wait3A_83 = arith.constant 0 : i32
    %dma_wait3A_84 = arith.constant 0 : i32
    %dma_wait3A_85 = tpu.memref_slice %arg5[%dma_wait3A_82, %dma_wait3A_83, %dma_wait3A_84] : memref<25600x8x64xf32, #tpu.memory_space<hbm>> -> memref<50x8x64xf32, #tpu.memory_space<hbm>>
    %dma_wait3A_86 = arith.constant 0 : i32
    %dma_wait3A_87 = arith.constant 0 : i32
    %dma_wait3A_88 = arith.constant 0 : i32
    %dma_wait3A_89 = tpu.memref_slice %arg5[%dma_wait3A_86, %dma_wait3A_87, %dma_wait3A_88] : memref<25600x8x64xf32, #tpu.memory_space<hbm>> -> memref<50x8x64xf32, #tpu.memory_space<hbm>>
    tpu.wait_dma2 semaphore(%arg15 : memref<!tpu.dma_semaphore, #tpu.memory_space<semaphore_mem>>) src(%arg9 : memref<50x8x64xf32, #tpu.memory_space<vmem>>) dst(%dma_wait3A_89 : memref<50x8x64xf32, #tpu.memory_space<hbm>>)
    %dma_wait3A_90 = arith.constant 0 : i32
    %dma_wait3A_91 = tpu.memref_slice %arg3[%dma_wait3A_90] : memref<204800xi32, #tpu.memory_space<hbm>> -> memref<400xi32, #tpu.memory_space<hbm>>
    %dma_wait3A_92 = arith.constant 0 : i32
    %dma_wait3A_93 = tpu.memref_slice %arg3[%dma_wait3A_92] : memref<204800xi32, #tpu.memory_space<hbm>> -> memref<400xi32, #tpu.memory_space<hbm>>
    tpu.wait_dma2 semaphore(%arg11 : memref<!tpu.dma_semaphore, #tpu.memory_space<semaphore_mem>>) src(%dma_wait3A_93 : memref<400xi32, #tpu.memory_space<hbm>>) dst(%arg6 : memref<400xi32, #tpu.memory_space<vmem>>)
    %scan3A_94 = arith.constant 0 : i32
    %scan3A_95 = arith.constant 0 : i32
    %scan3A_96 = arith.constant 25 : i32
    %scan3A_97 = arith.addi %scan3A_95, %scan3A_96 : i32
    %scan3A_98 = arith.constant 1 : i32
    scf.for %scan3A_275 = %scan3A_95 to %scan3A_97 step %scan3A_98  : i32 {
      %mul3A_276 = arith.constant 16 : i32
      %mul3A_277 = arith.muli %scan3A_275, %mul3A_276 : i32
      %get3A = arith.index_cast %mul3A_277 : i32 to index
      %get3A_278 = tpu.vector_load %arg6[%get3A] {strides = array<i32>} : memref<400xi32, #tpu.memory_space<vmem>>, vector<16xi32>,
      %get3A_279 = vector.shape_cast %get3A_278 : vector<16xi32> to vector<16xi32>
      %shift_right_logical3A = arith.constant 3 : i32
      %shift_right_logical3A_280 = vector.broadcast %shift_right_logical3A : i32 to vector<16xi32>
      %shift_right_logical3A_281 = arith.shrui %get3A_279, %shift_right_logical3A_280 : vector<16xi32>
      %and3A_282 = arith.constant 7 : i32
      %and3A_283 = vector.broadcast %and3A_282 : i32 to vector<16xi32>
      %and3A_284 = arith.andi %get3A_279, %and3A_283 : vector<16xi32>
      %mul3A_285 = arith.constant 2 : i32
      %mul3A_286 = arith.muli %mul3A_285, %scan3A_275 : i32
      %add3A_287 = arith.constant 0 : i32
      %add3A_288 = arith.addi %mul3A_286, %add3A_287 : i32
      %slice3A = vector.extract_strided_slice %shift_right_logical3A_281 {offsets = [0], sizes = [1], strides = [1]} : vector<16xi32> to vector<1xi32>
      %squeeze3A = vector.extract %slice3A[0] : i32 from vector<1xi32>
      %slice3A_289 = vector.extract_strided_slice %and3A_284 {offsets = [0], sizes = [1], strides = [1]} : vector<16xi32> to vector<1xi32>
      %squeeze3A_290 = vector.extract %slice3A_289[0] : i32 from vector<1xi32>
      %dma_start3A_291 = arith.constant 0 : i32
      %dma_start3A_292 = arith.constant 0 : i32
      %dma_start3A_293 = tpu.memref_slice %arg9[%add3A_288, %dma_start3A_291, %dma_start3A_292] : memref<50x8x64xf32, #tpu.memory_space<vmem>> -> memref<1x1x64xf32, #tpu.memory_space<vmem>>
      %dma_start3A_294 = tpu.memref_squeeze %dma_start3A_293 : memref<1x1x64xf32, #tpu.memory_space<vmem>> -> memref<64xf32, #tpu.memory_space<vmem>>
      %dma_start3A_295 = arith.constant 0 : i32
      %dma_start3A_296 = tpu.memref_slice %arg2[%squeeze3A, %squeeze3A_290, %dma_start3A_295] : memref<125000x8x64xf32, #tpu.memory_space<hbm>> -> memref<1x1x64xf32, #tpu.memory_space<hbm>>
      %dma_start3A_297 = tpu.memref_squeeze %dma_start3A_296 : memref<1x1x64xf32, #tpu.memory_space<hbm>> -> memref<64xf32, #tpu.memory_space<hbm>>
      %dma_start3A_298 = arith.constant 0 : i32
      %dma_start3A_299 = tpu.memref_slice %arg9[%add3A_288, %dma_start3A_291, %dma_start3A_298] : memref<50x8x64xf32, #tpu.memory_space<vmem>> -> memref<1x1x64xf32, #tpu.memory_space<vmem>>
      %dma_start3A_300 = tpu.memref_squeeze %dma_start3A_299 : memref<1x1x64xf32, #tpu.memory_space<vmem>> -> memref<64xf32, #tpu.memory_space<vmem>>
      %dma_start3A_301 = arith.constant 0 : i32
      %dma_start3A_302 = tpu.memref_slice %arg2[%squeeze3A, %squeeze3A_290, %dma_start3A_301] : memref<125000x8x64xf32, #tpu.memory_space<hbm>> -> memref<1x1x64xf32, #tpu.memory_space<hbm>>
      %dma_start3A_303 = tpu.memref_squeeze %dma_start3A_302 : memref<1x1x64xf32, #tpu.memory_space<hbm>> -> memref<64xf32, #tpu.memory_space<hbm>>
      tpu.enqueue_dma source(%dma_start3A_303 : memref<64xf32, #tpu.memory_space<hbm>>) target(%dma_start3A_300 : memref<64xf32, #tpu.memory_space<vmem>>) target_semaphore(%arg13 : memref<!tpu.dma_semaphore, #tpu.memory_space<semaphore_mem>>)
      %mul3A_304 = arith.constant 2 : i32
      %mul3A_305 = arith.muli %mul3A_304, %scan3A_275 : i32
      %add3A_306 = arith.constant 0 : i32
      %add3A_307 = arith.addi %mul3A_305, %add3A_306 : i32
      %slice3A_308 = vector.extract_strided_slice %shift_right_logical3A_281 {offsets = [1], sizes = [1], strides = [1]} : vector<16xi32> to vector<1xi32>
      %squeeze3A_309 = vector.extract %slice3A_308[0] : i32 from vector<1xi32>
      %slice3A_310 = vector.extract_strided_slice %and3A_284 {offsets = [1], sizes = [1], strides = [1]} : vector<16xi32> to vector<1xi32>
      %squeeze3A_311 = vector.extract %slice3A_310[0] : i32 from vector<1xi32>
      %dma_start3A_312 = arith.constant 1 : i32
      %dma_start3A_313 = arith.constant 0 : i32
      %dma_start3A_314 = tpu.memref_slice %arg9[%add3A_307, %dma_start3A_312, %dma_start3A_313] : memref<50x8x64xf32, #tpu.memory_space<vmem>> -> memref<1x1x64xf32, #tpu.memory_space<vmem>>
      %dma_start3A_315 = tpu.memref_squeeze %dma_start3A_314 : memref<1x1x64xf32, #tpu.memory_space<vmem>> -> memref<64xf32, #tpu.memory_space<vmem>>
      %dma_start3A_316 = arith.constant 0 : i32
      %dma_start3A_317 = tpu.memref_slice %arg2[%squeeze3A_309, %squeeze3A_311, %dma_start3A_316] : memref<125000x8x64xf32, #tpu.memory_space<hbm>> -> memref<1x1x64xf32, #tpu.memory_space<hbm>>
      %dma_start3A_318 = tpu.memref_squeeze %dma_start3A_317 : memref<1x1x64xf32, #tpu.memory_space<hbm>> -> memref<64xf32, #tpu.memory_space<hbm>>
      %dma_start3A_319 = arith.constant 0 : i32
      %dma_start3A_320 = tpu.memref_slice %arg9[%add3A_307, %dma_start3A_312, %dma_start3A_319] : memref<50x8x64xf32, #tpu.memory_space<vmem>> -> memref<1x1x64xf32, #tpu.memory_space<vmem>>
      %dma_start3A_321 = tpu.memref_squeeze %dma_start3A_320 : memref<1x1x64xf32, #tpu.memory_space<vmem>> -> memref<64xf32, #tpu.memory_space<vmem>>
      %dma_start3A_322 = arith.constant 0 : i32
      %dma_start3A_323 = tpu.memref_slice %arg2[%squeeze3A_309, %squeeze3A_311, %dma_start3A_322] : memref<125000x8x64xf32, #tpu.memory_space<hbm>> -> memref<1x1x64xf32, #tpu.memory_space<hbm>>
      %dma_start3A_324 = tpu.memref_squeeze %dma_start3A_323 : memref<1x1x64xf32, #tpu.memory_space<hbm>> -> memref<64xf32, #tpu.memory_space<hbm>>
      tpu.enqueue_dma source(%dma_start3A_324 : memref<64xf32, #tpu.memory_space<hbm>>) target(%dma_start3A_321 : memref<64xf32, #tpu.memory_space<vmem>>) target_semaphore(%arg13 : memref<!tpu.dma_semaphore, #tpu.memory_space<semaphore_mem>>)
      %mul3A_325 = arith.constant 2 : i32
      %mul3A_326 = arith.muli %mul3A_325, %scan3A_275 : i32
      %add3A_327 = arith.constant 0 : i32
      %add3A_328 = arith.addi %mul3A_326, %add3A_327 : i32
      %slice3A_329 = vector.extract_strided_slice %shift_right_logical3A_281 {offsets = [2], sizes = [1], strides = [1]} : vector<16xi32> to vector<1xi32>
      %squeeze3A_330 = vector.extract %slice3A_329[0] : i32 from vector<1xi32>
      %slice3A_331 = vector.extract_strided_slice %and3A_284 {offsets = [2], sizes = [1], strides = [1]} : vector<16xi32> to vector<1xi32>
      %squeeze3A_332 = vector.extract %slice3A_331[0] : i32 from vector<1xi32>
      %dma_start3A_333 = arith.constant 2 : i32
      %dma_start3A_334 = arith.constant 0 : i32
      %dma_start3A_335 = tpu.memref_slice %arg9[%add3A_328, %dma_start3A_333, %dma_start3A_334] : memref<50x8x64xf32, #tpu.memory_space<vmem>> -> memref<1x1x64xf32, #tpu.memory_space<vmem>>
      %dma_start3A_336 = tpu.memref_squeeze %dma_start3A_335 : memref<1x1x64xf32, #tpu.memory_space<vmem>> -> memref<64xf32, #tpu.memory_space<vmem>>
      %dma_start3A_337 = arith.constant 0 : i32
      %dma_start3A_338 = tpu.memref_slice %arg2[%squeeze3A_330, %squeeze3A_332, %dma_start3A_337] : memref<125000x8x64xf32, #tpu.memory_space<hbm>> -> memref<1x1x64xf32, #tpu.memory_space<hbm>>
      %dma_start3A_339 = tpu.memref_squeeze %dma_start3A_338 : memref<1x1x64xf32, #tpu.memory_space<hbm>> -> memref<64xf32, #tpu.memory_space<hbm>>
      %dma_start3A_340 = arith.constant 0 : i32
      %dma_start3A_341 = tpu.memref_slice %arg9[%add3A_328, %dma_start3A_333, %dma_start3A_340] : memref<50x8x64xf32, #tpu.memory_space<vmem>> -> memref<1x1x64xf32, #tpu.memory_space<vmem>>
      %dma_start3A_342 = tpu.memref_squeeze %dma_start3A_341 : memref<1x1x64xf32, #tpu.memory_space<vmem>> -> memref<64xf32, #tpu.memory_space<vmem>>
      %dma_start3A_343 = arith.constant 0 : i32
      %dma_start3A_344 = tpu.memref_slice %arg2[%squeeze3A_330, %squeeze3A_332, %dma_start3A_343] : memref<125000x8x64xf32, #tpu.memory_space<hbm>> -> memref<1x1x64xf32, #tpu.memory_space<hbm>>
      %dma_start3A_345 = tpu.memref_squeeze %dma_start3A_344 : memref<1x1x64xf32, #tpu.memory_space<hbm>> -> memref<64xf32, #tpu.memory_space<hbm>>
      tpu.enqueue_dma source(%dma_start3A_345 : memref<64xf32, #tpu.memory_space<hbm>>) target(%dma_start3A_342 : memref<64xf32, #tpu.memory_space<vmem>>) target_semaphore(%arg13 : memref<!tpu.dma_semaphore, #tpu.memory_space<semaphore_mem>>)
      %mul3A_346 = arith.constant 2 : i32
      %mul3A_347 = arith.muli %mul3A_346, %scan3A_275 : i32
      %add3A_348 = arith.constant 0 : i32
      %add3A_349 = arith.addi %mul3A_347, %add3A_348 : i32
      %slice3A_350 = vector.extract_strided_slice %shift_right_logical3A_281 {offsets = [3], sizes = [1], strides = [1]} : vector<16xi32> to vector<1xi32>
      %squeeze3A_351 = vector.extract %slice3A_350[0] : i32 from vector<1xi32>
      %slice3A_352 = vector.extract_strided_slice %and3A_284 {offsets = [3], sizes = [1], strides = [1]} : vector<16xi32> to vector<1xi32>
      %squeeze3A_353 = vector.extract %slice3A_352[0] : i32 from vector<1xi32>
      %dma_start3A_354 = arith.constant 3 : i32
      %dma_start3A_355 = arith.constant 0 : i32
      %dma_start3A_356 = tpu.memref_slice %arg9[%add3A_349, %dma_start3A_354, %dma_start3A_355] : memref<50x8x64xf32, #tpu.memory_space<vmem>> -> memref<1x1x64xf32, #tpu.memory_space<vmem>>
      %dma_start3A_357 = tpu.memref_squeeze %dma_start3A_356 : memref<1x1x64xf32, #tpu.memory_space<vmem>> -> memref<64xf32, #tpu.memory_space<vmem>>
      %dma_start3A_358 = arith.constant 0 : i32
      %dma_start3A_359 = tpu.memref_slice %arg2[%squeeze3A_351, %squeeze3A_353, %dma_start3A_358] : memref<125000x8x64xf32, #tpu.memory_space<hbm>> -> memref<1x1x64xf32, #tpu.memory_space<hbm>>
      %dma_start3A_360 = tpu.memref_squeeze %dma_start3A_359 : memref<1x1x64xf32, #tpu.memory_space<hbm>> -> memref<64xf32, #tpu.memory_space<hbm>>
      %dma_start3A_361 = arith.constant 0 : i32
      %dma_start3A_362 = tpu.memref_slice %arg9[%add3A_349, %dma_start3A_354, %dma_start3A_361] : memref<50x8x64xf32, #tpu.memory_space<vmem>> -> memref<1x1x64xf32, #tpu.memory_space<vmem>>
      %dma_start3A_363 = tpu.memref_squeeze %dma_start3A_362 : memref<1x1x64xf32, #tpu.memory_space<vmem>> -> memref<64xf32, #tpu.memory_space<vmem>>
      %dma_start3A_364 = arith.constant 0 : i32
      %dma_start3A_365 = tpu.memref_slice %arg2[%squeeze3A_351, %squeeze3A_353, %dma_start3A_364] : memref<125000x8x64xf32, #tpu.memory_space<hbm>> -> memref<1x1x64xf32, #tpu.memory_space<hbm>>
      %dma_start3A_366 = tpu.memref_squeeze %dma_start3A_365 : memref<1x1x64xf32, #tpu.memory_space<hbm>> -> memref<64xf32, #tpu.memory_space<hbm>>
      tpu.enqueue_dma source(%dma_start3A_366 : memref<64xf32, #tpu.memory_space<hbm>>) target(%dma_start3A_363 : memref<64xf32, #tpu.memory_space<vmem>>) target_semaphore(%arg13 : memref<!tpu.dma_semaphore, #tpu.memory_space<semaphore_mem>>)
      %mul3A_367 = arith.constant 2 : i32
      %mul3A_368 = arith.muli %mul3A_367, %scan3A_275 : i32
      %add3A_369 = arith.constant 0 : i32
      %add3A_370 = arith.addi %mul3A_368, %add3A_369 : i32
      %slice3A_371 = vector.extract_strided_slice %shift_right_logical3A_281 {offsets = [4], sizes = [1], strides = [1]} : vector<16xi32> to vector<1xi32>
      %squeeze3A_372 = vector.extract %slice3A_371[0] : i32 from vector<1xi32>
      %slice3A_373 = vector.extract_strided_slice %and3A_284 {offsets = [4], sizes = [1], strides = [1]} : vector<16xi32> to vector<1xi32>
      %squeeze3A_374 = vector.extract %slice3A_373[0] : i32 from vector<1xi32>
      %dma_start3A_375 = arith.constant 4 : i32
      %dma_start3A_376 = arith.constant 0 : i32
      %dma_start3A_377 = tpu.memref_slice %arg9[%add3A_370, %dma_start3A_375, %dma_start3A_376] : memref<50x8x64xf32, #tpu.memory_space<vmem>> -> memref<1x1x64xf32, #tpu.memory_space<vmem>>
      %dma_start3A_378 = tpu.memref_squeeze %dma_start3A_377 : memref<1x1x64xf32, #tpu.memory_space<vmem>> -> memref<64xf32, #tpu.memory_space<vmem>>
      %dma_start3A_379 = arith.constant 0 : i32
      %dma_start3A_380 = tpu.memref_slice %arg2[%squeeze3A_372, %squeeze3A_374, %dma_start3A_379] : memref<125000x8x64xf32, #tpu.memory_space<hbm>> -> memref<1x1x64xf32, #tpu.memory_space<hbm>>
      %dma_start3A_381 = tpu.memref_squeeze %dma_start3A_380 : memref<1x1x64xf32, #tpu.memory_space<hbm>> -> memref<64xf32, #tpu.memory_space<hbm>>
      %dma_start3A_382 = arith.constant 0 : i32
      %dma_start3A_383 = tpu.memref_slice %arg9[%add3A_370, %dma_start3A_375, %dma_start3A_382] : memref<50x8x64xf32, #tpu.memory_space<vmem>> -> memref<1x1x64xf32, #tpu.memory_space<vmem>>
      %dma_start3A_384 = tpu.memref_squeeze %dma_start3A_383 : memref<1x1x64xf32, #tpu.memory_space<vmem>> -> memref<64xf32, #tpu.memory_space<vmem>>
      %dma_start3A_385 = arith.constant 0 : i32
      %dma_start3A_386 = tpu.memref_slice %arg2[%squeeze3A_372, %squeeze3A_374, %dma_start3A_385] : memref<125000x8x64xf32, #tpu.memory_space<hbm>> -> memref<1x1x64xf32, #tpu.memory_space<hbm>>
      %dma_start3A_387 = tpu.memref_squeeze %dma_start3A_386 : memref<1x1x64xf32, #tpu.memory_space<hbm>> -> memref<64xf32, #tpu.memory_space<hbm>>
      tpu.enqueue_dma source(%dma_start3A_387 : memref<64xf32, #tpu.memory_space<hbm>>) target(%dma_start3A_384 : memref<64xf32, #tpu.memory_space<vmem>>) target_semaphore(%arg13 : memref<!tpu.dma_semaphore, #tpu.memory_space<semaphore_mem>>)
      %mul3A_388 = arith.constant 2 : i32
      %mul3A_389 = arith.muli %mul3A_388, %scan3A_275 : i32
      %add3A_390 = arith.constant 0 : i32
      %add3A_391 = arith.addi %mul3A_389, %add3A_390 : i32
      %slice3A_392 = vector.extract_strided_slice %shift_right_logical3A_281 {offsets = [5], sizes = [1], strides = [1]} : vector<16xi32> to vector<1xi32>
      %squeeze3A_393 = vector.extract %slice3A_392[0] : i32 from vector<1xi32>
      %slice3A_394 = vector.extract_strided_slice %and3A_284 {offsets = [5], sizes = [1], strides = [1]} : vector<16xi32> to vector<1xi32>
      %squeeze3A_395 = vector.extract %slice3A_394[0] : i32 from vector<1xi32>
      %dma_start3A_396 = arith.constant 5 : i32
      %dma_start3A_397 = arith.constant 0 : i32
      %dma_start3A_398 = tpu.memref_slice %arg9[%add3A_391, %dma_start3A_396, %dma_start3A_397] : memref<50x8x64xf32, #tpu.memory_space<vmem>> -> memref<1x1x64xf32, #tpu.memory_space<vmem>>
      %dma_start3A_399 = tpu.memref_squeeze %dma_start3A_398 : memref<1x1x64xf32, #tpu.memory_space<vmem>> -> memref<64xf32, #tpu.memory_space<vmem>>
      %dma_start3A_400 = arith.constant 0 : i32
      %dma_start3A_401 = tpu.memref_slice %arg2[%squeeze3A_393, %squeeze3A_395, %dma_start3A_400] : memref<125000x8x64xf32, #tpu.memory_space<hbm>> -> memref<1x1x64xf32, #tpu.memory_space<hbm>>
      %dma_start3A_402 = tpu.memref_squeeze %dma_start3A_401 : memref<1x1x64xf32, #tpu.memory_space<hbm>> -> memref<64xf32, #tpu.memory_space<hbm>>
      %dma_start3A_403 = arith.constant 0 : i32
      %dma_start3A_404 = tpu.memref_slice %arg9[%add3A_391, %dma_start3A_396, %dma_start3A_403] : memref<50x8x64xf32, #tpu.memory_space<vmem>> -> memref<1x1x64xf32, #tpu.memory_space<vmem>>
      %dma_start3A_405 = tpu.memref_squeeze %dma_start3A_404 : memref<1x1x64xf32, #tpu.memory_space<vmem>> -> memref<64xf32, #tpu.memory_space<vmem>>
      %dma_start3A_406 = arith.constant 0 : i32
      %dma_start3A_407 = tpu.memref_slice %arg2[%squeeze3A_393, %squeeze3A_395, %dma_start3A_406] : memref<125000x8x64xf32, #tpu.memory_space<hbm>> -> memref<1x1x64xf32, #tpu.memory_space<hbm>>
      %dma_start3A_408 = tpu.memref_squeeze %dma_start3A_407 : memref<1x1x64xf32, #tpu.memory_space<hbm>> -> memref<64xf32, #tpu.memory_space<hbm>>
      tpu.enqueue_dma source(%dma_start3A_408 : memref<64xf32, #tpu.memory_space<hbm>>) target(%dma_start3A_405 : memref<64xf32, #tpu.memory_space<vmem>>) target_semaphore(%arg13 : memref<!tpu.dma_semaphore, #tpu.memory_space<semaphore_mem>>)
      %mul3A_409 = arith.constant 2 : i32
      %mul3A_410 = arith.muli %mul3A_409, %scan3A_275 : i32
      %add3A_411 = arith.constant 0 : i32
      %add3A_412 = arith.addi %mul3A_410, %add3A_411 : i32
      %slice3A_413 = vector.extract_strided_slice %shift_right_logical3A_281 {offsets = [6], sizes = [1], strides = [1]} : vector<16xi32> to vector<1xi32>
      %squeeze3A_414 = vector.extract %slice3A_413[0] : i32 from vector<1xi32>
      %slice3A_415 = vector.extract_strided_slice %and3A_284 {offsets = [6], sizes = [1], strides = [1]} : vector<16xi32> to vector<1xi32>
      %squeeze3A_416 = vector.extract %slice3A_415[0] : i32 from vector<1xi32>
      %dma_start3A_417 = arith.constant 6 : i32
      %dma_start3A_418 = arith.constant 0 : i32
      %dma_start3A_419 = tpu.memref_slice %arg9[%add3A_412, %dma_start3A_417, %dma_start3A_418] : memref<50x8x64xf32, #tpu.memory_space<vmem>> -> memref<1x1x64xf32, #tpu.memory_space<vmem>>
      %dma_start3A_420 = tpu.memref_squeeze %dma_start3A_419 : memref<1x1x64xf32, #tpu.memory_space<vmem>> -> memref<64xf32, #tpu.memory_space<vmem>>
      %dma_start3A_421 = arith.constant 0 : i32
      %dma_start3A_422 = tpu.memref_slice %arg2[%squeeze3A_414, %squeeze3A_416, %dma_start3A_421] : memref<125000x8x64xf32, #tpu.memory_space<hbm>> -> memref<1x1x64xf32, #tpu.memory_space<hbm>>
      %dma_start3A_423 = tpu.memref_squeeze %dma_start3A_422 : memref<1x1x64xf32, #tpu.memory_space<hbm>> -> memref<64xf32, #tpu.memory_space<hbm>>
      %dma_start3A_424 = arith.constant 0 : i32
      %dma_start3A_425 = tpu.memref_slice %arg9[%add3A_412, %dma_start3A_417, %dma_start3A_424] : memref<50x8x64xf32, #tpu.memory_space<vmem>> -> memref<1x1x64xf32, #tpu.memory_space<vmem>>
      %dma_start3A_426 = tpu.memref_squeeze %dma_start3A_425 : memref<1x1x64xf32, #tpu.memory_space<vmem>> -> memref<64xf32, #tpu.memory_space<vmem>>
      %dma_start3A_427 = arith.constant 0 : i32
      %dma_start3A_428 = tpu.memref_slice %arg2[%squeeze3A_414, %squeeze3A_416, %dma_start3A_427] : memref<125000x8x64xf32, #tpu.memory_space<hbm>> -> memref<1x1x64xf32, #tpu.memory_space<hbm>>
      %dma_start3A_429 = tpu.memref_squeeze %dma_start3A_428 : memref<1x1x64xf32, #tpu.memory_space<hbm>> -> memref<64xf32, #tpu.memory_space<hbm>>
      tpu.enqueue_dma source(%dma_start3A_429 : memref<64xf32, #tpu.memory_space<hbm>>) target(%dma_start3A_426 : memref<64xf32, #tpu.memory_space<vmem>>) target_semaphore(%arg13 : memref<!tpu.dma_semaphore, #tpu.memory_space<semaphore_mem>>)
      %mul3A_430 = arith.constant 2 : i32
      %mul3A_431 = arith.muli %mul3A_430, %scan3A_275 : i32
      %add3A_432 = arith.constant 0 : i32
      %add3A_433 = arith.addi %mul3A_431, %add3A_432 : i32
      %slice3A_434 = vector.extract_strided_slice %shift_right_logical3A_281 {offsets = [7], sizes = [1], strides = [1]} : vector<16xi32> to vector<1xi32>
      %squeeze3A_435 = vector.extract %slice3A_434[0] : i32 from vector<1xi32>
      %slice3A_436 = vector.extract_strided_slice %and3A_284 {offsets = [7], sizes = [1], strides = [1]} : vector<16xi32> to vector<1xi32>
      %squeeze3A_437 = vector.extract %slice3A_436[0] : i32 from vector<1xi32>
      %dma_start3A_438 = arith.constant 7 : i32
      %dma_start3A_439 = arith.constant 0 : i32
      %dma_start3A_440 = tpu.memref_slice %arg9[%add3A_433, %dma_start3A_438, %dma_start3A_439] : memref<50x8x64xf32, #tpu.memory_space<vmem>> -> memref<1x1x64xf32, #tpu.memory_space<vmem>>
      %dma_start3A_441 = tpu.memref_squeeze %dma_start3A_440 : memref<1x1x64xf32, #tpu.memory_space<vmem>> -> memref<64xf32, #tpu.memory_space<vmem>>
      %dma_start3A_442 = arith.constant 0 : i32
      %dma_start3A_443 = tpu.memref_slice %arg2[%squeeze3A_435, %squeeze3A_437, %dma_start3A_442] : memref<125000x8x64xf32, #tpu.memory_space<hbm>> -> memref<1x1x64xf32, #tpu.memory_space<hbm>>
      %dma_start3A_444 = tpu.memref_squeeze %dma_start3A_443 : memref<1x1x64xf32, #tpu.memory_space<hbm>> -> memref<64xf32, #tpu.memory_space<hbm>>
      %dma_start3A_445 = arith.constant 0 : i32
      %dma_start3A_446 = tpu.memref_slice %arg9[%add3A_433, %dma_start3A_438, %dma_start3A_445] : memref<50x8x64xf32, #tpu.memory_space<vmem>> -> memref<1x1x64xf32, #tpu.memory_space<vmem>>
      %dma_start3A_447 = tpu.memref_squeeze %dma_start3A_446 : memref<1x1x64xf32, #tpu.memory_space<vmem>> -> memref<64xf32, #tpu.memory_space<vmem>>
      %dma_start3A_448 = arith.constant 0 : i32
      %dma_start3A_449 = tpu.memref_slice %arg2[%squeeze3A_435, %squeeze3A_437, %dma_start3A_448] : memref<125000x8x64xf32, #tpu.memory_space<hbm>> -> memref<1x1x64xf32, #tpu.memory_space<hbm>>
      %dma_start3A_450 = tpu.memref_squeeze %dma_start3A_449 : memref<1x1x64xf32, #tpu.memory_space<hbm>> -> memref<64xf32, #tpu.memory_space<hbm>>
      tpu.enqueue_dma source(%dma_start3A_450 : memref<64xf32, #tpu.memory_space<hbm>>) target(%dma_start3A_447 : memref<64xf32, #tpu.memory_space<vmem>>) target_semaphore(%arg13 : memref<!tpu.dma_semaphore, #tpu.memory_space<semaphore_mem>>)
      %mul3A_451 = arith.constant 2 : i32
      %mul3A_452 = arith.muli %mul3A_451, %scan3A_275 : i32
      %add3A_453 = arith.constant 1 : i32
      %add3A_454 = arith.addi %mul3A_452, %add3A_453 : i32
      %slice3A_455 = vector.extract_strided_slice %shift_right_logical3A_281 {offsets = [8], sizes = [1], strides = [1]} : vector<16xi32> to vector<1xi32>
      %squeeze3A_456 = vector.extract %slice3A_455[0] : i32 from vector<1xi32>
      %slice3A_457 = vector.extract_strided_slice %and3A_284 {offsets = [8], sizes = [1], strides = [1]} : vector<16xi32> to vector<1xi32>
      %squeeze3A_458 = vector.extract %slice3A_457[0] : i32 from vector<1xi32>
      %dma_start3A_459 = arith.constant 0 : i32
      %dma_start3A_460 = arith.constant 0 : i32
      %dma_start3A_461 = tpu.memref_slice %arg9[%add3A_454, %dma_start3A_459, %dma_start3A_460] : memref<50x8x64xf32, #tpu.memory_space<vmem>> -> memref<1x1x64xf32, #tpu.memory_space<vmem>>
      %dma_start3A_462 = tpu.memref_squeeze %dma_start3A_461 : memref<1x1x64xf32, #tpu.memory_space<vmem>> -> memref<64xf32, #tpu.memory_space<vmem>>
      %dma_start3A_463 = arith.constant 0 : i32
      %dma_start3A_464 = tpu.memref_slice %arg2[%squeeze3A_456, %squeeze3A_458, %dma_start3A_463] : memref<125000x8x64xf32, #tpu.memory_space<hbm>> -> memref<1x1x64xf32, #tpu.memory_space<hbm>>
      %dma_start3A_465 = tpu.memref_squeeze %dma_start3A_464 : memref<1x1x64xf32, #tpu.memory_space<hbm>> -> memref<64xf32, #tpu.memory_space<hbm>>
      %dma_start3A_466 = arith.constant 0 : i32
      %dma_start3A_467 = tpu.memref_slice %arg9[%add3A_454, %dma_start3A_459, %dma_start3A_466] : memref<50x8x64xf32, #tpu.memory_space<vmem>> -> memref<1x1x64xf32, #tpu.memory_space<vmem>>
      %dma_start3A_468 = tpu.memref_squeeze %dma_start3A_467 : memref<1x1x64xf32, #tpu.memory_space<vmem>> -> memref<64xf32, #tpu.memory_space<vmem>>
      %dma_start3A_469 = arith.constant 0 : i32
      %dma_start3A_470 = tpu.memref_slice %arg2[%squeeze3A_456, %squeeze3A_458, %dma_start3A_469] : memref<125000x8x64xf32, #tpu.memory_space<hbm>> -> memref<1x1x64xf32, #tpu.memory_space<hbm>>
      %dma_start3A_471 = tpu.memref_squeeze %dma_start3A_470 : memref<1x1x64xf32, #tpu.memory_space<hbm>> -> memref<64xf32, #tpu.memory_space<hbm>>
      tpu.enqueue_dma source(%dma_start3A_471 : memref<64xf32, #tpu.memory_space<hbm>>) target(%dma_start3A_468 : memref<64xf32, #tpu.memory_space<vmem>>) target_semaphore(%arg13 : memref<!tpu.dma_semaphore, #tpu.memory_space<semaphore_mem>>)
      %mul3A_472 = arith.constant 2 : i32
      %mul3A_473 = arith.muli %mul3A_472, %scan3A_275 : i32
      %add3A_474 = arith.constant 1 : i32
      %add3A_475 = arith.addi %mul3A_473, %add3A_474 : i32
      %slice3A_476 = vector.extract_strided_slice %shift_right_logical3A_281 {offsets = [9], sizes = [1], strides = [1]} : vector<16xi32> to vector<1xi32>
      %squeeze3A_477 = vector.extract %slice3A_476[0] : i32 from vector<1xi32>
      %slice3A_478 = vector.extract_strided_slice %and3A_284 {offsets = [9], sizes = [1], strides = [1]} : vector<16xi32> to vector<1xi32>
      %squeeze3A_479 = vector.extract %slice3A_478[0] : i32 from vector<1xi32>
      %dma_start3A_480 = arith.constant 1 : i32
      %dma_start3A_481 = arith.constant 0 : i32
      %dma_start3A_482 = tpu.memref_slice %arg9[%add3A_475, %dma_start3A_480, %dma_start3A_481] : memref<50x8x64xf32, #tpu.memory_space<vmem>> -> memref<1x1x64xf32, #tpu.memory_space<vmem>>
      %dma_start3A_483 = tpu.memref_squeeze %dma_start3A_482 : memref<1x1x64xf32, #tpu.memory_space<vmem>> -> memref<64xf32, #tpu.memory_space<vmem>>
      %dma_start3A_484 = arith.constant 0 : i32
      %dma_start3A_485 = tpu.memref_slice %arg2[%squeeze3A_477, %squeeze3A_479, %dma_start3A_484] : memref<125000x8x64xf32, #tpu.memory_space<hbm>> -> memref<1x1x64xf32, #tpu.memory_space<hbm>>
      %dma_start3A_486 = tpu.memref_squeeze %dma_start3A_485 : memref<1x1x64xf32, #tpu.memory_space<hbm>> -> memref<64xf32, #tpu.memory_space<hbm>>
      %dma_start3A_487 = arith.constant 0 : i32
      %dma_start3A_488 = tpu.memref_slice %arg9[%add3A_475, %dma_start3A_480, %dma_start3A_487] : memref<50x8x64xf32, #tpu.memory_space<vmem>> -> memref<1x1x64xf32, #tpu.memory_space<vmem>>
      %dma_start3A_489 = tpu.memref_squeeze %dma_start3A_488 : memref<1x1x64xf32, #tpu.memory_space<vmem>> -> memref<64xf32, #tpu.memory_space<vmem>>
      %dma_start3A_490 = arith.constant 0 : i32
      %dma_start3A_491 = tpu.memref_slice %arg2[%squeeze3A_477, %squeeze3A_479, %dma_start3A_490] : memref<125000x8x64xf32, #tpu.memory_space<hbm>> -> memref<1x1x64xf32, #tpu.memory_space<hbm>>
      %dma_start3A_492 = tpu.memref_squeeze %dma_start3A_491 : memref<1x1x64xf32, #tpu.memory_space<hbm>> -> memref<64xf32, #tpu.memory_space<hbm>>
      tpu.enqueue_dma source(%dma_start3A_492 : memref<64xf32, #tpu.memory_space<hbm>>) target(%dma_start3A_489 : memref<64xf32, #tpu.memory_space<vmem>>) target_semaphore(%arg13 : memref<!tpu.dma_semaphore, #tpu.memory_space<semaphore_mem>>)
      %mul3A_493 = arith.constant 2 : i32
      %mul3A_494 = arith.muli %mul3A_493, %scan3A_275 : i32
      %add3A_495 = arith.constant 1 : i32
      %add3A_496 = arith.addi %mul3A_494, %add3A_495 : i32
      %slice3A_497 = vector.extract_strided_slice %shift_right_logical3A_281 {offsets = [10], sizes = [1], strides = [1]} : vector<16xi32> to vector<1xi32>
      %squeeze3A_498 = vector.extract %slice3A_497[0] : i32 from vector<1xi32>
      %slice3A_499 = vector.extract_strided_slice %and3A_284 {offsets = [10], sizes = [1], strides = [1]} : vector<16xi32> to vector<1xi32>
      %squeeze3A_500 = vector.extract %slice3A_499[0] : i32 from vector<1xi32>
      %dma_start3A_501 = arith.constant 2 : i32
      %dma_start3A_502 = arith.constant 0 : i32
      %dma_start3A_503 = tpu.memref_slice %arg9[%add3A_496, %dma_start3A_501, %dma_start3A_502] : memref<50x8x64xf32, #tpu.memory_space<vmem>> -> memref<1x1x64xf32, #tpu.memory_space<vmem>>
      %dma_start3A_504 = tpu.memref_squeeze %dma_start3A_503 : memref<1x1x64xf32, #tpu.memory_space<vmem>> -> memref<64xf32, #tpu.memory_space<vmem>>
      %dma_start3A_505 = arith.constant 0 : i32
      %dma_start3A_506 = tpu.memref_slice %arg2[%squeeze3A_498, %squeeze3A_500, %dma_start3A_505] : memref<125000x8x64xf32, #tpu.memory_space<hbm>> -> memref<1x1x64xf32, #tpu.memory_space<hbm>>
      %dma_start3A_507 = tpu.memref_squeeze %dma_start3A_506 : memref<1x1x64xf32, #tpu.memory_space<hbm>> -> memref<64xf32, #tpu.memory_space<hbm>>
      %dma_start3A_508 = arith.constant 0 : i32
      %dma_start3A_509 = tpu.memref_slice %arg9[%add3A_496, %dma_start3A_501, %dma_start3A_508] : memref<50x8x64xf32, #tpu.memory_space<vmem>> -> memref<1x1x64xf32, #tpu.memory_space<vmem>>
      %dma_start3A_510 = tpu.memref_squeeze %dma_start3A_509 : memref<1x1x64xf32, #tpu.memory_space<vmem>> -> memref<64xf32, #tpu.memory_space<vmem>>
      %dma_start3A_511 = arith.constant 0 : i32
      %dma_start3A_512 = tpu.memref_slice %arg2[%squeeze3A_498, %squeeze3A_500, %dma_start3A_511] : memref<125000x8x64xf32, #tpu.memory_space<hbm>> -> memref<1x1x64xf32, #tpu.memory_space<hbm>>
      %dma_start3A_513 = tpu.memref_squeeze %dma_start3A_512 : memref<1x1x64xf32, #tpu.memory_space<hbm>> -> memref<64xf32, #tpu.memory_space<hbm>>
      tpu.enqueue_dma source(%dma_start3A_513 : memref<64xf32, #tpu.memory_space<hbm>>) target(%dma_start3A_510 : memref<64xf32, #tpu.memory_space<vmem>>) target_semaphore(%arg13 : memref<!tpu.dma_semaphore, #tpu.memory_space<semaphore_mem>>)
      %mul3A_514 = arith.constant 2 : i32
      %mul3A_515 = arith.muli %mul3A_514, %scan3A_275 : i32
      %add3A_516 = arith.constant 1 : i32
      %add3A_517 = arith.addi %mul3A_515, %add3A_516 : i32
      %slice3A_518 = vector.extract_strided_slice %shift_right_logical3A_281 {offsets = [11], sizes = [1], strides = [1]} : vector<16xi32> to vector<1xi32>
      %squeeze3A_519 = vector.extract %slice3A_518[0] : i32 from vector<1xi32>
      %slice3A_520 = vector.extract_strided_slice %and3A_284 {offsets = [11], sizes = [1], strides = [1]} : vector<16xi32> to vector<1xi32>
      %squeeze3A_521 = vector.extract %slice3A_520[0] : i32 from vector<1xi32>
      %dma_start3A_522 = arith.constant 3 : i32
      %dma_start3A_523 = arith.constant 0 : i32
      %dma_start3A_524 = tpu.memref_slice %arg9[%add3A_517, %dma_start3A_522, %dma_start3A_523] : memref<50x8x64xf32, #tpu.memory_space<vmem>> -> memref<1x1x64xf32, #tpu.memory_space<vmem>>
      %dma_start3A_525 = tpu.memref_squeeze %dma_start3A_524 : memref<1x1x64xf32, #tpu.memory_space<vmem>> -> memref<64xf32, #tpu.memory_space<vmem>>
      %dma_start3A_526 = arith.constant 0 : i32
      %dma_start3A_527 = tpu.memref_slice %arg2[%squeeze3A_519, %squeeze3A_521, %dma_start3A_526] : memref<125000x8x64xf32, #tpu.memory_space<hbm>> -> memref<1x1x64xf32, #tpu.memory_space<hbm>>
      %dma_start3A_528 = tpu.memref_squeeze %dma_start3A_527 : memref<1x1x64xf32, #tpu.memory_space<hbm>> -> memref<64xf32, #tpu.memory_space<hbm>>
      %dma_start3A_529 = arith.constant 0 : i32
      %dma_start3A_530 = tpu.memref_slice %arg9[%add3A_517, %dma_start3A_522, %dma_start3A_529] : memref<50x8x64xf32, #tpu.memory_space<vmem>> -> memref<1x1x64xf32, #tpu.memory_space<vmem>>
      %dma_start3A_531 = tpu.memref_squeeze %dma_start3A_530 : memref<1x1x64xf32, #tpu.memory_space<vmem>> -> memref<64xf32, #tpu.memory_space<vmem>>
      %dma_start3A_532 = arith.constant 0 : i32
      %dma_start3A_533 = tpu.memref_slice %arg2[%squeeze3A_519, %squeeze3A_521, %dma_start3A_532] : memref<125000x8x64xf32, #tpu.memory_space<hbm>> -> memref<1x1x64xf32, #tpu.memory_space<hbm>>
      %dma_start3A_534 = tpu.memref_squeeze %dma_start3A_533 : memref<1x1x64xf32, #tpu.memory_space<hbm>> -> memref<64xf32, #tpu.memory_space<hbm>>
      tpu.enqueue_dma source(%dma_start3A_534 : memref<64xf32, #tpu.memory_space<hbm>>) target(%dma_start3A_531 : memref<64xf32, #tpu.memory_space<vmem>>) target_semaphore(%arg13 : memref<!tpu.dma_semaphore, #tpu.memory_space<semaphore_mem>>)
      %mul3A_535 = arith.constant 2 : i32
      %mul3A_536 = arith.muli %mul3A_535, %scan3A_275 : i32
      %add3A_537 = arith.constant 1 : i32
      %add3A_538 = arith.addi %mul3A_536, %add3A_537 : i32
      %slice3A_539 = vector.extract_strided_slice %shift_right_logical3A_281 {offsets = [12], sizes = [1], strides = [1]} : vector<16xi32> to vector<1xi32>
      %squeeze3A_540 = vector.extract %slice3A_539[0] : i32 from vector<1xi32>
      %slice3A_541 = vector.extract_strided_slice %and3A_284 {offsets = [12], sizes = [1], strides = [1]} : vector<16xi32> to vector<1xi32>
      %squeeze3A_542 = vector.extract %slice3A_541[0] : i32 from vector<1xi32>
      %dma_start3A_543 = arith.constant 4 : i32
      %dma_start3A_544 = arith.constant 0 : i32
      %dma_start3A_545 = tpu.memref_slice %arg9[%add3A_538, %dma_start3A_543, %dma_start3A_544] : memref<50x8x64xf32, #tpu.memory_space<vmem>> -> memref<1x1x64xf32, #tpu.memory_space<vmem>>
      %dma_start3A_546 = tpu.memref_squeeze %dma_start3A_545 : memref<1x1x64xf32, #tpu.memory_space<vmem>> -> memref<64xf32, #tpu.memory_space<vmem>>
      %dma_start3A_547 = arith.constant 0 : i32
      %dma_start3A_548 = tpu.memref_slice %arg2[%squeeze3A_540, %squeeze3A_542, %dma_start3A_547] : memref<125000x8x64xf32, #tpu.memory_space<hbm>> -> memref<1x1x64xf32, #tpu.memory_space<hbm>>
      %dma_start3A_549 = tpu.memref_squeeze %dma_start3A_548 : memref<1x1x64xf32, #tpu.memory_space<hbm>> -> memref<64xf32, #tpu.memory_space<hbm>>
      %dma_start3A_550 = arith.constant 0 : i32
      %dma_start3A_551 = tpu.memref_slice %arg9[%add3A_538, %dma_start3A_543, %dma_start3A_550] : memref<50x8x64xf32, #tpu.memory_space<vmem>> -> memref<1x1x64xf32, #tpu.memory_space<vmem>>
      %dma_start3A_552 = tpu.memref_squeeze %dma_start3A_551 : memref<1x1x64xf32, #tpu.memory_space<vmem>> -> memref<64xf32, #tpu.memory_space<vmem>>
      %dma_start3A_553 = arith.constant 0 : i32
      %dma_start3A_554 = tpu.memref_slice %arg2[%squeeze3A_540, %squeeze3A_542, %dma_start3A_553] : memref<125000x8x64xf32, #tpu.memory_space<hbm>> -> memref<1x1x64xf32, #tpu.memory_space<hbm>>
      %dma_start3A_555 = tpu.memref_squeeze %dma_start3A_554 : memref<1x1x64xf32, #tpu.memory_space<hbm>> -> memref<64xf32, #tpu.memory_space<hbm>>
      tpu.enqueue_dma source(%dma_start3A_555 : memref<64xf32, #tpu.memory_space<hbm>>) target(%dma_start3A_552 : memref<64xf32, #tpu.memory_space<vmem>>) target_semaphore(%arg13 : memref<!tpu.dma_semaphore, #tpu.memory_space<semaphore_mem>>)
      %mul3A_556 = arith.constant 2 : i32
      %mul3A_557 = arith.muli %mul3A_556, %scan3A_275 : i32
      %add3A_558 = arith.constant 1 : i32
      %add3A_559 = arith.addi %mul3A_557, %add3A_558 : i32
      %slice3A_560 = vector.extract_strided_slice %shift_right_logical3A_281 {offsets = [13], sizes = [1], strides = [1]} : vector<16xi32> to vector<1xi32>
      %squeeze3A_561 = vector.extract %slice3A_560[0] : i32 from vector<1xi32>
      %slice3A_562 = vector.extract_strided_slice %and3A_284 {offsets = [13], sizes = [1], strides = [1]} : vector<16xi32> to vector<1xi32>
      %squeeze3A_563 = vector.extract %slice3A_562[0] : i32 from vector<1xi32>
      %dma_start3A_564 = arith.constant 5 : i32
      %dma_start3A_565 = arith.constant 0 : i32
      %dma_start3A_566 = tpu.memref_slice %arg9[%add3A_559, %dma_start3A_564, %dma_start3A_565] : memref<50x8x64xf32, #tpu.memory_space<vmem>> -> memref<1x1x64xf32, #tpu.memory_space<vmem>>
      %dma_start3A_567 = tpu.memref_squeeze %dma_start3A_566 : memref<1x1x64xf32, #tpu.memory_space<vmem>> -> memref<64xf32, #tpu.memory_space<vmem>>
      %dma_start3A_568 = arith.constant 0 : i32
      %dma_start3A_569 = tpu.memref_slice %arg2[%squeeze3A_561, %squeeze3A_563, %dma_start3A_568] : memref<125000x8x64xf32, #tpu.memory_space<hbm>> -> memref<1x1x64xf32, #tpu.memory_space<hbm>>
      %dma_start3A_570 = tpu.memref_squeeze %dma_start3A_569 : memref<1x1x64xf32, #tpu.memory_space<hbm>> -> memref<64xf32, #tpu.memory_space<hbm>>
      %dma_start3A_571 = arith.constant 0 : i32
      %dma_start3A_572 = tpu.memref_slice %arg9[%add3A_559, %dma_start3A_564, %dma_start3A_571] : memref<50x8x64xf32, #tpu.memory_space<vmem>> -> memref<1x1x64xf32, #tpu.memory_space<vmem>>
      %dma_start3A_573 = tpu.memref_squeeze %dma_start3A_572 : memref<1x1x64xf32, #tpu.memory_space<vmem>> -> memref<64xf32, #tpu.memory_space<vmem>>
      %dma_start3A_574 = arith.constant 0 : i32
      %dma_start3A_575 = tpu.memref_slice %arg2[%squeeze3A_561, %squeeze3A_563, %dma_start3A_574] : memref<125000x8x64xf32, #tpu.memory_space<hbm>> -> memref<1x1x64xf32, #tpu.memory_space<hbm>>
      %dma_start3A_576 = tpu.memref_squeeze %dma_start3A_575 : memref<1x1x64xf32, #tpu.memory_space<hbm>> -> memref<64xf32, #tpu.memory_space<hbm>>
      tpu.enqueue_dma source(%dma_start3A_576 : memref<64xf32, #tpu.memory_space<hbm>>) target(%dma_start3A_573 : memref<64xf32, #tpu.memory_space<vmem>>) target_semaphore(%arg13 : memref<!tpu.dma_semaphore, #tpu.memory_space<semaphore_mem>>)
      %mul3A_577 = arith.constant 2 : i32
      %mul3A_578 = arith.muli %mul3A_577, %scan3A_275 : i32
      %add3A_579 = arith.constant 1 : i32
      %add3A_580 = arith.addi %mul3A_578, %add3A_579 : i32
      %slice3A_581 = vector.extract_strided_slice %shift_right_logical3A_281 {offsets = [14], sizes = [1], strides = [1]} : vector<16xi32> to vector<1xi32>
      %squeeze3A_582 = vector.extract %slice3A_581[0] : i32 from vector<1xi32>
      %slice3A_583 = vector.extract_strided_slice %and3A_284 {offsets = [14], sizes = [1], strides = [1]} : vector<16xi32> to vector<1xi32>
      %squeeze3A_584 = vector.extract %slice3A_583[0] : i32 from vector<1xi32>
      %dma_start3A_585 = arith.constant 6 : i32
      %dma_start3A_586 = arith.constant 0 : i32
      %dma_start3A_587 = tpu.memref_slice %arg9[%add3A_580, %dma_start3A_585, %dma_start3A_586] : memref<50x8x64xf32, #tpu.memory_space<vmem>> -> memref<1x1x64xf32, #tpu.memory_space<vmem>>
      %dma_start3A_588 = tpu.memref_squeeze %dma_start3A_587 : memref<1x1x64xf32, #tpu.memory_space<vmem>> -> memref<64xf32, #tpu.memory_space<vmem>>
      %dma_start3A_589 = arith.constant 0 : i32
      %dma_start3A_590 = tpu.memref_slice %arg2[%squeeze3A_582, %squeeze3A_584, %dma_start3A_589] : memref<125000x8x64xf32, #tpu.memory_space<hbm>> -> memref<1x1x64xf32, #tpu.memory_space<hbm>>
      %dma_start3A_591 = tpu.memref_squeeze %dma_start3A_590 : memref<1x1x64xf32, #tpu.memory_space<hbm>> -> memref<64xf32, #tpu.memory_space<hbm>>
      %dma_start3A_592 = arith.constant 0 : i32
      %dma_start3A_593 = tpu.memref_slice %arg9[%add3A_580, %dma_start3A_585, %dma_start3A_592] : memref<50x8x64xf32, #tpu.memory_space<vmem>> -> memref<1x1x64xf32, #tpu.memory_space<vmem>>
      %dma_start3A_594 = tpu.memref_squeeze %dma_start3A_593 : memref<1x1x64xf32, #tpu.memory_space<vmem>> -> memref<64xf32, #tpu.memory_space<vmem>>
      %dma_start3A_595 = arith.constant 0 : i32
      %dma_start3A_596 = tpu.memref_slice %arg2[%squeeze3A_582, %squeeze3A_584, %dma_start3A_595] : memref<125000x8x64xf32, #tpu.memory_space<hbm>> -> memref<1x1x64xf32, #tpu.memory_space<hbm>>
      %dma_start3A_597 = tpu.memref_squeeze %dma_start3A_596 : memref<1x1x64xf32, #tpu.memory_space<hbm>> -> memref<64xf32, #tpu.memory_space<hbm>>
      tpu.enqueue_dma source(%dma_start3A_597 : memref<64xf32, #tpu.memory_space<hbm>>) target(%dma_start3A_594 : memref<64xf32, #tpu.memory_space<vmem>>) target_semaphore(%arg13 : memref<!tpu.dma_semaphore, #tpu.memory_space<semaphore_mem>>)
      %mul3A_598 = arith.constant 2 : i32
      %mul3A_599 = arith.muli %mul3A_598, %scan3A_275 : i32
      %add3A_600 = arith.constant 1 : i32
      %add3A_601 = arith.addi %mul3A_599, %add3A_600 : i32
      %slice3A_602 = vector.extract_strided_slice %shift_right_logical3A_281 {offsets = [15], sizes = [1], strides = [1]} : vector<16xi32> to vector<1xi32>
      %squeeze3A_603 = vector.extract %slice3A_602[0] : i32 from vector<1xi32>
      %slice3A_604 = vector.extract_strided_slice %and3A_284 {offsets = [15], sizes = [1], strides = [1]} : vector<16xi32> to vector<1xi32>
      %squeeze3A_605 = vector.extract %slice3A_604[0] : i32 from vector<1xi32>
      %dma_start3A_606 = arith.constant 7 : i32
      %dma_start3A_607 = arith.constant 0 : i32
      %dma_start3A_608 = tpu.memref_slice %arg9[%add3A_601, %dma_start3A_606, %dma_start3A_607] : memref<50x8x64xf32, #tpu.memory_space<vmem>> -> memref<1x1x64xf32, #tpu.memory_space<vmem>>
      %dma_start3A_609 = tpu.memref_squeeze %dma_start3A_608 : memref<1x1x64xf32, #tpu.memory_space<vmem>> -> memref<64xf32, #tpu.memory_space<vmem>>
      %dma_start3A_610 = arith.constant 0 : i32
      %dma_start3A_611 = tpu.memref_slice %arg2[%squeeze3A_603, %squeeze3A_605, %dma_start3A_610] : memref<125000x8x64xf32, #tpu.memory_space<hbm>> -> memref<1x1x64xf32, #tpu.memory_space<hbm>>
      %dma_start3A_612 = tpu.memref_squeeze %dma_start3A_611 : memref<1x1x64xf32, #tpu.memory_space<hbm>> -> memref<64xf32, #tpu.memory_space<hbm>>
      %dma_start3A_613 = arith.constant 0 : i32
      %dma_start3A_614 = tpu.memref_slice %arg9[%add3A_601, %dma_start3A_606, %dma_start3A_613] : memref<50x8x64xf32, #tpu.memory_space<vmem>> -> memref<1x1x64xf32, #tpu.memory_space<vmem>>
      %dma_start3A_615 = tpu.memref_squeeze %dma_start3A_614 : memref<1x1x64xf32, #tpu.memory_space<vmem>> -> memref<64xf32, #tpu.memory_space<vmem>>
      %dma_start3A_616 = arith.constant 0 : i32
      %dma_start3A_617 = tpu.memref_slice %arg2[%squeeze3A_603, %squeeze3A_605, %dma_start3A_616] : memref<125000x8x64xf32, #tpu.memory_space<hbm>> -> memref<1x1x64xf32, #tpu.memory_space<hbm>>
      %dma_start3A_618 = tpu.memref_squeeze %dma_start3A_617 : memref<1x1x64xf32, #tpu.memory_space<hbm>> -> memref<64xf32, #tpu.memory_space<hbm>>
      tpu.enqueue_dma source(%dma_start3A_618 : memref<64xf32, #tpu.memory_space<hbm>>) target(%dma_start3A_615 : memref<64xf32, #tpu.memory_space<vmem>>) target_semaphore(%arg13 : memref<!tpu.dma_semaphore, #tpu.memory_space<semaphore_mem>>)
    }
    %scan3A_99 = arith.constant 25 : i32
    %dma_wait3A_100 = arith.constant 0 : i32
    %dma_wait3A_101 = arith.constant 0 : i32
    %dma_wait3A_102 = arith.constant 0 : i32
    %dma_wait3A_103 = tpu.memref_slice %arg2[%dma_wait3A_100, %dma_wait3A_101, %dma_wait3A_102] : memref<125000x8x64xf32, #tpu.memory_space<hbm>> -> memref<50x8x64xf32, #tpu.memory_space<hbm>>
    %dma_wait3A_104 = arith.constant 0 : i32
    %dma_wait3A_105 = arith.constant 0 : i32
    %dma_wait3A_106 = arith.constant 0 : i32
    %dma_wait3A_107 = tpu.memref_slice %arg2[%dma_wait3A_104, %dma_wait3A_105, %dma_wait3A_106] : memref<125000x8x64xf32, #tpu.memory_space<hbm>> -> memref<50x8x64xf32, #tpu.memory_space<hbm>>
    tpu.wait_dma2 semaphore(%arg14 : memref<!tpu.dma_semaphore, #tpu.memory_space<semaphore_mem>>) src(%dma_wait3A_107 : memref<50x8x64xf32, #tpu.memory_space<hbm>>) dst(%arg10 : memref<50x8x64xf32, #tpu.memory_space<vmem>>)
    %scan3A_108 = arith.constant 0 : i32
    %scan3A_109 = arith.constant 1.250000e-01 : f32
    %scan3A_110 = arith.constant 0 : i32
    %scan3A_111 = arith.constant 200 : i32
    %scan3A_112 = arith.addi %scan3A_110, %scan3A_111 : i32
    %scan3A_113 = arith.constant 1 : i32
    scf.for %scan3A_275 = %scan3A_110 to %scan3A_112 step %scan3A_113  : i32 {
      %shift_right_logical3A = arith.constant 3 : i32
      %shift_right_logical3A_276 = arith.shrui %scan3A_275, %shift_right_logical3A : i32
      %and3A_277 = arith.constant 7 : i32
      %and3A_278 = arith.andi %scan3A_275, %and3A_277 : i32
      %add3A_279 = arith.constant 0 : i32
      %add3A_280 = arith.addi %shift_right_logical3A_276, %add3A_279 : i32
      %mul3A_281 = arith.constant 64 : i32
      %mul3A_282 = arith.muli %scan3A_275, %mul3A_281 : i32
      %add3A_283 = arith.constant 0 : i32
      %add3A_284 = arith.addi %mul3A_282, %add3A_283 : i32
      %get3A = arith.index_cast %add3A_284 : i32 to index
      %get3A_285 = tpu.vector_load %arg8[%get3A] {strides = array<i32>} : memref<12800xf32, #tpu.memory_space<vmem>>, vector<16xf32>,
      %get3A_286 = vector.shape_cast %get3A_285 : vector<16xf32> to vector<16xf32>
      %get3A_287 = arith.index_cast %add3A_280 : i32 to index
      %get3A_288 = arith.index_cast %and3A_278 : i32 to index
      %get3A_289 = arith.constant 0 : index
      %get3A_290 = tpu.vector_load %arg10[%get3A_287, %get3A_288, %get3A_289] {strides = array<i32>} : memref<50x8x64xf32, #tpu.memory_space<vmem>>, vector<1x1x16xf32>,
      %get3A_291 = vector.shape_cast %get3A_290 : vector<1x1x16xf32> to vector<16xf32>
      %mul3A_292 = vector.broadcast %scan3A_109 : f32 to vector<16xf32>
      %mul3A_293 = arith.mulf %get3A_291, %mul3A_292 : vector<16xf32>
      %add3A_294 = arith.addf %mul3A_293, %get3A_286 : vector<16xf32>
      %swap3A = arith.index_cast %add3A_280 : i32 to index
      %swap3A_295 = arith.index_cast %and3A_278 : i32 to index
      %swap3A_296 = arith.constant 0 : index
      %swap3A_297 = tpu.vector_load %arg10[%swap3A, %swap3A_295, %swap3A_296] {strides = array<i32>} : memref<50x8x64xf32, #tpu.memory_space<vmem>>, vector<1x1x16xf32>,
      %swap3A_298 = vector.shape_cast %swap3A_297 : vector<1x1x16xf32> to vector<16xf32>
      %swap3A_299 = vector.shape_cast %add3A_294 : vector<16xf32> to vector<1x1x16xf32>
      tpu.vector_store %arg10[%swap3A, %swap3A_295, %swap3A_296], %swap3A_299 {strides = array<i32>} : memref<50x8x64xf32, #tpu.memory_space<vmem>>, vector<1x1x16xf32>,
      %mul3A_300 = arith.constant 64 : i32
      %mul3A_301 = arith.muli %scan3A_275, %mul3A_300 : i32
      %add3A_302 = arith.constant 16 : i32
      %add3A_303 = arith.addi %mul3A_301, %add3A_302 : i32
      %get3A_304 = arith.index_cast %add3A_303 : i32 to index
      %get3A_305 = tpu.vector_load %arg8[%get3A_304] {strides = array<i32>} : memref<12800xf32, #tpu.memory_space<vmem>>, vector<16xf32>,
      %get3A_306 = vector.shape_cast %get3A_305 : vector<16xf32> to vector<16xf32>
      %get3A_307 = arith.index_cast %add3A_280 : i32 to index
      %get3A_308 = arith.index_cast %and3A_278 : i32 to index
      %get3A_309 = arith.constant 16 : index
      %get3A_310 = tpu.vector_load %arg10[%get3A_307, %get3A_308, %get3A_309] {strides = array<i32>} : memref<50x8x64xf32, #tpu.memory_space<vmem>>, vector<1x1x16xf32>,
      %get3A_311 = vector.shape_cast %get3A_310 : vector<1x1x16xf32> to vector<16xf32>
      %mul3A_312 = vector.broadcast %scan3A_109 : f32 to vector<16xf32>
      %mul3A_313 = arith.mulf %get3A_311, %mul3A_312 : vector<16xf32>
      %add3A_314 = arith.addf %mul3A_313, %get3A_306 : vector<16xf32>
      %swap3A_315 = arith.index_cast %add3A_280 : i32 to index
      %swap3A_316 = arith.index_cast %and3A_278 : i32 to index
      %swap3A_317 = arith.constant 16 : index
      %swap3A_318 = tpu.vector_load %arg10[%swap3A_315, %swap3A_316, %swap3A_317] {strides = array<i32>} : memref<50x8x64xf32, #tpu.memory_space<vmem>>, vector<1x1x16xf32>,
      %swap3A_319 = vector.shape_cast %swap3A_318 : vector<1x1x16xf32> to vector<16xf32>
      %swap3A_320 = vector.shape_cast %add3A_314 : vector<16xf32> to vector<1x1x16xf32>
      tpu.vector_store %arg10[%swap3A_315, %swap3A_316, %swap3A_317], %swap3A_320 {strides = array<i32>} : memref<50x8x64xf32, #tpu.memory_space<vmem>>, vector<1x1x16xf32>,
      %mul3A_321 = arith.constant 64 : i32
      %mul3A_322 = arith.muli %scan3A_275, %mul3A_321 : i32
      %add3A_323 = arith.constant 32 : i32
      %add3A_324 = arith.addi %mul3A_322, %add3A_323 : i32
      %get3A_325 = arith.index_cast %add3A_324 : i32 to index
      %get3A_326 = tpu.vector_load %arg8[%get3A_325] {strides = array<i32>} : memref<12800xf32, #tpu.memory_space<vmem>>, vector<16xf32>,
      %get3A_327 = vector.shape_cast %get3A_326 : vector<16xf32> to vector<16xf32>
      %get3A_328 = arith.index_cast %add3A_280 : i32 to index
      %get3A_329 = arith.index_cast %and3A_278 : i32 to index
      %get3A_330 = arith.constant 32 : index
      %get3A_331 = tpu.vector_load %arg10[%get3A_328, %get3A_329, %get3A_330] {strides = array<i32>} : memref<50x8x64xf32, #tpu.memory_space<vmem>>, vector<1x1x16xf32>,
      %get3A_332 = vector.shape_cast %get3A_331 : vector<1x1x16xf32> to vector<16xf32>
      %mul3A_333 = vector.broadcast %scan3A_109 : f32 to vector<16xf32>
      %mul3A_334 = arith.mulf %get3A_332, %mul3A_333 : vector<16xf32>
      %add3A_335 = arith.addf %mul3A_334, %get3A_327 : vector<16xf32>
      %swap3A_336 = arith.index_cast %add3A_280 : i32 to index
      %swap3A_337 = arith.index_cast %and3A_278 : i32 to index
      %swap3A_338 = arith.constant 32 : index
      %swap3A_339 = tpu.vector_load %arg10[%swap3A_336, %swap3A_337, %swap3A_338] {strides = array<i32>} : memref<50x8x64xf32, #tpu.memory_space<vmem>>, vector<1x1x16xf32>,
      %swap3A_340 = vector.shape_cast %swap3A_339 : vector<1x1x16xf32> to vector<16xf32>
      %swap3A_341 = vector.shape_cast %add3A_335 : vector<16xf32> to vector<1x1x16xf32>
      tpu.vector_store %arg10[%swap3A_336, %swap3A_337, %swap3A_338], %swap3A_341 {strides = array<i32>} : memref<50x8x64xf32, #tpu.memory_space<vmem>>, vector<1x1x16xf32>,
      %mul3A_342 = arith.constant 64 : i32
      %mul3A_343 = arith.muli %scan3A_275, %mul3A_342 : i32
      %add3A_344 = arith.constant 48 : i32
      %add3A_345 = arith.addi %mul3A_343, %add3A_344 : i32
      %get3A_346 = arith.index_cast %add3A_345 : i32 to index
      %get3A_347 = tpu.vector_load %arg8[%get3A_346] {strides = array<i32>} : memref<12800xf32, #tpu.memory_space<vmem>>, vector<16xf32>,
      %get3A_348 = vector.shape_cast %get3A_347 : vector<16xf32> to vector<16xf32>
      %get3A_349 = arith.index_cast %add3A_280 : i32 to index
      %get3A_350 = arith.index_cast %and3A_278 : i32 to index
      %get3A_351 = arith.constant 48 : index
      %get3A_352 = tpu.vector_load %arg10[%get3A_349, %get3A_350, %get3A_351] {strides = array<i32>} : memref<50x8x64xf32, #tpu.memory_space<vmem>>, vector<1x1x16xf32>,
      %get3A_353 = vector.shape_cast %get3A_352 : vector<1x1x16xf32> to vector<16xf32>
      %mul3A_354 = vector.broadcast %scan3A_109 : f32 to vector<16xf32>
      %mul3A_355 = arith.mulf %get3A_353, %mul3A_354 : vector<16xf32>
      %add3A_356 = arith.addf %mul3A_355, %get3A_348 : vector<16xf32>
      %swap3A_357 = arith.index_cast %add3A_280 : i32 to index
      %swap3A_358 = arith.index_cast %and3A_278 : i32 to index
      %swap3A_359 = arith.constant 48 : index
      %swap3A_360 = tpu.vector_load %arg10[%swap3A_357, %swap3A_358, %swap3A_359] {strides = array<i32>} : memref<50x8x64xf32, #tpu.memory_space<vmem>>, vector<1x1x16xf32>,
      %swap3A_361 = vector.shape_cast %swap3A_360 : vector<1x1x16xf32> to vector<16xf32>
      %swap3A_362 = vector.shape_cast %add3A_356 : vector<16xf32> to vector<1x1x16xf32>
      tpu.vector_store %arg10[%swap3A_357, %swap3A_358, %swap3A_359], %swap3A_362 {strides = array<i32>} : memref<50x8x64xf32, #tpu.memory_space<vmem>>, vector<1x1x16xf32>,
      %add3A_363 = arith.constant 25 : i32
      %add3A_364 = arith.addi %shift_right_logical3A_276, %add3A_363 : i32
      %mul3A_365 = arith.constant 64 : i32
      %mul3A_366 = arith.muli %scan3A_275, %mul3A_365 : i32
      %add3A_367 = arith.constant 0 : i32
      %add3A_368 = arith.addi %mul3A_366, %add3A_367 : i32
      %get3A_369 = arith.index_cast %add3A_368 : i32 to index
      %get3A_370 = tpu.vector_load %arg8[%get3A_369] {strides = array<i32>} : memref<12800xf32, #tpu.memory_space<vmem>>, vector<16xf32>,
      %get3A_371 = vector.shape_cast %get3A_370 : vector<16xf32> to vector<16xf32>
      %get3A_372 = arith.index_cast %add3A_364 : i32 to index
      %get3A_373 = arith.index_cast %and3A_278 : i32 to index
      %get3A_374 = arith.constant 0 : index
      %get3A_375 = tpu.vector_load %arg10[%get3A_372, %get3A_373, %get3A_374] {strides = array<i32>} : memref<50x8x64xf32, #tpu.memory_space<vmem>>, vector<1x1x16xf32>,
      %get3A_376 = vector.shape_cast %get3A_375 : vector<1x1x16xf32> to vector<16xf32>
      %mul3A_377 = vector.broadcast %scan3A_109 : f32 to vector<16xf32>
      %mul3A_378 = arith.mulf %get3A_376, %mul3A_377 : vector<16xf32>
      %add3A_379 = arith.addf %mul3A_378, %get3A_371 : vector<16xf32>
      %swap3A_380 = arith.index_cast %add3A_364 : i32 to index
      %swap3A_381 = arith.index_cast %and3A_278 : i32 to index
      %swap3A_382 = arith.constant 0 : index
      %swap3A_383 = tpu.vector_load %arg10[%swap3A_380, %swap3A_381, %swap3A_382] {strides = array<i32>} : memref<50x8x64xf32, #tpu.memory_space<vmem>>, vector<1x1x16xf32>,
      %swap3A_384 = vector.shape_cast %swap3A_383 : vector<1x1x16xf32> to vector<16xf32>
      %swap3A_385 = vector.shape_cast %add3A_379 : vector<16xf32> to vector<1x1x16xf32>
      tpu.vector_store %arg10[%swap3A_380, %swap3A_381, %swap3A_382], %swap3A_385 {strides = array<i32>} : memref<50x8x64xf32, #tpu.memory_space<vmem>>, vector<1x1x16xf32>,
      %mul3A_386 = arith.constant 64 : i32
      %mul3A_387 = arith.muli %scan3A_275, %mul3A_386 : i32
      %add3A_388 = arith.constant 16 : i32
      %add3A_389 = arith.addi %mul3A_387, %add3A_388 : i32
      %get3A_390 = arith.index_cast %add3A_389 : i32 to index
      %get3A_391 = tpu.vector_load %arg8[%get3A_390] {strides = array<i32>} : memref<12800xf32, #tpu.memory_space<vmem>>, vector<16xf32>,
      %get3A_392 = vector.shape_cast %get3A_391 : vector<16xf32> to vector<16xf32>
      %get3A_393 = arith.index_cast %add3A_364 : i32 to index
      %get3A_394 = arith.index_cast %and3A_278 : i32 to index
      %get3A_395 = arith.constant 16 : index
      %get3A_396 = tpu.vector_load %arg10[%get3A_393, %get3A_394, %get3A_395] {strides = array<i32>} : memref<50x8x64xf32, #tpu.memory_space<vmem>>, vector<1x1x16xf32>,
      %get3A_397 = vector.shape_cast %get3A_396 : vector<1x1x16xf32> to vector<16xf32>
      %mul3A_398 = vector.broadcast %scan3A_109 : f32 to vector<16xf32>
      %mul3A_399 = arith.mulf %get3A_397, %mul3A_398 : vector<16xf32>
      %add3A_400 = arith.addf %mul3A_399, %get3A_392 : vector<16xf32>
      %swap3A_401 = arith.index_cast %add3A_364 : i32 to index
      %swap3A_402 = arith.index_cast %and3A_278 : i32 to index
      %swap3A_403 = arith.constant 16 : index
      %swap3A_404 = tpu.vector_load %arg10[%swap3A_401, %swap3A_402, %swap3A_403] {strides = array<i32>} : memref<50x8x64xf32, #tpu.memory_space<vmem>>, vector<1x1x16xf32>,
      %swap3A_405 = vector.shape_cast %swap3A_404 : vector<1x1x16xf32> to vector<16xf32>
      %swap3A_406 = vector.shape_cast %add3A_400 : vector<16xf32> to vector<1x1x16xf32>
      tpu.vector_store %arg10[%swap3A_401, %swap3A_402, %swap3A_403], %swap3A_406 {strides = array<i32>} : memref<50x8x64xf32, #tpu.memory_space<vmem>>, vector<1x1x16xf32>,
      %mul3A_407 = arith.constant 64 : i32
      %mul3A_408 = arith.muli %scan3A_275, %mul3A_407 : i32
      %add3A_409 = arith.constant 32 : i32
      %add3A_410 = arith.addi %mul3A_408, %add3A_409 : i32
      %get3A_411 = arith.index_cast %add3A_410 : i32 to index
      %get3A_412 = tpu.vector_load %arg8[%get3A_411] {strides = array<i32>} : memref<12800xf32, #tpu.memory_space<vmem>>, vector<16xf32>,
      %get3A_413 = vector.shape_cast %get3A_412 : vector<16xf32> to vector<16xf32>
      %get3A_414 = arith.index_cast %add3A_364 : i32 to index
      %get3A_415 = arith.index_cast %and3A_278 : i32 to index
      %get3A_416 = arith.constant 32 : index
      %get3A_417 = tpu.vector_load %arg10[%get3A_414, %get3A_415, %get3A_416] {strides = array<i32>} : memref<50x8x64xf32, #tpu.memory_space<vmem>>, vector<1x1x16xf32>,
      %get3A_418 = vector.shape_cast %get3A_417 : vector<1x1x16xf32> to vector<16xf32>
      %mul3A_419 = vector.broadcast %scan3A_109 : f32 to vector<16xf32>
      %mul3A_420 = arith.mulf %get3A_418, %mul3A_419 : vector<16xf32>
      %add3A_421 = arith.addf %mul3A_420, %get3A_413 : vector<16xf32>
      %swap3A_422 = arith.index_cast %add3A_364 : i32 to index
      %swap3A_423 = arith.index_cast %and3A_278 : i32 to index
      %swap3A_424 = arith.constant 32 : index
      %swap3A_425 = tpu.vector_load %arg10[%swap3A_422, %swap3A_423, %swap3A_424] {strides = array<i32>} : memref<50x8x64xf32, #tpu.memory_space<vmem>>, vector<1x1x16xf32>,
      %swap3A_426 = vector.shape_cast %swap3A_425 : vector<1x1x16xf32> to vector<16xf32>
      %swap3A_427 = vector.shape_cast %add3A_421 : vector<16xf32> to vector<1x1x16xf32>
      tpu.vector_store %arg10[%swap3A_422, %swap3A_423, %swap3A_424], %swap3A_427 {strides = array<i32>} : memref<50x8x64xf32, #tpu.memory_space<vmem>>, vector<1x1x16xf32>,
      %mul3A_428 = arith.constant 64 : i32
      %mul3A_429 = arith.muli %scan3A_275, %mul3A_428 : i32
      %add3A_430 = arith.constant 48 : i32
      %add3A_431 = arith.addi %mul3A_429, %add3A_430 : i32
      %get3A_432 = arith.index_cast %add3A_431 : i32 to index
      %get3A_433 = tpu.vector_load %arg8[%get3A_432] {strides = array<i32>} : memref<12800xf32, #tpu.memory_space<vmem>>, vector<16xf32>,
      %get3A_434 = vector.shape_cast %get3A_433 : vector<16xf32> to vector<16xf32>
      %get3A_435 = arith.index_cast %add3A_364 : i32 to index
      %get3A_436 = arith.index_cast %and3A_278 : i32 to index
      %get3A_437 = arith.constant 48 : index
      %get3A_438 = tpu.vector_load %arg10[%get3A_435, %get3A_436, %get3A_437] {strides = array<i32>} : memref<50x8x64xf32, #tpu.memory_space<vmem>>, vector<1x1x16xf32>,
      %get3A_439 = vector.shape_cast %get3A_438 : vector<1x1x16xf32> to vector<16xf32>
      %mul3A_440 = vector.broadcast %scan3A_109 : f32 to vector<16xf32>
      %mul3A_441 = arith.mulf %get3A_439, %mul3A_440 : vector<16xf32>
      %add3A_442 = arith.addf %mul3A_441, %get3A_434 : vector<16xf32>
      %swap3A_443 = arith.index_cast %add3A_364 : i32 to index
      %swap3A_444 = arith.index_cast %and3A_278 : i32 to index
      %swap3A_445 = arith.constant 48 : index
      %swap3A_446 = tpu.vector_load %arg10[%swap3A_443, %swap3A_444, %swap3A_445] {strides = array<i32>} : memref<50x8x64xf32, #tpu.memory_space<vmem>>, vector<1x1x16xf32>,
      %swap3A_447 = vector.shape_cast %swap3A_446 : vector<1x1x16xf32> to vector<16xf32>
      %swap3A_448 = vector.shape_cast %add3A_442 : vector<16xf32> to vector<1x1x16xf32>
      tpu.vector_store %arg10[%swap3A_443, %swap3A_444, %swap3A_445], %swap3A_448 {strides = array<i32>} : memref<50x8x64xf32, #tpu.memory_space<vmem>>, vector<1x1x16xf32>,
    }
    %scan3A_114 = arith.constant 200 : i32
    %add3A_115 = arith.constant 5200 : i32
    %add3A_116 = arith.addi %mul3A_2, %add3A_115 : i32
    %jit3A_117 = arith.constant 8 : i32
    %div3A_118 = arith.divsi %add3A_116, %jit3A_117 : i32
    %sign3A_119 = arith.constant 0 : i32
    %sign3A_120 = arith.cmpi sgt, %add3A_116, %sign3A_119 : i32
    %sign3A_121 = arith.extui %sign3A_120 : i1 to i32
    %sign3A_122 = arith.constant 0 : i32
    %sign3A_123 = arith.cmpi slt, %add3A_116, %sign3A_122 : i32
    %sign3A_124 = arith.extui %sign3A_123 : i1 to i32
    %sign3A_125 = arith.subi %sign3A_121, %sign3A_124 : i32
    %sign3A_126 = arith.constant 0 : i32
    %sign3A_127 = arith.cmpi sgt, %jit3A_117, %sign3A_126 : i32
    %sign3A_128 = arith.extui %sign3A_127 : i1 to i32
    %sign3A_129 = arith.constant 0 : i32
    %sign3A_130 = arith.cmpi slt, %jit3A_117, %sign3A_129 : i32
    %sign3A_131 = arith.extui %sign3A_130 : i1 to i32
    %sign3A_132 = arith.subi %sign3A_128, %sign3A_131 : i32
    %ne3A_133 = arith.cmpi ne, %sign3A_125, %sign3A_132 : i32
    %rem3A_134 = arith.remsi %add3A_116, %jit3A_117 : i32
    %ne3A_135 = arith.constant 0 : i32
    %ne3A_136 = arith.cmpi ne, %rem3A_134, %ne3A_135 : i32
    %and3A_137 = arith.andi %ne3A_133, %ne3A_136 : i1
    %sub3A_138 = arith.constant 1 : i32
    %sub3A_139 = arith.subi %div3A_118, %sub3A_138 : i32
    %select_n3A_140 = arith.select %and3A_137, %sub3A_139, %div3A_118 : i32
    %dma_start3A_141 = arith.constant 0 : i32
    %dma_start3A_142 = arith.constant 0 : i32
    %dma_start3A_143 = tpu.memref_slice %arg5[%select_n3A_140, %dma_start3A_141, %dma_start3A_142] : memref<25600x8x64xf32, #tpu.memory_space<hbm>> -> memref<50x8x64xf32, #tpu.memory_space<hbm>>
    %dma_start3A_144 = arith.constant 0 : i32
    %dma_start3A_145 = arith.constant 0 : i32
    %dma_start3A_146 = tpu.memref_slice %arg5[%select_n3A_140, %dma_start3A_144, %dma_start3A_145] : memref<25600x8x64xf32, #tpu.memory_space<hbm>> -> memref<50x8x64xf32, #tpu.memory_space<hbm>>
    tpu.enqueue_dma source(%arg10 : memref<50x8x64xf32, #tpu.memory_space<vmem>>) target(%dma_start3A_146 : memref<50x8x64xf32, #tpu.memory_space<hbm>>) target_semaphore(%arg16 : memref<!tpu.dma_semaphore, #tpu.memory_space<semaphore_mem>>)
    %dma_wait3A_147 = arith.constant 0 : i32
    %dma_wait3A_148 = arith.constant 0 : i32
    %dma_wait3A_149 = arith.constant 0 : i32
    %dma_wait3A_150 = tpu.memref_slice %arg5[%dma_wait3A_147, %dma_wait3A_148, %dma_wait3A_149] : memref<25600x8x64xf32, #tpu.memory_space<hbm>> -> memref<50x8x64xf32, #tpu.memory_space<hbm>>
    %dma_wait3A_151 = arith.constant 0 : i32
    %dma_wait3A_152 = arith.constant 0 : i32
    %dma_wait3A_153 = arith.constant 0 : i32
    %dma_wait3A_154 = tpu.memref_slice %arg5[%dma_wait3A_151, %dma_wait3A_152, %dma_wait3A_153] : memref<25600x8x64xf32, #tpu.memory_space<hbm>> -> memref<50x8x64xf32, #tpu.memory_space<hbm>>
    tpu.wait_dma2 semaphore(%arg16 : memref<!tpu.dma_semaphore, #tpu.memory_space<semaphore_mem>>) src(%arg10 : memref<50x8x64xf32, #tpu.memory_space<vmem>>) dst(%dma_wait3A_154 : memref<50x8x64xf32, #tpu.memory_space<hbm>>)
    %dma_wait3A_155 = arith.constant 0 : i32
    %dma_wait3A_156 = tpu.memref_slice %arg3[%dma_wait3A_155] : memref<204800xi32, #tpu.memory_space<hbm>> -> memref<400xi32, #tpu.memory_space<hbm>>
    %dma_wait3A_157 = arith.constant 0 : i32
    %dma_wait3A_158 = tpu.memref_slice %arg3[%dma_wait3A_157] : memref<204800xi32, #tpu.memory_space<hbm>> -> memref<400xi32, #tpu.memory_space<hbm>>
    tpu.wait_dma2 semaphore(%arg12 : memref<!tpu.dma_semaphore, #tpu.memory_space<semaphore_mem>>) src(%dma_wait3A_158 : memref<400xi32, #tpu.memory_space<hbm>>) dst(%arg7 : memref<400xi32, #tpu.memory_space<vmem>>)
    %scan3A_159 = arith.constant 0 : i32
    %scan3A_160 = arith.constant 0 : i32
    %scan3A_161 = arith.constant 25 : i32
    %scan3A_162 = arith.addi %scan3A_160, %scan3A_161 : i32
    %scan3A_163 = arith.constant 1 : i32
    scf.for %scan3A_275 = %scan3A_160 to %scan3A_162 step %scan3A_163  : i32 {
      %mul3A_276 = arith.constant 16 : i32
      %mul3A_277 = arith.muli %scan3A_275, %mul3A_276 : i32
      %get3A = arith.index_cast %mul3A_277 : i32 to index
      %get3A_278 = tpu.vector_load %arg7[%get3A] {strides = array<i32>} : memref<400xi32, #tpu.memory_space<vmem>>, vector<16xi32>,
      %get3A_279 = vector.shape_cast %get3A_278 : vector<16xi32> to vector<16xi32>
      %shift_right_logical3A = arith.constant 3 : i32
      %shift_right_logical3A_280 = vector.broadcast %shift_right_logical3A : i32 to vector<16xi32>
      %shift_right_logical3A_281 = arith.shrui %get3A_279, %shift_right_logical3A_280 : vector<16xi32>
      %and3A_282 = arith.constant 7 : i32
      %and3A_283 = vector.broadcast %and3A_282 : i32 to vector<16xi32>
      %and3A_284 = arith.andi %get3A_279, %and3A_283 : vector<16xi32>
      %mul3A_285 = arith.constant 2 : i32
      %mul3A_286 = arith.muli %mul3A_285, %scan3A_275 : i32
      %add3A_287 = arith.constant 0 : i32
      %add3A_288 = arith.addi %mul3A_286, %add3A_287 : i32
      %slice3A = vector.extract_strided_slice %shift_right_logical3A_281 {offsets = [0], sizes = [1], strides = [1]} : vector<16xi32> to vector<1xi32>
      %squeeze3A = vector.extract %slice3A[0] : i32 from vector<1xi32>
      %slice3A_289 = vector.extract_strided_slice %and3A_284 {offsets = [0], sizes = [1], strides = [1]} : vector<16xi32> to vector<1xi32>
      %squeeze3A_290 = vector.extract %slice3A_289[0] : i32 from vector<1xi32>
      %dma_start3A_291 = arith.constant 0 : i32
      %dma_start3A_292 = arith.constant 0 : i32
      %dma_start3A_293 = tpu.memref_slice %arg10[%add3A_288, %dma_start3A_291, %dma_start3A_292] : memref<50x8x64xf32, #tpu.memory_space<vmem>> -> memref<1x1x64xf32, #tpu.memory_space<vmem>>
      %dma_start3A_294 = tpu.memref_squeeze %dma_start3A_293 : memref<1x1x64xf32, #tpu.memory_space<vmem>> -> memref<64xf32, #tpu.memory_space<vmem>>
      %dma_start3A_295 = arith.constant 0 : i32
      %dma_start3A_296 = tpu.memref_slice %arg2[%squeeze3A, %squeeze3A_290, %dma_start3A_295] : memref<125000x8x64xf32, #tpu.memory_space<hbm>> -> memref<1x1x64xf32, #tpu.memory_space<hbm>>
      %dma_start3A_297 = tpu.memref_squeeze %dma_start3A_296 : memref<1x1x64xf32, #tpu.memory_space<hbm>> -> memref<64xf32, #tpu.memory_space<hbm>>
      %dma_start3A_298 = arith.constant 0 : i32
      %dma_start3A_299 = tpu.memref_slice %arg10[%add3A_288, %dma_start3A_291, %dma_start3A_298] : memref<50x8x64xf32, #tpu.memory_space<vmem>> -> memref<1x1x64xf32, #tpu.memory_space<vmem>>
      %dma_start3A_300 = tpu.memref_squeeze %dma_start3A_299 : memref<1x1x64xf32, #tpu.memory_space<vmem>> -> memref<64xf32, #tpu.memory_space<vmem>>
      %dma_start3A_301 = arith.constant 0 : i32
      %dma_start3A_302 = tpu.memref_slice %arg2[%squeeze3A, %squeeze3A_290, %dma_start3A_301] : memref<125000x8x64xf32, #tpu.memory_space<hbm>> -> memref<1x1x64xf32, #tpu.memory_space<hbm>>
      %dma_start3A_303 = tpu.memref_squeeze %dma_start3A_302 : memref<1x1x64xf32, #tpu.memory_space<hbm>> -> memref<64xf32, #tpu.memory_space<hbm>>
      tpu.enqueue_dma source(%dma_start3A_303 : memref<64xf32, #tpu.memory_space<hbm>>) target(%dma_start3A_300 : memref<64xf32, #tpu.memory_space<vmem>>) target_semaphore(%arg14 : memref<!tpu.dma_semaphore, #tpu.memory_space<semaphore_mem>>)
      %mul3A_304 = arith.constant 2 : i32
      %mul3A_305 = arith.muli %mul3A_304, %scan3A_275 : i32
      %add3A_306 = arith.constant 0 : i32
      %add3A_307 = arith.addi %mul3A_305, %add3A_306 : i32
      %slice3A_308 = vector.extract_strided_slice %shift_right_logical3A_281 {offsets = [1], sizes = [1], strides = [1]} : vector<16xi32> to vector<1xi32>
      %squeeze3A_309 = vector.extract %slice3A_308[0] : i32 from vector<1xi32>
      %slice3A_310 = vector.extract_strided_slice %and3A_284 {offsets = [1], sizes = [1], strides = [1]} : vector<16xi32> to vector<1xi32>
      %squeeze3A_311 = vector.extract %slice3A_310[0] : i32 from vector<1xi32>
      %dma_start3A_312 = arith.constant 1 : i32
      %dma_start3A_313 = arith.constant 0 : i32
      %dma_start3A_314 = tpu.memref_slice %arg10[%add3A_307, %dma_start3A_312, %dma_start3A_313] : memref<50x8x64xf32, #tpu.memory_space<vmem>> -> memref<1x1x64xf32, #tpu.memory_space<vmem>>
      %dma_start3A_315 = tpu.memref_squeeze %dma_start3A_314 : memref<1x1x64xf32, #tpu.memory_space<vmem>> -> memref<64xf32, #tpu.memory_space<vmem>>
      %dma_start3A_316 = arith.constant 0 : i32
      %dma_start3A_317 = tpu.memref_slice %arg2[%squeeze3A_309, %squeeze3A_311, %dma_start3A_316] : memref<125000x8x64xf32, #tpu.memory_space<hbm>> -> memref<1x1x64xf32, #tpu.memory_space<hbm>>
      %dma_start3A_318 = tpu.memref_squeeze %dma_start3A_317 : memref<1x1x64xf32, #tpu.memory_space<hbm>> -> memref<64xf32, #tpu.memory_space<hbm>>
      %dma_start3A_319 = arith.constant 0 : i32
      %dma_start3A_320 = tpu.memref_slice %arg10[%add3A_307, %dma_start3A_312, %dma_start3A_319] : memref<50x8x64xf32, #tpu.memory_space<vmem>> -> memref<1x1x64xf32, #tpu.memory_space<vmem>>
      %dma_start3A_321 = tpu.memref_squeeze %dma_start3A_320 : memref<1x1x64xf32, #tpu.memory_space<vmem>> -> memref<64xf32, #tpu.memory_space<vmem>>
      %dma_start3A_322 = arith.constant 0 : i32
      %dma_start3A_323 = tpu.memref_slice %arg2[%squeeze3A_309, %squeeze3A_311, %dma_start3A_322] : memref<125000x8x64xf32, #tpu.memory_space<hbm>> -> memref<1x1x64xf32, #tpu.memory_space<hbm>>
      %dma_start3A_324 = tpu.memref_squeeze %dma_start3A_323 : memref<1x1x64xf32, #tpu.memory_space<hbm>> -> memref<64xf32, #tpu.memory_space<hbm>>
      tpu.enqueue_dma source(%dma_start3A_324 : memref<64xf32, #tpu.memory_space<hbm>>) target(%dma_start3A_321 : memref<64xf32, #tpu.memory_space<vmem>>) target_semaphore(%arg14 : memref<!tpu.dma_semaphore, #tpu.memory_space<semaphore_mem>>)
      %mul3A_325 = arith.constant 2 : i32
      %mul3A_326 = arith.muli %mul3A_325, %scan3A_275 : i32
      %add3A_327 = arith.constant 0 : i32
      %add3A_328 = arith.addi %mul3A_326, %add3A_327 : i32
      %slice3A_329 = vector.extract_strided_slice %shift_right_logical3A_281 {offsets = [2], sizes = [1], strides = [1]} : vector<16xi32> to vector<1xi32>
      %squeeze3A_330 = vector.extract %slice3A_329[0] : i32 from vector<1xi32>
      %slice3A_331 = vector.extract_strided_slice %and3A_284 {offsets = [2], sizes = [1], strides = [1]} : vector<16xi32> to vector<1xi32>
      %squeeze3A_332 = vector.extract %slice3A_331[0] : i32 from vector<1xi32>
      %dma_start3A_333 = arith.constant 2 : i32
      %dma_start3A_334 = arith.constant 0 : i32
      %dma_start3A_335 = tpu.memref_slice %arg10[%add3A_328, %dma_start3A_333, %dma_start3A_334] : memref<50x8x64xf32, #tpu.memory_space<vmem>> -> memref<1x1x64xf32, #tpu.memory_space<vmem>>
      %dma_start3A_336 = tpu.memref_squeeze %dma_start3A_335 : memref<1x1x64xf32, #tpu.memory_space<vmem>> -> memref<64xf32, #tpu.memory_space<vmem>>
      %dma_start3A_337 = arith.constant 0 : i32
      %dma_start3A_338 = tpu.memref_slice %arg2[%squeeze3A_330, %squeeze3A_332, %dma_start3A_337] : memref<125000x8x64xf32, #tpu.memory_space<hbm>> -> memref<1x1x64xf32, #tpu.memory_space<hbm>>
      %dma_start3A_339 = tpu.memref_squeeze %dma_start3A_338 : memref<1x1x64xf32, #tpu.memory_space<hbm>> -> memref<64xf32, #tpu.memory_space<hbm>>
      %dma_start3A_340 = arith.constant 0 : i32
      %dma_start3A_341 = tpu.memref_slice %arg10[%add3A_328, %dma_start3A_333, %dma_start3A_340] : memref<50x8x64xf32, #tpu.memory_space<vmem>> -> memref<1x1x64xf32, #tpu.memory_space<vmem>>
      %dma_start3A_342 = tpu.memref_squeeze %dma_start3A_341 : memref<1x1x64xf32, #tpu.memory_space<vmem>> -> memref<64xf32, #tpu.memory_space<vmem>>
      %dma_start3A_343 = arith.constant 0 : i32
      %dma_start3A_344 = tpu.memref_slice %arg2[%squeeze3A_330, %squeeze3A_332, %dma_start3A_343] : memref<125000x8x64xf32, #tpu.memory_space<hbm>> -> memref<1x1x64xf32, #tpu.memory_space<hbm>>
      %dma_start3A_345 = tpu.memref_squeeze %dma_start3A_344 : memref<1x1x64xf32, #tpu.memory_space<hbm>> -> memref<64xf32, #tpu.memory_space<hbm>>
      tpu.enqueue_dma source(%dma_start3A_345 : memref<64xf32, #tpu.memory_space<hbm>>) target(%dma_start3A_342 : memref<64xf32, #tpu.memory_space<vmem>>) target_semaphore(%arg14 : memref<!tpu.dma_semaphore, #tpu.memory_space<semaphore_mem>>)
      %mul3A_346 = arith.constant 2 : i32
      %mul3A_347 = arith.muli %mul3A_346, %scan3A_275 : i32
      %add3A_348 = arith.constant 0 : i32
      %add3A_349 = arith.addi %mul3A_347, %add3A_348 : i32
      %slice3A_350 = vector.extract_strided_slice %shift_right_logical3A_281 {offsets = [3], sizes = [1], strides = [1]} : vector<16xi32> to vector<1xi32>
      %squeeze3A_351 = vector.extract %slice3A_350[0] : i32 from vector<1xi32>
      %slice3A_352 = vector.extract_strided_slice %and3A_284 {offsets = [3], sizes = [1], strides = [1]} : vector<16xi32> to vector<1xi32>
      %squeeze3A_353 = vector.extract %slice3A_352[0] : i32 from vector<1xi32>
      %dma_start3A_354 = arith.constant 3 : i32
      %dma_start3A_355 = arith.constant 0 : i32
      %dma_start3A_356 = tpu.memref_slice %arg10[%add3A_349, %dma_start3A_354, %dma_start3A_355] : memref<50x8x64xf32, #tpu.memory_space<vmem>> -> memref<1x1x64xf32, #tpu.memory_space<vmem>>
      %dma_start3A_357 = tpu.memref_squeeze %dma_start3A_356 : memref<1x1x64xf32, #tpu.memory_space<vmem>> -> memref<64xf32, #tpu.memory_space<vmem>>
      %dma_start3A_358 = arith.constant 0 : i32
      %dma_start3A_359 = tpu.memref_slice %arg2[%squeeze3A_351, %squeeze3A_353, %dma_start3A_358] : memref<125000x8x64xf32, #tpu.memory_space<hbm>> -> memref<1x1x64xf32, #tpu.memory_space<hbm>>
      %dma_start3A_360 = tpu.memref_squeeze %dma_start3A_359 : memref<1x1x64xf32, #tpu.memory_space<hbm>> -> memref<64xf32, #tpu.memory_space<hbm>>
      %dma_start3A_361 = arith.constant 0 : i32
      %dma_start3A_362 = tpu.memref_slice %arg10[%add3A_349, %dma_start3A_354, %dma_start3A_361] : memref<50x8x64xf32, #tpu.memory_space<vmem>> -> memref<1x1x64xf32, #tpu.memory_space<vmem>>
      %dma_start3A_363 = tpu.memref_squeeze %dma_start3A_362 : memref<1x1x64xf32, #tpu.memory_space<vmem>> -> memref<64xf32, #tpu.memory_space<vmem>>
      %dma_start3A_364 = arith.constant 0 : i32
      %dma_start3A_365 = tpu.memref_slice %arg2[%squeeze3A_351, %squeeze3A_353, %dma_start3A_364] : memref<125000x8x64xf32, #tpu.memory_space<hbm>> -> memref<1x1x64xf32, #tpu.memory_space<hbm>>
      %dma_start3A_366 = tpu.memref_squeeze %dma_start3A_365 : memref<1x1x64xf32, #tpu.memory_space<hbm>> -> memref<64xf32, #tpu.memory_space<hbm>>
      tpu.enqueue_dma source(%dma_start3A_366 : memref<64xf32, #tpu.memory_space<hbm>>) target(%dma_start3A_363 : memref<64xf32, #tpu.memory_space<vmem>>) target_semaphore(%arg14 : memref<!tpu.dma_semaphore, #tpu.memory_space<semaphore_mem>>)
      %mul3A_367 = arith.constant 2 : i32
      %mul3A_368 = arith.muli %mul3A_367, %scan3A_275 : i32
      %add3A_369 = arith.constant 0 : i32
      %add3A_370 = arith.addi %mul3A_368, %add3A_369 : i32
      %slice3A_371 = vector.extract_strided_slice %shift_right_logical3A_281 {offsets = [4], sizes = [1], strides = [1]} : vector<16xi32> to vector<1xi32>
      %squeeze3A_372 = vector.extract %slice3A_371[0] : i32 from vector<1xi32>
      %slice3A_373 = vector.extract_strided_slice %and3A_284 {offsets = [4], sizes = [1], strides = [1]} : vector<16xi32> to vector<1xi32>
      %squeeze3A_374 = vector.extract %slice3A_373[0] : i32 from vector<1xi32>
      %dma_start3A_375 = arith.constant 4 : i32
      %dma_start3A_376 = arith.constant 0 : i32
      %dma_start3A_377 = tpu.memref_slice %arg10[%add3A_370, %dma_start3A_375, %dma_start3A_376] : memref<50x8x64xf32, #tpu.memory_space<vmem>> -> memref<1x1x64xf32, #tpu.memory_space<vmem>>
      %dma_start3A_378 = tpu.memref_squeeze %dma_start3A_377 : memref<1x1x64xf32, #tpu.memory_space<vmem>> -> memref<64xf32, #tpu.memory_space<vmem>>
      %dma_start3A_379 = arith.constant 0 : i32
      %dma_start3A_380 = tpu.memref_slice %arg2[%squeeze3A_372, %squeeze3A_374, %dma_start3A_379] : memref<125000x8x64xf32, #tpu.memory_space<hbm>> -> memref<1x1x64xf32, #tpu.memory_space<hbm>>
      %dma_start3A_381 = tpu.memref_squeeze %dma_start3A_380 : memref<1x1x64xf32, #tpu.memory_space<hbm>> -> memref<64xf32, #tpu.memory_space<hbm>>
      %dma_start3A_382 = arith.constant 0 : i32
      %dma_start3A_383 = tpu.memref_slice %arg10[%add3A_370, %dma_start3A_375, %dma_start3A_382] : memref<50x8x64xf32, #tpu.memory_space<vmem>> -> memref<1x1x64xf32, #tpu.memory_space<vmem>>
      %dma_start3A_384 = tpu.memref_squeeze %dma_start3A_383 : memref<1x1x64xf32, #tpu.memory_space<vmem>> -> memref<64xf32, #tpu.memory_space<vmem>>
      %dma_start3A_385 = arith.constant 0 : i32
      %dma_start3A_386 = tpu.memref_slice %arg2[%squeeze3A_372, %squeeze3A_374, %dma_start3A_385] : memref<125000x8x64xf32, #tpu.memory_space<hbm>> -> memref<1x1x64xf32, #tpu.memory_space<hbm>>
      %dma_start3A_387 = tpu.memref_squeeze %dma_start3A_386 : memref<1x1x64xf32, #tpu.memory_space<hbm>> -> memref<64xf32, #tpu.memory_space<hbm>>
      tpu.enqueue_dma source(%dma_start3A_387 : memref<64xf32, #tpu.memory_space<hbm>>) target(%dma_start3A_384 : memref<64xf32, #tpu.memory_space<vmem>>) target_semaphore(%arg14 : memref<!tpu.dma_semaphore, #tpu.memory_space<semaphore_mem>>)
      %mul3A_388 = arith.constant 2 : i32
      %mul3A_389 = arith.muli %mul3A_388, %scan3A_275 : i32
      %add3A_390 = arith.constant 0 : i32
      %add3A_391 = arith.addi %mul3A_389, %add3A_390 : i32
      %slice3A_392 = vector.extract_strided_slice %shift_right_logical3A_281 {offsets = [5], sizes = [1], strides = [1]} : vector<16xi32> to vector<1xi32>
      %squeeze3A_393 = vector.extract %slice3A_392[0] : i32 from vector<1xi32>
      %slice3A_394 = vector.extract_strided_slice %and3A_284 {offsets = [5], sizes = [1], strides = [1]} : vector<16xi32> to vector<1xi32>
      %squeeze3A_395 = vector.extract %slice3A_394[0] : i32 from vector<1xi32>
      %dma_start3A_396 = arith.constant 5 : i32
      %dma_start3A_397 = arith.constant 0 : i32
      %dma_start3A_398 = tpu.memref_slice %arg10[%add3A_391, %dma_start3A_396, %dma_start3A_397] : memref<50x8x64xf32, #tpu.memory_space<vmem>> -> memref<1x1x64xf32, #tpu.memory_space<vmem>>
      %dma_start3A_399 = tpu.memref_squeeze %dma_start3A_398 : memref<1x1x64xf32, #tpu.memory_space<vmem>> -> memref<64xf32, #tpu.memory_space<vmem>>
      %dma_start3A_400 = arith.constant 0 : i32
      %dma_start3A_401 = tpu.memref_slice %arg2[%squeeze3A_393, %squeeze3A_395, %dma_start3A_400] : memref<125000x8x64xf32, #tpu.memory_space<hbm>> -> memref<1x1x64xf32, #tpu.memory_space<hbm>>
      %dma_start3A_402 = tpu.memref_squeeze %dma_start3A_401 : memref<1x1x64xf32, #tpu.memory_space<hbm>> -> memref<64xf32, #tpu.memory_space<hbm>>
      %dma_start3A_403 = arith.constant 0 : i32
      %dma_start3A_404 = tpu.memref_slice %arg10[%add3A_391, %dma_start3A_396, %dma_start3A_403] : memref<50x8x64xf32, #tpu.memory_space<vmem>> -> memref<1x1x64xf32, #tpu.memory_space<vmem>>
      %dma_start3A_405 = tpu.memref_squeeze %dma_start3A_404 : memref<1x1x64xf32, #tpu.memory_space<vmem>> -> memref<64xf32, #tpu.memory_space<vmem>>
      %dma_start3A_406 = arith.constant 0 : i32
      %dma_start3A_407 = tpu.memref_slice %arg2[%squeeze3A_393, %squeeze3A_395, %dma_start3A_406] : memref<125000x8x64xf32, #tpu.memory_space<hbm>> -> memref<1x1x64xf32, #tpu.memory_space<hbm>>
      %dma_start3A_408 = tpu.memref_squeeze %dma_start3A_407 : memref<1x1x64xf32, #tpu.memory_space<hbm>> -> memref<64xf32, #tpu.memory_space<hbm>>
      tpu.enqueue_dma source(%dma_start3A_408 : memref<64xf32, #tpu.memory_space<hbm>>) target(%dma_start3A_405 : memref<64xf32, #tpu.memory_space<vmem>>) target_semaphore(%arg14 : memref<!tpu.dma_semaphore, #tpu.memory_space<semaphore_mem>>)
      %mul3A_409 = arith.constant 2 : i32
      %mul3A_410 = arith.muli %mul3A_409, %scan3A_275 : i32
      %add3A_411 = arith.constant 0 : i32
      %add3A_412 = arith.addi %mul3A_410, %add3A_411 : i32
      %slice3A_413 = vector.extract_strided_slice %shift_right_logical3A_281 {offsets = [6], sizes = [1], strides = [1]} : vector<16xi32> to vector<1xi32>
      %squeeze3A_414 = vector.extract %slice3A_413[0] : i32 from vector<1xi32>
      %slice3A_415 = vector.extract_strided_slice %and3A_284 {offsets = [6], sizes = [1], strides = [1]} : vector<16xi32> to vector<1xi32>
      %squeeze3A_416 = vector.extract %slice3A_415[0] : i32 from vector<1xi32>
      %dma_start3A_417 = arith.constant 6 : i32
      %dma_start3A_418 = arith.constant 0 : i32
      %dma_start3A_419 = tpu.memref_slice %arg10[%add3A_412, %dma_start3A_417, %dma_start3A_418] : memref<50x8x64xf32, #tpu.memory_space<vmem>> -> memref<1x1x64xf32, #tpu.memory_space<vmem>>
      %dma_start3A_420 = tpu.memref_squeeze %dma_start3A_419 : memref<1x1x64xf32, #tpu.memory_space<vmem>> -> memref<64xf32, #tpu.memory_space<vmem>>
      %dma_start3A_421 = arith.constant 0 : i32
      %dma_start3A_422 = tpu.memref_slice %arg2[%squeeze3A_414, %squeeze3A_416, %dma_start3A_421] : memref<125000x8x64xf32, #tpu.memory_space<hbm>> -> memref<1x1x64xf32, #tpu.memory_space<hbm>>
      %dma_start3A_423 = tpu.memref_squeeze %dma_start3A_422 : memref<1x1x64xf32, #tpu.memory_space<hbm>> -> memref<64xf32, #tpu.memory_space<hbm>>
      %dma_start3A_424 = arith.constant 0 : i32
      %dma_start3A_425 = tpu.memref_slice %arg10[%add3A_412, %dma_start3A_417, %dma_start3A_424] : memref<50x8x64xf32, #tpu.memory_space<vmem>> -> memref<1x1x64xf32, #tpu.memory_space<vmem>>
      %dma_start3A_426 = tpu.memref_squeeze %dma_start3A_425 : memref<1x1x64xf32, #tpu.memory_space<vmem>> -> memref<64xf32, #tpu.memory_space<vmem>>
      %dma_start3A_427 = arith.constant 0 : i32
      %dma_start3A_428 = tpu.memref_slice %arg2[%squeeze3A_414, %squeeze3A_416, %dma_start3A_427] : memref<125000x8x64xf32, #tpu.memory_space<hbm>> -> memref<1x1x64xf32, #tpu.memory_space<hbm>>
      %dma_start3A_429 = tpu.memref_squeeze %dma_start3A_428 : memref<1x1x64xf32, #tpu.memory_space<hbm>> -> memref<64xf32, #tpu.memory_space<hbm>>
      tpu.enqueue_dma source(%dma_start3A_429 : memref<64xf32, #tpu.memory_space<hbm>>) target(%dma_start3A_426 : memref<64xf32, #tpu.memory_space<vmem>>) target_semaphore(%arg14 : memref<!tpu.dma_semaphore, #tpu.memory_space<semaphore_mem>>)
      %mul3A_430 = arith.constant 2 : i32
      %mul3A_431 = arith.muli %mul3A_430, %scan3A_275 : i32
      %add3A_432 = arith.constant 0 : i32
      %add3A_433 = arith.addi %mul3A_431, %add3A_432 : i32
      %slice3A_434 = vector.extract_strided_slice %shift_right_logical3A_281 {offsets = [7], sizes = [1], strides = [1]} : vector<16xi32> to vector<1xi32>
      %squeeze3A_435 = vector.extract %slice3A_434[0] : i32 from vector<1xi32>
      %slice3A_436 = vector.extract_strided_slice %and3A_284 {offsets = [7], sizes = [1], strides = [1]} : vector<16xi32> to vector<1xi32>
      %squeeze3A_437 = vector.extract %slice3A_436[0] : i32 from vector<1xi32>
      %dma_start3A_438 = arith.constant 7 : i32
      %dma_start3A_439 = arith.constant 0 : i32
      %dma_start3A_440 = tpu.memref_slice %arg10[%add3A_433, %dma_start3A_438, %dma_start3A_439] : memref<50x8x64xf32, #tpu.memory_space<vmem>> -> memref<1x1x64xf32, #tpu.memory_space<vmem>>
      %dma_start3A_441 = tpu.memref_squeeze %dma_start3A_440 : memref<1x1x64xf32, #tpu.memory_space<vmem>> -> memref<64xf32, #tpu.memory_space<vmem>>
      %dma_start3A_442 = arith.constant 0 : i32
      %dma_start3A_443 = tpu.memref_slice %arg2[%squeeze3A_435, %squeeze3A_437, %dma_start3A_442] : memref<125000x8x64xf32, #tpu.memory_space<hbm>> -> memref<1x1x64xf32, #tpu.memory_space<hbm>>
      %dma_start3A_444 = tpu.memref_squeeze %dma_start3A_443 : memref<1x1x64xf32, #tpu.memory_space<hbm>> -> memref<64xf32, #tpu.memory_space<hbm>>
      %dma_start3A_445 = arith.constant 0 : i32
      %dma_start3A_446 = tpu.memref_slice %arg10[%add3A_433, %dma_start3A_438, %dma_start3A_445] : memref<50x8x64xf32, #tpu.memory_space<vmem>> -> memref<1x1x64xf32, #tpu.memory_space<vmem>>
      %dma_start3A_447 = tpu.memref_squeeze %dma_start3A_446 : memref<1x1x64xf32, #tpu.memory_space<vmem>> -> memref<64xf32, #tpu.memory_space<vmem>>
      %dma_start3A_448 = arith.constant 0 : i32
      %dma_start3A_449 = tpu.memref_slice %arg2[%squeeze3A_435, %squeeze3A_437, %dma_start3A_448] : memref<125000x8x64xf32, #tpu.memory_space<hbm>> -> memref<1x1x64xf32, #tpu.memory_space<hbm>>
      %dma_start3A_450 = tpu.memref_squeeze %dma_start3A_449 : memref<1x1x64xf32, #tpu.memory_space<hbm>> -> memref<64xf32, #tpu.memory_space<hbm>>
      tpu.enqueue_dma source(%dma_start3A_450 : memref<64xf32, #tpu.memory_space<hbm>>) target(%dma_start3A_447 : memref<64xf32, #tpu.memory_space<vmem>>) target_semaphore(%arg14 : memref<!tpu.dma_semaphore, #tpu.memory_space<semaphore_mem>>)
      %mul3A_451 = arith.constant 2 : i32
      %mul3A_452 = arith.muli %mul3A_451, %scan3A_275 : i32
      %add3A_453 = arith.constant 1 : i32
      %add3A_454 = arith.addi %mul3A_452, %add3A_453 : i32
      %slice3A_455 = vector.extract_strided_slice %shift_right_logical3A_281 {offsets = [8], sizes = [1], strides = [1]} : vector<16xi32> to vector<1xi32>
      %squeeze3A_456 = vector.extract %slice3A_455[0] : i32 from vector<1xi32>
      %slice3A_457 = vector.extract_strided_slice %and3A_284 {offsets = [8], sizes = [1], strides = [1]} : vector<16xi32> to vector<1xi32>
      %squeeze3A_458 = vector.extract %slice3A_457[0] : i32 from vector<1xi32>
      %dma_start3A_459 = arith.constant 0 : i32
      %dma_start3A_460 = arith.constant 0 : i32
      %dma_start3A_461 = tpu.memref_slice %arg10[%add3A_454, %dma_start3A_459, %dma_start3A_460] : memref<50x8x64xf32, #tpu.memory_space<vmem>> -> memref<1x1x64xf32, #tpu.memory_space<vmem>>
      %dma_start3A_462 = tpu.memref_squeeze %dma_start3A_461 : memref<1x1x64xf32, #tpu.memory_space<vmem>> -> memref<64xf32, #tpu.memory_space<vmem>>
      %dma_start3A_463 = arith.constant 0 : i32
      %dma_start3A_464 = tpu.memref_slice %arg2[%squeeze3A_456, %squeeze3A_458, %dma_start3A_463] : memref<125000x8x64xf32, #tpu.memory_space<hbm>> -> memref<1x1x64xf32, #tpu.memory_space<hbm>>
      %dma_start3A_465 = tpu.memref_squeeze %dma_start3A_464 : memref<1x1x64xf32, #tpu.memory_space<hbm>> -> memref<64xf32, #tpu.memory_space<hbm>>
      %dma_start3A_466 = arith.constant 0 : i32
      %dma_start3A_467 = tpu.memref_slice %arg10[%add3A_454, %dma_start3A_459, %dma_start3A_466] : memref<50x8x64xf32, #tpu.memory_space<vmem>> -> memref<1x1x64xf32, #tpu.memory_space<vmem>>
      %dma_start3A_468 = tpu.memref_squeeze %dma_start3A_467 : memref<1x1x64xf32, #tpu.memory_space<vmem>> -> memref<64xf32, #tpu.memory_space<vmem>>
      %dma_start3A_469 = arith.constant 0 : i32
      %dma_start3A_470 = tpu.memref_slice %arg2[%squeeze3A_456, %squeeze3A_458, %dma_start3A_469] : memref<125000x8x64xf32, #tpu.memory_space<hbm>> -> memref<1x1x64xf32, #tpu.memory_space<hbm>>
      %dma_start3A_471 = tpu.memref_squeeze %dma_start3A_470 : memref<1x1x64xf32, #tpu.memory_space<hbm>> -> memref<64xf32, #tpu.memory_space<hbm>>
      tpu.enqueue_dma source(%dma_start3A_471 : memref<64xf32, #tpu.memory_space<hbm>>) target(%dma_start3A_468 : memref<64xf32, #tpu.memory_space<vmem>>) target_semaphore(%arg14 : memref<!tpu.dma_semaphore, #tpu.memory_space<semaphore_mem>>)
      %mul3A_472 = arith.constant 2 : i32
      %mul3A_473 = arith.muli %mul3A_472, %scan3A_275 : i32
      %add3A_474 = arith.constant 1 : i32
      %add3A_475 = arith.addi %mul3A_473, %add3A_474 : i32
      %slice3A_476 = vector.extract_strided_slice %shift_right_logical3A_281 {offsets = [9], sizes = [1], strides = [1]} : vector<16xi32> to vector<1xi32>
      %squeeze3A_477 = vector.extract %slice3A_476[0] : i32 from vector<1xi32>
      %slice3A_478 = vector.extract_strided_slice %and3A_284 {offsets = [9], sizes = [1], strides = [1]} : vector<16xi32> to vector<1xi32>
      %squeeze3A_479 = vector.extract %slice3A_478[0] : i32 from vector<1xi32>
      %dma_start3A_480 = arith.constant 1 : i32
      %dma_start3A_481 = arith.constant 0 : i32
      %dma_start3A_482 = tpu.memref_slice %arg10[%add3A_475, %dma_start3A_480, %dma_start3A_481] : memref<50x8x64xf32, #tpu.memory_space<vmem>> -> memref<1x1x64xf32, #tpu.memory_space<vmem>>
      %dma_start3A_483 = tpu.memref_squeeze %dma_start3A_482 : memref<1x1x64xf32, #tpu.memory_space<vmem>> -> memref<64xf32, #tpu.memory_space<vmem>>
      %dma_start3A_484 = arith.constant 0 : i32
      %dma_start3A_485 = tpu.memref_slice %arg2[%squeeze3A_477, %squeeze3A_479, %dma_start3A_484] : memref<125000x8x64xf32, #tpu.memory_space<hbm>> -> memref<1x1x64xf32, #tpu.memory_space<hbm>>
      %dma_start3A_486 = tpu.memref_squeeze %dma_start3A_485 : memref<1x1x64xf32, #tpu.memory_space<hbm>> -> memref<64xf32, #tpu.memory_space<hbm>>
      %dma_start3A_487 = arith.constant 0 : i32
      %dma_start3A_488 = tpu.memref_slice %arg10[%add3A_475, %dma_start3A_480, %dma_start3A_487] : memref<50x8x64xf32, #tpu.memory_space<vmem>> -> memref<1x1x64xf32, #tpu.memory_space<vmem>>
      %dma_start3A_489 = tpu.memref_squeeze %dma_start3A_488 : memref<1x1x64xf32, #tpu.memory_space<vmem>> -> memref<64xf32, #tpu.memory_space<vmem>>
      %dma_start3A_490 = arith.constant 0 : i32
      %dma_start3A_491 = tpu.memref_slice %arg2[%squeeze3A_477, %squeeze3A_479, %dma_start3A_490] : memref<125000x8x64xf32, #tpu.memory_space<hbm>> -> memref<1x1x64xf32, #tpu.memory_space<hbm>>
      %dma_start3A_492 = tpu.memref_squeeze %dma_start3A_491 : memref<1x1x64xf32, #tpu.memory_space<hbm>> -> memref<64xf32, #tpu.memory_space<hbm>>
      tpu.enqueue_dma source(%dma_start3A_492 : memref<64xf32, #tpu.memory_space<hbm>>) target(%dma_start3A_489 : memref<64xf32, #tpu.memory_space<vmem>>) target_semaphore(%arg14 : memref<!tpu.dma_semaphore, #tpu.memory_space<semaphore_mem>>)
      %mul3A_493 = arith.constant 2 : i32
      %mul3A_494 = arith.muli %mul3A_493, %scan3A_275 : i32
      %add3A_495 = arith.constant 1 : i32
      %add3A_496 = arith.addi %mul3A_494, %add3A_495 : i32
      %slice3A_497 = vector.extract_strided_slice %shift_right_logical3A_281 {offsets = [10], sizes = [1], strides = [1]} : vector<16xi32> to vector<1xi32>
      %squeeze3A_498 = vector.extract %slice3A_497[0] : i32 from vector<1xi32>
      %slice3A_499 = vector.extract_strided_slice %and3A_284 {offsets = [10], sizes = [1], strides = [1]} : vector<16xi32> to vector<1xi32>
      %squeeze3A_500 = vector.extract %slice3A_499[0] : i32 from vector<1xi32>
      %dma_start3A_501 = arith.constant 2 : i32
      %dma_start3A_502 = arith.constant 0 : i32
      %dma_start3A_503 = tpu.memref_slice %arg10[%add3A_496, %dma_start3A_501, %dma_start3A_502] : memref<50x8x64xf32, #tpu.memory_space<vmem>> -> memref<1x1x64xf32, #tpu.memory_space<vmem>>
      %dma_start3A_504 = tpu.memref_squeeze %dma_start3A_503 : memref<1x1x64xf32, #tpu.memory_space<vmem>> -> memref<64xf32, #tpu.memory_space<vmem>>
      %dma_start3A_505 = arith.constant 0 : i32
      %dma_start3A_506 = tpu.memref_slice %arg2[%squeeze3A_498, %squeeze3A_500, %dma_start3A_505] : memref<125000x8x64xf32, #tpu.memory_space<hbm>> -> memref<1x1x64xf32, #tpu.memory_space<hbm>>
      %dma_start3A_507 = tpu.memref_squeeze %dma_start3A_506 : memref<1x1x64xf32, #tpu.memory_space<hbm>> -> memref<64xf32, #tpu.memory_space<hbm>>
      %dma_start3A_508 = arith.constant 0 : i32
      %dma_start3A_509 = tpu.memref_slice %arg10[%add3A_496, %dma_start3A_501, %dma_start3A_508] : memref<50x8x64xf32, #tpu.memory_space<vmem>> -> memref<1x1x64xf32, #tpu.memory_space<vmem>>
      %dma_start3A_510 = tpu.memref_squeeze %dma_start3A_509 : memref<1x1x64xf32, #tpu.memory_space<vmem>> -> memref<64xf32, #tpu.memory_space<vmem>>
      %dma_start3A_511 = arith.constant 0 : i32
      %dma_start3A_512 = tpu.memref_slice %arg2[%squeeze3A_498, %squeeze3A_500, %dma_start3A_511] : memref<125000x8x64xf32, #tpu.memory_space<hbm>> -> memref<1x1x64xf32, #tpu.memory_space<hbm>>
      %dma_start3A_513 = tpu.memref_squeeze %dma_start3A_512 : memref<1x1x64xf32, #tpu.memory_space<hbm>> -> memref<64xf32, #tpu.memory_space<hbm>>
      tpu.enqueue_dma source(%dma_start3A_513 : memref<64xf32, #tpu.memory_space<hbm>>) target(%dma_start3A_510 : memref<64xf32, #tpu.memory_space<vmem>>) target_semaphore(%arg14 : memref<!tpu.dma_semaphore, #tpu.memory_space<semaphore_mem>>)
      %mul3A_514 = arith.constant 2 : i32
      %mul3A_515 = arith.muli %mul3A_514, %scan3A_275 : i32
      %add3A_516 = arith.constant 1 : i32
      %add3A_517 = arith.addi %mul3A_515, %add3A_516 : i32
      %slice3A_518 = vector.extract_strided_slice %shift_right_logical3A_281 {offsets = [11], sizes = [1], strides = [1]} : vector<16xi32> to vector<1xi32>
      %squeeze3A_519 = vector.extract %slice3A_518[0] : i32 from vector<1xi32>
      %slice3A_520 = vector.extract_strided_slice %and3A_284 {offsets = [11], sizes = [1], strides = [1]} : vector<16xi32> to vector<1xi32>
      %squeeze3A_521 = vector.extract %slice3A_520[0] : i32 from vector<1xi32>
      %dma_start3A_522 = arith.constant 3 : i32
      %dma_start3A_523 = arith.constant 0 : i32
      %dma_start3A_524 = tpu.memref_slice %arg10[%add3A_517, %dma_start3A_522, %dma_start3A_523] : memref<50x8x64xf32, #tpu.memory_space<vmem>> -> memref<1x1x64xf32, #tpu.memory_space<vmem>>
      %dma_start3A_525 = tpu.memref_squeeze %dma_start3A_524 : memref<1x1x64xf32, #tpu.memory_space<vmem>> -> memref<64xf32, #tpu.memory_space<vmem>>
      %dma_start3A_526 = arith.constant 0 : i32
      %dma_start3A_527 = tpu.memref_slice %arg2[%squeeze3A_519, %squeeze3A_521, %dma_start3A_526] : memref<125000x8x64xf32, #tpu.memory_space<hbm>> -> memref<1x1x64xf32, #tpu.memory_space<hbm>>
      %dma_start3A_528 = tpu.memref_squeeze %dma_start3A_527 : memref<1x1x64xf32, #tpu.memory_space<hbm>> -> memref<64xf32, #tpu.memory_space<hbm>>
      %dma_start3A_529 = arith.constant 0 : i32
      %dma_start3A_530 = tpu.memref_slice %arg10[%add3A_517, %dma_start3A_522, %dma_start3A_529] : memref<50x8x64xf32, #tpu.memory_space<vmem>> -> memref<1x1x64xf32, #tpu.memory_space<vmem>>
      %dma_start3A_531 = tpu.memref_squeeze %dma_start3A_530 : memref<1x1x64xf32, #tpu.memory_space<vmem>> -> memref<64xf32, #tpu.memory_space<vmem>>
      %dma_start3A_532 = arith.constant 0 : i32
      %dma_start3A_533 = tpu.memref_slice %arg2[%squeeze3A_519, %squeeze3A_521, %dma_start3A_532] : memref<125000x8x64xf32, #tpu.memory_space<hbm>> -> memref<1x1x64xf32, #tpu.memory_space<hbm>>
      %dma_start3A_534 = tpu.memref_squeeze %dma_start3A_533 : memref<1x1x64xf32, #tpu.memory_space<hbm>> -> memref<64xf32, #tpu.memory_space<hbm>>
      tpu.enqueue_dma source(%dma_start3A_534 : memref<64xf32, #tpu.memory_space<hbm>>) target(%dma_start3A_531 : memref<64xf32, #tpu.memory_space<vmem>>) target_semaphore(%arg14 : memref<!tpu.dma_semaphore, #tpu.memory_space<semaphore_mem>>)
      %mul3A_535 = arith.constant 2 : i32
      %mul3A_536 = arith.muli %mul3A_535, %scan3A_275 : i32
      %add3A_537 = arith.constant 1 : i32
      %add3A_538 = arith.addi %mul3A_536, %add3A_537 : i32
      %slice3A_539 = vector.extract_strided_slice %shift_right_logical3A_281 {offsets = [12], sizes = [1], strides = [1]} : vector<16xi32> to vector<1xi32>
      %squeeze3A_540 = vector.extract %slice3A_539[0] : i32 from vector<1xi32>
      %slice3A_541 = vector.extract_strided_slice %and3A_284 {offsets = [12], sizes = [1], strides = [1]} : vector<16xi32> to vector<1xi32>
      %squeeze3A_542 = vector.extract %slice3A_541[0] : i32 from vector<1xi32>
      %dma_start3A_543 = arith.constant 4 : i32
      %dma_start3A_544 = arith.constant 0 : i32
      %dma_start3A_545 = tpu.memref_slice %arg10[%add3A_538, %dma_start3A_543, %dma_start3A_544] : memref<50x8x64xf32, #tpu.memory_space<vmem>> -> memref<1x1x64xf32, #tpu.memory_space<vmem>>
      %dma_start3A_546 = tpu.memref_squeeze %dma_start3A_545 : memref<1x1x64xf32, #tpu.memory_space<vmem>> -> memref<64xf32, #tpu.memory_space<vmem>>
      %dma_start3A_547 = arith.constant 0 : i32
      %dma_start3A_548 = tpu.memref_slice %arg2[%squeeze3A_540, %squeeze3A_542, %dma_start3A_547] : memref<125000x8x64xf32, #tpu.memory_space<hbm>> -> memref<1x1x64xf32, #tpu.memory_space<hbm>>
      %dma_start3A_549 = tpu.memref_squeeze %dma_start3A_548 : memref<1x1x64xf32, #tpu.memory_space<hbm>> -> memref<64xf32, #tpu.memory_space<hbm>>
      %dma_start3A_550 = arith.constant 0 : i32
      %dma_start3A_551 = tpu.memref_slice %arg10[%add3A_538, %dma_start3A_543, %dma_start3A_550] : memref<50x8x64xf32, #tpu.memory_space<vmem>> -> memref<1x1x64xf32, #tpu.memory_space<vmem>>
      %dma_start3A_552 = tpu.memref_squeeze %dma_start3A_551 : memref<1x1x64xf32, #tpu.memory_space<vmem>> -> memref<64xf32, #tpu.memory_space<vmem>>
      %dma_start3A_553 = arith.constant 0 : i32
      %dma_start3A_554 = tpu.memref_slice %arg2[%squeeze3A_540, %squeeze3A_542, %dma_start3A_553] : memref<125000x8x64xf32, #tpu.memory_space<hbm>> -> memref<1x1x64xf32, #tpu.memory_space<hbm>>
      %dma_start3A_555 = tpu.memref_squeeze %dma_start3A_554 : memref<1x1x64xf32, #tpu.memory_space<hbm>> -> memref<64xf32, #tpu.memory_space<hbm>>
      tpu.enqueue_dma source(%dma_start3A_555 : memref<64xf32, #tpu.memory_space<hbm>>) target(%dma_start3A_552 : memref<64xf32, #tpu.memory_space<vmem>>) target_semaphore(%arg14 : memref<!tpu.dma_semaphore, #tpu.memory_space<semaphore_mem>>)
      %mul3A_556 = arith.constant 2 : i32
      %mul3A_557 = arith.muli %mul3A_556, %scan3A_275 : i32
      %add3A_558 = arith.constant 1 : i32
      %add3A_559 = arith.addi %mul3A_557, %add3A_558 : i32
      %slice3A_560 = vector.extract_strided_slice %shift_right_logical3A_281 {offsets = [13], sizes = [1], strides = [1]} : vector<16xi32> to vector<1xi32>
      %squeeze3A_561 = vector.extract %slice3A_560[0] : i32 from vector<1xi32>
      %slice3A_562 = vector.extract_strided_slice %and3A_284 {offsets = [13], sizes = [1], strides = [1]} : vector<16xi32> to vector<1xi32>
      %squeeze3A_563 = vector.extract %slice3A_562[0] : i32 from vector<1xi32>
      %dma_start3A_564 = arith.constant 5 : i32
      %dma_start3A_565 = arith.constant 0 : i32
      %dma_start3A_566 = tpu.memref_slice %arg10[%add3A_559, %dma_start3A_564, %dma_start3A_565] : memref<50x8x64xf32, #tpu.memory_space<vmem>> -> memref<1x1x64xf32, #tpu.memory_space<vmem>>
      %dma_start3A_567 = tpu.memref_squeeze %dma_start3A_566 : memref<1x1x64xf32, #tpu.memory_space<vmem>> -> memref<64xf32, #tpu.memory_space<vmem>>
      %dma_start3A_568 = arith.constant 0 : i32
      %dma_start3A_569 = tpu.memref_slice %arg2[%squeeze3A_561, %squeeze3A_563, %dma_start3A_568] : memref<125000x8x64xf32, #tpu.memory_space<hbm>> -> memref<1x1x64xf32, #tpu.memory_space<hbm>>
      %dma_start3A_570 = tpu.memref_squeeze %dma_start3A_569 : memref<1x1x64xf32, #tpu.memory_space<hbm>> -> memref<64xf32, #tpu.memory_space<hbm>>
      %dma_start3A_571 = arith.constant 0 : i32
      %dma_start3A_572 = tpu.memref_slice %arg10[%add3A_559, %dma_start3A_564, %dma_start3A_571] : memref<50x8x64xf32, #tpu.memory_space<vmem>> -> memref<1x1x64xf32, #tpu.memory_space<vmem>>
      %dma_start3A_573 = tpu.memref_squeeze %dma_start3A_572 : memref<1x1x64xf32, #tpu.memory_space<vmem>> -> memref<64xf32, #tpu.memory_space<vmem>>
      %dma_start3A_574 = arith.constant 0 : i32
      %dma_start3A_575 = tpu.memref_slice %arg2[%squeeze3A_561, %squeeze3A_563, %dma_start3A_574] : memref<125000x8x64xf32, #tpu.memory_space<hbm>> -> memref<1x1x64xf32, #tpu.memory_space<hbm>>
      %dma_start3A_576 = tpu.memref_squeeze %dma_start3A_575 : memref<1x1x64xf32, #tpu.memory_space<hbm>> -> memref<64xf32, #tpu.memory_space<hbm>>
      tpu.enqueue_dma source(%dma_start3A_576 : memref<64xf32, #tpu.memory_space<hbm>>) target(%dma_start3A_573 : memref<64xf32, #tpu.memory_space<vmem>>) target_semaphore(%arg14 : memref<!tpu.dma_semaphore, #tpu.memory_space<semaphore_mem>>)
      %mul3A_577 = arith.constant 2 : i32
      %mul3A_578 = arith.muli %mul3A_577, %scan3A_275 : i32
      %add3A_579 = arith.constant 1 : i32
      %add3A_580 = arith.addi %mul3A_578, %add3A_579 : i32
      %slice3A_581 = vector.extract_strided_slice %shift_right_logical3A_281 {offsets = [14], sizes = [1], strides = [1]} : vector<16xi32> to vector<1xi32>
      %squeeze3A_582 = vector.extract %slice3A_581[0] : i32 from vector<1xi32>
      %slice3A_583 = vector.extract_strided_slice %and3A_284 {offsets = [14], sizes = [1], strides = [1]} : vector<16xi32> to vector<1xi32>
      %squeeze3A_584 = vector.extract %slice3A_583[0] : i32 from vector<1xi32>
      %dma_start3A_585 = arith.constant 6 : i32
      %dma_start3A_586 = arith.constant 0 : i32
      %dma_start3A_587 = tpu.memref_slice %arg10[%add3A_580, %dma_start3A_585, %dma_start3A_586] : memref<50x8x64xf32, #tpu.memory_space<vmem>> -> memref<1x1x64xf32, #tpu.memory_space<vmem>>
      %dma_start3A_588 = tpu.memref_squeeze %dma_start3A_587 : memref<1x1x64xf32, #tpu.memory_space<vmem>> -> memref<64xf32, #tpu.memory_space<vmem>>
      %dma_start3A_589 = arith.constant 0 : i32
      %dma_start3A_590 = tpu.memref_slice %arg2[%squeeze3A_582, %squeeze3A_584, %dma_start3A_589] : memref<125000x8x64xf32, #tpu.memory_space<hbm>> -> memref<1x1x64xf32, #tpu.memory_space<hbm>>
      %dma_start3A_591 = tpu.memref_squeeze %dma_start3A_590 : memref<1x1x64xf32, #tpu.memory_space<hbm>> -> memref<64xf32, #tpu.memory_space<hbm>>
      %dma_start3A_592 = arith.constant 0 : i32
      %dma_start3A_593 = tpu.memref_slice %arg10[%add3A_580, %dma_start3A_585, %dma_start3A_592] : memref<50x8x64xf32, #tpu.memory_space<vmem>> -> memref<1x1x64xf32, #tpu.memory_space<vmem>>
      %dma_start3A_594 = tpu.memref_squeeze %dma_start3A_593 : memref<1x1x64xf32, #tpu.memory_space<vmem>> -> memref<64xf32, #tpu.memory_space<vmem>>
      %dma_start3A_595 = arith.constant 0 : i32
      %dma_start3A_596 = tpu.memref_slice %arg2[%squeeze3A_582, %squeeze3A_584, %dma_start3A_595] : memref<125000x8x64xf32, #tpu.memory_space<hbm>> -> memref<1x1x64xf32, #tpu.memory_space<hbm>>
      %dma_start3A_597 = tpu.memref_squeeze %dma_start3A_596 : memref<1x1x64xf32, #tpu.memory_space<hbm>> -> memref<64xf32, #tpu.memory_space<hbm>>
      tpu.enqueue_dma source(%dma_start3A_597 : memref<64xf32, #tpu.memory_space<hbm>>) target(%dma_start3A_594 : memref<64xf32, #tpu.memory_space<vmem>>) target_semaphore(%arg14 : memref<!tpu.dma_semaphore, #tpu.memory_space<semaphore_mem>>)
      %mul3A_598 = arith.constant 2 : i32
      %mul3A_599 = arith.muli %mul3A_598, %scan3A_275 : i32
      %add3A_600 = arith.constant 1 : i32
      %add3A_601 = arith.addi %mul3A_599, %add3A_600 : i32
      %slice3A_602 = vector.extract_strided_slice %shift_right_logical3A_281 {offsets = [15], sizes = [1], strides = [1]} : vector<16xi32> to vector<1xi32>
      %squeeze3A_603 = vector.extract %slice3A_602[0] : i32 from vector<1xi32>
      %slice3A_604 = vector.extract_strided_slice %and3A_284 {offsets = [15], sizes = [1], strides = [1]} : vector<16xi32> to vector<1xi32>
      %squeeze3A_605 = vector.extract %slice3A_604[0] : i32 from vector<1xi32>
      %dma_start3A_606 = arith.constant 7 : i32
      %dma_start3A_607 = arith.constant 0 : i32
      %dma_start3A_608 = tpu.memref_slice %arg10[%add3A_601, %dma_start3A_606, %dma_start3A_607] : memref<50x8x64xf32, #tpu.memory_space<vmem>> -> memref<1x1x64xf32, #tpu.memory_space<vmem>>
      %dma_start3A_609 = tpu.memref_squeeze %dma_start3A_608 : memref<1x1x64xf32, #tpu.memory_space<vmem>> -> memref<64xf32, #tpu.memory_space<vmem>>
      %dma_start3A_610 = arith.constant 0 : i32
      %dma_start3A_611 = tpu.memref_slice %arg2[%squeeze3A_603, %squeeze3A_605, %dma_start3A_610] : memref<125000x8x64xf32, #tpu.memory_space<hbm>> -> memref<1x1x64xf32, #tpu.memory_space<hbm>>
      %dma_start3A_612 = tpu.memref_squeeze %dma_start3A_611 : memref<1x1x64xf32, #tpu.memory_space<hbm>> -> memref<64xf32, #tpu.memory_space<hbm>>
      %dma_start3A_613 = arith.constant 0 : i32
      %dma_start3A_614 = tpu.memref_slice %arg10[%add3A_601, %dma_start3A_606, %dma_start3A_613] : memref<50x8x64xf32, #tpu.memory_space<vmem>> -> memref<1x1x64xf32, #tpu.memory_space<vmem>>
      %dma_start3A_615 = tpu.memref_squeeze %dma_start3A_614 : memref<1x1x64xf32, #tpu.memory_space<vmem>> -> memref<64xf32, #tpu.memory_space<vmem>>
      %dma_start3A_616 = arith.constant 0 : i32
      %dma_start3A_617 = tpu.memref_slice %arg2[%squeeze3A_603, %squeeze3A_605, %dma_start3A_616] : memref<125000x8x64xf32, #tpu.memory_space<hbm>> -> memref<1x1x64xf32, #tpu.memory_space<hbm>>
      %dma_start3A_618 = tpu.memref_squeeze %dma_start3A_617 : memref<1x1x64xf32, #tpu.memory_space<hbm>> -> memref<64xf32, #tpu.memory_space<hbm>>
      tpu.enqueue_dma source(%dma_start3A_618 : memref<64xf32, #tpu.memory_space<hbm>>) target(%dma_start3A_615 : memref<64xf32, #tpu.memory_space<vmem>>) target_semaphore(%arg14 : memref<!tpu.dma_semaphore, #tpu.memory_space<semaphore_mem>>)
    }
    %scan3A_164 = arith.constant 25 : i32
    %dma_wait3A_165 = arith.constant 0 : i32
    %dma_wait3A_166 = arith.constant 0 : i32
    %dma_wait3A_167 = arith.constant 0 : i32
    %dma_wait3A_168 = tpu.memref_slice %arg2[%dma_wait3A_165, %dma_wait3A_166, %dma_wait3A_167] : memref<125000x8x64xf32, #tpu.memory_space<hbm>> -> memref<50x8x64xf32, #tpu.memory_space<hbm>>
    %dma_wait3A_169 = arith.constant 0 : i32
    %dma_wait3A_170 = arith.constant 0 : i32
    %dma_wait3A_171 = arith.constant 0 : i32
    %dma_wait3A_172 = tpu.memref_slice %arg2[%dma_wait3A_169, %dma_wait3A_170, %dma_wait3A_171] : memref<125000x8x64xf32, #tpu.memory_space<hbm>> -> memref<50x8x64xf32, #tpu.memory_space<hbm>>
    tpu.wait_dma2 semaphore(%arg13 : memref<!tpu.dma_semaphore, #tpu.memory_space<semaphore_mem>>) src(%dma_wait3A_172 : memref<50x8x64xf32, #tpu.memory_space<hbm>>) dst(%arg9 : memref<50x8x64xf32, #tpu.memory_space<vmem>>)
    %scan3A_173 = arith.constant 0 : i32
    %scan3A_174 = arith.constant 1.250000e-01 : f32
    %scan3A_175 = arith.constant 0 : i32
    %scan3A_176 = arith.constant 200 : i32
    %scan3A_177 = arith.addi %scan3A_175, %scan3A_176 : i32
    %scan3A_178 = arith.constant 1 : i32
    scf.for %scan3A_275 = %scan3A_175 to %scan3A_177 step %scan3A_178  : i32 {
      %shift_right_logical3A = arith.constant 3 : i32
      %shift_right_logical3A_276 = arith.shrui %scan3A_275, %shift_right_logical3A : i32
      %and3A_277 = arith.constant 7 : i32
      %and3A_278 = arith.andi %scan3A_275, %and3A_277 : i32
      %add3A_279 = arith.constant 0 : i32
      %add3A_280 = arith.addi %shift_right_logical3A_276, %add3A_279 : i32
      %mul3A_281 = arith.constant 64 : i32
      %mul3A_282 = arith.muli %scan3A_275, %mul3A_281 : i32
      %add3A_283 = arith.constant 0 : i32
      %add3A_284 = arith.addi %mul3A_282, %add3A_283 : i32
      %get3A = arith.index_cast %add3A_284 : i32 to index
      %get3A_285 = tpu.vector_load %arg8[%get3A] {strides = array<i32>} : memref<12800xf32, #tpu.memory_space<vmem>>, vector<16xf32>,
      %get3A_286 = vector.shape_cast %get3A_285 : vector<16xf32> to vector<16xf32>
      %get3A_287 = arith.index_cast %add3A_280 : i32 to index
      %get3A_288 = arith.index_cast %and3A_278 : i32 to index
      %get3A_289 = arith.constant 0 : index
      %get3A_290 = tpu.vector_load %arg9[%get3A_287, %get3A_288, %get3A_289] {strides = array<i32>} : memref<50x8x64xf32, #tpu.memory_space<vmem>>, vector<1x1x16xf32>,
      %get3A_291 = vector.shape_cast %get3A_290 : vector<1x1x16xf32> to vector<16xf32>
      %mul3A_292 = vector.broadcast %scan3A_174 : f32 to vector<16xf32>
      %mul3A_293 = arith.mulf %get3A_291, %mul3A_292 : vector<16xf32>
      %add3A_294 = arith.addf %mul3A_293, %get3A_286 : vector<16xf32>
      %swap3A = arith.index_cast %add3A_280 : i32 to index
      %swap3A_295 = arith.index_cast %and3A_278 : i32 to index
      %swap3A_296 = arith.constant 0 : index
      %swap3A_297 = tpu.vector_load %arg9[%swap3A, %swap3A_295, %swap3A_296] {strides = array<i32>} : memref<50x8x64xf32, #tpu.memory_space<vmem>>, vector<1x1x16xf32>,
      %swap3A_298 = vector.shape_cast %swap3A_297 : vector<1x1x16xf32> to vector<16xf32>
      %swap3A_299 = vector.shape_cast %add3A_294 : vector<16xf32> to vector<1x1x16xf32>
      tpu.vector_store %arg9[%swap3A, %swap3A_295, %swap3A_296], %swap3A_299 {strides = array<i32>} : memref<50x8x64xf32, #tpu.memory_space<vmem>>, vector<1x1x16xf32>,
      %mul3A_300 = arith.constant 64 : i32
      %mul3A_301 = arith.muli %scan3A_275, %mul3A_300 : i32
      %add3A_302 = arith.constant 16 : i32
      %add3A_303 = arith.addi %mul3A_301, %add3A_302 : i32
      %get3A_304 = arith.index_cast %add3A_303 : i32 to index
      %get3A_305 = tpu.vector_load %arg8[%get3A_304] {strides = array<i32>} : memref<12800xf32, #tpu.memory_space<vmem>>, vector<16xf32>,
      %get3A_306 = vector.shape_cast %get3A_305 : vector<16xf32> to vector<16xf32>
      %get3A_307 = arith.index_cast %add3A_280 : i32 to index
      %get3A_308 = arith.index_cast %and3A_278 : i32 to index
      %get3A_309 = arith.constant 16 : index
      %get3A_310 = tpu.vector_load %arg9[%get3A_307, %get3A_308, %get3A_309] {strides = array<i32>} : memref<50x8x64xf32, #tpu.memory_space<vmem>>, vector<1x1x16xf32>,
      %get3A_311 = vector.shape_cast %get3A_310 : vector<1x1x16xf32> to vector<16xf32>
      %mul3A_312 = vector.broadcast %scan3A_174 : f32 to vector<16xf32>
      %mul3A_313 = arith.mulf %get3A_311, %mul3A_312 : vector<16xf32>
      %add3A_314 = arith.addf %mul3A_313, %get3A_306 : vector<16xf32>
      %swap3A_315 = arith.index_cast %add3A_280 : i32 to index
      %swap3A_316 = arith.index_cast %and3A_278 : i32 to index
      %swap3A_317 = arith.constant 16 : index
      %swap3A_318 = tpu.vector_load %arg9[%swap3A_315, %swap3A_316, %swap3A_317] {strides = array<i32>} : memref<50x8x64xf32, #tpu.memory_space<vmem>>, vector<1x1x16xf32>,
      %swap3A_319 = vector.shape_cast %swap3A_318 : vector<1x1x16xf32> to vector<16xf32>
      %swap3A_320 = vector.shape_cast %add3A_314 : vector<16xf32> to vector<1x1x16xf32>
      tpu.vector_store %arg9[%swap3A_315, %swap3A_316, %swap3A_317], %swap3A_320 {strides = array<i32>} : memref<50x8x64xf32, #tpu.memory_space<vmem>>, vector<1x1x16xf32>,
      %mul3A_321 = arith.constant 64 : i32
      %mul3A_322 = arith.muli %scan3A_275, %mul3A_321 : i32
      %add3A_323 = arith.constant 32 : i32
      %add3A_324 = arith.addi %mul3A_322, %add3A_323 : i32
      %get3A_325 = arith.index_cast %add3A_324 : i32 to index
      %get3A_326 = tpu.vector_load %arg8[%get3A_325] {strides = array<i32>} : memref<12800xf32, #tpu.memory_space<vmem>>, vector<16xf32>,
      %get3A_327 = vector.shape_cast %get3A_326 : vector<16xf32> to vector<16xf32>
      %get3A_328 = arith.index_cast %add3A_280 : i32 to index
      %get3A_329 = arith.index_cast %and3A_278 : i32 to index
      %get3A_330 = arith.constant 32 : index
      %get3A_331 = tpu.vector_load %arg9[%get3A_328, %get3A_329, %get3A_330] {strides = array<i32>} : memref<50x8x64xf32, #tpu.memory_space<vmem>>, vector<1x1x16xf32>,
      %get3A_332 = vector.shape_cast %get3A_331 : vector<1x1x16xf32> to vector<16xf32>
      %mul3A_333 = vector.broadcast %scan3A_174 : f32 to vector<16xf32>
      %mul3A_334 = arith.mulf %get3A_332, %mul3A_333 : vector<16xf32>
      %add3A_335 = arith.addf %mul3A_334, %get3A_327 : vector<16xf32>
      %swap3A_336 = arith.index_cast %add3A_280 : i32 to index
      %swap3A_337 = arith.index_cast %and3A_278 : i32 to index
      %swap3A_338 = arith.constant 32 : index
      %swap3A_339 = tpu.vector_load %arg9[%swap3A_336, %swap3A_337, %swap3A_338] {strides = array<i32>} : memref<50x8x64xf32, #tpu.memory_space<vmem>>, vector<1x1x16xf32>,
      %swap3A_340 = vector.shape_cast %swap3A_339 : vector<1x1x16xf32> to vector<16xf32>
      %swap3A_341 = vector.shape_cast %add3A_335 : vector<16xf32> to vector<1x1x16xf32>
      tpu.vector_store %arg9[%swap3A_336, %swap3A_337, %swap3A_338], %swap3A_341 {strides = array<i32>} : memref<50x8x64xf32, #tpu.memory_space<vmem>>, vector<1x1x16xf32>,
      %mul3A_342 = arith.constant 64 : i32
      %mul3A_343 = arith.muli %scan3A_275, %mul3A_342 : i32
      %add3A_344 = arith.constant 48 : i32
      %add3A_345 = arith.addi %mul3A_343, %add3A_344 : i32
      %get3A_346 = arith.index_cast %add3A_345 : i32 to index
      %get3A_347 = tpu.vector_load %arg8[%get3A_346] {strides = array<i32>} : memref<12800xf32, #tpu.memory_space<vmem>>, vector<16xf32>,
      %get3A_348 = vector.shape_cast %get3A_347 : vector<16xf32> to vector<16xf32>
      %get3A_349 = arith.index_cast %add3A_280 : i32 to index
      %get3A_350 = arith.index_cast %and3A_278 : i32 to index
      %get3A_351 = arith.constant 48 : index
      %get3A_352 = tpu.vector_load %arg9[%get3A_349, %get3A_350, %get3A_351] {strides = array<i32>} : memref<50x8x64xf32, #tpu.memory_space<vmem>>, vector<1x1x16xf32>,
      %get3A_353 = vector.shape_cast %get3A_352 : vector<1x1x16xf32> to vector<16xf32>
      %mul3A_354 = vector.broadcast %scan3A_174 : f32 to vector<16xf32>
      %mul3A_355 = arith.mulf %get3A_353, %mul3A_354 : vector<16xf32>
      %add3A_356 = arith.addf %mul3A_355, %get3A_348 : vector<16xf32>
      %swap3A_357 = arith.index_cast %add3A_280 : i32 to index
      %swap3A_358 = arith.index_cast %and3A_278 : i32 to index
      %swap3A_359 = arith.constant 48 : index
      %swap3A_360 = tpu.vector_load %arg9[%swap3A_357, %swap3A_358, %swap3A_359] {strides = array<i32>} : memref<50x8x64xf32, #tpu.memory_space<vmem>>, vector<1x1x16xf32>,
      %swap3A_361 = vector.shape_cast %swap3A_360 : vector<1x1x16xf32> to vector<16xf32>
      %swap3A_362 = vector.shape_cast %add3A_356 : vector<16xf32> to vector<1x1x16xf32>
      tpu.vector_store %arg9[%swap3A_357, %swap3A_358, %swap3A_359], %swap3A_362 {strides = array<i32>} : memref<50x8x64xf32, #tpu.memory_space<vmem>>, vector<1x1x16xf32>,
      %add3A_363 = arith.constant 25 : i32
      %add3A_364 = arith.addi %shift_right_logical3A_276, %add3A_363 : i32
      %mul3A_365 = arith.constant 64 : i32
      %mul3A_366 = arith.muli %scan3A_275, %mul3A_365 : i32
      %add3A_367 = arith.constant 0 : i32
      %add3A_368 = arith.addi %mul3A_366, %add3A_367 : i32
      %get3A_369 = arith.index_cast %add3A_368 : i32 to index
      %get3A_370 = tpu.vector_load %arg8[%get3A_369] {strides = array<i32>} : memref<12800xf32, #tpu.memory_space<vmem>>, vector<16xf32>,
      %get3A_371 = vector.shape_cast %get3A_370 : vector<16xf32> to vector<16xf32>
      %get3A_372 = arith.index_cast %add3A_364 : i32 to index
      %get3A_373 = arith.index_cast %and3A_278 : i32 to index
      %get3A_374 = arith.constant 0 : index
      %get3A_375 = tpu.vector_load %arg9[%get3A_372, %get3A_373, %get3A_374] {strides = array<i32>} : memref<50x8x64xf32, #tpu.memory_space<vmem>>, vector<1x1x16xf32>,
      %get3A_376 = vector.shape_cast %get3A_375 : vector<1x1x16xf32> to vector<16xf32>
      %mul3A_377 = vector.broadcast %scan3A_174 : f32 to vector<16xf32>
      %mul3A_378 = arith.mulf %get3A_376, %mul3A_377 : vector<16xf32>
      %add3A_379 = arith.addf %mul3A_378, %get3A_371 : vector<16xf32>
      %swap3A_380 = arith.index_cast %add3A_364 : i32 to index
      %swap3A_381 = arith.index_cast %and3A_278 : i32 to index
      %swap3A_382 = arith.constant 0 : index
      %swap3A_383 = tpu.vector_load %arg9[%swap3A_380, %swap3A_381, %swap3A_382] {strides = array<i32>} : memref<50x8x64xf32, #tpu.memory_space<vmem>>, vector<1x1x16xf32>,
      %swap3A_384 = vector.shape_cast %swap3A_383 : vector<1x1x16xf32> to vector<16xf32>
      %swap3A_385 = vector.shape_cast %add3A_379 : vector<16xf32> to vector<1x1x16xf32>
      tpu.vector_store %arg9[%swap3A_380, %swap3A_381, %swap3A_382], %swap3A_385 {strides = array<i32>} : memref<50x8x64xf32, #tpu.memory_space<vmem>>, vector<1x1x16xf32>,
      %mul3A_386 = arith.constant 64 : i32
      %mul3A_387 = arith.muli %scan3A_275, %mul3A_386 : i32
      %add3A_388 = arith.constant 16 : i32
      %add3A_389 = arith.addi %mul3A_387, %add3A_388 : i32
      %get3A_390 = arith.index_cast %add3A_389 : i32 to index
      %get3A_391 = tpu.vector_load %arg8[%get3A_390] {strides = array<i32>} : memref<12800xf32, #tpu.memory_space<vmem>>, vector<16xf32>,
      %get3A_392 = vector.shape_cast %get3A_391 : vector<16xf32> to vector<16xf32>
      %get3A_393 = arith.index_cast %add3A_364 : i32 to index
      %get3A_394 = arith.index_cast %and3A_278 : i32 to index
      %get3A_395 = arith.constant 16 : index
      %get3A_396 = tpu.vector_load %arg9[%get3A_393, %get3A_394, %get3A_395] {strides = array<i32>} : memref<50x8x64xf32, #tpu.memory_space<vmem>>, vector<1x1x16xf32>,
      %get3A_397 = vector.shape_cast %get3A_396 : vector<1x1x16xf32> to vector<16xf32>
      %mul3A_398 = vector.broadcast %scan3A_174 : f32 to vector<16xf32>
      %mul3A_399 = arith.mulf %get3A_397, %mul3A_398 : vector<16xf32>
      %add3A_400 = arith.addf %mul3A_399, %get3A_392 : vector<16xf32>
      %swap3A_401 = arith.index_cast %add3A_364 : i32 to index
      %swap3A_402 = arith.index_cast %and3A_278 : i32 to index
      %swap3A_403 = arith.constant 16 : index
      %swap3A_404 = tpu.vector_load %arg9[%swap3A_401, %swap3A_402, %swap3A_403] {strides = array<i32>} : memref<50x8x64xf32, #tpu.memory_space<vmem>>, vector<1x1x16xf32>,
      %swap3A_405 = vector.shape_cast %swap3A_404 : vector<1x1x16xf32> to vector<16xf32>
      %swap3A_406 = vector.shape_cast %add3A_400 : vector<16xf32> to vector<1x1x16xf32>
      tpu.vector_store %arg9[%swap3A_401, %swap3A_402, %swap3A_403], %swap3A_406 {strides = array<i32>} : memref<50x8x64xf32, #tpu.memory_space<vmem>>, vector<1x1x16xf32>,
      %mul3A_407 = arith.constant 64 : i32
      %mul3A_408 = arith.muli %scan3A_275, %mul3A_407 : i32
      %add3A_409 = arith.constant 32 : i32
      %add3A_410 = arith.addi %mul3A_408, %add3A_409 : i32
      %get3A_411 = arith.index_cast %add3A_410 : i32 to index
      %get3A_412 = tpu.vector_load %arg8[%get3A_411] {strides = array<i32>} : memref<12800xf32, #tpu.memory_space<vmem>>, vector<16xf32>,
      %get3A_413 = vector.shape_cast %get3A_412 : vector<16xf32> to vector<16xf32>
      %get3A_414 = arith.index_cast %add3A_364 : i32 to index
      %get3A_415 = arith.index_cast %and3A_278 : i32 to index
      %get3A_416 = arith.constant 32 : index
      %get3A_417 = tpu.vector_load %arg9[%get3A_414, %get3A_415, %get3A_416] {strides = array<i32>} : memref<50x8x64xf32, #tpu.memory_space<vmem>>, vector<1x1x16xf32>,
      %get3A_418 = vector.shape_cast %get3A_417 : vector<1x1x16xf32> to vector<16xf32>
      %mul3A_419 = vector.broadcast %scan3A_174 : f32 to vector<16xf32>
      %mul3A_420 = arith.mulf %get3A_418, %mul3A_419 : vector<16xf32>
      %add3A_421 = arith.addf %mul3A_420, %get3A_413 : vector<16xf32>
      %swap3A_422 = arith.index_cast %add3A_364 : i32 to index
      %swap3A_423 = arith.index_cast %and3A_278 : i32 to index
      %swap3A_424 = arith.constant 32 : index
      %swap3A_425 = tpu.vector_load %arg9[%swap3A_422, %swap3A_423, %swap3A_424] {strides = array<i32>} : memref<50x8x64xf32, #tpu.memory_space<vmem>>, vector<1x1x16xf32>,
      %swap3A_426 = vector.shape_cast %swap3A_425 : vector<1x1x16xf32> to vector<16xf32>
      %swap3A_427 = vector.shape_cast %add3A_421 : vector<16xf32> to vector<1x1x16xf32>
      tpu.vector_store %arg9[%swap3A_422, %swap3A_423, %swap3A_424], %swap3A_427 {strides = array<i32>} : memref<50x8x64xf32, #tpu.memory_space<vmem>>, vector<1x1x16xf32>,
      %mul3A_428 = arith.constant 64 : i32
      %mul3A_429 = arith.muli %scan3A_275, %mul3A_428 : i32
      %add3A_430 = arith.constant 48 : i32
      %add3A_431 = arith.addi %mul3A_429, %add3A_430 : i32
      %get3A_432 = arith.index_cast %add3A_431 : i32 to index
      %get3A_433 = tpu.vector_load %arg8[%get3A_432] {strides = array<i32>} : memref<12800xf32, #tpu.memory_space<vmem>>, vector<16xf32>,
      %get3A_434 = vector.shape_cast %get3A_433 : vector<16xf32> to vector<16xf32>
      %get3A_435 = arith.index_cast %add3A_364 : i32 to index
      %get3A_436 = arith.index_cast %and3A_278 : i32 to index
      %get3A_437 = arith.constant 48 : index
      %get3A_438 = tpu.vector_load %arg9[%get3A_435, %get3A_436, %get3A_437] {strides = array<i32>} : memref<50x8x64xf32, #tpu.memory_space<vmem>>, vector<1x1x16xf32>,
      %get3A_439 = vector.shape_cast %get3A_438 : vector<1x1x16xf32> to vector<16xf32>
      %mul3A_440 = vector.broadcast %scan3A_174 : f32 to vector<16xf32>
      %mul3A_441 = arith.mulf %get3A_439, %mul3A_440 : vector<16xf32>
      %add3A_442 = arith.addf %mul3A_441, %get3A_434 : vector<16xf32>
      %swap3A_443 = arith.index_cast %add3A_364 : i32 to index
      %swap3A_444 = arith.index_cast %and3A_278 : i32 to index
      %swap3A_445 = arith.constant 48 : index
      %swap3A_446 = tpu.vector_load %arg9[%swap3A_443, %swap3A_444, %swap3A_445] {strides = array<i32>} : memref<50x8x64xf32, #tpu.memory_space<vmem>>, vector<1x1x16xf32>,
      %swap3A_447 = vector.shape_cast %swap3A_446 : vector<1x1x16xf32> to vector<16xf32>
      %swap3A_448 = vector.shape_cast %add3A_442 : vector<16xf32> to vector<1x1x16xf32>
      tpu.vector_store %arg9[%swap3A_443, %swap3A_444, %swap3A_445], %swap3A_448 {strides = array<i32>} : memref<50x8x64xf32, #tpu.memory_space<vmem>>, vector<1x1x16xf32>,
    }
    %scan3A_179 = arith.constant 200 : i32
    %add3A_180 = arith.constant 5600 : i32
    %add3A_181 = arith.addi %mul3A_2, %add3A_180 : i32
    %jit3A_182 = arith.constant 8 : i32
    %div3A_183 = arith.divsi %add3A_181, %jit3A_182 : i32
    %sign3A_184 = arith.constant 0 : i32
    %sign3A_185 = arith.cmpi sgt, %add3A_181, %sign3A_184 : i32
    %sign3A_186 = arith.extui %sign3A_185 : i1 to i32
    %sign3A_187 = arith.constant 0 : i32
    %sign3A_188 = arith.cmpi slt, %add3A_181, %sign3A_187 : i32
    %sign3A_189 = arith.extui %sign3A_188 : i1 to i32
    %sign3A_190 = arith.subi %sign3A_186, %sign3A_189 : i32
    %sign3A_191 = arith.constant 0 : i32
    %sign3A_192 = arith.cmpi sgt, %jit3A_182, %sign3A_191 : i32
    %sign3A_193 = arith.extui %sign3A_192 : i1 to i32
    %sign3A_194 = arith.constant 0 : i32
    %sign3A_195 = arith.cmpi slt, %jit3A_182, %sign3A_194 : i32
    %sign3A_196 = arith.extui %sign3A_195 : i1 to i32
    %sign3A_197 = arith.subi %sign3A_193, %sign3A_196 : i32
    %ne3A_198 = arith.cmpi ne, %sign3A_190, %sign3A_197 : i32
    %rem3A_199 = arith.remsi %add3A_181, %jit3A_182 : i32
    %ne3A_200 = arith.constant 0 : i32
    %ne3A_201 = arith.cmpi ne, %rem3A_199, %ne3A_200 : i32
    %and3A_202 = arith.andi %ne3A_198, %ne3A_201 : i1
    %sub3A_203 = arith.constant 1 : i32
    %sub3A_204 = arith.subi %div3A_183, %sub3A_203 : i32
    %select_n3A_205 = arith.select %and3A_202, %sub3A_204, %div3A_183 : i32
    %dma_start3A_206 = arith.constant 0 : i32
    %dma_start3A_207 = arith.constant 0 : i32
    %dma_start3A_208 = tpu.memref_slice %arg5[%select_n3A_205, %dma_start3A_206, %dma_start3A_207] : memref<25600x8x64xf32, #tpu.memory_space<hbm>> -> memref<50x8x64xf32, #tpu.memory_space<hbm>>
    %dma_start3A_209 = arith.constant 0 : i32
    %dma_start3A_210 = arith.constant 0 : i32
    %dma_start3A_211 = tpu.memref_slice %arg5[%select_n3A_205, %dma_start3A_209, %dma_start3A_210] : memref<25600x8x64xf32, #tpu.memory_space<hbm>> -> memref<50x8x64xf32, #tpu.memory_space<hbm>>
    tpu.enqueue_dma source(%arg9 : memref<50x8x64xf32, #tpu.memory_space<vmem>>) target(%dma_start3A_211 : memref<50x8x64xf32, #tpu.memory_space<hbm>>) target_semaphore(%arg15 : memref<!tpu.dma_semaphore, #tpu.memory_space<semaphore_mem>>)
    %dma_wait3A_212 = arith.constant 0 : i32
    %dma_wait3A_213 = arith.constant 0 : i32
    %dma_wait3A_214 = arith.constant 0 : i32
    %dma_wait3A_215 = tpu.memref_slice %arg2[%dma_wait3A_212, %dma_wait3A_213, %dma_wait3A_214] : memref<125000x8x64xf32, #tpu.memory_space<hbm>> -> memref<50x8x64xf32, #tpu.memory_space<hbm>>
    %dma_wait3A_216 = arith.constant 0 : i32
    %dma_wait3A_217 = arith.constant 0 : i32
    %dma_wait3A_218 = arith.constant 0 : i32
    %dma_wait3A_219 = tpu.memref_slice %arg2[%dma_wait3A_216, %dma_wait3A_217, %dma_wait3A_218] : memref<125000x8x64xf32, #tpu.memory_space<hbm>> -> memref<50x8x64xf32, #tpu.memory_space<hbm>>
    tpu.wait_dma2 semaphore(%arg14 : memref<!tpu.dma_semaphore, #tpu.memory_space<semaphore_mem>>) src(%dma_wait3A_219 : memref<50x8x64xf32, #tpu.memory_space<hbm>>) dst(%arg10 : memref<50x8x64xf32, #tpu.memory_space<vmem>>)
    %scan3A_220 = arith.constant 0 : i32
    %scan3A_221 = arith.constant 1.250000e-01 : f32
    %scan3A_222 = arith.constant 0 : i32
    %scan3A_223 = arith.constant 200 : i32
    %scan3A_224 = arith.addi %scan3A_222, %scan3A_223 : i32
    %scan3A_225 = arith.constant 1 : i32
    scf.for %scan3A_275 = %scan3A_222 to %scan3A_224 step %scan3A_225  : i32 {
      %shift_right_logical3A = arith.constant 3 : i32
      %shift_right_logical3A_276 = arith.shrui %scan3A_275, %shift_right_logical3A : i32
      %and3A_277 = arith.constant 7 : i32
      %and3A_278 = arith.andi %scan3A_275, %and3A_277 : i32
      %add3A_279 = arith.constant 0 : i32
      %add3A_280 = arith.addi %shift_right_logical3A_276, %add3A_279 : i32
      %mul3A_281 = arith.constant 64 : i32
      %mul3A_282 = arith.muli %scan3A_275, %mul3A_281 : i32
      %add3A_283 = arith.constant 0 : i32
      %add3A_284 = arith.addi %mul3A_282, %add3A_283 : i32
      %get3A = arith.index_cast %add3A_284 : i32 to index
      %get3A_285 = tpu.vector_load %arg8[%get3A] {strides = array<i32>} : memref<12800xf32, #tpu.memory_space<vmem>>, vector<16xf32>,
      %get3A_286 = vector.shape_cast %get3A_285 : vector<16xf32> to vector<16xf32>
      %get3A_287 = arith.index_cast %add3A_280 : i32 to index
      %get3A_288 = arith.index_cast %and3A_278 : i32 to index
      %get3A_289 = arith.constant 0 : index
      %get3A_290 = tpu.vector_load %arg10[%get3A_287, %get3A_288, %get3A_289] {strides = array<i32>} : memref<50x8x64xf32, #tpu.memory_space<vmem>>, vector<1x1x16xf32>,
      %get3A_291 = vector.shape_cast %get3A_290 : vector<1x1x16xf32> to vector<16xf32>
      %mul3A_292 = vector.broadcast %scan3A_221 : f32 to vector<16xf32>
      %mul3A_293 = arith.mulf %get3A_291, %mul3A_292 : vector<16xf32>
      %add3A_294 = arith.addf %mul3A_293, %get3A_286 : vector<16xf32>
      %swap3A = arith.index_cast %add3A_280 : i32 to index
      %swap3A_295 = arith.index_cast %and3A_278 : i32 to index
      %swap3A_296 = arith.constant 0 : index
      %swap3A_297 = tpu.vector_load %arg10[%swap3A, %swap3A_295, %swap3A_296] {strides = array<i32>} : memref<50x8x64xf32, #tpu.memory_space<vmem>>, vector<1x1x16xf32>,
      %swap3A_298 = vector.shape_cast %swap3A_297 : vector<1x1x16xf32> to vector<16xf32>
      %swap3A_299 = vector.shape_cast %add3A_294 : vector<16xf32> to vector<1x1x16xf32>
      tpu.vector_store %arg10[%swap3A, %swap3A_295, %swap3A_296], %swap3A_299 {strides = array<i32>} : memref<50x8x64xf32, #tpu.memory_space<vmem>>, vector<1x1x16xf32>,
      %mul3A_300 = arith.constant 64 : i32
      %mul3A_301 = arith.muli %scan3A_275, %mul3A_300 : i32
      %add3A_302 = arith.constant 16 : i32
      %add3A_303 = arith.addi %mul3A_301, %add3A_302 : i32
      %get3A_304 = arith.index_cast %add3A_303 : i32 to index
      %get3A_305 = tpu.vector_load %arg8[%get3A_304] {strides = array<i32>} : memref<12800xf32, #tpu.memory_space<vmem>>, vector<16xf32>,
      %get3A_306 = vector.shape_cast %get3A_305 : vector<16xf32> to vector<16xf32>
      %get3A_307 = arith.index_cast %add3A_280 : i32 to index
      %get3A_308 = arith.index_cast %and3A_278 : i32 to index
      %get3A_309 = arith.constant 16 : index
      %get3A_310 = tpu.vector_load %arg10[%get3A_307, %get3A_308, %get3A_309] {strides = array<i32>} : memref<50x8x64xf32, #tpu.memory_space<vmem>>, vector<1x1x16xf32>,
      %get3A_311 = vector.shape_cast %get3A_310 : vector<1x1x16xf32> to vector<16xf32>
      %mul3A_312 = vector.broadcast %scan3A_221 : f32 to vector<16xf32>
      %mul3A_313 = arith.mulf %get3A_311, %mul3A_312 : vector<16xf32>
      %add3A_314 = arith.addf %mul3A_313, %get3A_306 : vector<16xf32>
      %swap3A_315 = arith.index_cast %add3A_280 : i32 to index
      %swap3A_316 = arith.index_cast %and3A_278 : i32 to index
      %swap3A_317 = arith.constant 16 : index
      %swap3A_318 = tpu.vector_load %arg10[%swap3A_315, %swap3A_316, %swap3A_317] {strides = array<i32>} : memref<50x8x64xf32, #tpu.memory_space<vmem>>, vector<1x1x16xf32>,
      %swap3A_319 = vector.shape_cast %swap3A_318 : vector<1x1x16xf32> to vector<16xf32>
      %swap3A_320 = vector.shape_cast %add3A_314 : vector<16xf32> to vector<1x1x16xf32>
      tpu.vector_store %arg10[%swap3A_315, %swap3A_316, %swap3A_317], %swap3A_320 {strides = array<i32>} : memref<50x8x64xf32, #tpu.memory_space<vmem>>, vector<1x1x16xf32>,
      %mul3A_321 = arith.constant 64 : i32
      %mul3A_322 = arith.muli %scan3A_275, %mul3A_321 : i32
      %add3A_323 = arith.constant 32 : i32
      %add3A_324 = arith.addi %mul3A_322, %add3A_323 : i32
      %get3A_325 = arith.index_cast %add3A_324 : i32 to index
      %get3A_326 = tpu.vector_load %arg8[%get3A_325] {strides = array<i32>} : memref<12800xf32, #tpu.memory_space<vmem>>, vector<16xf32>,
      %get3A_327 = vector.shape_cast %get3A_326 : vector<16xf32> to vector<16xf32>
      %get3A_328 = arith.index_cast %add3A_280 : i32 to index
      %get3A_329 = arith.index_cast %and3A_278 : i32 to index
      %get3A_330 = arith.constant 32 : index
      %get3A_331 = tpu.vector_load %arg10[%get3A_328, %get3A_329, %get3A_330] {strides = array<i32>} : memref<50x8x64xf32, #tpu.memory_space<vmem>>, vector<1x1x16xf32>,
      %get3A_332 = vector.shape_cast %get3A_331 : vector<1x1x16xf32> to vector<16xf32>
      %mul3A_333 = vector.broadcast %scan3A_221 : f32 to vector<16xf32>
      %mul3A_334 = arith.mulf %get3A_332, %mul3A_333 : vector<16xf32>
      %add3A_335 = arith.addf %mul3A_334, %get3A_327 : vector<16xf32>
      %swap3A_336 = arith.index_cast %add3A_280 : i32 to index
      %swap3A_337 = arith.index_cast %and3A_278 : i32 to index
      %swap3A_338 = arith.constant 32 : index
      %swap3A_339 = tpu.vector_load %arg10[%swap3A_336, %swap3A_337, %swap3A_338] {strides = array<i32>} : memref<50x8x64xf32, #tpu.memory_space<vmem>>, vector<1x1x16xf32>,
      %swap3A_340 = vector.shape_cast %swap3A_339 : vector<1x1x16xf32> to vector<16xf32>
      %swap3A_341 = vector.shape_cast %add3A_335 : vector<16xf32> to vector<1x1x16xf32>
      tpu.vector_store %arg10[%swap3A_336, %swap3A_337, %swap3A_338], %swap3A_341 {strides = array<i32>} : memref<50x8x64xf32, #tpu.memory_space<vmem>>, vector<1x1x16xf32>,
      %mul3A_342 = arith.constant 64 : i32
      %mul3A_343 = arith.muli %scan3A_275, %mul3A_342 : i32
      %add3A_344 = arith.constant 48 : i32
      %add3A_345 = arith.addi %mul3A_343, %add3A_344 : i32
      %get3A_346 = arith.index_cast %add3A_345 : i32 to index
      %get3A_347 = tpu.vector_load %arg8[%get3A_346] {strides = array<i32>} : memref<12800xf32, #tpu.memory_space<vmem>>, vector<16xf32>,
      %get3A_348 = vector.shape_cast %get3A_347 : vector<16xf32> to vector<16xf32>
      %get3A_349 = arith.index_cast %add3A_280 : i32 to index
      %get3A_350 = arith.index_cast %and3A_278 : i32 to index
      %get3A_351 = arith.constant 48 : index
      %get3A_352 = tpu.vector_load %arg10[%get3A_349, %get3A_350, %get3A_351] {strides = array<i32>} : memref<50x8x64xf32, #tpu.memory_space<vmem>>, vector<1x1x16xf32>,
      %get3A_353 = vector.shape_cast %get3A_352 : vector<1x1x16xf32> to vector<16xf32>
      %mul3A_354 = vector.broadcast %scan3A_221 : f32 to vector<16xf32>
      %mul3A_355 = arith.mulf %get3A_353, %mul3A_354 : vector<16xf32>
      %add3A_356 = arith.addf %mul3A_355, %get3A_348 : vector<16xf32>
      %swap3A_357 = arith.index_cast %add3A_280 : i32 to index
      %swap3A_358 = arith.index_cast %and3A_278 : i32 to index
      %swap3A_359 = arith.constant 48 : index
      %swap3A_360 = tpu.vector_load %arg10[%swap3A_357, %swap3A_358, %swap3A_359] {strides = array<i32>} : memref<50x8x64xf32, #tpu.memory_space<vmem>>, vector<1x1x16xf32>,
      %swap3A_361 = vector.shape_cast %swap3A_360 : vector<1x1x16xf32> to vector<16xf32>
      %swap3A_362 = vector.shape_cast %add3A_356 : vector<16xf32> to vector<1x1x16xf32>
      tpu.vector_store %arg10[%swap3A_357, %swap3A_358, %swap3A_359], %swap3A_362 {strides = array<i32>} : memref<50x8x64xf32, #tpu.memory_space<vmem>>, vector<1x1x16xf32>,
      %add3A_363 = arith.constant 25 : i32
      %add3A_364 = arith.addi %shift_right_logical3A_276, %add3A_363 : i32
      %mul3A_365 = arith.constant 64 : i32
      %mul3A_366 = arith.muli %scan3A_275, %mul3A_365 : i32
      %add3A_367 = arith.constant 0 : i32
      %add3A_368 = arith.addi %mul3A_366, %add3A_367 : i32
      %get3A_369 = arith.index_cast %add3A_368 : i32 to index
      %get3A_370 = tpu.vector_load %arg8[%get3A_369] {strides = array<i32>} : memref<12800xf32, #tpu.memory_space<vmem>>, vector<16xf32>,
      %get3A_371 = vector.shape_cast %get3A_370 : vector<16xf32> to vector<16xf32>
      %get3A_372 = arith.index_cast %add3A_364 : i32 to index
      %get3A_373 = arith.index_cast %and3A_278 : i32 to index
      %get3A_374 = arith.constant 0 : index
      %get3A_375 = tpu.vector_load %arg10[%get3A_372, %get3A_373, %get3A_374] {strides = array<i32>} : memref<50x8x64xf32, #tpu.memory_space<vmem>>, vector<1x1x16xf32>,
      %get3A_376 = vector.shape_cast %get3A_375 : vector<1x1x16xf32> to vector<16xf32>
      %mul3A_377 = vector.broadcast %scan3A_221 : f32 to vector<16xf32>
      %mul3A_378 = arith.mulf %get3A_376, %mul3A_377 : vector<16xf32>
      %add3A_379 = arith.addf %mul3A_378, %get3A_371 : vector<16xf32>
      %swap3A_380 = arith.index_cast %add3A_364 : i32 to index
      %swap3A_381 = arith.index_cast %and3A_278 : i32 to index
      %swap3A_382 = arith.constant 0 : index
      %swap3A_383 = tpu.vector_load %arg10[%swap3A_380, %swap3A_381, %swap3A_382] {strides = array<i32>} : memref<50x8x64xf32, #tpu.memory_space<vmem>>, vector<1x1x16xf32>,
      %swap3A_384 = vector.shape_cast %swap3A_383 : vector<1x1x16xf32> to vector<16xf32>
      %swap3A_385 = vector.shape_cast %add3A_379 : vector<16xf32> to vector<1x1x16xf32>
      tpu.vector_store %arg10[%swap3A_380, %swap3A_381, %swap3A_382], %swap3A_385 {strides = array<i32>} : memref<50x8x64xf32, #tpu.memory_space<vmem>>, vector<1x1x16xf32>,
      %mul3A_386 = arith.constant 64 : i32
      %mul3A_387 = arith.muli %scan3A_275, %mul3A_386 : i32
      %add3A_388 = arith.constant 16 : i32
      %add3A_389 = arith.addi %mul3A_387, %add3A_388 : i32
      %get3A_390 = arith.index_cast %add3A_389 : i32 to index
      %get3A_391 = tpu.vector_load %arg8[%get3A_390] {strides = array<i32>} : memref<12800xf32, #tpu.memory_space<vmem>>, vector<16xf32>,
      %get3A_392 = vector.shape_cast %get3A_391 : vector<16xf32> to vector<16xf32>
      %get3A_393 = arith.index_cast %add3A_364 : i32 to index
      %get3A_394 = arith.index_cast %and3A_278 : i32 to index
      %get3A_395 = arith.constant 16 : index
      %get3A_396 = tpu.vector_load %arg10[%get3A_393, %get3A_394, %get3A_395] {strides = array<i32>} : memref<50x8x64xf32, #tpu.memory_space<vmem>>, vector<1x1x16xf32>,
      %get3A_397 = vector.shape_cast %get3A_396 : vector<1x1x16xf32> to vector<16xf32>
      %mul3A_398 = vector.broadcast %scan3A_221 : f32 to vector<16xf32>
      %mul3A_399 = arith.mulf %get3A_397, %mul3A_398 : vector<16xf32>
      %add3A_400 = arith.addf %mul3A_399, %get3A_392 : vector<16xf32>
      %swap3A_401 = arith.index_cast %add3A_364 : i32 to index
      %swap3A_402 = arith.index_cast %and3A_278 : i32 to index
      %swap3A_403 = arith.constant 16 : index
      %swap3A_404 = tpu.vector_load %arg10[%swap3A_401, %swap3A_402, %swap3A_403] {strides = array<i32>} : memref<50x8x64xf32, #tpu.memory_space<vmem>>, vector<1x1x16xf32>,
      %swap3A_405 = vector.shape_cast %swap3A_404 : vector<1x1x16xf32> to vector<16xf32>
      %swap3A_406 = vector.shape_cast %add3A_400 : vector<16xf32> to vector<1x1x16xf32>
      tpu.vector_store %arg10[%swap3A_401, %swap3A_402, %swap3A_403], %swap3A_406 {strides = array<i32>} : memref<50x8x64xf32, #tpu.memory_space<vmem>>, vector<1x1x16xf32>,
      %mul3A_407 = arith.constant 64 : i32
      %mul3A_408 = arith.muli %scan3A_275, %mul3A_407 : i32
      %add3A_409 = arith.constant 32 : i32
      %add3A_410 = arith.addi %mul3A_408, %add3A_409 : i32
      %get3A_411 = arith.index_cast %add3A_410 : i32 to index
      %get3A_412 = tpu.vector_load %arg8[%get3A_411] {strides = array<i32>} : memref<12800xf32, #tpu.memory_space<vmem>>, vector<16xf32>,
      %get3A_413 = vector.shape_cast %get3A_412 : vector<16xf32> to vector<16xf32>
      %get3A_414 = arith.index_cast %add3A_364 : i32 to index
      %get3A_415 = arith.index_cast %and3A_278 : i32 to index
      %get3A_416 = arith.constant 32 : index
      %get3A_417 = tpu.vector_load %arg10[%get3A_414, %get3A_415, %get3A_416] {strides = array<i32>} : memref<50x8x64xf32, #tpu.memory_space<vmem>>, vector<1x1x16xf32>,
      %get3A_418 = vector.shape_cast %get3A_417 : vector<1x1x16xf32> to vector<16xf32>
      %mul3A_419 = vector.broadcast %scan3A_221 : f32 to vector<16xf32>
      %mul3A_420 = arith.mulf %get3A_418, %mul3A_419 : vector<16xf32>
      %add3A_421 = arith.addf %mul3A_420, %get3A_413 : vector<16xf32>
      %swap3A_422 = arith.index_cast %add3A_364 : i32 to index
      %swap3A_423 = arith.index_cast %and3A_278 : i32 to index
      %swap3A_424 = arith.constant 32 : index
      %swap3A_425 = tpu.vector_load %arg10[%swap3A_422, %swap3A_423, %swap3A_424] {strides = array<i32>} : memref<50x8x64xf32, #tpu.memory_space<vmem>>, vector<1x1x16xf32>,
      %swap3A_426 = vector.shape_cast %swap3A_425 : vector<1x1x16xf32> to vector<16xf32>
      %swap3A_427 = vector.shape_cast %add3A_421 : vector<16xf32> to vector<1x1x16xf32>
      tpu.vector_store %arg10[%swap3A_422, %swap3A_423, %swap3A_424], %swap3A_427 {strides = array<i32>} : memref<50x8x64xf32, #tpu.memory_space<vmem>>, vector<1x1x16xf32>,
      %mul3A_428 = arith.constant 64 : i32
      %mul3A_429 = arith.muli %scan3A_275, %mul3A_428 : i32
      %add3A_430 = arith.constant 48 : i32
      %add3A_431 = arith.addi %mul3A_429, %add3A_430 : i32
      %get3A_432 = arith.index_cast %add3A_431 : i32 to index
      %get3A_433 = tpu.vector_load %arg8[%get3A_432] {strides = array<i32>} : memref<12800xf32, #tpu.memory_space<vmem>>, vector<16xf32>,
      %get3A_434 = vector.shape_cast %get3A_433 : vector<16xf32> to vector<16xf32>
      %get3A_435 = arith.index_cast %add3A_364 : i32 to index
      %get3A_436 = arith.index_cast %and3A_278 : i32 to index
      %get3A_437 = arith.constant 48 : index
      %get3A_438 = tpu.vector_load %arg10[%get3A_435, %get3A_436, %get3A_437] {strides = array<i32>} : memref<50x8x64xf32, #tpu.memory_space<vmem>>, vector<1x1x16xf32>,
      %get3A_439 = vector.shape_cast %get3A_438 : vector<1x1x16xf32> to vector<16xf32>
      %mul3A_440 = vector.broadcast %scan3A_221 : f32 to vector<16xf32>
      %mul3A_441 = arith.mulf %get3A_439, %mul3A_440 : vector<16xf32>
      %add3A_442 = arith.addf %mul3A_441, %get3A_434 : vector<16xf32>
      %swap3A_443 = arith.index_cast %add3A_364 : i32 to index
      %swap3A_444 = arith.index_cast %and3A_278 : i32 to index
      %swap3A_445 = arith.constant 48 : index
      %swap3A_446 = tpu.vector_load %arg10[%swap3A_443, %swap3A_444, %swap3A_445] {strides = array<i32>} : memref<50x8x64xf32, #tpu.memory_space<vmem>>, vector<1x1x16xf32>,
      %swap3A_447 = vector.shape_cast %swap3A_446 : vector<1x1x16xf32> to vector<16xf32>
      %swap3A_448 = vector.shape_cast %add3A_442 : vector<16xf32> to vector<1x1x16xf32>
      tpu.vector_store %arg10[%swap3A_443, %swap3A_444, %swap3A_445], %swap3A_448 {strides = array<i32>} : memref<50x8x64xf32, #tpu.memory_space<vmem>>, vector<1x1x16xf32>,
    }
    %scan3A_226 = arith.constant 200 : i32
    %add3A_227 = arith.constant 6000 : i32
    %add3A_228 = arith.addi %mul3A_2, %add3A_227 : i32
    %jit3A_229 = arith.constant 8 : i32
    %div3A_230 = arith.divsi %add3A_228, %jit3A_229 : i32
    %sign3A_231 = arith.constant 0 : i32
    %sign3A_232 = arith.cmpi sgt, %add3A_228, %sign3A_231 : i32
    %sign3A_233 = arith.extui %sign3A_232 : i1 to i32
    %sign3A_234 = arith.constant 0 : i32
    %sign3A_235 = arith.cmpi slt, %add3A_228, %sign3A_234 : i32
    %sign3A_236 = arith.extui %sign3A_235 : i1 to i32
    %sign3A_237 = arith.subi %sign3A_233, %sign3A_236 : i32
    %sign3A_238 = arith.constant 0 : i32
    %sign3A_239 = arith.cmpi sgt, %jit3A_229, %sign3A_238 : i32
    %sign3A_240 = arith.extui %sign3A_239 : i1 to i32
    %sign3A_241 = arith.constant 0 : i32
    %sign3A_242 = arith.cmpi slt, %jit3A_229, %sign3A_241 : i32
    %sign3A_243 = arith.extui %sign3A_242 : i1 to i32
    %sign3A_244 = arith.subi %sign3A_240, %sign3A_243 : i32
    %ne3A_245 = arith.cmpi ne, %sign3A_237, %sign3A_244 : i32
    %rem3A_246 = arith.remsi %add3A_228, %jit3A_229 : i32
    %ne3A_247 = arith.constant 0 : i32
    %ne3A_248 = arith.cmpi ne, %rem3A_246, %ne3A_247 : i32
    %and3A_249 = arith.andi %ne3A_245, %ne3A_248 : i1
    %sub3A_250 = arith.constant 1 : i32
    %sub3A_251 = arith.subi %div3A_230, %sub3A_250 : i32
    %select_n3A_252 = arith.select %and3A_249, %sub3A_251, %div3A_230 : i32
    %dma_start3A_253 = arith.constant 0 : i32
    %dma_start3A_254 = arith.constant 0 : i32
    %dma_start3A_255 = tpu.memref_slice %arg5[%select_n3A_252, %dma_start3A_253, %dma_start3A_254] : memref<25600x8x64xf32, #tpu.memory_space<hbm>> -> memref<50x8x64xf32, #tpu.memory_space<hbm>>
    %dma_start3A_256 = arith.constant 0 : i32
    %dma_start3A_257 = arith.constant 0 : i32
    %dma_start3A_258 = tpu.memref_slice %arg5[%select_n3A_252, %dma_start3A_256, %dma_start3A_257] : memref<25600x8x64xf32, #tpu.memory_space<hbm>> -> memref<50x8x64xf32, #tpu.memory_space<hbm>>
    tpu.enqueue_dma source(%arg10 : memref<50x8x64xf32, #tpu.memory_space<vmem>>) target(%dma_start3A_258 : memref<50x8x64xf32, #tpu.memory_space<hbm>>) target_semaphore(%arg16 : memref<!tpu.dma_semaphore, #tpu.memory_space<semaphore_mem>>)
    %dma_wait3A_259 = arith.constant 0 : i32
    %dma_wait3A_260 = arith.constant 0 : i32
    %dma_wait3A_261 = arith.constant 0 : i32
    %dma_wait3A_262 = tpu.memref_slice %arg5[%dma_wait3A_259, %dma_wait3A_260, %dma_wait3A_261] : memref<25600x8x64xf32, #tpu.memory_space<hbm>> -> memref<50x8x64xf32, #tpu.memory_space<hbm>>
    %dma_wait3A_263 = arith.constant 0 : i32
    %dma_wait3A_264 = arith.constant 0 : i32
    %dma_wait3A_265 = arith.constant 0 : i32
    %dma_wait3A_266 = tpu.memref_slice %arg5[%dma_wait3A_263, %dma_wait3A_264, %dma_wait3A_265] : memref<25600x8x64xf32, #tpu.memory_space<hbm>> -> memref<50x8x64xf32, #tpu.memory_space<hbm>>
    tpu.wait_dma2 semaphore(%arg15 : memref<!tpu.dma_semaphore, #tpu.memory_space<semaphore_mem>>) src(%arg9 : memref<50x8x64xf32, #tpu.memory_space<vmem>>) dst(%dma_wait3A_266 : memref<50x8x64xf32, #tpu.memory_space<hbm>>)
    %dma_wait3A_267 = arith.constant 0 : i32
    %dma_wait3A_268 = arith.constant 0 : i32
    %dma_wait3A_269 = arith.constant 0 : i32
    %dma_wait3A_270 = tpu.memref_slice %arg5[%dma_wait3A_267, %dma_wait3A_268, %dma_wait3A_269] : memref<25600x8x64xf32, #tpu.memory_space<hbm>> -> memref<50x8x64xf32, #tpu.memory_space<hbm>>
    %dma_wait3A_271 = arith.constant 0 : i32
    %dma_wait3A_272 = arith.constant 0 : i32
    %dma_wait3A_273 = arith.constant 0 : i32
    %dma_wait3A_274 = tpu.memref_slice %arg5[%dma_wait3A_271, %dma_wait3A_272, %dma_wait3A_273] : memref<25600x8x64xf32, #tpu.memory_space<hbm>> -> memref<50x8x64xf32, #tpu.memory_space<hbm>>
    tpu.wait_dma2 semaphore(%arg16 : memref<!tpu.dma_semaphore, #tpu.memory_space<semaphore_mem>>) src(%arg10 : memref<50x8x64xf32, #tpu.memory_space<vmem>>) dst(%dma_wait3A_274 : memref<50x8x64xf32, #tpu.memory_space<hbm>>)
    return
  }
}

</mosaic_0001>

<sc_bundles>
// kernel: embed_gather_sc.3.cloned.1.call-start
scs
__scs_entry_jumppad:
0x0: {  	(pc) =	sbr.rel $0x88, $3  }
0x1: {  	(tag) =	ssettag $0x0;
	lr =	simm.s32 $0x1  }
0x2: {  	[smem:$0x3F9F] =	sst lr;
	_ =	strace $0xD0000000  }
0x3: {  	_ = 	snop  }
0x4: {  	_ = 	snop  }
0x5: {  	_ = 	snop  }
0x6: {  	_ = 	snop  }
0x7: {  	_ = 	snop  }
__scs_overlays_trampoline_lowered:
0x8: {  	[smem:$0x3FAE] =	sst s0  }
0x9: {  	[smem:$0x3FAF] =	sst s1  }
0xa: {  	[smem:$0x3FB0] =	sst s2  }
0xb: {  	[smem:$0x3FB1] =	sst s3  }
0xc: {  	[smem:$0x3FB2] =	sst s4  }
0xd: {  	[smem:$0x3FB3] =	sst s5  }
0xe: {  	[smem:$0x3FB4] =	sst s6  }
0xf: {  	[smem:$0x3FB5] =	sst s7  }
0x10: {  	[smem:$0x3FB6] =	sst s8  }
0x11: {  	[smem:$0x3FB7] =	sst s9;
	s0 =	simm.s32 @!p0 $0x0  }
0x12: {  	s1 =	sld [smem:$0x3F9D];
	s0 =	simm.s32 @p0 $0x1  }
0x13: {  	[smem:$0x3FB8] =	sst s0;
	s0 =	simm.s32 @!p1 $0x0  }
0x14: {  	s2 =	sld [smem:$0x3F9C];
	s0 =	simm.s32 @p1 $0x1  }
0x15: {  	[smem:$0x3FB9] =	sst s0;
	s0 =	simm.s32 @!p2 $0x0  }
0x16: {  	s3 =	sld [smem:$0x3FDB];
	s0 =	simm.s32 @p2 $0x1  }
0x17: {  	s4 =	simm.s32 $0x1BF5;
	[smem:$0x3FBB] =	sst s0  }
0x18: {  	s0 =	sld [smem:$0x3F9E];
	_ =	swait.ge [sflag:s4], $0x0  }
0x19: {  	s7 =	sld [smem:$0x3F9F]  }
0x1a: {  	s8 =	sadd.s32 $0xFFFFE003, lr  }
0x1b: {  	s9 =	sadd.s32 $0xFFFFFEF7, lr;
	s5 =	simm.s32 $0xFFFFFFFF;
	p2 =	slt.u32 s8, $0xFFFFF086  }
0x1c: {  	p1 =	slt.u32 s9, $0xF7A;
	s5 =	simm.s32 @!p2 $0x0  }
0x1d: {  	s5 =	simm.s32 @p1 $0x1;
	p0 =	seq.s32 s7, s2  }
0x1e: {  	s7 =	smul.u32 @!p0 $0xF7A, s2;
	p2 =	seq.s32 @!p0 s5, $0x0  }
0x1f: {  	s9 =	smul.u32 $0xF7A, s1;
	s8 =	simm.s32 @!p0 $0x1BF5;
	p2 =	por !p2, p0  }
0x20: {  	[sflag:s8] =	ssyncset.s32 @!p0 $0xFFFFF086;
	s6 =	sadd.s32 @!p0 s3, s7;
	s7 =	simm.s32 @!p0 $0x108  }
0x21: {  	s3 =	sadd.s32 s3, s9;
	s6 =	sadd.s32 @!p0 $0x88, s6;
	s7 =	simm.s32 @p2 $0x1082  }
0x22: {  	[simem:s7], [sflag:s8] =	dma.local @!p0 [hbm:s6], $0xF7A  }
0x23: {  	s9 =	sor.u32 $0xD0000000, s2;
	s6 =	simm.s32 $0x108;
	_ =	swait.ge @!p0 [sflag:s8], $0x0  }
0x24: {  	s3 =	sadd.s32 $0x88, s3;
	s6 =	simm.s32 @!p1 $0x1082;
	[sflag:s4] =	ssyncset.s32 $0xFFFFF086  }
0x25: {  	[simem:s6], [sflag:s4] =	dma.local [hbm:s3], $0xF7A  }
0x26: {  	[smem:$0x3F9F] =	sst s1;
	(tag) =	ssettag s2;
	_ =	strace s9  }
0x27: {  	s1 =	sld [smem:$0x3FAF]  }
0x28: {  	s2 =	sld [smem:$0x3FB0]  }
0x29: {  	s4 =	sld [smem:$0x3FB2]  }
0x2a: {  	p0 =	seq.s32 s5, $0x0;
	s5 =	sld [smem:$0x3FB3]  }
0x2b: {  	s6 =	sld [smem:$0x3FB4]  }
0x2c: {  	s7 =	sld [smem:$0x3FB5]  }
0x2d: {  	s3 =	simm.s32 $0x108;
	s8 =	sld [smem:$0x3FB6]  }
0x2e: {  	s3 =	simm.s32 @!p0 $0x1082;
	s9 =	sld [smem:$0x3FB7]  }
0x2f: {  	lr =	sadd.s32 s0, s3;
	s0 =	sld [smem:$0x3FAE]  }
0x30: {  	s3 =	sld [smem:$0x3FB1]  }
0x31: {  	[smem:$0x3FBA] =	sst s10  }
0x32: {  	s10 =	sld [smem:$0x3FB8];
	_ =	sdelay $0x3  }
0x33: {  	p0 =	seq.s32 s10, $0x1;
	s10 =	sld [smem:$0x3FBA];
	_ =	sdelay $0x3  }
0x34: {  	[smem:$0x3FBA] =	sst s10  }
0x35: {  	s10 =	sld [smem:$0x3FB9];
	_ =	sdelay $0x3  }
0x36: {  	p1 =	seq.s32 s10, $0x1;
	s10 =	sld [smem:$0x3FBA];
	_ =	sdelay $0x3  }
0x37: {  	[smem:$0x3FBA] =	sst s10  }
0x38: {  	s10 =	sld [smem:$0x3FBB]  }
0x39: {  	_ = 	snop;
	(pc) =	sbr.ind lr, $3  }
0x3a: {  	_ = 	snop  }
0x3b: {  	_ = 	snop  }
0x3c: {  	p2 =	seq.s32 s10, $0x1;
	s10 =	sld [smem:$0x3FBA]  }
0x3d: {  	_ =	shalt  }
0x3e: {  	_ =	shalt  }
0x3f: {  	_ =	shalt  }
0x40: {  	_ =	shalt  }
0x41: {  	_ =	shalt  }
0x42: {  	_ =	shalt  }
0x43: {  	_ =	shalt  }
0x44: {  	_ =	shalt  }
0x45: {  	_ =	shalt  }
0x46: {  	_ =	shalt  }
0x47: {  	_ =	shalt  }
0x48: {  	_ =	shalt  }
0x49: {  	_ =	shalt  }
0x4a: {  	_ =	shalt  }
0x4b: {  	_ =	shalt  }
0x4c: {  	_ =	shalt  }
0x4d: {  	_ =	shalt  }
0x4e: {  	_ =	shalt  }
0x4f: {  	_ =	shalt  }
0x50: {  	_ =	shalt  }
0x51: {  	_ =	shalt  }
0x52: {  	_ =	shalt  }
0x53: {  	_ =	shalt  }
0x54: {  	_ =	shalt  }
0x55: {  	_ =	shalt  }
0x56: {  	_ =	shalt  }
0x57: {  	_ =	shalt  }
0x58: {  	_ =	shalt  }
0x59: {  	_ =	shalt  }
0x5a: {  	_ =	shalt  }
0x5b: {  	_ =	shalt  }
0x5c: {  	_ =	shalt  }
0x5d: {  	_ =	shalt  }
0x5e: {  	_ =	shalt  }
0x5f: {  	_ =	shalt  }
0x60: {  	_ =	shalt  }
0x61: {  	_ =	shalt  }
0x62: {  	_ =	shalt  }
0x63: {  	_ =	shalt  }
0x64: {  	_ =	shalt  }
0x65: {  	_ =	shalt  }
0x66: {  	_ =	shalt  }
0x67: {  	_ =	shalt  }
0x68: {  	_ =	shalt  }
0x69: {  	_ =	shalt  }
0x6a: {  	_ =	shalt  }
0x6b: {  	_ =	shalt  }
0x6c: {  	_ =	shalt  }
0x6d: {  	_ =	shalt  }
0x6e: {  	_ =	shalt  }
0x6f: {  	_ =	shalt  }
0x70: {  	_ =	shalt  }
0x71: {  	_ =	shalt  }
0x72: {  	_ =	shalt  }
0x73: {  	_ =	shalt  }
0x74: {  	_ =	shalt  }
0x75: {  	_ =	shalt  }
0x76: {  	_ =	shalt  }
0x77: {  	_ =	shalt  }
0x78: {  	_ =	shalt  }
0x79: {  	_ =	shalt  }
0x7a: {  	_ =	shalt  }
0x7b: {  	_ =	shalt  }
0x7c: {  	_ =	shalt  }
0x7d: {  	_ =	shalt  }
0x7e: {  	_ =	shalt  }
0x7f: {  	_ =	shalt  }
0x80: {  	_ =	shalt  }
0x81: {  	_ =	shalt  }
0x82: {  	_ =	shalt  }
0x83: {  	_ =	shalt  }
0x84: {  	_ =	shalt  }
0x85: {  	_ =	shalt  }
0x86: {  	_ =	shalt  }
0x87: {  	_ =	shalt  }
.Lfunc_end0:
.L_simem_size_0:
called_computation.1_lowered:
.L_overlay_start_0:
0x88: {  	s2 =	sld [smem:$0x3FD9]  }
0x89: {  	s3 =	sld [smem:$0x3FFE];
	_ =	sdelay $0x1  }
0x8a: {  	s1 =	srdreg.scid  }
0x8b: {  	s0 =	sand.u32 $0x1, s1  }
0x8c: {  	s17 =	sshll.u32 s0, $0xA;
	s2 =	sadd.s32 s3, s2  }
0x8d: {  	s2 =	sadd.s32 s2, s17  }
0x8e: {  	[smem:$0x3FC6] =	sst s2  }
0x8f: {  	_ = 	snop  }
0x90: {  	s2 =	sld [smem:$0x3FD0];
	(tm) =	ssettm $0x1  }
0x91: {  	s18 =	sld [smem:$0x3FFB];
	_ =	sdelay $0x3  }
0x92: {  	_ =	strace s18  }
0x93: {  	s3 =	sld [smem:$0x3FFC];
	_ =	sdelay $0x3  }
0x94: {  	_ =	strace s3  }
0x95: {  	s3 =	sld [smem:$0x3FFD];
	_ =	sdelay $0x3  }
0x96: {  	_ =	strace s3  }
0x97: {  	_ =	strace $0x8FFFFFFF  }
0x98: {  	s19 =	sld [smem:$0x3FDB];
	_ =	sdelay $0x1  }
0x99: {  	s4 =	simm.s32 $_scs_section_size  }
0x9a: {  	s5 =	simm.s32 $_size__tile_overlayer_lowered;
	s6 =	simm.s32 $_tile_overlayer_lowered  }
0x9b: {  	s22 =	simm.s32 $0x1BFF;
	s21 =	sshll.u32 s6, $0x1;
	s3 =	sadd.s32 s4, s19  }
0x9c: {  	s7 =	simm.s32 $0x0;
	s20 =	sshll.u32 s5, $0x1;
	s5 =	sadd.s32 s21, s3  }
0x9d: {  	[timem:s7], [sflag:s22] =	dma.local [hbm:s5], s20  }
0x9e: {  	_ =	swait.ge [sflag:s22], s20  }
0x9f: {  	s4 =	ssub.s32 $0x0, s20;
	[sflag:s22] =	ssyncset.done $0x0  }
0xa0: {  	[sflag:s22] =	ssyncadd.s32 s4;
	_ =	sdelay $0x1  }
0xa1: {  	s23 =	simm.s32 $0x1B8B  }
0xa2: {  	_ =	swait.ge [sflag:s23], $0x1  }
0xa3: {  	[sflag:s23] =	ssyncset.done $0x0  }
0xa4: {  	s25 =	simm.s32 $0x1B8E;
	s24 =	sld [smem:$0x3FFE];
	[sflag:s23] =	ssyncadd.s32 $0xFFFFFFFF  }
0xa5: {  	s26 =	simm.s32 $execute0_lowered;
	[smem:$0x3FD2] =	sst s25  }
0xa6: {  	s5 =	sshll.u32 s26, $0x1;
	_ =	strace $0x80000046;
	[dreg:$0x1] =	wrdreg $0xFFFFFFFF  }
0xa7: {  	s28 =	simm.s32 $_size_execute0_lowered;
	s3 =	sadd.s32 s3, s5;
	[dreg:$0x0] =	wrdreg $0x0  }
0xa8: {  	s5 =	sshll.u32 s28, $0x1;
	[dreg:$0x2] =	wrdreg s3  }
0xa9: {  	[dreg:$0x3] =	wrdreg s5  }
0xaa: {  	[dreg:$0x4] =	wrdreg $0xC0  }
0xab: {  	_ =	task [dreg:s7], $0x5FFFF  }
0xac: {  	[dreg:$0x1] =	wrdreg $0xFFFFFFFF  }
0xad: {  	[dreg:$0x0] =	wrdreg $0x60  }
0xae: {  	[dreg:$0x2] =	wrdreg s24  }
0xaf: {  	[dreg:$0x3] =	wrdreg s2  }
0xb0: {  	[dreg:$0x4] =	wrdreg $0x9  }
0xb1: {  	_ =	task.clear_ibuf [dreg:s7], $0x5FFFF;
	_ =	strace $0x90000046  }
0xb2: {  	s29 =	simm.s32 $0x9;
	_ =	strace $0x80000048  }
0xb3: {  	_ =	swait.ge [sflag:s29], $0x1  }
0xb4: {  	[sflag:s29] =	ssyncadd.s32 $0xFFFFFFFF  }
0xb5: {  	_ =	strace $0x90000048  }
0xb6: {  	_ =	sfence  }
0xb7: {  	s30 =	sld [smem:$0x0];
	_ =	sdelay $0x2  }
0xb8: {  	s31 =	sshll.u32 s1, $0xD;
	s1 =	sshrl.u32 s1, $0x2  }
0xb9: {  	s3 =	sand.u32 $0x4000, s31;
	s1 =	sadd.s32 s1, s30  }
0xba: {  	s0 =	sor.u32 s3, s0;
	s1 =	sshll.u32 s1, $0x11  }
0xbb: {  	s0 =	sor.u32 s1, s0  }
0xbc: {  	s0 =	sadd.s32 $0x8F2B, s0  }
0xbd: {  	[sflag:s0] =	ssyncadd.remote.s32 $0x1  }
0xbe: {  	_ =	sfence.sel $0xFFFF  }
0xbf: {  	[dreg:$0x0] =	wrdreg $0xFFFFFFFF;
	(pc) =	sbr.abs _section_cstart, $3  }
0xc0: {  	[dreg:$0x1] =	wrdreg $0xFFFFFFFF  }
0xc1: {  	_ =	task.clear_ibuf [dreg:s7], $0x2FFFF;
	_ =	strace $0x9FFFFFFF  }
0xc2: {  	(tm) =	ssettm $0x7FFFFFFF  }
0xc3: {  	_ =	shalt  }
tec
execute0_lowered:
.L_overlay_start_1:
0x0: {  	(tag) =	ssettag $0x1  }
0x1: {  	s0 =	rddreg [dreg:$0x0]  }
0x2: {  	s2 =	rddreg [dreg:$0x1]  }
0x3: {  	s1 =	srdreg.scid;
	s4 =	stileid.u32;
	s3 =	simm.s32 $0x0  }
0x4: {  	s28 =	simm.s32 $0x5;
	s29 =	simm.s32 $0x4;
	s30 =	simm.s32 $0xFE00  }
0x5: {  	s31 =	simm.s32 $0x6;
	s1 =	sand.u32 $0x1, s1;
	s4 =	sshll.u32 s4, $0x1  }
0x6: {  	[smem:$0x7FF] =	sst s3;
	s5 =	sadd.s32 $0x1000, s0;
	s7 =	sadd.s32 $0x800, s0  }
0x7: {  	s6 =	sor.u32 s1, s4;
	_ =	strace $0x80000047;
	s1 =	ssub.s32 $0x2, s1  }
0x8: {  	[dreg:$0x3] =	wrdreg s7;
	s7 =	sadd.s32 $0xF43400, s0;
	s4 =	smul.u32 $0x1900, s6  }
0x9: {  	s0 =	simm.s32 $0x0;
	s8 =	sshrl.u32 s1, $0x1;
	s23 =	smul.u32 $0xC8000, s6  }
0xa: {  	s6 =	smul.u32 $0x19000, s6;
	s21 =	ssub.s32 s1, s8;
	s22 =	sshrl.u32 s4, $0x3  }
0xb: {  	s9 =	sadd.s32 $0x320, s4;
	s11 =	sadd.s32 $0x4B0, s4;
	s1 =	sshrl.u32 s23, $0x3  }
0xc: {  	s6 =	sadd.s32 s7, s6;
	s15 =	sadd.s32 $0x1FFFE70, s4;
	s19 =	smax.u32 s21, $0x1  }
0xd: {  	s21 =	simm.s32 $0x7;
	s23 =	simm.s32 $0x1;
	s8 =	sadd.s32 s2, s22  }
0xe: {  	s24 =	sshrl.u32 s9, $0x3;
	s12 =	sshrl.u32 s11, $0x3;
	s1 =	sadd.s32 s7, s1  }
0xf: {  	[dreg:$0x7] =	wrdreg s6;
	s22 =	simm.s32 $0x200;
	s10 =	sadd.s32 $0x32, s8  }
0x10: {  	s25 =	sadd.s32 s2, s12;
	s26 =	sadd.s32 $0x14500, s1;
	[dreg:$0x4] =	wrdreg s10  }
0x11: {  	s17 =	sadd.s32 $0x15E00, s1;
	s18 =	sadd.s32 $0x17700, s1;
	[dreg:$0x6] =	wrdreg s25  }
0x12: {  	s10 =	sadd.s32 s2, s24;
	[dreg:$0x8] =	wrdreg s26;
	s24 =	simm.s32 $0x2  }
0x13: {  	s25 =	simm.s32 $0x3;
	s26 =	simm.s32 $0x3600;
	[dreg:$0x5] =	wrdreg s10  }
.LBB2_1:
0x14: {  	s1 =	rddreg [dreg:$0x3];
	s6 =	simm.s32 $0x400  }
0x15: {  	[tilespmem:s6], [sflag:$0x7] =	stream.linear.gather [hbm4b:s1+s3], $0x3200, $0x38;
	[tilespmem:$0x1C600] =	vst v63  }
0x16: {  	_ =	swait.ge [sflag:s21], $0x3200  }
0x17: {  	[sflag:s21] =	ssyncset.done $0x0  }
0x18: {  	[sflag:s21] =	ssyncadd.s32 $0xFFFFCE00  }
0x19: {  	[tilespmem:s3], [sflag:$0x1] =	stream.linear.gather [hbm4b:s8+s3], $0x190, $0x38;
	[tilespmem:$0x1C600] =	vst v63  }
0x1a: {  	s20 =	rddreg [dreg:$0x4]  }
0x1b: {  	[tilespmem:s22], [sflag:$0x2] =	stream.linear.gather [hbm4b:s20+s3], $0x190, $0x38;
	[tilespmem:$0x1C600] =	vst v63  }
0x1c: {  	_ =	swait.ge [sflag:s23], $0x190  }
0x1d: {  	[sflag:s23] =	ssyncset.done $0x0  }
0x1e: {  	s1 =	simm.s32 $0x0;
	s6 =	simm.s32 $0x0;
	[sflag:s23] =	ssyncadd.s32 $0xFFFFFE70  }
.LBB2_2:
0x1f: {  	v0 =	vld [tilespmem:s1+$0x0];
	_ =	sdelay $0x4  }
0x20: {  	v1 =	vshrl.u32 v0, $0x3  }
0x21: {  	v0 =	vand.u32 $0x7, v0;
	v1 =	vshll.u32 v1, $0xA  }
0x22: {  	v0 =	vshll.u32 v0, $0x7;
	(v2sf) =	vpush v1, $0x0  }
0x23: {  	(v2sf) =	vpush v0, $0x0;
	_ =	sdelay $0x2  }
0x24: {  	(v2sf) =	vpush v1, $0x1  }
0x25: {  	(v2sf) =	vpush v0, $0x1;
	_ =	sdelay $0x2  }
0x26: {  	(v2sf) =	vpush v1, $0x2  }
0x27: {  	(v2sf) =	vpush v0, $0x2;
	_ =	sdelay $0x5  }
0x28: {  	s10 =	spop (v2sf);
	(v2sf) =	vpush v1, $0x3  }
0x29: {  	s12 =	spop (v2sf);
	(v2sf) =	vpush v0, $0x3;
	_ =	sdelay $0x2  }
0x2a: {  	s12 =	sor.u32 s12, s10;
	s16 =	spop (v2sf);
	(v2sf) =	vpush v1, $0x4  }
0x2b: {  	s10 =	sshra.s32 s6, $0x2;
	s12 =	sshrl.u32 s12, $0x3;
	s20 =	spop (v2sf);
	(v2sf) =	vpush v0, $0x4  }
0x2c: {  	s13 =	sadd.s32 $0x3600, s10;
	s12 =	sadd.s32 s5, s12  }
0x2d: {  	[tilespmem:s13], [sflag:$0x3] =	stream.linear.gather [hbm4b:s12+s3], $0x80, $0x38;
	[tilespmem:$0x1C600] =	vst v63  }
0x2e: {  	s12 =	sor.u32 s20, s16;
	s16 =	spop (v2sf);
	(v2sf) =	vpush v1, $0x5  }
0x2f: {  	s20 =	spop (v2sf);
	(v2sf) =	vpush v0, $0x5;
	_ =	sdelay $0x2  }
0x30: {  	s12 =	sshrl.u32 s12, $0x3  }
0x31: {  	s14 =	sadd.s32 $0x3680, s10;
	s12 =	sadd.s32 s5, s12  }
0x32: {  	[tilespmem:s14], [sflag:$0x3] =	stream.linear.gather [hbm4b:s12+s3], $0x80, $0x38;
	[tilespmem:$0x1C600] =	vst v63  }
0x33: {  	s12 =	sor.u32 s20, s16;
	s16 =	spop (v2sf);
	(v2sf) =	vpush v1, $0x6  }
0x34: {  	s12 =	sshrl.u32 s12, $0x3;
	s20 =	spop (v2sf);
	(v2sf) =	vpush v0, $0x6  }
0x35: {  	s14 =	sadd.s32 $0x3700, s10;
	s12 =	sadd.s32 s5, s12  }
0x36: {  	[tilespmem:s14], [sflag:$0x3] =	stream.linear.gather [hbm4b:s12+s3], $0x80, $0x38;
	[tilespmem:$0x1C600] =	vst v63  }
0x37: {  	s12 =	sor.u32 s20, s16;
	s16 =	spop (v2sf);
	(v2sf) =	vpush v1, $0x7  }
0x38: {  	s12 =	sshrl.u32 s12, $0x3;
	s20 =	spop (v2sf);
	(v2sf) =	vpush v0, $0x7  }
0x39: {  	s14 =	sadd.s32 $0x3780, s10;
	s12 =	sadd.s32 s5, s12  }
0x3a: {  	[tilespmem:s14], [sflag:$0x3] =	stream.linear.gather [hbm4b:s12+s3], $0x80, $0x38;
	[tilespmem:$0x1C600] =	vst v63  }
0x3b: {  	s12 =	sor.u32 s20, s16;
	s16 =	spop (v2sf);
	(v2sf) =	vpush v1, $0x8  }
0x3c: {  	s20 =	spop (v2sf);
	(v2sf) =	vpush v0, $0x8;
	_ =	sdelay $0x2  }
0x3d: {  	s12 =	sshrl.u32 s12, $0x3  }
0x3e: {  	s14 =	sadd.s32 $0x3800, s10;
	s12 =	sadd.s32 s5, s12  }
0x3f: {  	[tilespmem:s14], [sflag:$0x3] =	stream.linear.gather [hbm4b:s12+s3], $0x80, $0x38;
	[tilespmem:$0x1C600] =	vst v63  }
0x40: {  	s12 =	sor.u32 s20, s16;
	s16 =	spop (v2sf);
	(v2sf) =	vpush v1, $0x9  }
0x41: {  	s12 =	sshrl.u32 s12, $0x3;
	s20 =	spop (v2sf);
	(v2sf) =	vpush v0, $0x9  }
0x42: {  	s14 =	sadd.s32 $0x3880, s10;
	s12 =	sadd.s32 s5, s12  }
0x43: {  	[tilespmem:s14], [sflag:$0x3] =	stream.linear.gather [hbm4b:s12+s3], $0x80, $0x38;
	[tilespmem:$0x1C600] =	vst v63  }
0x44: {  	s12 =	sor.u32 s20, s16;
	s16 =	spop (v2sf);
	(v2sf) =	vpush v1, $0xA  }
0x45: {  	s12 =	sshrl.u32 s12, $0x3;
	s20 =	spop (v2sf);
	(v2sf) =	vpush v0, $0xA  }
0x46: {  	s14 =	sadd.s32 $0x3900, s10;
	s12 =	sadd.s32 s5, s12  }
0x47: {  	[tilespmem:s14], [sflag:$0x3] =	stream.linear.gather [hbm4b:s12+s3], $0x80, $0x38;
	[tilespmem:$0x1C600] =	vst v63  }
0x48: {  	s12 =	sor.u32 s20, s16;
	s16 =	spop (v2sf);
	(v2sf) =	vpush v1, $0xB  }
0x49: {  	s20 =	spop (v2sf);
	(v2sf) =	vpush v0, $0xB;
	_ =	sdelay $0x2  }
0x4a: {  	s12 =	sshrl.u32 s12, $0x3  }
0x4b: {  	s14 =	sadd.s32 $0x3980, s10;
	s12 =	sadd.s32 s5, s12  }
0x4c: {  	[tilespmem:s14], [sflag:$0x3] =	stream.linear.gather [hbm4b:s12+s3], $0x80, $0x38;
	[tilespmem:$0x1C600] =	vst v63  }
0x4d: {  	s12 =	sor.u32 s20, s16;
	s16 =	spop (v2sf);
	(v2sf) =	vpush v1, $0xC  }
0x4e: {  	s12 =	sshrl.u32 s12, $0x3;
	s20 =	spop (v2sf);
	(v2sf) =	vpush v0, $0xC  }
0x4f: {  	s14 =	sadd.s32 $0x3A00, s10;
	s12 =	sadd.s32 s5, s12  }
0x50: {  	[tilespmem:s14], [sflag:$0x3] =	stream.linear.gather [hbm4b:s12+s3], $0x80, $0x38;
	[tilespmem:$0x1C600] =	vst v63  }
0x51: {  	s12 =	sor.u32 s20, s16;
	s16 =	spop (v2sf);
	(v2sf) =	vpush v1, $0xD  }
0x52: {  	s12 =	sshrl.u32 s12, $0x3;
	s20 =	spop (v2sf);
	(v2sf) =	vpush v0, $0xD  }
0x53: {  	s14 =	sadd.s32 $0x3A80, s10;
	s12 =	sadd.s32 s5, s12  }
0x54: {  	[tilespmem:s14], [sflag:$0x3] =	stream.linear.gather [hbm4b:s12+s3], $0x80, $0x38;
	[tilespmem:$0x1C600] =	vst v63  }
0x55: {  	s12 =	sor.u32 s20, s16;
	s16 =	spop (v2sf);
	(v2sf) =	vpush v1, $0xE  }
0x56: {  	s20 =	spop (v2sf);
	(v2sf) =	vpush v0, $0xE;
	_ =	sdelay $0x1  }
0x57: {  	s12 =	sshrl.u32 s12, $0x3  }
0x58: {  	s14 =	sadd.s32 $0x3B00, s10;
	s12 =	sadd.s32 s5, s12  }
0x59: {  	[tilespmem:s14], [sflag:$0x3] =	stream.linear.gather [hbm4b:s12+s3], $0x80, $0x38;
	[tilespmem:$0x1C600] =	vst v63  }
0x5a: {  	s12 =	sor.u32 s20, s16  }
0x5b: {  	s12 =	sshrl.u32 s12, $0x3;
	s16 =	spop (v2sf);
	(v2sf) =	vpush v1, $0xF  }
0x5c: {  	s14 =	sadd.s32 $0x3B80, s10;
	s12 =	sadd.s32 s5, s12;
	s20 =	spop (v2sf);
	(v2sf) =	vpush v0, $0xF  }
0x5d: {  	[tilespmem:s14], [sflag:$0x3] =	stream.linear.gather [hbm4b:s12+s3], $0x80, $0x38;
	[tilespmem:$0x1C600] =	vst v63  }
0x5e: {  	s12 =	sor.u32 s20, s16  }
0x5f: {  	s16 =	spop (v2sf);
	s12 =	sshrl.u32 s12, $0x3  }
0x60: {  	s14 =	sadd.s32 $0x3C00, s10;
	s20 =	spop (v2sf);
	s12 =	sadd.s32 s5, s12  }
0x61: {  	[tilespmem:s14], [sflag:$0x3] =	stream.linear.gather [hbm4b:s12+s3], $0x80, $0x38;
	[tilespmem:$0x1C600] =	vst v63  }
0x62: {  	s12 =	sor.u32 s20, s16  }
0x63: {  	s16 =	spop (v2sf);
	s12 =	sshrl.u32 s12, $0x3  }
0x64: {  	s14 =	sadd.s32 $0x3C80, s10;
	s20 =	spop (v2sf);
	s12 =	sadd.s32 s5, s12  }
0x65: {  	[tilespmem:s14], [sflag:$0x3] =	stream.linear.gather [hbm4b:s12+s3], $0x80, $0x38;
	[tilespmem:$0x1C600] =	vst v63  }
0x66: {  	s12 =	sor.u32 s20, s16  }
0x67: {  	s12 =	sshrl.u32 s12, $0x3  }
0x68: {  	s14 =	sadd.s32 $0x3D00, s10;
	s12 =	sadd.s32 s5, s12  }
0x69: {  	[tilespmem:s14], [sflag:$0x3] =	stream.linear.gather [hbm4b:s12+s3], $0x80, $0x38;
	[tilespmem:$0x1C600] =	vst v63  }
0x6a: {  	p0 =	sne.s32 s6, $0x30000;
	s16 =	spop (v2sf)  }
.Ltmp0:
0x6b: {  	s20 =	spop (v2sf);
	(pc) =	sbr.rel @p0 .LBB2_2-.Ltmp0, $4  }
0x6c: {  	s12 =	sor.u32 s20, s16  }
0x6d: {  	s1 =	sadd.s32 $0x10, s1;
	s12 =	sshrl.u32 s12, $0x3  }
0x6e: {  	s6 =	sadd.s32 $0x2000, s6;
	s10 =	sadd.s32 $0x3D80, s10;
	s12 =	sadd.s32 s5, s12  }
0x6f: {  	[tilespmem:s10], [sflag:$0x3] =	stream.linear.gather [hbm4b:s12+s3], $0x80, $0x38;
	[tilespmem:$0x1C600] =	vst v63  }
0x70: {  	s1 =	simm.s32 $0x0;
	s6 =	rddreg [dreg:$0x5]  }
0x71: {  	[tilespmem:s1], [sflag:$0x1] =	stream.linear.gather [hbm4b:s6+s1], $0x190, $0x38;
	[tilespmem:$0x1C600] =	vst v63  }
0x72: {  	_ =	swait.ge [sflag:s24], $0x190  }
0x73: {  	[sflag:s24] =	ssyncset.done $0x0  }
0x74: {  	s6 =	simm.s32 $0x200;
	[sflag:s24] =	ssyncadd.s32 $0xFFFFFE70  }
.LBB2_4:
0x75: {  	v0 =	vld [tilespmem:s6+$0x0];
	_ =	sdelay $0x4  }
0x76: {  	v1 =	vshrl.u32 v0, $0x3  }
0x77: {  	v0 =	vand.u32 $0x7, v0;
	v1 =	vshll.u32 v1, $0xA  }
0x78: {  	v0 =	vshll.u32 v0, $0x7;
	(v2sf) =	vpush v1, $0x0  }
0x79: {  	(v2sf) =	vpush v0, $0x0;
	_ =	sdelay $0x2  }
0x7a: {  	(v2sf) =	vpush v1, $0x1  }
0x7b: {  	(v2sf) =	vpush v0, $0x1;
	_ =	sdelay $0x2  }
0x7c: {  	(v2sf) =	vpush v1, $0x2  }
0x7d: {  	(v2sf) =	vpush v0, $0x2;
	_ =	sdelay $0x5  }
0x7e: {  	s10 =	spop (v2sf);
	(v2sf) =	vpush v1, $0x3  }
0x7f: {  	s12 =	spop (v2sf);
	(v2sf) =	vpush v0, $0x3;
	_ =	sdelay $0x2  }
0x80: {  	s12 =	sor.u32 s12, s10;
	s16 =	spop (v2sf);
	(v2sf) =	vpush v1, $0x4  }
0x81: {  	s10 =	sshra.s32 s1, $0x2;
	s12 =	sshrl.u32 s12, $0x3;
	s20 =	spop (v2sf);
	(v2sf) =	vpush v0, $0x4  }
0x82: {  	s13 =	sadd.s32 $0xFE00, s10;
	s12 =	sadd.s32 s5, s12  }
0x83: {  	[tilespmem:s13], [sflag:$0x4] =	stream.linear.gather [hbm4b:s12+s3], $0x80, $0x38;
	[tilespmem:$0x1C600] =	vst v63  }
0x84: {  	s12 =	sor.u32 s20, s16;
	s16 =	spop (v2sf);
	(v2sf) =	vpush v1, $0x5  }
0x85: {  	s20 =	spop (v2sf);
	(v2sf) =	vpush v0, $0x5;
	_ =	sdelay $0x2  }
0x86: {  	s12 =	sshrl.u32 s12, $0x3  }
0x87: {  	s14 =	sadd.s32 $0xFE80, s10;
	s12 =	sadd.s32 s5, s12  }
0x88: {  	[tilespmem:s14], [sflag:$0x4] =	stream.linear.gather [hbm4b:s12+s3], $0x80, $0x38;
	[tilespmem:$0x1C600] =	vst v63  }
0x89: {  	s12 =	sor.u32 s20, s16;
	s16 =	spop (v2sf);
	(v2sf) =	vpush v1, $0x6  }
0x8a: {  	s12 =	sshrl.u32 s12, $0x3;
	s20 =	spop (v2sf);
	(v2sf) =	vpush v0, $0x6  }
0x8b: {  	s14 =	sadd.s32 $0xFF00, s10;
	s12 =	sadd.s32 s5, s12  }
0x8c: {  	[tilespmem:s14], [sflag:$0x4] =	stream.linear.gather [hbm4b:s12+s3], $0x80, $0x38;
	[tilespmem:$0x1C600] =	vst v63  }
0x8d: {  	s12 =	sor.u32 s20, s16;
	s16 =	spop (v2sf);
	(v2sf) =	vpush v1, $0x7  }
0x8e: {  	s12 =	sshrl.u32 s12, $0x3;
	s20 =	spop (v2sf);
	(v2sf) =	vpush v0, $0x7  }
0x8f: {  	s14 =	sadd.s32 $0xFF80, s10;
	s12 =	sadd.s32 s5, s12  }
0x90: {  	[tilespmem:s14], [sflag:$0x4] =	stream.linear.gather [hbm4b:s12+s3], $0x80, $0x38;
	[tilespmem:$0x1C600] =	vst v63  }
0x91: {  	s12 =	sor.u32 s20, s16;
	s16 =	spop (v2sf);
	(v2sf) =	vpush v1, $0x8  }
0x92: {  	s20 =	spop (v2sf);
	(v2sf) =	vpush v0, $0x8;
	_ =	sdelay $0x2  }
0x93: {  	s12 =	sshrl.u32 s12, $0x3  }
0x94: {  	s14 =	sadd.s32 $0x10000, s10;
	s12 =	sadd.s32 s5, s12  }
0x95: {  	[tilespmem:s14], [sflag:$0x4] =	stream.linear.gather [hbm4b:s12+s3], $0x80, $0x38;
	[tilespmem:$0x1C600] =	vst v63  }
0x96: {  	s12 =	sor.u32 s20, s16;
	s16 =	spop (v2sf);
	(v2sf) =	vpush v1, $0x9  }
0x97: {  	s12 =	sshrl.u32 s12, $0x3;
	s20 =	spop (v2sf);
	(v2sf) =	vpush v0, $0x9  }
0x98: {  	s14 =	sadd.s32 $0x10080, s10;
	s12 =	sadd.s32 s5, s12  }
0x99: {  	[tilespmem:s14], [sflag:$0x4] =	stream.linear.gather [hbm4b:s12+s3], $0x80, $0x38;
	[tilespmem:$0x1C600] =	vst v63  }
0x9a: {  	s12 =	sor.u32 s20, s16;
	s16 =	spop (v2sf);
	(v2sf) =	vpush v1, $0xA  }
0x9b: {  	s12 =	sshrl.u32 s12, $0x3;
	s20 =	spop (v2sf);
	(v2sf) =	vpush v0, $0xA  }
0x9c: {  	s14 =	sadd.s32 $0x10100, s10;
	s12 =	sadd.s32 s5, s12  }
0x9d: {  	[tilespmem:s14], [sflag:$0x4] =	stream.linear.gather [hbm4b:s12+s3], $0x80, $0x38;
	[tilespmem:$0x1C600] =	vst v63  }
0x9e: {  	s12 =	sor.u32 s20, s16;
	s16 =	spop (v2sf);
	(v2sf) =	vpush v1, $0xB  }
0x9f: {  	s20 =	spop (v2sf);
	(v2sf) =	vpush v0, $0xB;
	_ =	sdelay $0x2  }
0xa0: {  	s12 =	sshrl.u32 s12, $0x3  }
0xa1: {  	s14 =	sadd.s32 $0x10180, s10;
	s12 =	sadd.s32 s5, s12  }
0xa2: {  	[tilespmem:s14], [sflag:$0x4] =	stream.linear.gather [hbm4b:s12+s3], $0x80, $0x38;
	[tilespmem:$0x1C600] =	vst v63  }
0xa3: {  	s12 =	sor.u32 s20, s16;
	s16 =	spop (v2sf);
	(v2sf) =	vpush v1, $0xC  }
0xa4: {  	s12 =	sshrl.u32 s12, $0x3;
	s20 =	spop (v2sf);
	(v2sf) =	vpush v0, $0xC  }
0xa5: {  	s14 =	sadd.s32 $0x10200, s10;
	s12 =	sadd.s32 s5, s12  }
0xa6: {  	[tilespmem:s14], [sflag:$0x4] =	stream.linear.gather [hbm4b:s12+s3], $0x80, $0x38;
	[tilespmem:$0x1C600] =	vst v63  }
0xa7: {  	s12 =	sor.u32 s20, s16;
	s16 =	spop (v2sf);
	(v2sf) =	vpush v1, $0xD  }
0xa8: {  	s12 =	sshrl.u32 s12, $0x3;
	s20 =	spop (v2sf);
	(v2sf) =	vpush v0, $0xD  }
0xa9: {  	s14 =	sadd.s32 $0x10280, s10;
	s12 =	sadd.s32 s5, s12  }
0xaa: {  	[tilespmem:s14], [sflag:$0x4] =	stream.linear.gather [hbm4b:s12+s3], $0x80, $0x38;
	[tilespmem:$0x1C600] =	vst v63  }
0xab: {  	s12 =	sor.u32 s20, s16;
	s16 =	spop (v2sf);
	(v2sf) =	vpush v1, $0xE  }
0xac: {  	s20 =	spop (v2sf);
	(v2sf) =	vpush v0, $0xE;
	_ =	sdelay $0x1  }
0xad: {  	s12 =	sshrl.u32 s12, $0x3  }
0xae: {  	s14 =	sadd.s32 $0x10300, s10;
	s12 =	sadd.s32 s5, s12  }
0xaf: {  	[tilespmem:s14], [sflag:$0x4] =	stream.linear.gather [hbm4b:s12+s3], $0x80, $0x38;
	[tilespmem:$0x1C600] =	vst v63  }
0xb0: {  	s12 =	sor.u32 s20, s16  }
0xb1: {  	s12 =	sshrl.u32 s12, $0x3;
	s16 =	spop (v2sf);
	(v2sf) =	vpush v1, $0xF  }
0xb2: {  	s14 =	sadd.s32 $0x10380, s10;
	s12 =	sadd.s32 s5, s12;
	s20 =	spop (v2sf);
	(v2sf) =	vpush v0, $0xF  }
0xb3: {  	[tilespmem:s14], [sflag:$0x4] =	stream.linear.gather [hbm4b:s12+s3], $0x80, $0x38;
	[tilespmem:$0x1C600] =	vst v63  }
0xb4: {  	s12 =	sor.u32 s20, s16  }
0xb5: {  	s16 =	spop (v2sf);
	s12 =	sshrl.u32 s12, $0x3  }
0xb6: {  	s14 =	sadd.s32 $0x10400, s10;
	s20 =	spop (v2sf);
	s12 =	sadd.s32 s5, s12  }
0xb7: {  	[tilespmem:s14], [sflag:$0x4] =	stream.linear.gather [hbm4b:s12+s3], $0x80, $0x38;
	[tilespmem:$0x1C600] =	vst v63  }
0xb8: {  	s12 =	sor.u32 s20, s16  }
0xb9: {  	s16 =	spop (v2sf);
	s12 =	sshrl.u32 s12, $0x3  }
0xba: {  	s14 =	sadd.s32 $0x10480, s10;
	s20 =	spop (v2sf);
	s12 =	sadd.s32 s5, s12  }
0xbb: {  	[tilespmem:s14], [sflag:$0x4] =	stream.linear.gather [hbm4b:s12+s3], $0x80, $0x38;
	[tilespmem:$0x1C600] =	vst v63  }
0xbc: {  	s12 =	sor.u32 s20, s16  }
0xbd: {  	s12 =	sshrl.u32 s12, $0x3  }
0xbe: {  	s14 =	sadd.s32 $0x10500, s10;
	s12 =	sadd.s32 s5, s12  }
0xbf: {  	[tilespmem:s14], [sflag:$0x4] =	stream.linear.gather [hbm4b:s12+s3], $0x80, $0x38;
	[tilespmem:$0x1C600] =	vst v63  }
0xc0: {  	p0 =	sne.s32 s1, $0x30000;
	s16 =	spop (v2sf)  }
.Ltmp1:
0xc1: {  	s20 =	spop (v2sf);
	(pc) =	sbr.rel @p0 .LBB2_4-.Ltmp1, $4  }
0xc2: {  	s12 =	sor.u32 s20, s16  }
0xc3: {  	s6 =	sadd.s32 $0x10, s6;
	s12 =	sshrl.u32 s12, $0x3  }
0xc4: {  	s1 =	sadd.s32 $0x2000, s1;
	s10 =	sadd.s32 $0x10580, s10;
	s12 =	sadd.s32 s5, s12  }
0xc5: {  	[tilespmem:s10], [sflag:$0x4] =	stream.linear.gather [hbm4b:s12+s3], $0x80, $0x38;
	[tilespmem:$0x1C600] =	vst v63  }
0xc6: {  	s1 =	simm.s32 $0x0;
	s6 =	rddreg [dreg:$0x6]  }
0xc7: {  	[tilespmem:s22], [sflag:$0x2] =	stream.linear.gather [hbm4b:s6+s1], $0x190, $0x38;
	[tilespmem:$0x1C600] =	vst v63  }
0xc8: {  	_ =	swait.ge [sflag:s25], $0xC800  }
0xc9: {  	[sflag:s25] =	ssyncset.done $0x0  }
0xca: {  	s6 =	sand.u32 $0x7F80, s1;
	[sflag:s25] =	ssyncadd.s32 $0xFFFF3800  }
0xcb: {  	v0 =	vld [tilespmem:s6+$0x3600]  }
0xcc: {  	s1 =	simm.s32 $0x420  }
0xcd: {  	v1 =	vld [tilespmem:s1+$0xFFFFFFE0];
	_ =	sdelay $0x2  }
0xce: {  	v0 =	vmul.f32 $1.250000000e-01, v0;
	_ =	sdelay $0x1  }
0xcf: {  	v0 =	vadd.f32 v0, v1  }
0xd0: {  	v1 =	vld [tilespmem:s6+$0x3610]  }
0xd1: {  	[tilespmem:s6+$0x3600] =	vst v0  }
0xd2: {  	v0 =	vld [tilespmem:s1+$0xFFFFFFF0];
	_ =	sdelay $0x2  }
0xd3: {  	v1 =	vmul.f32 $1.250000000e-01, v1;
	_ =	sdelay $0x1  }
0xd4: {  	v0 =	vadd.f32 v1, v0  }
0xd5: {  	v1 =	vld [tilespmem:s6+$0x3620]  }
0xd6: {  	[tilespmem:s6+$0x3610] =	vst v0  }
0xd7: {  	v0 =	vld [tilespmem:s1+$0x0];
	_ =	sdelay $0x2  }
0xd8: {  	v1 =	vmul.f32 $1.250000000e-01, v1;
	_ =	sdelay $0x1  }
0xd9: {  	v0 =	vadd.f32 v1, v0  }
0xda: {  	v1 =	vld [tilespmem:s6+$0x3630]  }
0xdb: {  	[tilespmem:s6+$0x3620] =	vst v0  }
0xdc: {  	v0 =	vld [tilespmem:s1+$0x10];
	_ =	sdelay $0x2  }
0xdd: {  	v1 =	vmul.f32 $1.250000000e-01, v1;
	_ =	sdelay $0x1  }
0xde: {  	v0 =	vadd.f32 v1, v0  }
0xdf: {  	v1 =	vld [tilespmem:s6+$0x9A00]  }
0xe0: {  	[tilespmem:s6+$0x3630] =	vst v0  }
0xe1: {  	v0 =	vld [tilespmem:s1+$0xFFFFFFE0];
	_ =	sdelay $0x2  }
0xe2: {  	v1 =	vmul.f32 $1.250000000e-01, v1;
	_ =	sdelay $0x1  }
0xe3: {  	v0 =	vadd.f32 v1, v0  }
0xe4: {  	v1 =	vld [tilespmem:s6+$0x9A10]  }
0xe5: {  	[tilespmem:s6+$0x9A00] =	vst v0  }
0xe6: {  	v0 =	vld [tilespmem:s1+$0xFFFFFFF0];
	_ =	sdelay $0x2  }
0xe7: {  	v1 =	vmul.f32 $1.250000000e-01, v1;
	_ =	sdelay $0x1  }
0xe8: {  	v0 =	vadd.f32 v1, v0  }
0xe9: {  	v1 =	vld [tilespmem:s6+$0x9A20]  }
0xea: {  	[tilespmem:s6+$0x9A10] =	vst v0  }
0xeb: {  	v0 =	vld [tilespmem:s1+$0x0];
	_ =	sdelay $0x2  }
0xec: {  	v1 =	vmul.f32 $1.250000000e-01, v1;
	_ =	sdelay $0x1  }
0xed: {  	v0 =	vadd.f32 v1, v0  }
0xee: {  	v1 =	vld [tilespmem:s6+$0x9A30]  }
0xef: {  	[tilespmem:s6+$0x9A20] =	vst v0  }
0xf0: {  	v0 =	vld [tilespmem:s1+$0x10];
	_ =	sdelay $0x2  }
0xf1: {  	v1 =	vmul.f32 $1.250000000e-01, v1  }
0xf2: {  	s10 =	simm.s32 $0x80  }
0xf3: {  	s12 =	sand.u32 $0x7F80, s10;
	s10 =	simm.s32 $0x100;
	v0 =	vadd.f32 v1, v0  }
.LBB2_6:
0xf4: {  	p0 =	sne.s32 s10, $0x6380;
	v1 =	vld [tilespmem:s12+$0x3600]  }
0xf5: {  	s1 =	sadd.s32 $0x40, s1;
	[tilespmem:s6+$0x9A30] =	vst v0;
	s6 =	smov.u32 s12  }
0xf6: {  	v0 =	vld [tilespmem:s1+$0xFFFFFFE0];
	_ =	sdelay $0x2  }
0xf7: {  	v1 =	vmul.f32 $1.250000000e-01, v1;
	_ =	sdelay $0x1  }
0xf8: {  	v0 =	vadd.f32 v1, v0  }
0xf9: {  	v1 =	vld [tilespmem:s6+$0x3610]  }
0xfa: {  	[tilespmem:s6+$0x3600] =	vst v0  }
0xfb: {  	v0 =	vld [tilespmem:s1+$0xFFFFFFF0];
	_ =	sdelay $0x2  }
0xfc: {  	v1 =	vmul.f32 $1.250000000e-01, v1;
	_ =	sdelay $0x1  }
0xfd: {  	v0 =	vadd.f32 v1, v0  }
0xfe: {  	v1 =	vld [tilespmem:s6+$0x3620]  }
0xff: {  	[tilespmem:s6+$0x3610] =	vst v0  }
0x100: {  	v0 =	vld [tilespmem:s1+$0x0];
	_ =	sdelay $0x2  }
0x101: {  	v1 =	vmul.f32 $1.250000000e-01, v1;
	_ =	sdelay $0x1  }
0x102: {  	v0 =	vadd.f32 v1, v0  }
0x103: {  	v1 =	vld [tilespmem:s6+$0x3630]  }
0x104: {  	[tilespmem:s6+$0x3620] =	vst v0  }
0x105: {  	v0 =	vld [tilespmem:s1+$0x10];
	_ =	sdelay $0x2  }
0x106: {  	v1 =	vmul.f32 $1.250000000e-01, v1;
	_ =	sdelay $0x1  }
0x107: {  	v0 =	vadd.f32 v1, v0  }
0x108: {  	v1 =	vld [tilespmem:s6+$0x9A00]  }
0x109: {  	[tilespmem:s6+$0x3630] =	vst v0  }
0x10a: {  	v0 =	vld [tilespmem:s1+$0xFFFFFFE0];
	_ =	sdelay $0x2  }
0x10b: {  	v1 =	vmul.f32 $1.250000000e-01, v1;
	_ =	sdelay $0x1  }
0x10c: {  	v0 =	vadd.f32 v1, v0  }
0x10d: {  	v1 =	vld [tilespmem:s6+$0x9A10]  }
0x10e: {  	[tilespmem:s6+$0x9A00] =	vst v0  }
0x10f: {  	v0 =	vld [tilespmem:s1+$0xFFFFFFF0];
	_ =	sdelay $0x2  }
0x110: {  	v1 =	vmul.f32 $1.250000000e-01, v1;
	_ =	sdelay $0x1  }
0x111: {  	v0 =	vadd.f32 v1, v0  }
0x112: {  	v1 =	vld [tilespmem:s6+$0x9A20]  }
0x113: {  	[tilespmem:s6+$0x9A10] =	vst v0  }
0x114: {  	v0 =	vld [tilespmem:s1+$0x0];
	_ =	sdelay $0x2  }
0x115: {  	v1 =	vmul.f32 $1.250000000e-01, v1;
	_ =	sdelay $0x1  }
0x116: {  	v0 =	vadd.f32 v1, v0  }
0x117: {  	v1 =	vld [tilespmem:s6+$0x9A30]  }
0x118: {  	[tilespmem:s6+$0x9A20] =	vst v0  }
0x119: {  	v0 =	vld [tilespmem:s1+$0x10]  }
.Ltmp2:
0x11a: {  	(pc) =	sbr.rel @p0 .LBB2_6-.Ltmp2, $3  }
0x11b: {  	_ = 	snop  }
0x11c: {  	v1 =	vmul.f32 $1.250000000e-01, v1;
	_ =	sdelay $0x1  }
0x11d: {  	s12 =	sand.u32 $0x7F80, s10;
	s10 =	sadd.s32 $0x80, s10;
	v0 =	vadd.f32 v1, v0  }
0x11e: {  	v1 =	vld [tilespmem:s12+$0x3600]  }
0x11f: {  	s1 =	sadd.s32 $0x40, s1;
	[tilespmem:s6+$0x9A30] =	vst v0  }
0x120: {  	v0 =	vld [tilespmem:s1+$0xFFFFFFE0];
	_ =	sdelay $0x2  }
0x121: {  	v1 =	vmul.f32 $1.250000000e-01, v1;
	_ =	sdelay $0x1  }
0x122: {  	v0 =	vadd.f32 v1, v0  }
0x123: {  	v57 =	vld [tilespmem:s12+$0x3610]  }
0x124: {  	[tilespmem:s12+$0x3600] =	vst v0  }
0x125: {  	v0 =	vld [tilespmem:s1+$0xFFFFFFF0];
	_ =	sdelay $0x2  }
0x126: {  	v1 =	vmul.f32 $1.250000000e-01, v57;
	_ =	sdelay $0x1  }
0x127: {  	v0 =	vadd.f32 v1, v0  }
0x128: {  	v58 =	vld [tilespmem:s12+$0x3620]  }
0x129: {  	[tilespmem:s12+$0x3610] =	vst v0  }
0x12a: {  	v0 =	vld [tilespmem:s1+$0x0];
	_ =	sdelay $0x2  }
0x12b: {  	v1 =	vmul.f32 $1.250000000e-01, v58;
	_ =	sdelay $0x1  }
0x12c: {  	v0 =	vadd.f32 v1, v0  }
0x12d: {  	v59 =	vld [tilespmem:s12+$0x3630]  }
0x12e: {  	[tilespmem:s12+$0x3620] =	vst v0  }
0x12f: {  	v0 =	vld [tilespmem:s1+$0x10];
	_ =	sdelay $0x2  }
0x130: {  	v1 =	vmul.f32 $1.250000000e-01, v59;
	_ =	sdelay $0x1  }
0x131: {  	v0 =	vadd.f32 v1, v0  }
0x132: {  	v60 =	vld [tilespmem:s12+$0x9A00]  }
0x133: {  	[tilespmem:s12+$0x3630] =	vst v0  }
0x134: {  	v0 =	vld [tilespmem:s1+$0xFFFFFFE0];
	_ =	sdelay $0x2  }
0x135: {  	v1 =	vmul.f32 $1.250000000e-01, v60;
	_ =	sdelay $0x1  }
0x136: {  	v0 =	vadd.f32 v1, v0  }
0x137: {  	v61 =	vld [tilespmem:s12+$0x9A10]  }
0x138: {  	[tilespmem:s12+$0x9A00] =	vst v0  }
0x139: {  	v0 =	vld [tilespmem:s1+$0xFFFFFFF0];
	_ =	sdelay $0x2  }
0x13a: {  	v1 =	vmul.f32 $1.250000000e-01, v61;
	_ =	sdelay $0x1  }
0x13b: {  	v0 =	vadd.f32 v1, v0  }
0x13c: {  	v62 =	vld [tilespmem:s12+$0x9A20]  }
0x13d: {  	[tilespmem:s12+$0x9A10] =	vst v0  }
0x13e: {  	v0 =	vld [tilespmem:s1+$0x0];
	_ =	sdelay $0x2  }
0x13f: {  	v1 =	vmul.f32 $1.250000000e-01, v62;
	_ =	sdelay $0x1  }
0x140: {  	v0 =	vadd.f32 v1, v0  }
0x141: {  	v63 =	vld [tilespmem:s12+$0x9A30]  }
0x142: {  	[tilespmem:s12+$0x9A20] =	vst v0  }
0x143: {  	v0 =	vld [tilespmem:s1+$0x10];
	_ =	sdelay $0x2  }
0x144: {  	v1 =	vmul.f32 $1.250000000e-01, v63;
	_ =	sdelay $0x1  }
0x145: {  	v0 =	vadd.f32 v1, v0;
	_ =	sdelay $0x1  }
0x146: {  	s20 =	rddreg [dreg:$0x7];
	s1 =	simm.s32 $0x1;
	[tilespmem:s12+$0x9A30] =	vst v0  }
0x147: {  	[hbm4b:s20+s3] =	stream.linear.scatter [tilespmem:s26], [sflag:$0x5], $0xC800, $0x38;
	[tilespmem:$0x1C600] =	vst v63  }
.LBB2_8:
0x148: {  	_ =	swait.ge [sflag:s28], $0xC800  }
0x149: {  	[sflag:s28] =	ssyncset.done $0x0  }
0x14a: {  	[sflag:s28] =	ssyncadd.s32 $0xFFFF3800  }
0x14b: {  	_ =	swait.ge [sflag:s23], $0x190  }
0x14c: {  	[sflag:s23] =	ssyncset.done $0x0  }
0x14d: {  	s6 =	simm.s32 $0x0;
	s20 =	simm.s32 $0x0;
	[sflag:s23] =	ssyncadd.s32 $0xFFFFFE70  }
.LBB2_9:
0x14e: {  	v0 =	vld [tilespmem:s6+$0x0];
	_ =	sdelay $0x4  }
0x14f: {  	v1 =	vshrl.u32 v0, $0x3  }
0x150: {  	v0 =	vand.u32 $0x7, v0;
	v1 =	vshll.u32 v1, $0xA  }
0x151: {  	v0 =	vshll.u32 v0, $0x7;
	(v2sf) =	vpush v1, $0x0  }
0x152: {  	(v2sf) =	vpush v0, $0x0;
	_ =	sdelay $0x4  }
0x153: {  	(v2sf) =	vpush v1, $0x1  }
0x154: {  	(v2sf) =	vpush v0, $0x1;
	_ =	sdelay $0x1  }
0x155: {  	(v2sf) =	vpush v1, $0x2  }
0x156: {  	(v2sf) =	vpush v0, $0x2;
	_ =	sdelay $0x4  }
0x157: {  	s10 =	spop (v2sf)  }
0x158: {  	(v2sf) =	vpush v1, $0x3;
	s12 =	spop (v2sf)  }
0x159: {  	(v2sf) =	vpush v0, $0x3;
	s12 =	sor.u32 s12, s10  }
0x15a: {  	s10 =	sshra.s32 s20, $0x2;
	s12 =	sshrl.u32 s12, $0x3  }
0x15b: {  	s13 =	sadd.s32 $0x3600, s10;
	s12 =	sadd.s32 s5, s12  }
0x15c: {  	[tilespmem:s13], [sflag:$0x3] =	stream.linear.gather [hbm4b:s12+s3], $0x80, $0x38;
	[tilespmem:$0x1C600] =	vst v63  }
0x15d: {  	s13 =	spop (v2sf)  }
0x15e: {  	(v2sf) =	vpush v1, $0x4;
	s14 =	spop (v2sf)  }
0x15f: {  	(v2sf) =	vpush v0, $0x4;
	s12 =	sor.u32 s14, s13  }
0x160: {  	s13 =	spop (v2sf);
	s12 =	sshrl.u32 s12, $0x3  }
0x161: {  	s16 =	sadd.s32 $0x3680, s10;
	(v2sf) =	vpush v1, $0x5;
	s14 =	spop (v2sf);
	s12 =	sadd.s32 s5, s12  }
0x162: {  	(v2sf) =	vpush v0, $0x5;
	[tilespmem:s16], [sflag:$0x3] =	stream.linear.gather [hbm4b:s12+s3], $0x80, $0x38;
	[tilespmem:$0x1C600] =	vst v63  }
0x163: {  	s12 =	sor.u32 s14, s13  }
0x164: {  	s12 =	sshrl.u32 s12, $0x3  }
0x165: {  	s16 =	sadd.s32 $0x3700, s10;
	s12 =	sadd.s32 s5, s12  }
0x166: {  	[tilespmem:s16], [sflag:$0x3] =	stream.linear.gather [hbm4b:s12+s3], $0x80, $0x38;
	[tilespmem:$0x1C600] =	vst v63  }
0x167: {  	s13 =	spop (v2sf)  }
0x168: {  	(v2sf) =	vpush v1, $0x6;
	s14 =	spop (v2sf)  }
0x169: {  	(v2sf) =	vpush v0, $0x6;
	s12 =	sor.u32 s14, s13  }
0x16a: {  	s12 =	sshrl.u32 s12, $0x3  }
0x16b: {  	s16 =	sadd.s32 $0x3780, s10;
	s12 =	sadd.s32 s5, s12  }
0x16c: {  	[tilespmem:s16], [sflag:$0x3] =	stream.linear.gather [hbm4b:s12+s3], $0x80, $0x38;
	[tilespmem:$0x1C600] =	vst v63  }
0x16d: {  	s13 =	spop (v2sf)  }
0x16e: {  	(v2sf) =	vpush v1, $0x7;
	s14 =	spop (v2sf)  }
0x16f: {  	(v2sf) =	vpush v0, $0x7;
	s12 =	sor.u32 s14, s13  }
0x170: {  	s13 =	spop (v2sf);
	s12 =	sshrl.u32 s12, $0x3  }
0x171: {  	s16 =	sadd.s32 $0x3800, s10;
	(v2sf) =	vpush v1, $0x8;
	s14 =	spop (v2sf);
	s12 =	sadd.s32 s5, s12  }
0x172: {  	(v2sf) =	vpush v0, $0x8;
	[tilespmem:s16], [sflag:$0x3] =	stream.linear.gather [hbm4b:s12+s3], $0x80, $0x38;
	[tilespmem:$0x1C600] =	vst v63  }
0x173: {  	s12 =	sor.u32 s14, s13  }
0x174: {  	s12 =	sshrl.u32 s12, $0x3  }
0x175: {  	s16 =	sadd.s32 $0x3880, s10;
	s12 =	sadd.s32 s5, s12  }
0x176: {  	[tilespmem:s16], [sflag:$0x3] =	stream.linear.gather [hbm4b:s12+s3], $0x80, $0x38;
	[tilespmem:$0x1C600] =	vst v63  }
0x177: {  	s13 =	spop (v2sf)  }
0x178: {  	(v2sf) =	vpush v1, $0x9;
	s14 =	spop (v2sf)  }
0x179: {  	(v2sf) =	vpush v0, $0x9;
	s12 =	sor.u32 s14, s13  }
0x17a: {  	s12 =	sshrl.u32 s12, $0x3  }
0x17b: {  	s16 =	sadd.s32 $0x3900, s10;
	s12 =	sadd.s32 s5, s12  }
0x17c: {  	[tilespmem:s16], [sflag:$0x3] =	stream.linear.gather [hbm4b:s12+s3], $0x80, $0x38;
	[tilespmem:$0x1C600] =	vst v63  }
0x17d: {  	s13 =	spop (v2sf)  }
0x17e: {  	(v2sf) =	vpush v1, $0xA;
	s14 =	spop (v2sf)  }
0x17f: {  	(v2sf) =	vpush v0, $0xA;
	s12 =	sor.u32 s14, s13  }
0x180: {  	s13 =	spop (v2sf);
	s12 =	sshrl.u32 s12, $0x3  }
0x181: {  	s16 =	sadd.s32 $0x3980, s10;
	(v2sf) =	vpush v1, $0xB;
	s14 =	spop (v2sf);
	s12 =	sadd.s32 s5, s12  }
0x182: {  	(v2sf) =	vpush v0, $0xB;
	[tilespmem:s16], [sflag:$0x3] =	stream.linear.gather [hbm4b:s12+s3], $0x80, $0x38;
	[tilespmem:$0x1C600] =	vst v63  }
0x183: {  	s12 =	sor.u32 s14, s13  }
0x184: {  	s12 =	sshrl.u32 s12, $0x3  }
0x185: {  	s16 =	sadd.s32 $0x3A00, s10;
	s12 =	sadd.s32 s5, s12  }
0x186: {  	[tilespmem:s16], [sflag:$0x3] =	stream.linear.gather [hbm4b:s12+s3], $0x80, $0x38;
	[tilespmem:$0x1C600] =	vst v63  }
0x187: {  	s13 =	spop (v2sf)  }
0x188: {  	(v2sf) =	vpush v1, $0xC;
	s14 =	spop (v2sf)  }
0x189: {  	(v2sf) =	vpush v0, $0xC;
	s12 =	sor.u32 s14, s13  }
0x18a: {  	s12 =	sshrl.u32 s12, $0x3  }
0x18b: {  	s16 =	sadd.s32 $0x3A80, s10;
	s12 =	sadd.s32 s5, s12  }
0x18c: {  	[tilespmem:s16], [sflag:$0x3] =	stream.linear.gather [hbm4b:s12+s3], $0x80, $0x38;
	[tilespmem:$0x1C600] =	vst v63  }
0x18d: {  	s13 =	spop (v2sf)  }
0x18e: {  	(v2sf) =	vpush v1, $0xD;
	s14 =	spop (v2sf)  }
0x18f: {  	(v2sf) =	vpush v0, $0xD;
	s12 =	sor.u32 s14, s13  }
0x190: {  	s13 =	spop (v2sf);
	s12 =	sshrl.u32 s12, $0x3  }
0x191: {  	s16 =	sadd.s32 $0x3B00, s10;
	(v2sf) =	vpush v1, $0xE;
	s14 =	spop (v2sf);
	s12 =	sadd.s32 s5, s12  }
0x192: {  	(v2sf) =	vpush v0, $0xE;
	[tilespmem:s16], [sflag:$0x3] =	stream.linear.gather [hbm4b:s12+s3], $0x80, $0x38;
	[tilespmem:$0x1C600] =	vst v63  }
0x193: {  	s12 =	sor.u32 s14, s13  }
0x194: {  	s12 =	sshrl.u32 s12, $0x3  }
0x195: {  	s16 =	sadd.s32 $0x3B80, s10;
	s12 =	sadd.s32 s5, s12  }
0x196: {  	[tilespmem:s16], [sflag:$0x3] =	stream.linear.gather [hbm4b:s12+s3], $0x80, $0x38;
	[tilespmem:$0x1C600] =	vst v63  }
0x197: {  	s13 =	spop (v2sf)  }
0x198: {  	(v2sf) =	vpush v1, $0xF;
	s14 =	spop (v2sf)  }
0x199: {  	(v2sf) =	vpush v0, $0xF;
	s12 =	sor.u32 s14, s13  }
0x19a: {  	s12 =	sshrl.u32 s12, $0x3  }
0x19b: {  	s16 =	sadd.s32 $0x3C00, s10;
	s12 =	sadd.s32 s5, s12  }
0x19c: {  	[tilespmem:s16], [sflag:$0x3] =	stream.linear.gather [hbm4b:s12+s3], $0x80, $0x38;
	[tilespmem:$0x1C600] =	vst v63  }
0x19d: {  	s13 =	spop (v2sf)  }
0x19e: {  	s14 =	spop (v2sf)  }
0x19f: {  	s12 =	sor.u32 s14, s13  }
0x1a0: {  	s13 =	spop (v2sf);
	s12 =	sshrl.u32 s12, $0x3  }
0x1a1: {  	s16 =	sadd.s32 $0x3C80, s10;
	s14 =	spop (v2sf);
	s12 =	sadd.s32 s5, s12  }
0x1a2: {  	[tilespmem:s16], [sflag:$0x3] =	stream.linear.gather [hbm4b:s12+s3], $0x80, $0x38;
	[tilespmem:$0x1C600] =	vst v63  }
0x1a3: {  	s12 =	sor.u32 s14, s13  }
0x1a4: {  	s12 =	sshrl.u32 s12, $0x3  }
0x1a5: {  	s16 =	sadd.s32 $0x3D00, s10;
	s12 =	sadd.s32 s5, s12  }
0x1a6: {  	[tilespmem:s16], [sflag:$0x3] =	stream.linear.gather [hbm4b:s12+s3], $0x80, $0x38;
	[tilespmem:$0x1C600] =	vst v63  }
0x1a7: {  	p0 =	sne.s32 s20, $0x30000;
	s14 =	spop (v2sf)  }
.Ltmp3:
0x1a8: {  	s16 =	spop (v2sf);
	(pc) =	sbr.rel @p0 .LBB2_9-.Ltmp3, $4  }
0x1a9: {  	s12 =	sor.u32 s16, s14  }
0x1aa: {  	s6 =	sadd.s32 $0x10, s6;
	s12 =	sshrl.u32 s12, $0x3  }
0x1ab: {  	s20 =	sadd.s32 $0x2000, s20;
	s10 =	sadd.s32 $0x3D80, s10;
	s12 =	sadd.s32 s5, s12  }
0x1ac: {  	[tilespmem:s10], [sflag:$0x3] =	stream.linear.gather [hbm4b:s12+s3], $0x80, $0x38;
	[tilespmem:$0x1C600] =	vst v63  }
0x1ad: {  	s20 =	smul.u32 $0x320, s1;
	_ =	sdelay $0x1  }
0x1ae: {  	s6 =	sadd.s32 s20, s9  }
0x1af: {  	s6 =	sshrl.u32 s6, $0x3  }
0x1b0: {  	s10 =	simm.s32 $0x0;
	s6 =	sadd.s32 s2, s6  }
0x1b1: {  	[tilespmem:s10], [sflag:$0x1] =	stream.linear.gather [hbm4b:s6+s10], $0x190, $0x38;
	[tilespmem:$0x1C600] =	vst v63  }
0x1b2: {  	_ =	swait.ge [sflag:s29], $0xC800  }
0x1b3: {  	[sflag:s29] =	ssyncset.done $0x0  }
0x1b4: {  	s10 =	sand.u32 $0x7F80, s10;
	[sflag:s29] =	ssyncadd.s32 $0xFFFF3800  }
0x1b5: {  	v0 =	vld [tilespmem:s10+$0xFE00]  }
0x1b6: {  	s6 =	simm.s32 $0x420  }
0x1b7: {  	v1 =	vld [tilespmem:s6+$0xFFFFFFE0];
	_ =	sdelay $0x2  }
0x1b8: {  	v0 =	vmul.f32 $1.250000000e-01, v0;
	_ =	sdelay $0x1  }
0x1b9: {  	v0 =	vadd.f32 v0, v1  }
0x1ba: {  	v1 =	vld [tilespmem:s10+$0xFE10]  }
0x1bb: {  	[tilespmem:s10+$0xFE00] =	vst v0  }
0x1bc: {  	v0 =	vld [tilespmem:s6+$0xFFFFFFF0];
	_ =	sdelay $0x2  }
0x1bd: {  	v1 =	vmul.f32 $1.250000000e-01, v1;
	_ =	sdelay $0x1  }
0x1be: {  	v0 =	vadd.f32 v1, v0  }
0x1bf: {  	v1 =	vld [tilespmem:s10+$0xFE20]  }
0x1c0: {  	[tilespmem:s10+$0xFE10] =	vst v0  }
0x1c1: {  	v0 =	vld [tilespmem:s6+$0x0];
	_ =	sdelay $0x2  }
0x1c2: {  	v1 =	vmul.f32 $1.250000000e-01, v1;
	_ =	sdelay $0x1  }
0x1c3: {  	v0 =	vadd.f32 v1, v0  }
0x1c4: {  	v1 =	vld [tilespmem:s10+$0xFE30]  }
0x1c5: {  	[tilespmem:s10+$0xFE20] =	vst v0  }
0x1c6: {  	v0 =	vld [tilespmem:s6+$0x10];
	_ =	sdelay $0x2  }
0x1c7: {  	v1 =	vmul.f32 $1.250000000e-01, v1;
	_ =	sdelay $0x1  }
0x1c8: {  	v0 =	vadd.f32 v1, v0  }
0x1c9: {  	v1 =	vld [tilespmem:s10+$0x16200]  }
0x1ca: {  	[tilespmem:s10+$0xFE30] =	vst v0  }
0x1cb: {  	v0 =	vld [tilespmem:s6+$0xFFFFFFE0];
	_ =	sdelay $0x2  }
0x1cc: {  	v1 =	vmul.f32 $1.250000000e-01, v1;
	_ =	sdelay $0x1  }
0x1cd: {  	v0 =	vadd.f32 v1, v0;
	_ =	sdelay $0x1  }
0x1ce: {  	s14 =	sadd.s32 $0x16200, s10;
	[tilespmem:s10+$0x16200] =	vst v0  }
0x1cf: {  	v0 =	vld [tilespmem:s14+$0x10];
	_ =	sdelay $0x1  }
0x1d0: {  	v1 =	vld [tilespmem:s6+$0xFFFFFFF0];
	_ =	sdelay $0x2  }
0x1d1: {  	v0 =	vmul.f32 $1.250000000e-01, v0;
	_ =	sdelay $0x1  }
0x1d2: {  	v0 =	vadd.f32 v0, v1  }
0x1d3: {  	v2 =	vld [tilespmem:s14+$0x20]  }
0x1d4: {  	[tilespmem:s14+$0x10] =	vst v0  }
0x1d5: {  	v0 =	vld [tilespmem:s6+$0x0];
	_ =	sdelay $0x2  }
0x1d6: {  	v2 =	vmul.f32 $1.250000000e-01, v2;
	_ =	sdelay $0x1  }
0x1d7: {  	v0 =	vadd.f32 v2, v0  }
0x1d8: {  	v1 =	vld [tilespmem:s14+$0x30]  }
0x1d9: {  	[tilespmem:s14+$0x20] =	vst v0  }
0x1da: {  	v0 =	vld [tilespmem:s6+$0x10];
	_ =	sdelay $0x2  }
0x1db: {  	v1 =	vmul.f32 $1.250000000e-01, v1;
	_ =	sdelay $0x1  }
0x1dc: {  	s12 =	simm.s32 $0x100;
	s10 =	simm.s32 $0x80;
	v0 =	vadd.f32 v1, v0  }
.LBB2_11:
0x1dd: {  	s13 =	sand.u32 $0x7F80, s10  }
0x1de: {  	s6 =	sadd.s32 $0x40, s6;
	s10 =	smov.u32 s12;
	s16 =	sadd.s32 $0x80, s12;
	[tilespmem:s14+$0x30] =	vst v0  }
0x1df: {  	p0 =	sne.s32 s12, $0x6380;
	v0 =	vld [tilespmem:s13+$0xFE00];
	_ =	sdelay $0x1  }
0x1e0: {  	v1 =	vld [tilespmem:s6+$0xFFFFFFE0];
	_ =	sdelay $0x2  }
0x1e1: {  	v0 =	vmul.f32 $1.250000000e-01, v0;
	_ =	sdelay $0x1  }
0x1e2: {  	v0 =	vadd.f32 v0, v1  }
0x1e3: {  	v1 =	vld [tilespmem:s13+$0xFE10]  }
0x1e4: {  	[tilespmem:s13+$0xFE00] =	vst v0  }
0x1e5: {  	v0 =	vld [tilespmem:s6+$0xFFFFFFF0];
	_ =	sdelay $0x2  }
0x1e6: {  	v1 =	vmul.f32 $1.250000000e-01, v1;
	_ =	sdelay $0x1  }
0x1e7: {  	v0 =	vadd.f32 v1, v0  }
0x1e8: {  	v1 =	vld [tilespmem:s13+$0xFE20]  }
0x1e9: {  	[tilespmem:s13+$0xFE10] =	vst v0  }
0x1ea: {  	v0 =	vld [tilespmem:s6+$0x0];
	_ =	sdelay $0x2  }
0x1eb: {  	v1 =	vmul.f32 $1.250000000e-01, v1;
	_ =	sdelay $0x1  }
0x1ec: {  	v0 =	vadd.f32 v1, v0  }
0x1ed: {  	v1 =	vld [tilespmem:s13+$0xFE30]  }
0x1ee: {  	[tilespmem:s13+$0xFE20] =	vst v0  }
0x1ef: {  	v0 =	vld [tilespmem:s6+$0x10];
	_ =	sdelay $0x2  }
0x1f0: {  	v1 =	vmul.f32 $1.250000000e-01, v1;
	_ =	sdelay $0x1  }
0x1f1: {  	v0 =	vadd.f32 v1, v0  }
0x1f2: {  	v1 =	vld [tilespmem:s13+$0x16200]  }
0x1f3: {  	[tilespmem:s13+$0xFE30] =	vst v0  }
0x1f4: {  	v0 =	vld [tilespmem:s6+$0xFFFFFFE0];
	_ =	sdelay $0x2  }
0x1f5: {  	v1 =	vmul.f32 $1.250000000e-01, v1;
	_ =	sdelay $0x1  }
0x1f6: {  	v0 =	vadd.f32 v1, v0;
	_ =	sdelay $0x1  }
0x1f7: {  	s14 =	sadd.s32 $0x16200, s13;
	[tilespmem:s13+$0x16200] =	vst v0  }
0x1f8: {  	v0 =	vld [tilespmem:s14+$0x10]  }
0x1f9: {  	v1 =	vld [tilespmem:s6+$0xFFFFFFF0]  }
0x1fa: {  	v2 =	vld [tilespmem:s14+$0x20]  }
0x1fb: {  	v3 =	vld [tilespmem:s14+$0x30];
	_ =	sdelay $0x1  }
0x1fc: {  	v0 =	vmul.f32 $1.250000000e-01, v0;
	_ =	sdelay $0x1  }
0x1fd: {  	v0 =	vadd.f32 v0, v1;
	_ =	sdelay $0x1  }
0x1fe: {  	[tilespmem:s14+$0x10] =	vst v0  }
0x1ff: {  	v0 =	vld [tilespmem:s6+$0x0];
	_ =	sdelay $0x2  }
0x200: {  	v1 =	vmul.f32 $1.250000000e-01, v2;
	_ =	sdelay $0x1  }
0x201: {  	v0 =	vadd.f32 v1, v0;
	_ =	sdelay $0x1  }
0x202: {  	[tilespmem:s14+$0x20] =	vst v0  }
0x203: {  	v0 =	vld [tilespmem:s6+$0x10]  }
.Ltmp4:
0x204: {  	(pc) =	sbr.rel @p0 .LBB2_11-.Ltmp4, $3  }
0x205: {  	_ = 	snop  }
0x206: {  	v1 =	vmul.f32 $1.250000000e-01, v3;
	_ =	sdelay $0x1  }
0x207: {  	s12 =	smov.u32 s16;
	v0 =	vadd.f32 v1, v0  }
0x208: {  	_ = 	snop  }
0x209: {  	s10 =	sand.u32 $0x7F80, s10;
	[tilespmem:s14+$0x30] =	vst v0  }
0x20a: {  	v0 =	vld [tilespmem:s10+$0xFE00]  }
0x20b: {  	s6 =	sadd.s32 $0x40, s6  }
0x20c: {  	v1 =	vld [tilespmem:s6+$0xFFFFFFE0];
	_ =	sdelay $0x2  }
0x20d: {  	v0 =	vmul.f32 $1.250000000e-01, v0;
	_ =	sdelay $0x1  }
0x20e: {  	v0 =	vadd.f32 v0, v1  }
0x20f: {  	v57 =	vld [tilespmem:s10+$0xFE10]  }
0x210: {  	[tilespmem:s10+$0xFE00] =	vst v0  }
0x211: {  	v0 =	vld [tilespmem:s6+$0xFFFFFFF0];
	_ =	sdelay $0x2  }
0x212: {  	v1 =	vmul.f32 $1.250000000e-01, v57;
	_ =	sdelay $0x1  }
0x213: {  	v0 =	vadd.f32 v1, v0  }
0x214: {  	v58 =	vld [tilespmem:s10+$0xFE20]  }
0x215: {  	[tilespmem:s10+$0xFE10] =	vst v0  }
0x216: {  	v0 =	vld [tilespmem:s6+$0x0];
	_ =	sdelay $0x2  }
0x217: {  	v1 =	vmul.f32 $1.250000000e-01, v58;
	_ =	sdelay $0x1  }
0x218: {  	v0 =	vadd.f32 v1, v0  }
0x219: {  	v59 =	vld [tilespmem:s10+$0xFE30]  }
0x21a: {  	[tilespmem:s10+$0xFE20] =	vst v0  }
0x21b: {  	v0 =	vld [tilespmem:s6+$0x10];
	_ =	sdelay $0x2  }
0x21c: {  	v1 =	vmul.f32 $1.250000000e-01, v59;
	_ =	sdelay $0x1  }
0x21d: {  	v0 =	vadd.f32 v1, v0  }
0x21e: {  	v60 =	vld [tilespmem:s10+$0x16200]  }
0x21f: {  	[tilespmem:s10+$0xFE30] =	vst v0  }
0x220: {  	v0 =	vld [tilespmem:s6+$0xFFFFFFE0];
	_ =	sdelay $0x2  }
0x221: {  	v1 =	vmul.f32 $1.250000000e-01, v60;
	_ =	sdelay $0x1  }
0x222: {  	v0 =	vadd.f32 v1, v0;
	_ =	sdelay $0x1  }
0x223: {  	s12 =	sadd.s32 $0x16200, s10;
	[tilespmem:s10+$0x16200] =	vst v0  }
0x224: {  	v0 =	vld [tilespmem:s12+$0x10];
	_ =	sdelay $0x1  }
0x225: {  	v61 =	vld [tilespmem:s6+$0xFFFFFFF0];
	_ =	sdelay $0x2  }
0x226: {  	v0 =	vmul.f32 $1.250000000e-01, v0;
	_ =	sdelay $0x1  }
0x227: {  	v0 =	vadd.f32 v0, v61  }
0x228: {  	v62 =	vld [tilespmem:s12+$0x20]  }
0x229: {  	[tilespmem:s12+$0x10] =	vst v0  }
0x22a: {  	v0 =	vld [tilespmem:s6+$0x0];
	_ =	sdelay $0x2  }
0x22b: {  	v1 =	vmul.f32 $1.250000000e-01, v62;
	_ =	sdelay $0x1  }
0x22c: {  	v0 =	vadd.f32 v1, v0  }
0x22d: {  	v63 =	vld [tilespmem:s12+$0x30]  }
0x22e: {  	[tilespmem:s12+$0x20] =	vst v0  }
0x22f: {  	v0 =	vld [tilespmem:s6+$0x10];
	_ =	sdelay $0x2  }
0x230: {  	v1 =	vmul.f32 $1.250000000e-01, v63  }
0x231: {  	s14 =	sadd.s32 s20, s15  }
0x232: {  	s6 =	sshll.u32 s14, $0x4;
	v0 =	vadd.f32 v1, v0  }
0x233: {  	s6 =	sand.u32 $0x1FFFFF00, s6  }
0x234: {  	s16 =	sadd.s32 s7, s6;
	s6 =	simm.s32 $0x0;
	[tilespmem:s12+$0x30] =	vst v0  }
0x235: {  	[hbm4b:s16+s6] =	stream.linear.scatter [tilespmem:s30], [sflag:$0x6], $0xC800, $0x38;
	[tilespmem:$0x1C600] =	vst v63  }
0x236: {  	_ =	swait.ge [sflag:s31], $0xC800  }
0x237: {  	[sflag:s31] =	ssyncset.done $0x0  }
0x238: {  	[sflag:s31] =	ssyncadd.s32 $0xFFFF3800  }
0x239: {  	_ =	swait.ge [sflag:s24], $0x190  }
0x23a: {  	[sflag:s24] =	ssyncset.done $0x0  }
0x23b: {  	s10 =	simm.s32 $0x200;
	[sflag:s24] =	ssyncadd.s32 $0xFFFFFE70  }
.LBB2_13:
0x23c: {  	v0 =	vld [tilespmem:s10+$0x0];
	_ =	sdelay $0x4  }
0x23d: {  	v1 =	vshrl.u32 v0, $0x3  }
0x23e: {  	v0 =	vand.u32 $0x7, v0;
	v1 =	vshll.u32 v1, $0xA  }
0x23f: {  	v0 =	vshll.u32 v0, $0x7;
	(v2sf) =	vpush v1, $0x0  }
0x240: {  	(v2sf) =	vpush v0, $0x0;
	_ =	sdelay $0x4  }
0x241: {  	(v2sf) =	vpush v1, $0x1  }
0x242: {  	(v2sf) =	vpush v0, $0x1;
	_ =	sdelay $0x2  }
0x243: {  	(v2sf) =	vpush v1, $0x2;
	_ =	sdelay $0x1  }
0x244: {  	(v2sf) =	vpush v0, $0x2;
	_ =	sdelay $0x2  }
0x245: {  	s12 =	spop (v2sf)  }
0x246: {  	s13 =	spop (v2sf)  }
0x247: {  	(v2sf) =	vpush v1, $0x3;
	s13 =	sor.u32 s13, s12  }
0x248: {  	(v2sf) =	vpush v0, $0x3;
	s12 =	sshra.s32 s6, $0x2;
	s13 =	sshrl.u32 s13, $0x3  }
0x249: {  	s14 =	sadd.s32 $0xFE00, s12;
	s13 =	sadd.s32 s5, s13  }
0x24a: {  	[tilespmem:s14], [sflag:$0x4] =	stream.linear.gather [hbm4b:s13+s3], $0x80, $0x38;
	[tilespmem:$0x1C600] =	vst v63  }
0x24b: {  	s14 =	spop (v2sf)  }
0x24c: {  	s16 =	spop (v2sf)  }
0x24d: {  	(v2sf) =	vpush v1, $0x4;
	s13 =	sor.u32 s16, s14  }
0x24e: {  	(v2sf) =	vpush v0, $0x4;
	s13 =	sshrl.u32 s13, $0x3  }
0x24f: {  	s16 =	sadd.s32 $0xFE80, s12;
	s14 =	spop (v2sf);
	s13 =	sadd.s32 s5, s13  }
0x250: {  	[tilespmem:s16], [sflag:$0x4] =	stream.linear.gather [hbm4b:s13+s3], $0x80, $0x38;
	[tilespmem:$0x1C600] =	vst v63  }
0x251: {  	(v2sf) =	vpush v1, $0x5;
	s16 =	spop (v2sf)  }
0x252: {  	s13 =	sor.u32 s16, s14  }
0x253: {  	(v2sf) =	vpush v0, $0x5;
	s13 =	sshrl.u32 s13, $0x3  }
0x254: {  	s16 =	sadd.s32 $0xFF00, s12;
	s13 =	sadd.s32 s5, s13  }
0x255: {  	[tilespmem:s16], [sflag:$0x4] =	stream.linear.gather [hbm4b:s13+s3], $0x80, $0x38;
	[tilespmem:$0x1C600] =	vst v63  }
0x256: {  	s14 =	spop (v2sf)  }
0x257: {  	s16 =	spop (v2sf)  }
0x258: {  	(v2sf) =	vpush v1, $0x6;
	s13 =	sor.u32 s16, s14  }
0x259: {  	(v2sf) =	vpush v0, $0x6;
	s13 =	sshrl.u32 s13, $0x3  }
0x25a: {  	s16 =	sadd.s32 $0xFF80, s12;
	s13 =	sadd.s32 s5, s13  }
0x25b: {  	[tilespmem:s16], [sflag:$0x4] =	stream.linear.gather [hbm4b:s13+s3], $0x80, $0x38;
	[tilespmem:$0x1C600] =	vst v63  }
0x25c: {  	s14 =	spop (v2sf)  }
0x25d: {  	s16 =	spop (v2sf)  }
0x25e: {  	(v2sf) =	vpush v1, $0x7;
	s13 =	sor.u32 s16, s14  }
0x25f: {  	(v2sf) =	vpush v0, $0x7;
	s13 =	sshrl.u32 s13, $0x3  }
0x260: {  	s16 =	sadd.s32 $0x10000, s12;
	s14 =	spop (v2sf);
	s13 =	sadd.s32 s5, s13  }
0x261: {  	[tilespmem:s16], [sflag:$0x4] =	stream.linear.gather [hbm4b:s13+s3], $0x80, $0x38;
	[tilespmem:$0x1C600] =	vst v63  }
0x262: {  	(v2sf) =	vpush v1, $0x8;
	s16 =	spop (v2sf)  }
0x263: {  	s13 =	sor.u32 s16, s14  }
0x264: {  	(v2sf) =	vpush v0, $0x8;
	s13 =	sshrl.u32 s13, $0x3  }
0x265: {  	s16 =	sadd.s32 $0x10080, s12;
	s13 =	sadd.s32 s5, s13  }
0x266: {  	[tilespmem:s16], [sflag:$0x4] =	stream.linear.gather [hbm4b:s13+s3], $0x80, $0x38;
	[tilespmem:$0x1C600] =	vst v63  }
0x267: {  	s14 =	spop (v2sf)  }
0x268: {  	s16 =	spop (v2sf)  }
0x269: {  	(v2sf) =	vpush v1, $0x9;
	s13 =	sor.u32 s16, s14  }
0x26a: {  	(v2sf) =	vpush v0, $0x9;
	s13 =	sshrl.u32 s13, $0x3  }
0x26b: {  	s16 =	sadd.s32 $0x10100, s12;
	s13 =	sadd.s32 s5, s13  }
0x26c: {  	[tilespmem:s16], [sflag:$0x4] =	stream.linear.gather [hbm4b:s13+s3], $0x80, $0x38;
	[tilespmem:$0x1C600] =	vst v63  }
0x26d: {  	s14 =	spop (v2sf)  }
0x26e: {  	s16 =	spop (v2sf)  }
0x26f: {  	(v2sf) =	vpush v1, $0xA;
	s13 =	sor.u32 s16, s14  }
0x270: {  	(v2sf) =	vpush v0, $0xA;
	s13 =	sshrl.u32 s13, $0x3  }
0x271: {  	s16 =	sadd.s32 $0x10180, s12;
	s14 =	spop (v2sf);
	s13 =	sadd.s32 s5, s13  }
0x272: {  	[tilespmem:s16], [sflag:$0x4] =	stream.linear.gather [hbm4b:s13+s3], $0x80, $0x38;
	[tilespmem:$0x1C600] =	vst v63  }
0x273: {  	(v2sf) =	vpush v1, $0xB;
	s16 =	spop (v2sf)  }
0x274: {  	s13 =	sor.u32 s16, s14  }
0x275: {  	(v2sf) =	vpush v0, $0xB;
	s13 =	sshrl.u32 s13, $0x3  }
0x276: {  	s16 =	sadd.s32 $0x10200, s12;
	s13 =	sadd.s32 s5, s13  }
0x277: {  	[tilespmem:s16], [sflag:$0x4] =	stream.linear.gather [hbm4b:s13+s3], $0x80, $0x38;
	[tilespmem:$0x1C600] =	vst v63  }
0x278: {  	s14 =	spop (v2sf)  }
0x279: {  	s16 =	spop (v2sf)  }
0x27a: {  	(v2sf) =	vpush v1, $0xC;
	s13 =	sor.u32 s16, s14  }
0x27b: {  	(v2sf) =	vpush v0, $0xC;
	s13 =	sshrl.u32 s13, $0x3  }
0x27c: {  	s16 =	sadd.s32 $0x10280, s12;
	s13 =	sadd.s32 s5, s13  }
0x27d: {  	[tilespmem:s16], [sflag:$0x4] =	stream.linear.gather [hbm4b:s13+s3], $0x80, $0x38;
	[tilespmem:$0x1C600] =	vst v63  }
0x27e: {  	s14 =	spop (v2sf)  }
0x27f: {  	s16 =	spop (v2sf)  }
0x280: {  	(v2sf) =	vpush v1, $0xD;
	s13 =	sor.u32 s16, s14  }
0x281: {  	(v2sf) =	vpush v0, $0xD;
	s13 =	sshrl.u32 s13, $0x3  }
0x282: {  	s16 =	sadd.s32 $0x10300, s12;
	s14 =	spop (v2sf);
	s13 =	sadd.s32 s5, s13  }
0x283: {  	[tilespmem:s16], [sflag:$0x4] =	stream.linear.gather [hbm4b:s13+s3], $0x80, $0x38;
	[tilespmem:$0x1C600] =	vst v63  }
0x284: {  	(v2sf) =	vpush v1, $0xE;
	s16 =	spop (v2sf)  }
0x285: {  	s13 =	sor.u32 s16, s14  }
0x286: {  	(v2sf) =	vpush v0, $0xE;
	s13 =	sshrl.u32 s13, $0x3  }
0x287: {  	s16 =	sadd.s32 $0x10380, s12;
	s13 =	sadd.s32 s5, s13  }
0x288: {  	[tilespmem:s16], [sflag:$0x4] =	stream.linear.gather [hbm4b:s13+s3], $0x80, $0x38;
	[tilespmem:$0x1C600] =	vst v63  }
0x289: {  	s14 =	spop (v2sf)  }
0x28a: {  	s16 =	spop (v2sf)  }
0x28b: {  	(v2sf) =	vpush v1, $0xF;
	s13 =	sor.u32 s16, s14  }
0x28c: {  	(v2sf) =	vpush v0, $0xF;
	s13 =	sshrl.u32 s13, $0x3  }
0x28d: {  	s16 =	sadd.s32 $0x10400, s12;
	s13 =	sadd.s32 s5, s13  }
0x28e: {  	[tilespmem:s16], [sflag:$0x4] =	stream.linear.gather [hbm4b:s13+s3], $0x80, $0x38;
	[tilespmem:$0x1C600] =	vst v63  }
0x28f: {  	s14 =	spop (v2sf)  }
0x290: {  	s16 =	spop (v2sf)  }
0x291: {  	s13 =	sor.u32 s16, s14  }
0x292: {  	s13 =	sshrl.u32 s13, $0x3  }
0x293: {  	s16 =	sadd.s32 $0x10480, s12;
	s14 =	spop (v2sf);
	s13 =	sadd.s32 s5, s13  }
0x294: {  	[tilespmem:s16], [sflag:$0x4] =	stream.linear.gather [hbm4b:s13+s3], $0x80, $0x38;
	[tilespmem:$0x1C600] =	vst v63  }
0x295: {  	s16 =	spop (v2sf)  }
0x296: {  	s13 =	sor.u32 s16, s14  }
0x297: {  	s13 =	sshrl.u32 s13, $0x3  }
0x298: {  	s16 =	sadd.s32 $0x10500, s12;
	s13 =	sadd.s32 s5, s13  }
0x299: {  	[tilespmem:s16], [sflag:$0x4] =	stream.linear.gather [hbm4b:s13+s3], $0x80, $0x38;
	[tilespmem:$0x1C600] =	vst v63  }
0x29a: {  	p0 =	sne.s32 s6, $0x30000;
	s14 =	spop (v2sf)  }
.Ltmp5:
0x29b: {  	s16 =	spop (v2sf);
	(pc) =	sbr.rel @p0 .LBB2_13-.Ltmp5, $4  }
0x29c: {  	s13 =	sor.u32 s16, s14  }
0x29d: {  	s10 =	sadd.s32 $0x10, s10;
	s13 =	sshrl.u32 s13, $0x3  }
0x29e: {  	s6 =	sadd.s32 $0x2000, s6;
	s12 =	sadd.s32 $0x10580, s12;
	s13 =	sadd.s32 s5, s13  }
0x29f: {  	[tilespmem:s12], [sflag:$0x4] =	stream.linear.gather [hbm4b:s13+s3], $0x80, $0x38;
	[tilespmem:$0x1C600] =	vst v63  }
0x2a0: {  	s6 =	sadd.s32 s20, s11  }
0x2a1: {  	s6 =	sshrl.u32 s6, $0x3  }
0x2a2: {  	s10 =	simm.s32 $0x0;
	s6 =	sadd.s32 s2, s6  }
0x2a3: {  	[tilespmem:s22], [sflag:$0x2] =	stream.linear.gather [hbm4b:s6+s10], $0x190, $0x38;
	[tilespmem:$0x1C600] =	vst v63  }
0x2a4: {  	_ =	swait.ge [sflag:s25], $0xC800  }
0x2a5: {  	[sflag:s25] =	ssyncset.done $0x0  }
0x2a6: {  	s10 =	sand.u32 $0x7F80, s10;
	[sflag:s25] =	ssyncadd.s32 $0xFFFF3800  }
0x2a7: {  	v0 =	vld [tilespmem:s10+$0x3600]  }
0x2a8: {  	s6 =	simm.s32 $0x420  }
0x2a9: {  	v1 =	vld [tilespmem:s6+$0xFFFFFFE0];
	_ =	sdelay $0x2  }
0x2aa: {  	v0 =	vmul.f32 $1.250000000e-01, v0;
	_ =	sdelay $0x1  }
0x2ab: {  	v0 =	vadd.f32 v0, v1  }
0x2ac: {  	v1 =	vld [tilespmem:s10+$0x3610]  }
0x2ad: {  	[tilespmem:s10+$0x3600] =	vst v0  }
0x2ae: {  	v0 =	vld [tilespmem:s6+$0xFFFFFFF0];
	_ =	sdelay $0x2  }
0x2af: {  	v1 =	vmul.f32 $1.250000000e-01, v1;
	_ =	sdelay $0x1  }
0x2b0: {  	v0 =	vadd.f32 v1, v0  }
0x2b1: {  	v1 =	vld [tilespmem:s10+$0x3620]  }
0x2b2: {  	[tilespmem:s10+$0x3610] =	vst v0  }
0x2b3: {  	v0 =	vld [tilespmem:s6+$0x0];
	_ =	sdelay $0x2  }
0x2b4: {  	v1 =	vmul.f32 $1.250000000e-01, v1;
	_ =	sdelay $0x1  }
0x2b5: {  	v0 =	vadd.f32 v1, v0  }
0x2b6: {  	v1 =	vld [tilespmem:s10+$0x3630]  }
0x2b7: {  	[tilespmem:s10+$0x3620] =	vst v0  }
0x2b8: {  	v0 =	vld [tilespmem:s6+$0x10];
	_ =	sdelay $0x2  }
0x2b9: {  	v1 =	vmul.f32 $1.250000000e-01, v1;
	_ =	sdelay $0x1  }
0x2ba: {  	v0 =	vadd.f32 v1, v0  }
0x2bb: {  	v1 =	vld [tilespmem:s10+$0x9A00]  }
0x2bc: {  	[tilespmem:s10+$0x3630] =	vst v0  }
0x2bd: {  	v0 =	vld [tilespmem:s6+$0xFFFFFFE0];
	_ =	sdelay $0x2  }
0x2be: {  	v1 =	vmul.f32 $1.250000000e-01, v1;
	_ =	sdelay $0x1  }
0x2bf: {  	v0 =	vadd.f32 v1, v0  }
0x2c0: {  	v1 =	vld [tilespmem:s10+$0x9A10]  }
0x2c1: {  	[tilespmem:s10+$0x9A00] =	vst v0  }
0x2c2: {  	v0 =	vld [tilespmem:s6+$0xFFFFFFF0];
	_ =	sdelay $0x2  }
0x2c3: {  	v1 =	vmul.f32 $1.250000000e-01, v1;
	_ =	sdelay $0x1  }
0x2c4: {  	v0 =	vadd.f32 v1, v0  }
0x2c5: {  	v1 =	vld [tilespmem:s10+$0x9A20]  }
0x2c6: {  	[tilespmem:s10+$0x9A10] =	vst v0  }
0x2c7: {  	v0 =	vld [tilespmem:s6+$0x0];
	_ =	sdelay $0x2  }
0x2c8: {  	v1 =	vmul.f32 $1.250000000e-01, v1;
	_ =	sdelay $0x1  }
0x2c9: {  	v0 =	vadd.f32 v1, v0  }
0x2ca: {  	v1 =	vld [tilespmem:s10+$0x9A30]  }
0x2cb: {  	[tilespmem:s10+$0x9A20] =	vst v0  }
0x2cc: {  	v0 =	vld [tilespmem:s6+$0x10];
	_ =	sdelay $0x2  }
0x2cd: {  	v1 =	vmul.f32 $1.250000000e-01, v1  }
0x2ce: {  	s12 =	simm.s32 $0x80  }
0x2cf: {  	s13 =	sand.u32 $0x7F80, s12;
	s12 =	simm.s32 $0x100;
	v0 =	vadd.f32 v1, v0  }
.LBB2_15:
0x2d0: {  	p0 =	sne.s32 s12, $0x6380;
	v1 =	vld [tilespmem:s13+$0x3600]  }
0x2d1: {  	s6 =	sadd.s32 $0x40, s6;
	[tilespmem:s10+$0x9A30] =	vst v0;
	s10 =	smov.u32 s13  }
0x2d2: {  	v0 =	vld [tilespmem:s6+$0xFFFFFFE0];
	_ =	sdelay $0x2  }
0x2d3: {  	v1 =	vmul.f32 $1.250000000e-01, v1;
	_ =	sdelay $0x1  }
0x2d4: {  	v0 =	vadd.f32 v1, v0  }
0x2d5: {  	v1 =	vld [tilespmem:s10+$0x3610]  }
0x2d6: {  	[tilespmem:s10+$0x3600] =	vst v0  }
0x2d7: {  	v0 =	vld [tilespmem:s6+$0xFFFFFFF0];
	_ =	sdelay $0x2  }
0x2d8: {  	v1 =	vmul.f32 $1.250000000e-01, v1;
	_ =	sdelay $0x1  }
0x2d9: {  	v0 =	vadd.f32 v1, v0  }
0x2da: {  	v1 =	vld [tilespmem:s10+$0x3620]  }
0x2db: {  	[tilespmem:s10+$0x3610] =	vst v0  }
0x2dc: {  	v0 =	vld [tilespmem:s6+$0x0];
	_ =	sdelay $0x2  }
0x2dd: {  	v1 =	vmul.f32 $1.250000000e-01, v1;
	_ =	sdelay $0x1  }
0x2de: {  	v0 =	vadd.f32 v1, v0  }
0x2df: {  	v1 =	vld [tilespmem:s10+$0x3630]  }
0x2e0: {  	[tilespmem:s10+$0x3620] =	vst v0  }
0x2e1: {  	v0 =	vld [tilespmem:s6+$0x10];
	_ =	sdelay $0x2  }
0x2e2: {  	v1 =	vmul.f32 $1.250000000e-01, v1;
	_ =	sdelay $0x1  }
0x2e3: {  	v0 =	vadd.f32 v1, v0  }
0x2e4: {  	v1 =	vld [tilespmem:s10+$0x9A00]  }
0x2e5: {  	[tilespmem:s10+$0x3630] =	vst v0  }
0x2e6: {  	v0 =	vld [tilespmem:s6+$0xFFFFFFE0];
	_ =	sdelay $0x2  }
0x2e7: {  	v1 =	vmul.f32 $1.250000000e-01, v1;
	_ =	sdelay $0x1  }
0x2e8: {  	v0 =	vadd.f32 v1, v0  }
0x2e9: {  	v1 =	vld [tilespmem:s10+$0x9A10]  }
0x2ea: {  	[tilespmem:s10+$0x9A00] =	vst v0  }
0x2eb: {  	v0 =	vld [tilespmem:s6+$0xFFFFFFF0];
	_ =	sdelay $0x2  }
0x2ec: {  	v1 =	vmul.f32 $1.250000000e-01, v1;
	_ =	sdelay $0x1  }
0x2ed: {  	v0 =	vadd.f32 v1, v0  }
0x2ee: {  	v1 =	vld [tilespmem:s10+$0x9A20]  }
0x2ef: {  	[tilespmem:s10+$0x9A10] =	vst v0  }
0x2f0: {  	v0 =	vld [tilespmem:s6+$0x0];
	_ =	sdelay $0x2  }
0x2f1: {  	v1 =	vmul.f32 $1.250000000e-01, v1;
	_ =	sdelay $0x1  }
0x2f2: {  	v0 =	vadd.f32 v1, v0  }
0x2f3: {  	v1 =	vld [tilespmem:s10+$0x9A30]  }
0x2f4: {  	[tilespmem:s10+$0x9A20] =	vst v0  }
0x2f5: {  	v0 =	vld [tilespmem:s6+$0x10]  }
.Ltmp6:
0x2f6: {  	(pc) =	sbr.rel @p0 .LBB2_15-.Ltmp6, $3  }
0x2f7: {  	_ = 	snop  }
0x2f8: {  	v1 =	vmul.f32 $1.250000000e-01, v1;
	_ =	sdelay $0x1  }
0x2f9: {  	s13 =	sand.u32 $0x7F80, s12;
	s12 =	sadd.s32 $0x80, s12;
	v0 =	vadd.f32 v1, v0  }
0x2fa: {  	v1 =	vld [tilespmem:s13+$0x3600]  }
0x2fb: {  	s6 =	sadd.s32 $0x40, s6;
	[tilespmem:s10+$0x9A30] =	vst v0  }
0x2fc: {  	v0 =	vld [tilespmem:s6+$0xFFFFFFE0];
	_ =	sdelay $0x2  }
0x2fd: {  	v1 =	vmul.f32 $1.250000000e-01, v1;
	_ =	sdelay $0x1  }
0x2fe: {  	v0 =	vadd.f32 v1, v0  }
0x2ff: {  	v57 =	vld [tilespmem:s13+$0x3610]  }
0x300: {  	[tilespmem:s13+$0x3600] =	vst v0  }
0x301: {  	v0 =	vld [tilespmem:s6+$0xFFFFFFF0];
	_ =	sdelay $0x2  }
0x302: {  	v1 =	vmul.f32 $1.250000000e-01, v57;
	_ =	sdelay $0x1  }
0x303: {  	v0 =	vadd.f32 v1, v0  }
0x304: {  	v58 =	vld [tilespmem:s13+$0x3620]  }
0x305: {  	[tilespmem:s13+$0x3610] =	vst v0  }
0x306: {  	v0 =	vld [tilespmem:s6+$0x0];
	_ =	sdelay $0x2  }
0x307: {  	v1 =	vmul.f32 $1.250000000e-01, v58;
	_ =	sdelay $0x1  }
0x308: {  	v0 =	vadd.f32 v1, v0  }
0x309: {  	v59 =	vld [tilespmem:s13+$0x3630]  }
0x30a: {  	[tilespmem:s13+$0x3620] =	vst v0  }
0x30b: {  	v0 =	vld [tilespmem:s6+$0x10];
	_ =	sdelay $0x2  }
0x30c: {  	v1 =	vmul.f32 $1.250000000e-01, v59;
	_ =	sdelay $0x1  }
0x30d: {  	v0 =	vadd.f32 v1, v0  }
0x30e: {  	v60 =	vld [tilespmem:s13+$0x9A00]  }
0x30f: {  	[tilespmem:s13+$0x3630] =	vst v0  }
0x310: {  	v0 =	vld [tilespmem:s6+$0xFFFFFFE0];
	_ =	sdelay $0x2  }
0x311: {  	v1 =	vmul.f32 $1.250000000e-01, v60;
	_ =	sdelay $0x1  }
0x312: {  	v0 =	vadd.f32 v1, v0  }
0x313: {  	v61 =	vld [tilespmem:s13+$0x9A10]  }
0x314: {  	[tilespmem:s13+$0x9A00] =	vst v0  }
0x315: {  	v0 =	vld [tilespmem:s6+$0xFFFFFFF0];
	_ =	sdelay $0x2  }
0x316: {  	v1 =	vmul.f32 $1.250000000e-01, v61;
	_ =	sdelay $0x1  }
0x317: {  	v0 =	vadd.f32 v1, v0  }
0x318: {  	v62 =	vld [tilespmem:s13+$0x9A20]  }
0x319: {  	[tilespmem:s13+$0x9A10] =	vst v0  }
0x31a: {  	v0 =	vld [tilespmem:s6+$0x0];
	_ =	sdelay $0x2  }
0x31b: {  	v1 =	vmul.f32 $1.250000000e-01, v62;
	_ =	sdelay $0x1  }
0x31c: {  	v0 =	vadd.f32 v1, v0  }
0x31d: {  	v63 =	vld [tilespmem:s13+$0x9A30]  }
0x31e: {  	[tilespmem:s13+$0x9A20] =	vst v0  }
0x31f: {  	v0 =	vld [tilespmem:s6+$0x10];
	_ =	sdelay $0x1  }
0x320: {  	s1 =	sadd.s32 $0x1, s1  }
0x321: {  	p0 =	sne.s32 s1, $0x7;
	v1 =	vmul.f32 $1.250000000e-01, v63  }
.Ltmp7:
0x322: {  	s20 =	sadd.s32 s4, s20;
	(pc) =	sbr.rel @p0 .LBB2_8-.Ltmp7, $4  }
0x323: {  	s6 =	sshll.u32 s20, $0x4;
	v0 =	vadd.f32 v1, v0  }
0x324: {  	s6 =	sand.u32 $0x1FFFFE00, s6  }
0x325: {  	s6 =	sadd.s32 s7, s6;
	[tilespmem:s13+$0x9A30] =	vst v0  }
0x326: {  	[hbm4b:s6+s3] =	stream.linear.scatter [tilespmem:s26], [sflag:$0x5], $0xC800, $0x38;
	[tilespmem:$0x1C600] =	vst v63  }
0x327: {  	_ =	swait.ge [sflag:s28], $0xC800  }
0x328: {  	[sflag:s28] =	ssyncset.done $0x0  }
0x329: {  	[sflag:s28] =	ssyncadd.s32 $0xFFFF3800  }
0x32a: {  	_ =	swait.ge [sflag:s23], $0x190  }
0x32b: {  	[sflag:s23] =	ssyncset.done $0x0  }
0x32c: {  	s1 =	simm.s32 $0x0;
	s6 =	simm.s32 $0x0;
	[sflag:s23] =	ssyncadd.s32 $0xFFFFFE70  }
.LBB2_18:
0x32d: {  	v0 =	vld [tilespmem:s1+$0x0];
	_ =	sdelay $0x4  }
0x32e: {  	v1 =	vshrl.u32 v0, $0x3  }
0x32f: {  	v0 =	vand.u32 $0x7, v0;
	v1 =	vshll.u32 v1, $0xA  }
0x330: {  	v0 =	vshll.u32 v0, $0x7;
	(v2sf) =	vpush v1, $0x0  }
0x331: {  	(v2sf) =	vpush v0, $0x0;
	_ =	sdelay $0x2  }
0x332: {  	(v2sf) =	vpush v1, $0x1  }
0x333: {  	(v2sf) =	vpush v0, $0x1;
	_ =	sdelay $0x2  }
0x334: {  	(v2sf) =	vpush v1, $0x2  }
0x335: {  	(v2sf) =	vpush v0, $0x2;
	_ =	sdelay $0x5  }
0x336: {  	s10 =	spop (v2sf);
	(v2sf) =	vpush v1, $0x3  }
0x337: {  	s12 =	spop (v2sf);
	(v2sf) =	vpush v0, $0x3;
	_ =	sdelay $0x2  }
0x338: {  	s12 =	sor.u32 s12, s10;
	s16 =	spop (v2sf);
	(v2sf) =	vpush v1, $0x4  }
0x339: {  	s10 =	sshra.s32 s6, $0x2;
	s12 =	sshrl.u32 s12, $0x3;
	s20 =	spop (v2sf);
	(v2sf) =	vpush v0, $0x4  }
0x33a: {  	s13 =	sadd.s32 $0x3600, s10;
	s12 =	sadd.s32 s5, s12  }
0x33b: {  	[tilespmem:s13], [sflag:$0x3] =	stream.linear.gather [hbm4b:s12+s3], $0x80, $0x38;
	[tilespmem:$0x1C600] =	vst v63  }
0x33c: {  	s12 =	sor.u32 s20, s16;
	s16 =	spop (v2sf);
	(v2sf) =	vpush v1, $0x5  }
0x33d: {  	s20 =	spop (v2sf);
	(v2sf) =	vpush v0, $0x5;
	_ =	sdelay $0x2  }
0x33e: {  	s12 =	sshrl.u32 s12, $0x3  }
0x33f: {  	s14 =	sadd.s32 $0x3680, s10;
	s12 =	sadd.s32 s5, s12  }
0x340: {  	[tilespmem:s14], [sflag:$0x3] =	stream.linear.gather [hbm4b:s12+s3], $0x80, $0x38;
	[tilespmem:$0x1C600] =	vst v63  }
0x341: {  	s12 =	sor.u32 s20, s16;
	s16 =	spop (v2sf);
	(v2sf) =	vpush v1, $0x6  }
0x342: {  	s12 =	sshrl.u32 s12, $0x3;
	s20 =	spop (v2sf);
	(v2sf) =	vpush v0, $0x6  }
0x343: {  	s14 =	sadd.s32 $0x3700, s10;
	s12 =	sadd.s32 s5, s12  }
0x344: {  	[tilespmem:s14], [sflag:$0x3] =	stream.linear.gather [hbm4b:s12+s3], $0x80, $0x38;
	[tilespmem:$0x1C600] =	vst v63  }
0x345: {  	s12 =	sor.u32 s20, s16;
	s16 =	spop (v2sf);
	(v2sf) =	vpush v1, $0x7  }
0x346: {  	s12 =	sshrl.u32 s12, $0x3;
	s20 =	spop (v2sf);
	(v2sf) =	vpush v0, $0x7  }
0x347: {  	s14 =	sadd.s32 $0x3780, s10;
	s12 =	sadd.s32 s5, s12  }
0x348: {  	[tilespmem:s14], [sflag:$0x3] =	stream.linear.gather [hbm4b:s12+s3], $0x80, $0x38;
	[tilespmem:$0x1C600] =	vst v63  }
0x349: {  	s12 =	sor.u32 s20, s16;
	s16 =	spop (v2sf);
	(v2sf) =	vpush v1, $0x8  }
0x34a: {  	s20 =	spop (v2sf);
	(v2sf) =	vpush v0, $0x8;
	_ =	sdelay $0x2  }
0x34b: {  	s12 =	sshrl.u32 s12, $0x3  }
0x34c: {  	s14 =	sadd.s32 $0x3800, s10;
	s12 =	sadd.s32 s5, s12  }
0x34d: {  	[tilespmem:s14], [sflag:$0x3] =	stream.linear.gather [hbm4b:s12+s3], $0x80, $0x38;
	[tilespmem:$0x1C600] =	vst v63  }
0x34e: {  	s12 =	sor.u32 s20, s16;
	s16 =	spop (v2sf);
	(v2sf) =	vpush v1, $0x9  }
0x34f: {  	s12 =	sshrl.u32 s12, $0x3;
	s20 =	spop (v2sf);
	(v2sf) =	vpush v0, $0x9  }
0x350: {  	s14 =	sadd.s32 $0x3880, s10;
	s12 =	sadd.s32 s5, s12  }
0x351: {  	[tilespmem:s14], [sflag:$0x3] =	stream.linear.gather [hbm4b:s12+s3], $0x80, $0x38;
	[tilespmem:$0x1C600] =	vst v63  }
0x352: {  	s12 =	sor.u32 s20, s16;
	s16 =	spop (v2sf);
	(v2sf) =	vpush v1, $0xA  }
0x353: {  	s12 =	sshrl.u32 s12, $0x3;
	s20 =	spop (v2sf);
	(v2sf) =	vpush v0, $0xA  }
0x354: {  	s14 =	sadd.s32 $0x3900, s10;
	s12 =	sadd.s32 s5, s12  }
0x355: {  	[tilespmem:s14], [sflag:$0x3] =	stream.linear.gather [hbm4b:s12+s3], $0x80, $0x38;
	[tilespmem:$0x1C600] =	vst v63  }
0x356: {  	s12 =	sor.u32 s20, s16;
	s16 =	spop (v2sf);
	(v2sf) =	vpush v1, $0xB  }
0x357: {  	s20 =	spop (v2sf);
	(v2sf) =	vpush v0, $0xB;
	_ =	sdelay $0x2  }
0x358: {  	s12 =	sshrl.u32 s12, $0x3  }
0x359: {  	s14 =	sadd.s32 $0x3980, s10;
	s12 =	sadd.s32 s5, s12  }
0x35a: {  	[tilespmem:s14], [sflag:$0x3] =	stream.linear.gather [hbm4b:s12+s3], $0x80, $0x38;
	[tilespmem:$0x1C600] =	vst v63  }
0x35b: {  	s12 =	sor.u32 s20, s16;
	s16 =	spop (v2sf);
	(v2sf) =	vpush v1, $0xC  }
0x35c: {  	s12 =	sshrl.u32 s12, $0x3;
	s20 =	spop (v2sf);
	(v2sf) =	vpush v0, $0xC  }
0x35d: {  	s14 =	sadd.s32 $0x3A00, s10;
	s12 =	sadd.s32 s5, s12  }
0x35e: {  	[tilespmem:s14], [sflag:$0x3] =	stream.linear.gather [hbm4b:s12+s3], $0x80, $0x38;
	[tilespmem:$0x1C600] =	vst v63  }
0x35f: {  	s12 =	sor.u32 s20, s16;
	s16 =	spop (v2sf);
	(v2sf) =	vpush v1, $0xD  }
0x360: {  	s12 =	sshrl.u32 s12, $0x3;
	s20 =	spop (v2sf);
	(v2sf) =	vpush v0, $0xD  }
0x361: {  	s14 =	sadd.s32 $0x3A80, s10;
	s12 =	sadd.s32 s5, s12  }
0x362: {  	[tilespmem:s14], [sflag:$0x3] =	stream.linear.gather [hbm4b:s12+s3], $0x80, $0x38;
	[tilespmem:$0x1C600] =	vst v63  }
0x363: {  	s12 =	sor.u32 s20, s16;
	s16 =	spop (v2sf);
	(v2sf) =	vpush v1, $0xE  }
0x364: {  	s20 =	spop (v2sf);
	(v2sf) =	vpush v0, $0xE;
	_ =	sdelay $0x1  }
0x365: {  	s12 =	sshrl.u32 s12, $0x3  }
0x366: {  	s14 =	sadd.s32 $0x3B00, s10;
	s12 =	sadd.s32 s5, s12  }
0x367: {  	[tilespmem:s14], [sflag:$0x3] =	stream.linear.gather [hbm4b:s12+s3], $0x80, $0x38;
	[tilespmem:$0x1C600] =	vst v63  }
0x368: {  	s12 =	sor.u32 s20, s16  }
0x369: {  	s12 =	sshrl.u32 s12, $0x3;
	s16 =	spop (v2sf);
	(v2sf) =	vpush v1, $0xF  }
0x36a: {  	s14 =	sadd.s32 $0x3B80, s10;
	s12 =	sadd.s32 s5, s12;
	s20 =	spop (v2sf);
	(v2sf) =	vpush v0, $0xF  }
0x36b: {  	[tilespmem:s14], [sflag:$0x3] =	stream.linear.gather [hbm4b:s12+s3], $0x80, $0x38;
	[tilespmem:$0x1C600] =	vst v63  }
0x36c: {  	s12 =	sor.u32 s20, s16  }
0x36d: {  	s16 =	spop (v2sf);
	s12 =	sshrl.u32 s12, $0x3  }
0x36e: {  	s14 =	sadd.s32 $0x3C00, s10;
	s20 =	spop (v2sf);
	s12 =	sadd.s32 s5, s12  }
0x36f: {  	[tilespmem:s14], [sflag:$0x3] =	stream.linear.gather [hbm4b:s12+s3], $0x80, $0x38;
	[tilespmem:$0x1C600] =	vst v63  }
0x370: {  	s12 =	sor.u32 s20, s16  }
0x371: {  	s16 =	spop (v2sf);
	s12 =	sshrl.u32 s12, $0x3  }
0x372: {  	s14 =	sadd.s32 $0x3C80, s10;
	s20 =	spop (v2sf);
	s12 =	sadd.s32 s5, s12  }
0x373: {  	[tilespmem:s14], [sflag:$0x3] =	stream.linear.gather [hbm4b:s12+s3], $0x80, $0x38;
	[tilespmem:$0x1C600] =	vst v63  }
0x374: {  	s12 =	sor.u32 s20, s16  }
0x375: {  	s12 =	sshrl.u32 s12, $0x3  }
0x376: {  	s14 =	sadd.s32 $0x3D00, s10;
	s12 =	sadd.s32 s5, s12  }
0x377: {  	[tilespmem:s14], [sflag:$0x3] =	stream.linear.gather [hbm4b:s12+s3], $0x80, $0x38;
	[tilespmem:$0x1C600] =	vst v63  }
0x378: {  	p0 =	sne.s32 s6, $0x30000;
	s16 =	spop (v2sf)  }
.Ltmp8:
0x379: {  	s20 =	spop (v2sf);
	(pc) =	sbr.rel @p0 .LBB2_18-.Ltmp8, $4  }
0x37a: {  	s12 =	sor.u32 s20, s16  }
0x37b: {  	s1 =	sadd.s32 $0x10, s1;
	s12 =	sshrl.u32 s12, $0x3  }
0x37c: {  	s6 =	sadd.s32 $0x2000, s6;
	s10 =	sadd.s32 $0x3D80, s10;
	s12 =	sadd.s32 s5, s12  }
0x37d: {  	[tilespmem:s10], [sflag:$0x3] =	stream.linear.gather [hbm4b:s12+s3], $0x80, $0x38;
	[tilespmem:$0x1C600] =	vst v63  }
0x37e: {  	_ =	swait.ge [sflag:s29], $0xC800  }
0x37f: {  	s1 =	simm.s32 $0x0;
	[sflag:s29] =	ssyncset.done $0x0  }
0x380: {  	s6 =	sand.u32 $0x7F80, s1;
	[sflag:s29] =	ssyncadd.s32 $0xFFFF3800  }
0x381: {  	v0 =	vld [tilespmem:s6+$0xFE00]  }
0x382: {  	s1 =	simm.s32 $0x420  }
0x383: {  	v1 =	vld [tilespmem:s1+$0xFFFFFFE0];
	_ =	sdelay $0x2  }
0x384: {  	v0 =	vmul.f32 $1.250000000e-01, v0;
	_ =	sdelay $0x1  }
0x385: {  	v0 =	vadd.f32 v0, v1  }
0x386: {  	v1 =	vld [tilespmem:s6+$0xFE10]  }
0x387: {  	[tilespmem:s6+$0xFE00] =	vst v0  }
0x388: {  	v0 =	vld [tilespmem:s1+$0xFFFFFFF0];
	_ =	sdelay $0x2  }
0x389: {  	v1 =	vmul.f32 $1.250000000e-01, v1;
	_ =	sdelay $0x1  }
0x38a: {  	v0 =	vadd.f32 v1, v0  }
0x38b: {  	v1 =	vld [tilespmem:s6+$0xFE20]  }
0x38c: {  	[tilespmem:s6+$0xFE10] =	vst v0  }
0x38d: {  	v0 =	vld [tilespmem:s1+$0x0];
	_ =	sdelay $0x2  }
0x38e: {  	v1 =	vmul.f32 $1.250000000e-01, v1;
	_ =	sdelay $0x1  }
0x38f: {  	v0 =	vadd.f32 v1, v0  }
0x390: {  	v1 =	vld [tilespmem:s6+$0xFE30]  }
0x391: {  	[tilespmem:s6+$0xFE20] =	vst v0  }
0x392: {  	v0 =	vld [tilespmem:s1+$0x10];
	_ =	sdelay $0x2  }
0x393: {  	v1 =	vmul.f32 $1.250000000e-01, v1;
	_ =	sdelay $0x1  }
0x394: {  	v0 =	vadd.f32 v1, v0  }
0x395: {  	v1 =	vld [tilespmem:s6+$0x16200]  }
0x396: {  	[tilespmem:s6+$0xFE30] =	vst v0  }
0x397: {  	v0 =	vld [tilespmem:s1+$0xFFFFFFE0];
	_ =	sdelay $0x2  }
0x398: {  	v1 =	vmul.f32 $1.250000000e-01, v1;
	_ =	sdelay $0x1  }
0x399: {  	v0 =	vadd.f32 v1, v0;
	_ =	sdelay $0x1  }
0x39a: {  	s13 =	sadd.s32 $0x16200, s6;
	[tilespmem:s6+$0x16200] =	vst v0  }
0x39b: {  	v0 =	vld [tilespmem:s13+$0x10];
	_ =	sdelay $0x1  }
0x39c: {  	v1 =	vld [tilespmem:s1+$0xFFFFFFF0];
	_ =	sdelay $0x2  }
0x39d: {  	v0 =	vmul.f32 $1.250000000e-01, v0;
	_ =	sdelay $0x1  }
0x39e: {  	v0 =	vadd.f32 v0, v1  }
0x39f: {  	v2 =	vld [tilespmem:s13+$0x20]  }
0x3a0: {  	[tilespmem:s13+$0x10] =	vst v0  }
0x3a1: {  	v0 =	vld [tilespmem:s1+$0x0];
	_ =	sdelay $0x2  }
0x3a2: {  	v2 =	vmul.f32 $1.250000000e-01, v2;
	_ =	sdelay $0x1  }
0x3a3: {  	v0 =	vadd.f32 v2, v0  }
0x3a4: {  	v1 =	vld [tilespmem:s13+$0x30]  }
0x3a5: {  	[tilespmem:s13+$0x20] =	vst v0  }
0x3a6: {  	v0 =	vld [tilespmem:s1+$0x10];
	_ =	sdelay $0x2  }
0x3a7: {  	v1 =	vmul.f32 $1.250000000e-01, v1;
	_ =	sdelay $0x1  }
0x3a8: {  	s14 =	simm.s32 $0x100;
	s6 =	simm.s32 $0x80;
	v0 =	vadd.f32 v1, v0  }
.LBB2_20:
0x3a9: {  	s12 =	sand.u32 $0x7F80, s6  }
0x3aa: {  	s1 =	sadd.s32 $0x40, s1;
	s6 =	smov.u32 s14;
	s10 =	sadd.s32 $0x80, s14;
	[tilespmem:s13+$0x30] =	vst v0  }
0x3ab: {  	p0 =	sne.s32 s14, $0x6380;
	v0 =	vld [tilespmem:s12+$0xFE00];
	_ =	sdelay $0x1  }
0x3ac: {  	v1 =	vld [tilespmem:s1+$0xFFFFFFE0];
	_ =	sdelay $0x2  }
0x3ad: {  	v0 =	vmul.f32 $1.250000000e-01, v0;
	_ =	sdelay $0x1  }
0x3ae: {  	v0 =	vadd.f32 v0, v1  }
0x3af: {  	v1 =	vld [tilespmem:s12+$0xFE10]  }
0x3b0: {  	[tilespmem:s12+$0xFE00] =	vst v0  }
0x3b1: {  	v0 =	vld [tilespmem:s1+$0xFFFFFFF0];
	_ =	sdelay $0x2  }
0x3b2: {  	v1 =	vmul.f32 $1.250000000e-01, v1;
	_ =	sdelay $0x1  }
0x3b3: {  	v0 =	vadd.f32 v1, v0  }
0x3b4: {  	v1 =	vld [tilespmem:s12+$0xFE20]  }
0x3b5: {  	[tilespmem:s12+$0xFE10] =	vst v0  }
0x3b6: {  	v0 =	vld [tilespmem:s1+$0x0];
	_ =	sdelay $0x2  }
0x3b7: {  	v1 =	vmul.f32 $1.250000000e-01, v1;
	_ =	sdelay $0x1  }
0x3b8: {  	v0 =	vadd.f32 v1, v0  }
0x3b9: {  	v1 =	vld [tilespmem:s12+$0xFE30]  }
0x3ba: {  	[tilespmem:s12+$0xFE20] =	vst v0  }
0x3bb: {  	v0 =	vld [tilespmem:s1+$0x10];
	_ =	sdelay $0x2  }
0x3bc: {  	v1 =	vmul.f32 $1.250000000e-01, v1;
	_ =	sdelay $0x1  }
0x3bd: {  	v0 =	vadd.f32 v1, v0  }
0x3be: {  	v1 =	vld [tilespmem:s12+$0x16200]  }
0x3bf: {  	[tilespmem:s12+$0xFE30] =	vst v0  }
0x3c0: {  	v0 =	vld [tilespmem:s1+$0xFFFFFFE0];
	_ =	sdelay $0x2  }
0x3c1: {  	v1 =	vmul.f32 $1.250000000e-01, v1;
	_ =	sdelay $0x1  }
0x3c2: {  	v0 =	vadd.f32 v1, v0;
	_ =	sdelay $0x1  }
0x3c3: {  	s13 =	sadd.s32 $0x16200, s12;
	[tilespmem:s12+$0x16200] =	vst v0  }
0x3c4: {  	v0 =	vld [tilespmem:s13+$0x10]  }
0x3c5: {  	v1 =	vld [tilespmem:s1+$0xFFFFFFF0]  }
0x3c6: {  	v2 =	vld [tilespmem:s13+$0x20]  }
0x3c7: {  	v3 =	vld [tilespmem:s13+$0x30];
	_ =	sdelay $0x1  }
0x3c8: {  	v0 =	vmul.f32 $1.250000000e-01, v0;
	_ =	sdelay $0x1  }
0x3c9: {  	v0 =	vadd.f32 v0, v1;
	_ =	sdelay $0x1  }
0x3ca: {  	[tilespmem:s13+$0x10] =	vst v0  }
0x3cb: {  	v0 =	vld [tilespmem:s1+$0x0];
	_ =	sdelay $0x2  }
0x3cc: {  	v1 =	vmul.f32 $1.250000000e-01, v2;
	_ =	sdelay $0x1  }
0x3cd: {  	v0 =	vadd.f32 v1, v0;
	_ =	sdelay $0x1  }
0x3ce: {  	[tilespmem:s13+$0x20] =	vst v0  }
0x3cf: {  	v0 =	vld [tilespmem:s1+$0x10]  }
.Ltmp9:
0x3d0: {  	(pc) =	sbr.rel @p0 .LBB2_20-.Ltmp9, $3  }
0x3d1: {  	_ = 	snop  }
0x3d2: {  	v1 =	vmul.f32 $1.250000000e-01, v3;
	_ =	sdelay $0x1  }
0x3d3: {  	s14 =	smov.u32 s10;
	v0 =	vadd.f32 v1, v0  }
0x3d4: {  	_ = 	snop  }
0x3d5: {  	s6 =	sand.u32 $0x7F80, s6;
	[tilespmem:s13+$0x30] =	vst v0  }
0x3d6: {  	v0 =	vld [tilespmem:s6+$0xFE00]  }
0x3d7: {  	s1 =	sadd.s32 $0x40, s1  }
0x3d8: {  	v1 =	vld [tilespmem:s1+$0xFFFFFFE0];
	_ =	sdelay $0x2  }
0x3d9: {  	v0 =	vmul.f32 $1.250000000e-01, v0;
	_ =	sdelay $0x1  }
0x3da: {  	v0 =	vadd.f32 v0, v1  }
0x3db: {  	v57 =	vld [tilespmem:s6+$0xFE10]  }
0x3dc: {  	[tilespmem:s6+$0xFE00] =	vst v0  }
0x3dd: {  	v0 =	vld [tilespmem:s1+$0xFFFFFFF0];
	_ =	sdelay $0x2  }
0x3de: {  	v1 =	vmul.f32 $1.250000000e-01, v57;
	_ =	sdelay $0x1  }
0x3df: {  	v0 =	vadd.f32 v1, v0  }
0x3e0: {  	v58 =	vld [tilespmem:s6+$0xFE20]  }
0x3e1: {  	[tilespmem:s6+$0xFE10] =	vst v0  }
0x3e2: {  	v0 =	vld [tilespmem:s1+$0x0];
	_ =	sdelay $0x2  }
0x3e3: {  	v1 =	vmul.f32 $1.250000000e-01, v58;
	_ =	sdelay $0x1  }
0x3e4: {  	v0 =	vadd.f32 v1, v0  }
0x3e5: {  	v59 =	vld [tilespmem:s6+$0xFE30]  }
0x3e6: {  	[tilespmem:s6+$0xFE20] =	vst v0  }
0x3e7: {  	v0 =	vld [tilespmem:s1+$0x10];
	_ =	sdelay $0x2  }
0x3e8: {  	v1 =	vmul.f32 $1.250000000e-01, v59;
	_ =	sdelay $0x1  }
0x3e9: {  	v0 =	vadd.f32 v1, v0  }
0x3ea: {  	v60 =	vld [tilespmem:s6+$0x16200]  }
0x3eb: {  	[tilespmem:s6+$0xFE30] =	vst v0  }
0x3ec: {  	v0 =	vld [tilespmem:s1+$0xFFFFFFE0];
	_ =	sdelay $0x2  }
0x3ed: {  	v1 =	vmul.f32 $1.250000000e-01, v60;
	_ =	sdelay $0x1  }
0x3ee: {  	v0 =	vadd.f32 v1, v0;
	_ =	sdelay $0x1  }
0x3ef: {  	s10 =	sadd.s32 $0x16200, s6;
	[tilespmem:s6+$0x16200] =	vst v0  }
0x3f0: {  	v0 =	vld [tilespmem:s10+$0x10];
	_ =	sdelay $0x1  }
0x3f1: {  	v61 =	vld [tilespmem:s1+$0xFFFFFFF0];
	_ =	sdelay $0x2  }
0x3f2: {  	v0 =	vmul.f32 $1.250000000e-01, v0;
	_ =	sdelay $0x1  }
0x3f3: {  	v0 =	vadd.f32 v0, v61  }
0x3f4: {  	v62 =	vld [tilespmem:s10+$0x20]  }
0x3f5: {  	[tilespmem:s10+$0x10] =	vst v0  }
0x3f6: {  	v0 =	vld [tilespmem:s1+$0x0];
	_ =	sdelay $0x2  }
0x3f7: {  	v1 =	vmul.f32 $1.250000000e-01, v62;
	_ =	sdelay $0x1  }
0x3f8: {  	v0 =	vadd.f32 v1, v0  }
0x3f9: {  	v63 =	vld [tilespmem:s10+$0x30]  }
0x3fa: {  	[tilespmem:s10+$0x20] =	vst v0  }
0x3fb: {  	v0 =	vld [tilespmem:s1+$0x10];
	_ =	sdelay $0x2  }
0x3fc: {  	v1 =	vmul.f32 $1.250000000e-01, v63;
	_ =	sdelay $0x1  }
0x3fd: {  	v0 =	vadd.f32 v1, v0;
	_ =	sdelay $0x1  }
0x3fe: {  	s20 =	rddreg [dreg:$0x8];
	s1 =	simm.s32 $0x0;
	[tilespmem:s10+$0x30] =	vst v0  }
0x3ff: {  	[hbm4b:s20+s1] =	stream.linear.scatter [tilespmem:s30], [sflag:$0x6], $0xC800, $0x38;
	[tilespmem:$0x1C600] =	vst v63  }
0x400: {  	_ =	swait.ge [sflag:s31], $0xC800  }
0x401: {  	[sflag:s31] =	ssyncset.done $0x0  }
0x402: {  	[sflag:s31] =	ssyncadd.s32 $0xFFFF3800  }
0x403: {  	_ =	swait.ge [sflag:s24], $0x190  }
0x404: {  	[sflag:s24] =	ssyncset.done $0x0  }
0x405: {  	s6 =	simm.s32 $0x200;
	[sflag:s24] =	ssyncadd.s32 $0xFFFFFE70  }
.LBB2_22:
0x406: {  	v0 =	vld [tilespmem:s6+$0x0];
	_ =	sdelay $0x4  }
0x407: {  	v1 =	vshrl.u32 v0, $0x3  }
0x408: {  	v0 =	vand.u32 $0x7, v0;
	v1 =	vshll.u32 v1, $0xA  }
0x409: {  	v0 =	vshll.u32 v0, $0x7;
	(v2sf) =	vpush v1, $0x0  }
0x40a: {  	(v2sf) =	vpush v0, $0x0;
	_ =	sdelay $0x2  }
0x40b: {  	(v2sf) =	vpush v1, $0x1  }
0x40c: {  	(v2sf) =	vpush v0, $0x1;
	_ =	sdelay $0x2  }
0x40d: {  	(v2sf) =	vpush v1, $0x2  }
0x40e: {  	(v2sf) =	vpush v0, $0x2;
	_ =	sdelay $0x5  }
0x40f: {  	s10 =	spop (v2sf);
	(v2sf) =	vpush v1, $0x3  }
0x410: {  	s12 =	spop (v2sf);
	(v2sf) =	vpush v0, $0x3;
	_ =	sdelay $0x2  }
0x411: {  	s12 =	sor.u32 s12, s10;
	s16 =	spop (v2sf);
	(v2sf) =	vpush v1, $0x4  }
0x412: {  	s10 =	sshra.s32 s1, $0x2;
	s12 =	sshrl.u32 s12, $0x3;
	s20 =	spop (v2sf);
	(v2sf) =	vpush v0, $0x4  }
0x413: {  	s13 =	sadd.s32 $0xFE00, s10;
	s12 =	sadd.s32 s5, s12  }
0x414: {  	[tilespmem:s13], [sflag:$0x4] =	stream.linear.gather [hbm4b:s12+s3], $0x80, $0x38;
	[tilespmem:$0x1C600] =	vst v63  }
0x415: {  	s12 =	sor.u32 s20, s16;
	s16 =	spop (v2sf);
	(v2sf) =	vpush v1, $0x5  }
0x416: {  	s20 =	spop (v2sf);
	(v2sf) =	vpush v0, $0x5;
	_ =	sdelay $0x2  }
0x417: {  	s12 =	sshrl.u32 s12, $0x3  }
0x418: {  	s14 =	sadd.s32 $0xFE80, s10;
	s12 =	sadd.s32 s5, s12  }
0x419: {  	[tilespmem:s14], [sflag:$0x4] =	stream.linear.gather [hbm4b:s12+s3], $0x80, $0x38;
	[tilespmem:$0x1C600] =	vst v63  }
0x41a: {  	s12 =	sor.u32 s20, s16;
	s16 =	spop (v2sf);
	(v2sf) =	vpush v1, $0x6  }
0x41b: {  	s12 =	sshrl.u32 s12, $0x3;
	s20 =	spop (v2sf);
	(v2sf) =	vpush v0, $0x6  }
0x41c: {  	s14 =	sadd.s32 $0xFF00, s10;
	s12 =	sadd.s32 s5, s12  }
0x41d: {  	[tilespmem:s14], [sflag:$0x4] =	stream.linear.gather [hbm4b:s12+s3], $0x80, $0x38;
	[tilespmem:$0x1C600] =	vst v63  }
0x41e: {  	s12 =	sor.u32 s20, s16;
	s16 =	spop (v2sf);
	(v2sf) =	vpush v1, $0x7  }
0x41f: {  	s12 =	sshrl.u32 s12, $0x3;
	s20 =	spop (v2sf);
	(v2sf) =	vpush v0, $0x7  }
0x420: {  	s14 =	sadd.s32 $0xFF80, s10;
	s12 =	sadd.s32 s5, s12  }
0x421: {  	[tilespmem:s14], [sflag:$0x4] =	stream.linear.gather [hbm4b:s12+s3], $0x80, $0x38;
	[tilespmem:$0x1C600] =	vst v63  }
0x422: {  	s12 =	sor.u32 s20, s16;
	s16 =	spop (v2sf);
	(v2sf) =	vpush v1, $0x8  }
0x423: {  	s20 =	spop (v2sf);
	(v2sf) =	vpush v0, $0x8;
	_ =	sdelay $0x2  }
0x424: {  	s12 =	sshrl.u32 s12, $0x3  }
0x425: {  	s14 =	sadd.s32 $0x10000, s10;
	s12 =	sadd.s32 s5, s12  }
0x426: {  	[tilespmem:s14], [sflag:$0x4] =	stream.linear.gather [hbm4b:s12+s3], $0x80, $0x38;
	[tilespmem:$0x1C600] =	vst v63  }
0x427: {  	s12 =	sor.u32 s20, s16;
	s16 =	spop (v2sf);
	(v2sf) =	vpush v1, $0x9  }
0x428: {  	s12 =	sshrl.u32 s12, $0x3;
	s20 =	spop (v2sf);
	(v2sf) =	vpush v0, $0x9  }
0x429: {  	s14 =	sadd.s32 $0x10080, s10;
	s12 =	sadd.s32 s5, s12  }
0x42a: {  	[tilespmem:s14], [sflag:$0x4] =	stream.linear.gather [hbm4b:s12+s3], $0x80, $0x38;
	[tilespmem:$0x1C600] =	vst v63  }
0x42b: {  	s12 =	sor.u32 s20, s16;
	s16 =	spop (v2sf);
	(v2sf) =	vpush v1, $0xA  }
0x42c: {  	s12 =	sshrl.u32 s12, $0x3;
	s20 =	spop (v2sf);
	(v2sf) =	vpush v0, $0xA  }
0x42d: {  	s14 =	sadd.s32 $0x10100, s10;
	s12 =	sadd.s32 s5, s12  }
0x42e: {  	[tilespmem:s14], [sflag:$0x4] =	stream.linear.gather [hbm4b:s12+s3], $0x80, $0x38;
	[tilespmem:$0x1C600] =	vst v63  }
0x42f: {  	s12 =	sor.u32 s20, s16;
	s16 =	spop (v2sf);
	(v2sf) =	vpush v1, $0xB  }
0x430: {  	s20 =	spop (v2sf);
	(v2sf) =	vpush v0, $0xB;
	_ =	sdelay $0x2  }
0x431: {  	s12 =	sshrl.u32 s12, $0x3  }
0x432: {  	s14 =	sadd.s32 $0x10180, s10;
	s12 =	sadd.s32 s5, s12  }
0x433: {  	[tilespmem:s14], [sflag:$0x4] =	stream.linear.gather [hbm4b:s12+s3], $0x80, $0x38;
	[tilespmem:$0x1C600] =	vst v63  }
0x434: {  	s12 =	sor.u32 s20, s16;
	s16 =	spop (v2sf);
	(v2sf) =	vpush v1, $0xC  }
0x435: {  	s12 =	sshrl.u32 s12, $0x3;
	s20 =	spop (v2sf);
	(v2sf) =	vpush v0, $0xC  }
0x436: {  	s14 =	sadd.s32 $0x10200, s10;
	s12 =	sadd.s32 s5, s12  }
0x437: {  	[tilespmem:s14], [sflag:$0x4] =	stream.linear.gather [hbm4b:s12+s3], $0x80, $0x38;
	[tilespmem:$0x1C600] =	vst v63  }
0x438: {  	s12 =	sor.u32 s20, s16;
	s16 =	spop (v2sf);
	(v2sf) =	vpush v1, $0xD  }
0x439: {  	s12 =	sshrl.u32 s12, $0x3;
	s20 =	spop (v2sf);
	(v2sf) =	vpush v0, $0xD  }
0x43a: {  	s14 =	sadd.s32 $0x10280, s10;
	s12 =	sadd.s32 s5, s12  }
0x43b: {  	[tilespmem:s14], [sflag:$0x4] =	stream.linear.gather [hbm4b:s12+s3], $0x80, $0x38;
	[tilespmem:$0x1C600] =	vst v63  }
0x43c: {  	s12 =	sor.u32 s20, s16;
	s16 =	spop (v2sf);
	(v2sf) =	vpush v1, $0xE  }
0x43d: {  	s20 =	spop (v2sf);
	(v2sf) =	vpush v0, $0xE;
	_ =	sdelay $0x1  }
0x43e: {  	s12 =	sshrl.u32 s12, $0x3  }
0x43f: {  	s14 =	sadd.s32 $0x10300, s10;
	s12 =	sadd.s32 s5, s12  }
0x440: {  	[tilespmem:s14], [sflag:$0x4] =	stream.linear.gather [hbm4b:s12+s3], $0x80, $0x38;
	[tilespmem:$0x1C600] =	vst v63  }
0x441: {  	s12 =	sor.u32 s20, s16  }
0x442: {  	s12 =	sshrl.u32 s12, $0x3;
	s16 =	spop (v2sf);
	(v2sf) =	vpush v1, $0xF  }
0x443: {  	s14 =	sadd.s32 $0x10380, s10;
	s12 =	sadd.s32 s5, s12;
	s20 =	spop (v2sf);
	(v2sf) =	vpush v0, $0xF  }
0x444: {  	[tilespmem:s14], [sflag:$0x4] =	stream.linear.gather [hbm4b:s12+s3], $0x80, $0x38;
	[tilespmem:$0x1C600] =	vst v63  }
0x445: {  	s12 =	sor.u32 s20, s16  }
0x446: {  	s16 =	spop (v2sf);
	s12 =	sshrl.u32 s12, $0x3  }
0x447: {  	s14 =	sadd.s32 $0x10400, s10;
	s20 =	spop (v2sf);
	s12 =	sadd.s32 s5, s12  }
0x448: {  	[tilespmem:s14], [sflag:$0x4] =	stream.linear.gather [hbm4b:s12+s3], $0x80, $0x38;
	[tilespmem:$0x1C600] =	vst v63  }
0x449: {  	s12 =	sor.u32 s20, s16  }
0x44a: {  	s16 =	spop (v2sf);
	s12 =	sshrl.u32 s12, $0x3  }
0x44b: {  	s14 =	sadd.s32 $0x10480, s10;
	s20 =	spop (v2sf);
	s12 =	sadd.s32 s5, s12  }
0x44c: {  	[tilespmem:s14], [sflag:$0x4] =	stream.linear.gather [hbm4b:s12+s3], $0x80, $0x38;
	[tilespmem:$0x1C600] =	vst v63  }
0x44d: {  	s12 =	sor.u32 s20, s16  }
0x44e: {  	s12 =	sshrl.u32 s12, $0x3  }
0x44f: {  	s14 =	sadd.s32 $0x10500, s10;
	s12 =	sadd.s32 s5, s12  }
0x450: {  	[tilespmem:s14], [sflag:$0x4] =	stream.linear.gather [hbm4b:s12+s3], $0x80, $0x38;
	[tilespmem:$0x1C600] =	vst v63  }
0x451: {  	p0 =	sne.s32 s1, $0x30000;
	s16 =	spop (v2sf)  }
.Ltmp10:
0x452: {  	s20 =	spop (v2sf);
	(pc) =	sbr.rel @p0 .LBB2_22-.Ltmp10, $4  }
0x453: {  	s12 =	sor.u32 s20, s16  }
0x454: {  	s6 =	sadd.s32 $0x10, s6;
	s12 =	sshrl.u32 s12, $0x3  }
0x455: {  	s1 =	sadd.s32 $0x2000, s1;
	s10 =	sadd.s32 $0x10580, s10;
	s12 =	sadd.s32 s5, s12  }
0x456: {  	[tilespmem:s10], [sflag:$0x4] =	stream.linear.gather [hbm4b:s12+s3], $0x80, $0x38;
	[tilespmem:$0x1C600] =	vst v63  }
0x457: {  	_ =	swait.ge [sflag:s25], $0xC800  }
0x458: {  	s1 =	simm.s32 $0x0;
	[sflag:s25] =	ssyncset.done $0x0  }
0x459: {  	s6 =	sand.u32 $0x7F80, s1;
	[sflag:s25] =	ssyncadd.s32 $0xFFFF3800  }
0x45a: {  	v0 =	vld [tilespmem:s6+$0x3600]  }
0x45b: {  	s1 =	simm.s32 $0x420  }
0x45c: {  	v1 =	vld [tilespmem:s1+$0xFFFFFFE0];
	_ =	sdelay $0x2  }
0x45d: {  	v0 =	vmul.f32 $1.250000000e-01, v0;
	_ =	sdelay $0x1  }
0x45e: {  	v0 =	vadd.f32 v0, v1  }
0x45f: {  	v1 =	vld [tilespmem:s6+$0x3610]  }
0x460: {  	[tilespmem:s6+$0x3600] =	vst v0  }
0x461: {  	v0 =	vld [tilespmem:s1+$0xFFFFFFF0];
	_ =	sdelay $0x2  }
0x462: {  	v1 =	vmul.f32 $1.250000000e-01, v1;
	_ =	sdelay $0x1  }
0x463: {  	v0 =	vadd.f32 v1, v0  }
0x464: {  	v1 =	vld [tilespmem:s6+$0x3620]  }
0x465: {  	[tilespmem:s6+$0x3610] =	vst v0  }
0x466: {  	v0 =	vld [tilespmem:s1+$0x0];
	_ =	sdelay $0x2  }
0x467: {  	v1 =	vmul.f32 $1.250000000e-01, v1;
	_ =	sdelay $0x1  }
0x468: {  	v0 =	vadd.f32 v1, v0  }
0x469: {  	v1 =	vld [tilespmem:s6+$0x3630]  }
0x46a: {  	[tilespmem:s6+$0x3620] =	vst v0  }
0x46b: {  	v0 =	vld [tilespmem:s1+$0x10];
	_ =	sdelay $0x2  }
0x46c: {  	v1 =	vmul.f32 $1.250000000e-01, v1;
	_ =	sdelay $0x1  }
0x46d: {  	v0 =	vadd.f32 v1, v0  }
0x46e: {  	v1 =	vld [tilespmem:s6+$0x9A00]  }
0x46f: {  	[tilespmem:s6+$0x3630] =	vst v0  }
0x470: {  	v0 =	vld [tilespmem:s1+$0xFFFFFFE0];
	_ =	sdelay $0x2  }
0x471: {  	v1 =	vmul.f32 $1.250000000e-01, v1;
	_ =	sdelay $0x1  }
0x472: {  	v0 =	vadd.f32 v1, v0  }
0x473: {  	v1 =	vld [tilespmem:s6+$0x9A10]  }
0x474: {  	[tilespmem:s6+$0x9A00] =	vst v0  }
0x475: {  	v0 =	vld [tilespmem:s1+$0xFFFFFFF0];
	_ =	sdelay $0x2  }
0x476: {  	v1 =	vmul.f32 $1.250000000e-01, v1;
	_ =	sdelay $0x1  }
0x477: {  	v0 =	vadd.f32 v1, v0  }
0x478: {  	v1 =	vld [tilespmem:s6+$0x9A20]  }
0x479: {  	[tilespmem:s6+$0x9A10] =	vst v0  }
0x47a: {  	v0 =	vld [tilespmem:s1+$0x0];
	_ =	sdelay $0x2  }
0x47b: {  	v1 =	vmul.f32 $1.250000000e-01, v1;
	_ =	sdelay $0x1  }
0x47c: {  	v0 =	vadd.f32 v1, v0  }
0x47d: {  	v1 =	vld [tilespmem:s6+$0x9A30]  }
0x47e: {  	[tilespmem:s6+$0x9A20] =	vst v0  }
0x47f: {  	v0 =	vld [tilespmem:s1+$0x10];
	_ =	sdelay $0x2  }
0x480: {  	v1 =	vmul.f32 $1.250000000e-01, v1  }
0x481: {  	s10 =	simm.s32 $0x80  }
0x482: {  	s12 =	sand.u32 $0x7F80, s10;
	s10 =	simm.s32 $0x100;
	v0 =	vadd.f32 v1, v0  }
.LBB2_24:
0x483: {  	p0 =	sne.s32 s10, $0x6380;
	v1 =	vld [tilespmem:s12+$0x3600]  }
0x484: {  	s1 =	sadd.s32 $0x40, s1;
	[tilespmem:s6+$0x9A30] =	vst v0;
	s6 =	smov.u32 s12  }
0x485: {  	v0 =	vld [tilespmem:s1+$0xFFFFFFE0];
	_ =	sdelay $0x2  }
0x486: {  	v1 =	vmul.f32 $1.250000000e-01, v1;
	_ =	sdelay $0x1  }
0x487: {  	v0 =	vadd.f32 v1, v0  }
0x488: {  	v1 =	vld [tilespmem:s6+$0x3610]  }
0x489: {  	[tilespmem:s6+$0x3600] =	vst v0  }
0x48a: {  	v0 =	vld [tilespmem:s1+$0xFFFFFFF0];
	_ =	sdelay $0x2  }
0x48b: {  	v1 =	vmul.f32 $1.250000000e-01, v1;
	_ =	sdelay $0x1  }
0x48c: {  	v0 =	vadd.f32 v1, v0  }
0x48d: {  	v1 =	vld [tilespmem:s6+$0x3620]  }
0x48e: {  	[tilespmem:s6+$0x3610] =	vst v0  }
0x48f: {  	v0 =	vld [tilespmem:s1+$0x0];
	_ =	sdelay $0x2  }
0x490: {  	v1 =	vmul.f32 $1.250000000e-01, v1;
	_ =	sdelay $0x1  }
0x491: {  	v0 =	vadd.f32 v1, v0  }
0x492: {  	v1 =	vld [tilespmem:s6+$0x3630]  }
0x493: {  	[tilespmem:s6+$0x3620] =	vst v0  }
0x494: {  	v0 =	vld [tilespmem:s1+$0x10];
	_ =	sdelay $0x2  }
0x495: {  	v1 =	vmul.f32 $1.250000000e-01, v1;
	_ =	sdelay $0x1  }
0x496: {  	v0 =	vadd.f32 v1, v0  }
0x497: {  	v1 =	vld [tilespmem:s6+$0x9A00]  }
0x498: {  	[tilespmem:s6+$0x3630] =	vst v0  }
0x499: {  	v0 =	vld [tilespmem:s1+$0xFFFFFFE0];
	_ =	sdelay $0x2  }
0x49a: {  	v1 =	vmul.f32 $1.250000000e-01, v1;
	_ =	sdelay $0x1  }
0x49b: {  	v0 =	vadd.f32 v1, v0  }
0x49c: {  	v1 =	vld [tilespmem:s6+$0x9A10]  }
0x49d: {  	[tilespmem:s6+$0x9A00] =	vst v0  }
0x49e: {  	v0 =	vld [tilespmem:s1+$0xFFFFFFF0];
	_ =	sdelay $0x2  }
0x49f: {  	v1 =	vmul.f32 $1.250000000e-01, v1;
	_ =	sdelay $0x1  }
0x4a0: {  	v0 =	vadd.f32 v1, v0  }
0x4a1: {  	v1 =	vld [tilespmem:s6+$0x9A20]  }
0x4a2: {  	[tilespmem:s6+$0x9A10] =	vst v0  }
0x4a3: {  	v0 =	vld [tilespmem:s1+$0x0];
	_ =	sdelay $0x2  }
0x4a4: {  	v1 =	vmul.f32 $1.250000000e-01, v1;
	_ =	sdelay $0x1  }
0x4a5: {  	v0 =	vadd.f32 v1, v0  }
0x4a6: {  	v1 =	vld [tilespmem:s6+$0x9A30]  }
0x4a7: {  	[tilespmem:s6+$0x9A20] =	vst v0  }
0x4a8: {  	v0 =	vld [tilespmem:s1+$0x10]  }
.Ltmp11:
0x4a9: {  	(pc) =	sbr.rel @p0 .LBB2_24-.Ltmp11, $3  }
0x4aa: {  	_ = 	snop  }
0x4ab: {  	v1 =	vmul.f32 $1.250000000e-01, v1;
	_ =	sdelay $0x1  }
0x4ac: {  	s12 =	sand.u32 $0x7F80, s10;
	s10 =	sadd.s32 $0x80, s10;
	v0 =	vadd.f32 v1, v0  }
0x4ad: {  	v1 =	vld [tilespmem:s12+$0x3600]  }
0x4ae: {  	s1 =	sadd.s32 $0x40, s1;
	[tilespmem:s6+$0x9A30] =	vst v0  }
0x4af: {  	v0 =	vld [tilespmem:s1+$0xFFFFFFE0];
	_ =	sdelay $0x2  }
0x4b0: {  	v1 =	vmul.f32 $1.250000000e-01, v1;
	_ =	sdelay $0x1  }
0x4b1: {  	v0 =	vadd.f32 v1, v0  }
0x4b2: {  	v1 =	vld [tilespmem:s12+$0x3610]  }
0x4b3: {  	[tilespmem:s12+$0x3600] =	vst v0  }
0x4b4: {  	v0 =	vld [tilespmem:s1+$0xFFFFFFF0];
	_ =	sdelay $0x2  }
0x4b5: {  	v1 =	vmul.f32 $1.250000000e-01, v1;
	_ =	sdelay $0x1  }
0x4b6: {  	v0 =	vadd.f32 v1, v0  }
0x4b7: {  	v1 =	vld [tilespmem:s12+$0x3620]  }
0x4b8: {  	[tilespmem:s12+$0x3610] =	vst v0  }
0x4b9: {  	v0 =	vld [tilespmem:s1+$0x0];
	_ =	sdelay $0x2  }
0x4ba: {  	v1 =	vmul.f32 $1.250000000e-01, v1;
	_ =	sdelay $0x1  }
0x4bb: {  	v0 =	vadd.f32 v1, v0  }
0x4bc: {  	v1 =	vld [tilespmem:s12+$0x3630]  }
0x4bd: {  	[tilespmem:s12+$0x3620] =	vst v0  }
0x4be: {  	v0 =	vld [tilespmem:s1+$0x10];
	_ =	sdelay $0x2  }
0x4bf: {  	v1 =	vmul.f32 $1.250000000e-01, v1;
	_ =	sdelay $0x1  }
0x4c0: {  	v0 =	vadd.f32 v1, v0  }
0x4c1: {  	v1 =	vld [tilespmem:s12+$0x9A00]  }
0x4c2: {  	[tilespmem:s12+$0x3630] =	vst v0  }
0x4c3: {  	v0 =	vld [tilespmem:s1+$0xFFFFFFE0];
	_ =	sdelay $0x2  }
0x4c4: {  	v1 =	vmul.f32 $1.250000000e-01, v1;
	_ =	sdelay $0x1  }
0x4c5: {  	v0 =	vadd.f32 v1, v0  }
0x4c6: {  	v1 =	vld [tilespmem:s12+$0x9A10]  }
0x4c7: {  	[tilespmem:s12+$0x9A00] =	vst v0  }
0x4c8: {  	v0 =	vld [tilespmem:s1+$0xFFFFFFF0];
	_ =	sdelay $0x2  }
0x4c9: {  	v1 =	vmul.f32 $1.250000000e-01, v1;
	_ =	sdelay $0x1  }
0x4ca: {  	v0 =	vadd.f32 v1, v0  }
0x4cb: {  	v1 =	vld [tilespmem:s12+$0x9A20]  }
0x4cc: {  	[tilespmem:s12+$0x9A10] =	vst v0  }
0x4cd: {  	v0 =	vld [tilespmem:s1+$0x0];
	_ =	sdelay $0x2  }
0x4ce: {  	v1 =	vmul.f32 $1.250000000e-01, v1;
	_ =	sdelay $0x1  }
0x4cf: {  	v0 =	vadd.f32 v1, v0  }
0x4d0: {  	v1 =	vld [tilespmem:s12+$0x9A30]  }
0x4d1: {  	[tilespmem:s12+$0x9A20] =	vst v0  }
0x4d2: {  	v0 =	vld [tilespmem:s1+$0x10];
	_ =	sdelay $0x2  }
0x4d3: {  	v1 =	vmul.f32 $1.250000000e-01, v1;
	_ =	sdelay $0x1  }
0x4d4: {  	v0 =	vadd.f32 v1, v0;
	_ =	sdelay $0x1  }
0x4d5: {  	s16 =	simm.s32 $0x0;
	[tilespmem:s12+$0x9A30] =	vst v0  }
0x4d6: {  	[hbm4b:s17+s16] =	stream.linear.scatter [tilespmem:s26], [sflag:$0x5], $0xC800, $0x38;
	[tilespmem:$0x1C600] =	vst v63  }
0x4d7: {  	_ =	swait.ge [sflag:s29], $0xC800  }
0x4d8: {  	[sflag:s29] =	ssyncset.done $0x0  }
0x4d9: {  	s20 =	sand.u32 $0x7F80, s16;
	[sflag:s29] =	ssyncadd.s32 $0xFFFF3800  }
0x4da: {  	v0 =	vld [tilespmem:s20+$0xFE00]  }
0x4db: {  	s1 =	simm.s32 $0x420  }
0x4dc: {  	v1 =	vld [tilespmem:s1+$0xFFFFFFE0];
	_ =	sdelay $0x2  }
0x4dd: {  	v0 =	vmul.f32 $1.250000000e-01, v0;
	_ =	sdelay $0x1  }
0x4de: {  	v0 =	vadd.f32 v0, v1  }
0x4df: {  	v1 =	vld [tilespmem:s20+$0xFE10]  }
0x4e0: {  	[tilespmem:s20+$0xFE00] =	vst v0  }
0x4e1: {  	v0 =	vld [tilespmem:s1+$0xFFFFFFF0];
	_ =	sdelay $0x2  }
0x4e2: {  	v1 =	vmul.f32 $1.250000000e-01, v1;
	_ =	sdelay $0x1  }
0x4e3: {  	v0 =	vadd.f32 v1, v0  }
0x4e4: {  	v1 =	vld [tilespmem:s20+$0xFE20]  }
0x4e5: {  	[tilespmem:s20+$0xFE10] =	vst v0  }
0x4e6: {  	v0 =	vld [tilespmem:s1+$0x0];
	_ =	sdelay $0x2  }
0x4e7: {  	v1 =	vmul.f32 $1.250000000e-01, v1;
	_ =	sdelay $0x1  }
0x4e8: {  	v0 =	vadd.f32 v1, v0  }
0x4e9: {  	v1 =	vld [tilespmem:s20+$0xFE30]  }
0x4ea: {  	[tilespmem:s20+$0xFE20] =	vst v0  }
0x4eb: {  	v0 =	vld [tilespmem:s1+$0x10];
	_ =	sdelay $0x2  }
0x4ec: {  	v1 =	vmul.f32 $1.250000000e-01, v1;
	_ =	sdelay $0x1  }
0x4ed: {  	v0 =	vadd.f32 v1, v0  }
0x4ee: {  	v1 =	vld [tilespmem:s20+$0x16200]  }
0x4ef: {  	[tilespmem:s20+$0xFE30] =	vst v0  }
0x4f0: {  	v0 =	vld [tilespmem:s1+$0xFFFFFFE0];
	_ =	sdelay $0x2  }
0x4f1: {  	v1 =	vmul.f32 $1.250000000e-01, v1;
	_ =	sdelay $0x1  }
0x4f2: {  	v0 =	vadd.f32 v1, v0;
	_ =	sdelay $0x1  }
0x4f3: {  	s13 =	sadd.s32 $0x16200, s20;
	[tilespmem:s20+$0x16200] =	vst v0  }
0x4f4: {  	v0 =	vld [tilespmem:s13+$0x10];
	_ =	sdelay $0x1  }
0x4f5: {  	v1 =	vld [tilespmem:s1+$0xFFFFFFF0];
	_ =	sdelay $0x2  }
0x4f6: {  	v0 =	vmul.f32 $1.250000000e-01, v0;
	_ =	sdelay $0x1  }
0x4f7: {  	v0 =	vadd.f32 v0, v1  }
0x4f8: {  	v2 =	vld [tilespmem:s13+$0x20]  }
0x4f9: {  	[tilespmem:s13+$0x10] =	vst v0  }
0x4fa: {  	v0 =	vld [tilespmem:s1+$0x0];
	_ =	sdelay $0x2  }
0x4fb: {  	v2 =	vmul.f32 $1.250000000e-01, v2;
	_ =	sdelay $0x1  }
0x4fc: {  	v0 =	vadd.f32 v2, v0  }
0x4fd: {  	v1 =	vld [tilespmem:s13+$0x30]  }
0x4fe: {  	[tilespmem:s13+$0x20] =	vst v0  }
0x4ff: {  	v0 =	vld [tilespmem:s1+$0x10];
	_ =	sdelay $0x2  }
0x500: {  	v1 =	vmul.f32 $1.250000000e-01, v1;
	_ =	sdelay $0x1  }
0x501: {  	s14 =	simm.s32 $0x100;
	s6 =	simm.s32 $0x80;
	v0 =	vadd.f32 v1, v0  }
.LBB2_26:
0x502: {  	s12 =	sand.u32 $0x7F80, s6  }
0x503: {  	s1 =	sadd.s32 $0x40, s1;
	s6 =	smov.u32 s14;
	s10 =	sadd.s32 $0x80, s14;
	[tilespmem:s13+$0x30] =	vst v0  }
0x504: {  	p0 =	sne.s32 s14, $0x6380;
	v0 =	vld [tilespmem:s12+$0xFE00];
	_ =	sdelay $0x1  }
0x505: {  	v1 =	vld [tilespmem:s1+$0xFFFFFFE0];
	_ =	sdelay $0x2  }
0x506: {  	v0 =	vmul.f32 $1.250000000e-01, v0;
	_ =	sdelay $0x1  }
0x507: {  	v0 =	vadd.f32 v0, v1  }
0x508: {  	v1 =	vld [tilespmem:s12+$0xFE10]  }
0x509: {  	[tilespmem:s12+$0xFE00] =	vst v0  }
0x50a: {  	v0 =	vld [tilespmem:s1+$0xFFFFFFF0];
	_ =	sdelay $0x2  }
0x50b: {  	v1 =	vmul.f32 $1.250000000e-01, v1;
	_ =	sdelay $0x1  }
0x50c: {  	v0 =	vadd.f32 v1, v0  }
0x50d: {  	v1 =	vld [tilespmem:s12+$0xFE20]  }
0x50e: {  	[tilespmem:s12+$0xFE10] =	vst v0  }
0x50f: {  	v0 =	vld [tilespmem:s1+$0x0];
	_ =	sdelay $0x2  }
0x510: {  	v1 =	vmul.f32 $1.250000000e-01, v1;
	_ =	sdelay $0x1  }
0x511: {  	v0 =	vadd.f32 v1, v0  }
0x512: {  	v1 =	vld [tilespmem:s12+$0xFE30]  }
0x513: {  	[tilespmem:s12+$0xFE20] =	vst v0  }
0x514: {  	v0 =	vld [tilespmem:s1+$0x10];
	_ =	sdelay $0x2  }
0x515: {  	v1 =	vmul.f32 $1.250000000e-01, v1;
	_ =	sdelay $0x1  }
0x516: {  	v0 =	vadd.f32 v1, v0  }
0x517: {  	v1 =	vld [tilespmem:s12+$0x16200]  }
0x518: {  	[tilespmem:s12+$0xFE30] =	vst v0  }
0x519: {  	v0 =	vld [tilespmem:s1+$0xFFFFFFE0];
	_ =	sdelay $0x2  }
0x51a: {  	v1 =	vmul.f32 $1.250000000e-01, v1;
	_ =	sdelay $0x1  }
0x51b: {  	v0 =	vadd.f32 v1, v0;
	_ =	sdelay $0x1  }
0x51c: {  	s13 =	sadd.s32 $0x16200, s12;
	[tilespmem:s12+$0x16200] =	vst v0  }
0x51d: {  	v0 =	vld [tilespmem:s13+$0x10]  }
0x51e: {  	v1 =	vld [tilespmem:s1+$0xFFFFFFF0]  }
0x51f: {  	v2 =	vld [tilespmem:s13+$0x20]  }
0x520: {  	v3 =	vld [tilespmem:s13+$0x30];
	_ =	sdelay $0x1  }
0x521: {  	v0 =	vmul.f32 $1.250000000e-01, v0;
	_ =	sdelay $0x1  }
0x522: {  	v0 =	vadd.f32 v0, v1;
	_ =	sdelay $0x1  }
0x523: {  	[tilespmem:s13+$0x10] =	vst v0  }
0x524: {  	v0 =	vld [tilespmem:s1+$0x0];
	_ =	sdelay $0x2  }
0x525: {  	v1 =	vmul.f32 $1.250000000e-01, v2;
	_ =	sdelay $0x1  }
0x526: {  	v0 =	vadd.f32 v1, v0;
	_ =	sdelay $0x1  }
0x527: {  	[tilespmem:s13+$0x20] =	vst v0  }
0x528: {  	v0 =	vld [tilespmem:s1+$0x10]  }
.Ltmp12:
0x529: {  	(pc) =	sbr.rel @p0 .LBB2_26-.Ltmp12, $3  }
0x52a: {  	_ = 	snop  }
0x52b: {  	v1 =	vmul.f32 $1.250000000e-01, v3;
	_ =	sdelay $0x1  }
0x52c: {  	s14 =	smov.u32 s10;
	v0 =	vadd.f32 v1, v0  }
0x52d: {  	_ = 	snop  }
0x52e: {  	s6 =	sand.u32 $0x7F80, s6;
	[tilespmem:s13+$0x30] =	vst v0  }
0x52f: {  	v0 =	vld [tilespmem:s6+$0xFE00]  }
0x530: {  	s1 =	sadd.s32 $0x40, s1  }
0x531: {  	v1 =	vld [tilespmem:s1+$0xFFFFFFE0];
	_ =	sdelay $0x2  }
0x532: {  	v0 =	vmul.f32 $1.250000000e-01, v0;
	_ =	sdelay $0x1  }
0x533: {  	v0 =	vadd.f32 v0, v1  }
0x534: {  	v57 =	vld [tilespmem:s6+$0xFE10]  }
0x535: {  	[tilespmem:s6+$0xFE00] =	vst v0  }
0x536: {  	v0 =	vld [tilespmem:s1+$0xFFFFFFF0];
	_ =	sdelay $0x2  }
0x537: {  	v1 =	vmul.f32 $1.250000000e-01, v57;
	_ =	sdelay $0x1  }
0x538: {  	v0 =	vadd.f32 v1, v0  }
0x539: {  	v58 =	vld [tilespmem:s6+$0xFE20]  }
0x53a: {  	[tilespmem:s6+$0xFE10] =	vst v0  }
0x53b: {  	v0 =	vld [tilespmem:s1+$0x0];
	_ =	sdelay $0x2  }
0x53c: {  	v1 =	vmul.f32 $1.250000000e-01, v58;
	_ =	sdelay $0x1  }
0x53d: {  	v0 =	vadd.f32 v1, v0  }
0x53e: {  	v59 =	vld [tilespmem:s6+$0xFE30]  }
0x53f: {  	[tilespmem:s6+$0xFE20] =	vst v0  }
0x540: {  	v0 =	vld [tilespmem:s1+$0x10];
	_ =	sdelay $0x2  }
0x541: {  	v1 =	vmul.f32 $1.250000000e-01, v59;
	_ =	sdelay $0x1  }
0x542: {  	v0 =	vadd.f32 v1, v0  }
0x543: {  	v60 =	vld [tilespmem:s6+$0x16200]  }
0x544: {  	[tilespmem:s6+$0xFE30] =	vst v0  }
0x545: {  	v0 =	vld [tilespmem:s1+$0xFFFFFFE0];
	_ =	sdelay $0x2  }
0x546: {  	v1 =	vmul.f32 $1.250000000e-01, v60;
	_ =	sdelay $0x1  }
0x547: {  	v0 =	vadd.f32 v1, v0;
	_ =	sdelay $0x1  }
0x548: {  	s10 =	sadd.s32 $0x16200, s6;
	[tilespmem:s6+$0x16200] =	vst v0  }
0x549: {  	v0 =	vld [tilespmem:s10+$0x10];
	_ =	sdelay $0x1  }
0x54a: {  	v61 =	vld [tilespmem:s1+$0xFFFFFFF0];
	_ =	sdelay $0x2  }
0x54b: {  	v0 =	vmul.f32 $1.250000000e-01, v0;
	_ =	sdelay $0x1  }
0x54c: {  	v0 =	vadd.f32 v0, v61  }
0x54d: {  	v62 =	vld [tilespmem:s10+$0x20]  }
0x54e: {  	[tilespmem:s10+$0x10] =	vst v0  }
0x54f: {  	v0 =	vld [tilespmem:s1+$0x0];
	_ =	sdelay $0x2  }
0x550: {  	v1 =	vmul.f32 $1.250000000e-01, v62;
	_ =	sdelay $0x1  }
0x551: {  	v0 =	vadd.f32 v1, v0  }
0x552: {  	v63 =	vld [tilespmem:s10+$0x30]  }
0x553: {  	[tilespmem:s10+$0x20] =	vst v0  }
0x554: {  	v0 =	vld [tilespmem:s1+$0x10];
	_ =	sdelay $0x2  }
0x555: {  	v1 =	vmul.f32 $1.250000000e-01, v63;
	_ =	sdelay $0x1  }
0x556: {  	v0 =	vadd.f32 v1, v0;
	_ =	sdelay $0x1  }
0x557: {  	s0 =	sadd.s32 $0x1, s0;
	[tilespmem:s10+$0x30] =	vst v0  }
0x558: {  	[hbm4b:s18+s3] =	stream.linear.scatter [tilespmem:s30], [sflag:$0x6], $0xC800, $0x38;
	[tilespmem:$0x1C600] =	vst v63  }
0x559: {  	p0 =	sne.s32 s0, s19;
	_ =	swait.ge [sflag:s28], $0xC800  }
.Ltmp13:
0x55a: {  	[sflag:s28] =	ssyncset.done $0x0;
	(pc) =	sbr.rel @p0 .LBB2_1-.Ltmp13, $4  }
0x55b: {  	[sflag:s28] =	ssyncadd.s32 $0xFFFF3800  }
0x55c: {  	_ =	swait.ge [sflag:s31], $0xC800  }
0x55d: {  	[sflag:s31] =	ssyncset.done $0x0  }
0x55e: {  	[sflag:s31] =	ssyncadd.s32 $0xFFFF3800  }
0x55f: {  	_ =	sfence.sel $0x180000  }
0x560: {  	[bflag:$0x0] =	sbarrier.arrive $0xFFFF  }
0x561: {  	_ =	strace $0x90000047  }
0x562: {  	s0 =	stileid.u32;
	[bflag:$0x2] =	sbarrier.arrive $0xFFFF  }
0x563: {  	p0 =	sne.s32 s0, $0x0;
	s0 =	rddreg [dreg:$0x2]  }
0x564: {  	s0 =	sadd.s32 @!p0 $0x100000, s0  }
0x565: {  	[sflag:s0] =	ssyncadd.tile.s32 @!p0 $0x1;
	_ =	shalt  }
.Lfunc_end2:
_tile_overlayer_lowered:
.L_overlay_start_2:
0x566: {  	(tag) =	ssettag $0x2  }
0x567: {  	s0 =	rddreg [dreg:$0x0];
	s2 =	stileid.u32  }
0x568: {  	s1 =	rddreg [dreg:$0x1];
	p0 =	sne.s32 s2, $0x0  }
0x569: {  	s3 =	rddreg [dreg:$0x2];
	[bflag:$0x3] =	sbarrier.arrive $0xFFFF;
	s2 =	simm.s32 @!p0 $0x1C07  }
0x56a: {  	[timem:s3], [sflag:s2] =	dma.local @!p0 [hbm:s0], s1  }
0x56b: {  	s0 =	simm.s32 @!p0 $0x7  }
0x56c: {  	_ =	swait.ge @!p0 [sflag:s0], s1  }
0x56d: {  	s1 =	ssub.s32 @!p0 $0x0, s1;
	[sflag:s0] =	ssyncset.done @!p0 $0x0  }
0x56e: {  	[sflag:s0] =	ssyncadd.s32 @!p0 s1  }
0x56f: {  	[bflag:$0x3] =	sbarrier.arrive $0xFFFF  }
0x570: {  	_ =	shalt  }

// kernel: sparse-core-data-format-call.cloned.1.call-start
scs
called_computation_lowered:
.L_overlay_start_0:
0x0: {  	s2 =	sld [smem:$0x3FD9]  }
0x1: {  	s3 =	sld [smem:$0x3FFE];
	_ =	sdelay $0x1  }
0x2: {  	s1 =	srdreg.scid  }
0x3: {  	s0 =	sand.u32 $0x1, s1  }
0x4: {  	s18 =	sshll.u32 s0, $0xA;
	s2 =	sadd.s32 s3, s2  }
0x5: {  	s2 =	sadd.s32 s2, s18  }
0x6: {  	[smem:$0x3FC6] =	sst s2  }
0x7: {  	_ = 	snop  }
0x8: {  	s2 =	sld [smem:$0x3FD0];
	(tm) =	ssettm $0x1  }
0x9: {  	s19 =	sld [smem:$0x3FFB];
	_ =	sdelay $0x3  }
0xa: {  	_ =	strace s19  }
0xb: {  	s3 =	sld [smem:$0x3FFC];
	_ =	sdelay $0x3  }
0xc: {  	_ =	strace s3  }
0xd: {  	s3 =	sld [smem:$0x3FFD];
	_ =	sdelay $0x3  }
0xe: {  	_ =	strace s3  }
0xf: {  	_ =	strace $0x8FFFFFFF  }
0x10: {  	s20 =	sld [smem:$0x3FDB];
	_ =	sdelay $0x1  }
0x11: {  	s4 =	simm.s32 $_scs_section_size  }
0x12: {  	s5 =	simm.s32 $_size__tile_overlayer_lowered;
	s6 =	simm.s32 $_tile_overlayer_lowered  }
0x13: {  	s23 =	simm.s32 $0x1BFF;
	s22 =	sshll.u32 s6, $0x1;
	s3 =	sadd.s32 s4, s20  }
0x14: {  	s7 =	simm.s32 $0x0;
	s21 =	sshll.u32 s5, $0x1;
	s5 =	sadd.s32 s22, s3  }
0x15: {  	[timem:s7], [sflag:s23] =	dma.local [hbm:s5], s21  }
0x16: {  	_ =	swait.ge [sflag:s23], s21  }
0x17: {  	s4 =	ssub.s32 $0x0, s21;
	[sflag:s23] =	ssyncset.done $0x0  }
0x18: {  	[sflag:s23] =	ssyncadd.s32 s4;
	_ =	sdelay $0x1  }
0x19: {  	s24 =	simm.s32 $0x1B8B  }
0x1a: {  	_ =	swait.ge [sflag:s24], $0x1  }
0x1b: {  	[sflag:s24] =	ssyncset.done $0x0  }
0x1c: {  	s26 =	simm.s32 $0x1B8E;
	s25 =	sld [smem:$0x3FFE];
	[sflag:s24] =	ssyncadd.s32 $0xFFFFFFFF  }
0x1d: {  	s27 =	simm.s32 $execute0_lowered;
	[smem:$0x3FD2] =	sst s26  }
0x1e: {  	s5 =	sshll.u32 s27, $0x1;
	_ =	strace $0x80000049;
	[dreg:$0x1] =	wrdreg $0xFFFFFFFF  }
0x1f: {  	s28 =	simm.s32 $_size_execute0_lowered;
	s3 =	sadd.s32 s3, s5;
	[dreg:$0x0] =	wrdreg $0x0  }
0x20: {  	s5 =	sshll.u32 s28, $0x1;
	[dreg:$0x2] =	wrdreg s3  }
0x21: {  	[dreg:$0x3] =	wrdreg s5  }
0x22: {  	[dreg:$0x4] =	wrdreg $0xC0  }
0x23: {  	_ =	task [dreg:s7], $0x5FFFF  }
0x24: {  	[dreg:$0x1] =	wrdreg $0xFFFFFFFF  }
0x25: {  	[dreg:$0x0] =	wrdreg $0x60  }
0x26: {  	[dreg:$0x2] =	wrdreg s25  }
0x27: {  	[dreg:$0x3] =	wrdreg s2  }
0x28: {  	[dreg:$0x4] =	wrdreg $0x9  }
0x29: {  	_ =	task.clear_ibuf [dreg:s7], $0x5FFFF;
	_ =	strace $0x90000049  }
0x2a: {  	s29 =	simm.s32 $0x9;
	_ =	strace $0x8000004B  }
0x2b: {  	_ =	swait.ge [sflag:s29], $0x1  }
0x2c: {  	[sflag:s29] =	ssyncadd.s32 $0xFFFFFFFF  }
0x2d: {  	_ =	strace $0x9000004B  }
0x2e: {  	_ =	sfence  }
0x2f: {  	s30 =	sld [smem:$0x0];
	_ =	sdelay $0x2  }
0x30: {  	s31 =	sshll.u32 s1, $0xD;
	s1 =	sshrl.u32 s1, $0x2  }
0x31: {  	s3 =	sand.u32 $0x4000, s31;
	s1 =	sadd.s32 s1, s30  }
0x32: {  	s0 =	sor.u32 s3, s0;
	s1 =	sshll.u32 s1, $0x11  }
0x33: {  	s0 =	sor.u32 s1, s0  }
0x34: {  	s0 =	sadd.s32 $0x8F2B, s0  }
0x35: {  	[sflag:s0] =	ssyncadd.remote.s32 $0x1  }
0x36: {  	_ =	sfence.sel $0xFFFF  }
0x37: {  	[dreg:$0x0] =	wrdreg $0xFFFFFFFF;
	(pc) =	sbr.abs _section_cstart, $3  }
0x38: {  	[dreg:$0x1] =	wrdreg $0xFFFFFFFF  }
0x39: {  	_ =	task.clear_ibuf [dreg:s7], $0x2FFFF;
	_ =	strace $0x9FFFFFFF  }
0x3a: {  	(tm) =	ssettm $0x7FFFFFFF  }
0x3b: {  	_ =	shalt  }
tec
execute0_lowered:
.L_overlay_start_1:
0x0: {  	(tag) =	ssettag $0x1  }
0x1: {  	s0 =	stileid.u32;
	s6 =	rddreg [dreg:$0x0]  }
0x2: {  	s2 =	rddreg [dreg:$0x1];
	s5 =	srdreg.scid  }
0x3: {  	s31 =	simm.s32 $0x2;
	s13 =	simm.s32 $0x0;
	s1 =	sshll.u32 s0, $0x7  }
0x4: {  	s14 =	simm.s32 $0x0;
	s12 =	simm.s32 $0x0;
	s3 =	sand.u32 $0x380, s1  }
0x5: {  	s5 =	sshll.u32 s5, $0x4;
	s6 =	sadd.s32 $0xF43400, s6;
	s4 =	ssub.s32 $0x400, s3  }
0x6: {  	s1 =	rddreg [dreg:$0x2];
	_ =	strace $0x8000004A;
	s7 =	sand.u32 $0x380, s4  }
0x7: {  	s5 =	sand.u32 $0x10, s5;
	p0 =	sne.s32 s7, $0x0;
	s7 =	simm.s32 $0x1  }
.Ltmp0:
0x8: {  	s8 =	sshrl.u32 s4, $0xA;
	s7 =	simm.s32 @!p0 $0x0;
	(pc) =	sbr.rel .LBB1_1-.Ltmp0, $4  }
0x9: {  	s9 =	sor.u32 s0, s5;
	s4 =	simm.s32 $0x1;
	s30 =	sadd.s32 s7, s8  }
0xa: {  	s11 =	smov.u32 s3;
	[sflag:s4] =	ssyncpa.u1 $0x0;
	s5 =	smul.u32 $0x32, s30  }
0xb: {  	[sflag:s31] =	ssyncpa.u1 $0x0;
	p0 =	por $0x0, $0x0;
	s7 =	sshrl.u32 s9, $0x3  }
0xc: {  	s9 =	simm.s32 $0x2000;
	s10 =	smov.u32 s7;
	s8 =	sor.u32 $0x1, s5  }
.LBB1_4:
0xd: {  	s17 =	sand.u32 $0x1F80, s14;
	s13 =	sshll.u32 s13, $0xD  }
0xe: {  	[tilespmem:s16+$0x810 ss:$0x81] =	vst.msk $0xffff, v2;
	s18 =	sshrl.u32 s14, $0x3;
	s31 =	sand.u32 $0x7, s14;
	s17 =	sadd.s32 s2, s17  }
0xf: {  	[tilespmem:s16+$0x1020 ss:$0x81] =	vst.msk $0xffff, v0;
	s18 =	sand.u32 $0xF, s18;
	s14 =	sshll.u32 s31, $0x12;
	s13 =	sadd.s32 s13, s17  }
0x10: {  	[tilespmem:s16+$0x0 ss:$0x81] =	vst.msk $0xffff, v1;
	s14 =	sor.u32 $0x400, s14;
	s13 =	sadd.s32 s18, s13  }
0x11: {  	[hbm4b:s13+s14] =	stream.strided.scatter [tilespmem:s15], [sflag:$0x2], $0x2000, s9, s14, $0x20;
	[tilespmem:$0x8080] =	vst v63  }
.LBB1_5:
0x12: {  	s15 =	sadd.s32 $0x4, s10  }
0x13: {  	s13 =	sadd.s32 $0x400, s11;
	s17 =	smov.u32 s11;
	p2 =	sgt.s32 s15, $0xC7  }
0x14: {  	s17 =	smov.u32 @p2 s13  }
0x15: {  	s15 =	smov.u32 @p2 s7;
	p2 =	sgt.s32 s17, $0x3FF  }
0x16: {  	s17 =	smov.u32 @p2 s3;
	p2 =	sne.s32 s12, s8  }
.Ltmp1:
0x17: {  	p1 =	slt.u32 s12, $0x2;
	(pc) =	sbr.rel @!p2 .LBB1_6-.Ltmp1, $4  }
0x18: {  	s16 =	simm.s32 @!p1 $0x2  }
0x19: {  	s14 =	smov.u32 s11;
	p0 =	por !p0, !p0;
	_ =	swait.ge @!p1 [sflag:s16], $0x2000  }
0x1a: {  	s13 =	smov.u32 s10;
	[sflag:s16] =	ssyncset.done @!p1 $0x0;
	s10 =	smov.u32 s15  }
0x1b: {  	s12 =	sadd.s32 $0x1, s12;
	[sflag:s16] =	ssyncadd.s32 @!p1 $0xFFFFE000;
	s11 =	smov.u32 s17  }
.LBB1_1:
0x1c: {  	p1 =	sge.u32 s12, s5  }
0x1d: {  	s15 =	sand.u32 @!p1 $0x1FFFFFF, s10  }
0x1e: {  	s16 =	smulhi.u32 @!p1 $0x147AE15, s15;
	_ =	sdelay $0x1  }
0x1f: {  	s16 =	smul.u32 @!p1 $0xC8, s16  }
0x20: {  	s17 =	sxor.u32 @!p1 $0xFFFFFFFF, s12;
	s18 =	smul.u32 @!p1 $0xC80, s11  }
0x21: {  	s31 =	sadd.s32 $0xFFFFFFFF, s12;
	s17 =	sshll.u32 @!p1 s17, $0xD;
	s15 =	ssub.s32 @!p1 s15, s16  }
0x22: {  	s16 =	sand.u32 @!p1 $0x2000, s17;
	s17 =	sadd.s32 @!p1 s6, s18;
	s15 =	sshll.u32 @!p1 s15, $0x4  }
0x23: {  	s18 =	simm.s32 @!p1 $0x6400;
	s15 =	sadd.s32 @!p1 s15, s17;
	s17 =	simm.s32 @!p1 $0x40  }
0x24: {  	[tilespmem:s16], [sflag:$0x1] =	stream.strided.gather @!p1 [hbm4b:s15+s17], $0x2000, s18, s17, $0x38;
	[tilespmem:$0x8080] =	vst v63  }
0x25: {  	p1 =	sge.u32 s31, s5  }
.Ltmp2:
0x26: {  	_ = 	snop;
	(pc) =	sbr.rel @p1 .LBB1_5-.Ltmp2, $1  }
0x27: {  	_ =	sdelay $0x3  }
0x28: {  	s15 =	simm.s32 $0x1  }
0x29: {  	_ =	swait.ge [sflag:s4], $0x2000;
	s15 =	simm.s32 @!p0 $0x0  }
0x2a: {  	[sflag:s4] =	ssyncset.done $0x0;
	s16 =	sshll.u32 s15, $0xD  }
0x2b: {  	[sflag:s4] =	ssyncadd.s32 $0xFFFFE000;
	s19 =	sor.u32 $0x20, s16  }
0x2c: {  	s15 =	smul.u32 $0x8100, s15;
	v3 =	vld [tilespmem:s19+$0x10]  }
0x2d: {  	s30 =	sand.u32 $0x1, s12;
	v2 =	vld [tilespmem:s19+$0xFFFFFFF0]  }
0x2e: {  	s16 =	smul.u32 $0x8100, s30;
	s15 =	sshrl.u32 s15, $0x2;
	v0 =	vld [tilespmem:s19+$0x0]  }
0x2f: {  	v1 =	vld [tilespmem:s19+$0xFFFFFFE0];
	s17 =	sor.u32 $0x4000, s15  }
0x30: {  	s31 =	sshrl.u32 s16, $0x2;
	s16 =	sadd.s32 $0x0, s17  }
0x31: {  	s18 =	simm.s32 $0x4;
	s19 =	sadd.s32 $0x40, s19;
	s15 =	sor.u32 $0x4000, s31;
	[tilespmem:s16+$0x1830 ss:$0x81] =	vst.msk $0xffff, v3  }
.LBB1_3:
0x32: {  	v3 =	vld [tilespmem:s19+$0x10];
	p1 =	sne.s32 s18, $0x1FC;
	[tilespmem:s16+$0x810 ss:$0x81] =	vst.msk $0xffff, v2;
	s20 =	smov.u32 s18;
	s18 =	sadd.s32 $0x4, s18  }
.Ltmp3:
0x33: {  	v2 =	vld [tilespmem:s19+$0xFFFFFFF0];
	[tilespmem:s16+$0x1020 ss:$0x81] =	vst.msk $0xffff, v0;
	(pc) =	sbr.rel @p1 .LBB1_3-.Ltmp3, $4  }
0x34: {  	v0 =	vld [tilespmem:s19+$0x0];
	[tilespmem:s16+$0x0 ss:$0x81] =	vst.msk $0xffff, v1  }
0x35: {  	s16 =	sshra.s32 s20, $0x2;
	v1 =	vld [tilespmem:s19+$0xFFFFFFE0]  }
0x36: {  	s16 =	sadd.s32 s16, s17  }
0x37: {  	s19 =	sadd.s32 $0x40, s19;
	[tilespmem:s16+$0x1830 ss:$0x81] =	vst.msk $0xffff, v3  }
.Ltmp4:
0x38: {  	_ = 	snop;
	(pc) =	sbr.rel .LBB1_4-.Ltmp4, $1  }
0x39: {  	_ =	sdelay $0x3  }
.LBB1_6:
0x3a: {  	_ =	sfence.sel $0x180000  }
0x3b: {  	s2 =	simm.s32 $0x1;
	[bflag:$0x0] =	sbarrier.arrive $0xFFFF  }
0x3c: {  	s31 =	simm.s32 $0x2;
	[sflag:s2] =	ssyncpa.u1 $0x1  }
0x3d: {  	[sflag:s31] =	ssyncpa.u1 $0x1  }
0x3e: {  	p0 =	sne.s32 s0, $0x0;
	_ =	strace $0x9000004A  }
0x3f: {  	s0 =	sadd.s32 @!p0 $0x100000, s1;
	[bflag:$0x2] =	sbarrier.arrive $0xFFFF  }
0x40: {  	[sflag:s0] =	ssyncadd.tile.s32 @!p0 $0x1;
	_ =	shalt  }
.Lfunc_end1:
_tile_overlayer_lowered:
.L_overlay_start_2:
0x41: {  	(tag) =	ssettag $0x2  }
0x42: {  	s0 =	rddreg [dreg:$0x0];
	s2 =	stileid.u32  }
0x43: {  	s1 =	rddreg [dreg:$0x1];
	p0 =	sne.s32 s2, $0x0  }
0x44: {  	s3 =	rddreg [dreg:$0x2];
	[bflag:$0x3] =	sbarrier.arrive $0xFFFF;
	s2 =	simm.s32 @!p0 $0x1C01  }
0x45: {  	[timem:s3], [sflag:s2] =	dma.local @!p0 [hbm:s0], s1  }
0x46: {  	s0 =	simm.s32 @!p0 $0x1  }
0x47: {  	_ =	swait.ge @!p0 [sflag:s0], s1  }
0x48: {  	s1 =	ssub.s32 @!p0 $0x0, s1;
	[sflag:s0] =	ssyncset.done @!p0 $0x0  }
0x49: {  	[sflag:s0] =	ssyncadd.s32 @!p0 s1  }
0x4a: {  	[bflag:$0x3] =	sbarrier.arrive $0xFFFF  }
0x4b: {  	_ =	shalt  }

</sc_bundles>
